<compile_context>
chip_gen: v7x
topology: tpu7x:2x2x1
jax: 0.10.2.dev20260603
libtpu: 0.0.44.dev20260713+nightly
codegen_flags: <defaults>
</compile_context>

<pallas_src>
import functools

import jax
import jax.numpy as jnp
from jax import lax
from jax.experimental import pallas as pl
from jax.experimental.pallas import tpu as pltpu
from jax.experimental.pallas import tpu_sc as plsc

N = 10000
D = 128
E = 320000
NC = 2
NS = 16
NW = NC * NS
K = 128
CHUNKS = 80
E_PAD = NW * CHUNKS * K
IB = 8
NP = 79 * K
RCHUNKS = 79
RC_PER_TILE = 8
CH0 = 128
CH1 = 32


def _prologue(idz_hbm, za_hbm, rows_v, idz_v, acc_sh, s):
    pltpu.sync_copy(idz_hbm.at[pl.ds(s * RC_PER_TILE, RC_PER_TILE)], idz_v)
    pltpu.sync_copy(za_hbm, rows_v)
    for t in range(RC_PER_TILE):
        pltpu.sync_copy(rows_v, acc_sh.at[idz_v.at[t]])
    plsc.subcore_barrier()


def _epilogue(out_hbm, rows_v, idz_v, acc_sh, sem, c, s):
    plsc.subcore_barrier()
    for t in range(RC_PER_TILE):
        rc = s * RC_PER_TILE + t

        @pl.when(rc < RCHUNKS)
        def _wb():
            pltpu.async_copy(acc_sh.at[idz_v.at[t]], rows_v, sem).wait()
            pltpu.sync_copy(rows_v, out_hbm.at[pl.ds(c * NP + rc * K, K)])


def _sc_agg_body(h_hbm, src_hbm, dst_hbm, idz_hbm, za_hbm, out_hbm,
                 src_v, dst_v, rows_v, rows2_v, idz_v, acc_sh,
                 gsem0, gsem1, ssem0, ssem1):
    c = lax.axis_index("c")
    s = lax.axis_index("s")

    _prologue(idz_hbm, za_hbm, rows_v, idz_v, acc_sh, s)

    bufs = (rows_v, rows2_v)
    gsems = (gsem0, gsem1)
    ssems = (ssem0, ssem1)

    base = jnp.where(c == 0, s * CH0, NS * CH0 + s * CH1)
    ngroups = jnp.where(c == 0, CH0 // IB, CH1 // IB)

    @pl.loop(0, ngroups)
    def _group(g):
        pltpu.sync_copy(src_hbm.at[pl.ds(base + g * IB, IB)], src_v)
        pltpu.sync_copy(dst_hbm.at[pl.ds(base + g * IB, IB)], dst_v)
        gd = [None] * IB
        sd = [None] * IB
        gd[0] = pltpu.async_copy(h_hbm.at[src_v.at[0]], bufs[0], gsems[0])
        for j in range(IB):
            cb, nb = j % 2, (j + 1) % 2
            if j + 1 < IB:
                if j >= 1:
                    sd[j - 1].wait()
                gd[j + 1] = pltpu.async_copy(
                    h_hbm.at[src_v.at[j + 1]], bufs[nb], gsems[nb])
            gd[j].wait()
            sd[j] = pltpu.async_copy(
                bufs[cb], acc_sh.at[dst_v.at[j]], ssems[cb], add=True)
        sd[IB - 2].wait()
        sd[IB - 1].wait()

    _epilogue(out_hbm, rows_v, idz_v, acc_sh, gsem0, c, s)


def _sc_deg_body(dst_hbm, idz_hbm, za_hbm, ones_hbm, out_hbm,
                 dst_v, rows_v, idz_v, acc_sh, sem, sem2):
    c = lax.axis_index("c")
    s = lax.axis_index("s")
    wid = s * NC + c

    _prologue(idz_hbm, za_hbm, rows_v, idz_v, acc_sh, s)
    pltpu.sync_copy(ones_hbm, rows_v)

    @pl.loop(0, CHUNKS // IB)
    def _group(g):
        pltpu.sync_copy(dst_hbm.at[pl.ds(wid * CHUNKS + g * IB, IB)], dst_v)
        sd = [None] * IB
        for j in range(IB):
            if j >= 2:
                sd[j - 2].wait()
            sd[j] = pltpu.async_copy(
                rows_v, acc_sh.at[dst_v.at[j]], sem2 if j % 2 else sem,
                add=True)
        sd[IB - 2].wait()
        sd[IB - 1].wait()

    _epilogue(out_hbm, rows_v, idz_v, acc_sh, sem, c, s)


def _make_sc(body, with_src):
    mesh = plsc.VectorSubcoreMesh(core_axis_name="c", subcore_axis_name="s")
    if with_src:
        scratch = [
            pltpu.VMEM((IB, K), jnp.int32),
            pltpu.VMEM((IB, K), jnp.int32),
            pltpu.VMEM((K, D), jnp.float32),
            pltpu.VMEM((K, D), jnp.float32),
            pltpu.VMEM((RC_PER_TILE, K), jnp.int32),
            pltpu.VMEM_SHARED((NP, D), jnp.float32),
            pltpu.SemaphoreType.DMA,
            pltpu.SemaphoreType.DMA,
            pltpu.SemaphoreType.DMA,
            pltpu.SemaphoreType.DMA,
        ]
    else:
        scratch = [
            pltpu.VMEM((IB, K), jnp.int32),
            pltpu.VMEM((K, D), jnp.float32),
            pltpu.VMEM((RC_PER_TILE, K), jnp.int32),
            pltpu.VMEM_SHARED((NP, D), jnp.float32),
            pltpu.SemaphoreType.DMA,
            pltpu.SemaphoreType.DMA,
        ]
    return pl.kernel(
        body,
        out_type=jax.ShapeDtypeStruct((NC * NP, D), jnp.float32),
        mesh=mesh,
        scratch_types=scratch,
    )


_sc_agg = _make_sc(_sc_agg_body, True)
_sc_deg = _make_sc(_sc_deg_body, False)


def _dense_body(relu, x_ref, agg_ref, deg_ref, ws_ref, wn_ref, b_ref, o_ref):
    deg = deg_ref[0, :, 0:1] + deg_ref[1, :, 0:1]
    mean = (agg_ref[0] + agg_ref[1]) / jnp.maximum(deg, 1.0)
    y = jnp.dot(x_ref[...], ws_ref[...], preferred_element_type=jnp.float32)
    y = y + jnp.dot(mean, wn_ref[...], preferred_element_type=jnp.float32)
    y = y + b_ref[...]
    if relu:
        y = jnp.maximum(y, 0.0)
    o_ref[...] = y


def _dense(x, agg, deg, w_self, w_neigh, b, relu):
    br = 1000
    return pl.pallas_call(
        functools.partial(_dense_body, relu),
        grid=(N // br,),
        in_specs=[
            pl.BlockSpec((br, D), lambda i: (i, 0)),
            pl.BlockSpec((NC, br, D), lambda i: (0, i, 0)),
            pl.BlockSpec((NC, br, D), lambda i: (0, i, 0)),
            pl.BlockSpec((D, D), lambda i: (0, 0)),
            pl.BlockSpec((D, D), lambda i: (0, 0)),
            pl.BlockSpec((1, D), lambda i: (0, 0)),
        ],
        out_specs=pl.BlockSpec((br, D), lambda i: (i, 0)),
        out_shape=jax.ShapeDtypeStruct((N, D), jnp.float32),
    )(x, agg, deg, w_self, w_neigh, b.reshape(1, D))


def kernel(x, edge_index, W1_self, W1_neigh, b1, W2_self, W2_neigh, b2):
    src = edge_index[0].astype(jnp.int32)
    dst = edge_index[1].astype(jnp.int32)
    pad = E_PAD - E
    src2 = jnp.concatenate([src, jnp.zeros((pad,), jnp.int32)]).reshape(NW * CHUNKS, K)
    dst2 = jnp.concatenate([dst, jnp.full((pad,), N, jnp.int32)]).reshape(NW * CHUNKS, K)
    idz = jnp.minimum(
        jnp.arange(NS * RC_PER_TILE * K, dtype=jnp.int32), jnp.int32(NP - 1)
    ).reshape(NS * RC_PER_TILE, K)
    za = jnp.zeros((K, D), jnp.float32)
    ones = jnp.ones((K, D), jnp.float32)

    deg = _sc_deg(dst2, idz, za, ones).reshape(NC, NP, D)
    agg1 = _sc_agg(x, src2, dst2, idz, za).reshape(NC, NP, D)
    h = _dense(x, agg1, deg, W1_self, W1_neigh, b1, relu=True)
    agg2 = _sc_agg(h, src2, dst2, idz, za).reshape(NC, NP, D)
    out = _dense(h, agg2, deg, W2_self, W2_neigh, b2, relu=False)
    return out

# --- scband reference (transcript-rebuilt; emitter-appended) ---
"""Pipeline reference for scband-sage-63651415327135 (READ-ONLY COPY).

The authoritative reference and input builder live on the scoring server;
editing this copy changes nothing except your own understanding.
"""

import jax, jax.numpy as jnp
import numpy as np

N_NODES = 10000
N_EDGES = 320000
D_IN = 128
D_HID = 128
D_OUT = 128


def setup_inputs(seed: int = 0) -> dict:
    key = jax.random.key(seed)
    ks = jax.random.split(key, 8)
    x = jax.random.normal(ks[0], (N_NODES, D_IN), dtype=jnp.float32)
    edge_index = jax.random.randint(ks[1], (2, N_EDGES), 0, N_NODES, dtype=jnp.int64)
    W1_self = jax.random.normal(ks[2], (D_IN, D_HID), dtype=jnp.float32) * 0.05
    W1_neigh = jax.random.normal(ks[3], (D_IN, D_HID), dtype=jnp.float32) * 0.05
    b1 = jnp.zeros((D_HID,), dtype=jnp.float32)
    W2_self = jax.random.normal(ks[4], (D_HID, D_OUT), dtype=jnp.float32) * 0.05
    W2_neigh = jax.random.normal(ks[5], (D_HID, D_OUT), dtype=jnp.float32) * 0.05
    b2 = jnp.zeros((D_OUT,), dtype=jnp.float32)
    return {"x": x, "edge_index": edge_index, "W1_self": W1_self, "W1_neigh": W1_neigh,
            "b1": b1, "W2_self": W2_self, "W2_neigh": W2_neigh, "b2": b2}


def _sage_conv_mean(h, src, dst, n, W_self, W_neigh, b):
    # DGL SAGEConv(aggregator_type='mean'): rst = fc_self(h_dst) + fc_neigh(mean_{src->dst} h_src) + bias
    gathered = jnp.take(h, src, axis=0)                      # gather over edges
    agg = jax.ops.segment_sum(gathered, dst, num_segments=n) # scatter-add by dst
    deg = jax.ops.segment_sum(jnp.ones((src.shape[0],), h.dtype), dst, num_segments=n)
    mean_neigh = agg / jnp.clip(deg, 1.0, None)[:, None]
    return h @ W_self + mean_neigh @ W_neigh + b


def reference(x, edge_index, W1_self, W1_neigh, b1, W2_self, W2_neigh, b2):
    src = edge_index[0]
    dst = edge_index[1]
    n = x.shape[0]
    h = _sage_conv_mean(x, src, dst, n, W1_self, W1_neigh, b1)
    h = jax.nn.relu(h)
    # dropout p=0.0 -> identity
    out = _sage_conv_mean(h, src, dst, n, W2_self, W2_neigh, b2)
    return out

if __name__ == "__main__":
    import jax
    _d = setup_inputs()
    print(jax.jit(kernel)(*tuple(_d.values())))

</pallas_src>

<mosaic_0001>
#map = affine_map<(d0, d1) -> (0, 0)>
module attributes {stable_mosaic.version = 14 : i64} {
  func.func @_sc_deg_body(%arg0: i32, %arg1: i32, %arg2: memref<2560x128xi32, #tpu.memory_space<hbm>>, %arg3: memref<128x128xi32, #tpu.memory_space<hbm>>, %arg4: memref<128x128xf32, #tpu.memory_space<hbm>>, %arg5: memref<128x128xf32, #tpu.memory_space<hbm>>, %arg6: memref<20224x128xf32, #tpu.memory_space<hbm>>, %arg7: memref<8x128xi32, #tpu.memory_space<vmem>>, %arg8: memref<128x128xf32, #tpu.memory_space<vmem>>, %arg9: memref<8x128xi32, #tpu.memory_space<vmem>>, %arg10: memref<10112x128xf32, #tpu.memory_space<vmem_shared>>, %arg11: memref<!tpu.dma_semaphore, #tpu.memory_space<semaphore_mem>>, %arg12: memref<!tpu.dma_semaphore, #tpu.memory_space<semaphore_mem>>) attributes {dimension_semantics = [#tpu.dimension_semantics<core_parallel>, #tpu.dimension_semantics<subcore_parallel>], iteration_bounds = array<i64: 2, 16>, scalar_prefetch = 0 : i64, scratch_operands = 6 : i64, tpu.core_type = #tpu.core_type<sc_vector_subcore>, window_params = [{transform_indices = #map}, {transform_indices = #map}, {transform_indices = #map}, {transform_indices = #map}, {transform_indices = #map}]} {
    %mul3A = arith.constant 2 : i32
    %mul3A_0 = arith.muli %arg1, %mul3A : i32
    %add3A = arith.addi %mul3A_0, %arg0 : i32
    %mul3A_1 = arith.constant 8 : i32
    %mul3A_2 = arith.muli %arg1, %mul3A_1 : i32
    "tpu.region"() ({
      %run_scoped3A_84 = tpu.sem_alloc : memref<!tpu.dma_semaphore, #tpu.memory_space<semaphore_mem>>
      %dma_start3A = arith.constant 0 : i32
      %dma_start3A_85 = tpu.memref_slice %arg3[%mul3A_2, %dma_start3A] : memref<128x128xi32, #tpu.memory_space<hbm>> -> memref<8x128xi32, #tpu.memory_space<hbm>>
      %dma_start3A_86 = arith.constant 0 : i32
      %dma_start3A_87 = tpu.memref_slice %arg3[%mul3A_2, %dma_start3A_86] : memref<128x128xi32, #tpu.memory_space<hbm>> -> memref<8x128xi32, #tpu.memory_space<hbm>>
      tpu.enqueue_dma source(%dma_start3A_87 : memref<8x128xi32, #tpu.memory_space<hbm>>) target(%arg9 : memref<8x128xi32, #tpu.memory_space<vmem>>) target_semaphore(%run_scoped3A_84 : memref<!tpu.dma_semaphore, #tpu.memory_space<semaphore_mem>>)
      %dma_wait3A = arith.constant 0 : i32
      %dma_wait3A_88 = tpu.memref_slice %arg3[%mul3A_2, %dma_wait3A] : memref<128x128xi32, #tpu.memory_space<hbm>> -> memref<8x128xi32, #tpu.memory_space<hbm>>
      %dma_wait3A_89 = arith.constant 0 : i32
      %dma_wait3A_90 = tpu.memref_slice %arg3[%mul3A_2, %dma_wait3A_89] : memref<128x128xi32, #tpu.memory_space<hbm>> -> memref<8x128xi32, #tpu.memory_space<hbm>>
      tpu.wait_dma2 semaphore(%run_scoped3A_84 : memref<!tpu.dma_semaphore, #tpu.memory_space<semaphore_mem>>) src(%dma_wait3A_90 : memref<8x128xi32, #tpu.memory_space<hbm>>) dst(%arg9 : memref<8x128xi32, #tpu.memory_space<vmem>>)
      tpu.yield
    }) : () -> ()
    "tpu.region"() ({
      %run_scoped3A_84 = tpu.sem_alloc : memref<!tpu.dma_semaphore, #tpu.memory_space<semaphore_mem>>
      tpu.enqueue_dma source(%arg4 : memref<128x128xf32, #tpu.memory_space<hbm>>) target(%arg8 : memref<128x128xf32, #tpu.memory_space<vmem>>) target_semaphore(%run_scoped3A_84 : memref<!tpu.dma_semaphore, #tpu.memory_space<semaphore_mem>>)
      tpu.wait_dma2 semaphore(%run_scoped3A_84 : memref<!tpu.dma_semaphore, #tpu.memory_space<semaphore_mem>>) src(%arg4 : memref<128x128xf32, #tpu.memory_space<hbm>>) dst(%arg8 : memref<128x128xf32, #tpu.memory_space<vmem>>)
      tpu.yield
    }) : () -> ()
    %run_scoped3A = arith.constant 0 : i32
    "tpu.region"() ({
      %run_scoped3A_84 = tpu.sem_alloc : memref<!tpu.dma_semaphore, #tpu.memory_space<semaphore_mem>>
      %dma_start3A = arith.constant 0 : i32
      %dma_start3A_85 = tpu.memref_slice %arg9[%run_scoped3A, %dma_start3A] : memref<8x128xi32, #tpu.memory_space<vmem>> -> memref<1x128xi32, #tpu.memory_space<vmem>>
      %dma_start3A_86 = tpu.memref_squeeze %dma_start3A_85 : memref<1x128xi32, #tpu.memory_space<vmem>> -> memref<128xi32, #tpu.memory_space<vmem>>
      %dma_start3A_87 = arith.constant 0 : i32
      %dma_start3A_88 = arith.constant 0 : i32
      %dma_start3A_89 = tpu.memref_slice %arg10[%dma_start3A_87, %dma_start3A_88] : memref<10112x128xf32, #tpu.memory_space<vmem_shared>> -> memref<10112x128xf32, #tpu.memory_space<vmem_shared>>
      tpu.enqueue_indirect_dma source(%arg8 : memref<128x128xf32, #tpu.memory_space<vmem>>) target(%dma_start3A_89 : memref<10112x128xf32, #tpu.memory_space<vmem_shared>>) offsets(%dma_start3A_86 : memref<128xi32, #tpu.memory_space<vmem>>) semaphore(%run_scoped3A_84 : memref<!tpu.dma_semaphore, #tpu.memory_space<semaphore_mem>>)
      %dma_wait3A = arith.constant 0 : i32
      %dma_wait3A_90 = tpu.memref_slice %arg9[%run_scoped3A, %dma_wait3A] : memref<8x128xi32, #tpu.memory_space<vmem>> -> memref<1x128xi32, #tpu.memory_space<vmem>>
      %dma_wait3A_91 = tpu.memref_squeeze %dma_wait3A_90 : memref<1x128xi32, #tpu.memory_space<vmem>> -> memref<128xi32, #tpu.memory_space<vmem>>
      %dma_wait3A_92 = arith.constant 0 : i32
      %dma_wait3A_93 = arith.constant 0 : i32
      %dma_wait3A_94 = tpu.memref_slice %arg10[%dma_wait3A_92, %dma_wait3A_93] : memref<10112x128xf32, #tpu.memory_space<vmem_shared>> -> memref<10112x128xf32, #tpu.memory_space<vmem_shared>>
      tpu.wait_indirect_dma semaphore(%run_scoped3A_84 : memref<!tpu.dma_semaphore, #tpu.memory_space<semaphore_mem>>) src(%arg8 : memref<128x128xf32, #tpu.memory_space<vmem>>) dst(%dma_wait3A_94 : memref<10112x128xf32, #tpu.memory_space<vmem_shared>>)
      tpu.yield
    }) : () -> ()
    %run_scoped3A_3 = arith.constant 1 : i32
    "tpu.region"() ({
      %run_scoped3A_84 = tpu.sem_alloc : memref<!tpu.dma_semaphore, #tpu.memory_space<semaphore_mem>>
      %dma_start3A = arith.constant 0 : i32
      %dma_start3A_85 = tpu.memref_slice %arg9[%run_scoped3A_3, %dma_start3A] : memref<8x128xi32, #tpu.memory_space<vmem>> -> memref<1x128xi32, #tpu.memory_space<vmem>>
      %dma_start3A_86 = tpu.memref_squeeze %dma_start3A_85 : memref<1x128xi32, #tpu.memory_space<vmem>> -> memref<128xi32, #tpu.memory_space<vmem>>
      %dma_start3A_87 = arith.constant 0 : i32
      %dma_start3A_88 = arith.constant 0 : i32
      %dma_start3A_89 = tpu.memref_slice %arg10[%dma_start3A_87, %dma_start3A_88] : memref<10112x128xf32, #tpu.memory_space<vmem_shared>> -> memref<10112x128xf32, #tpu.memory_space<vmem_shared>>
      tpu.enqueue_indirect_dma source(%arg8 : memref<128x128xf32, #tpu.memory_space<vmem>>) target(%dma_start3A_89 : memref<10112x128xf32, #tpu.memory_space<vmem_shared>>) offsets(%dma_start3A_86 : memref<128xi32, #tpu.memory_space<vmem>>) semaphore(%run_scoped3A_84 : memref<!tpu.dma_semaphore, #tpu.memory_space<semaphore_mem>>)
      %dma_wait3A = arith.constant 0 : i32
      %dma_wait3A_90 = tpu.memref_slice %arg9[%run_scoped3A_3, %dma_wait3A] : memref<8x128xi32, #tpu.memory_space<vmem>> -> memref<1x128xi32, #tpu.memory_space<vmem>>
      %dma_wait3A_91 = tpu.memref_squeeze %dma_wait3A_90 : memref<1x128xi32, #tpu.memory_space<vmem>> -> memref<128xi32, #tpu.memory_space<vmem>>
      %dma_wait3A_92 = arith.constant 0 : i32
      %dma_wait3A_93 = arith.constant 0 : i32
      %dma_wait3A_94 = tpu.memref_slice %arg10[%dma_wait3A_92, %dma_wait3A_93] : memref<10112x128xf32, #tpu.memory_space<vmem_shared>> -> memref<10112x128xf32, #tpu.memory_space<vmem_shared>>
      tpu.wait_indirect_dma semaphore(%run_scoped3A_84 : memref<!tpu.dma_semaphore, #tpu.memory_space<semaphore_mem>>) src(%arg8 : memref<128x128xf32, #tpu.memory_space<vmem>>) dst(%dma_wait3A_94 : memref<10112x128xf32, #tpu.memory_space<vmem_shared>>)
      tpu.yield
    }) : () -> ()
    %run_scoped3A_4 = arith.constant 2 : i32
    "tpu.region"() ({
      %run_scoped3A_84 = tpu.sem_alloc : memref<!tpu.dma_semaphore, #tpu.memory_space<semaphore_mem>>
      %dma_start3A = arith.constant 0 : i32
      %dma_start3A_85 = tpu.memref_slice %arg9[%run_scoped3A_4, %dma_start3A] : memref<8x128xi32, #tpu.memory_space<vmem>> -> memref<1x128xi32, #tpu.memory_space<vmem>>
      %dma_start3A_86 = tpu.memref_squeeze %dma_start3A_85 : memref<1x128xi32, #tpu.memory_space<vmem>> -> memref<128xi32, #tpu.memory_space<vmem>>
      %dma_start3A_87 = arith.constant 0 : i32
      %dma_start3A_88 = arith.constant 0 : i32
      %dma_start3A_89 = tpu.memref_slice %arg10[%dma_start3A_87, %dma_start3A_88] : memref<10112x128xf32, #tpu.memory_space<vmem_shared>> -> memref<10112x128xf32, #tpu.memory_space<vmem_shared>>
      tpu.enqueue_indirect_dma source(%arg8 : memref<128x128xf32, #tpu.memory_space<vmem>>) target(%dma_start3A_89 : memref<10112x128xf32, #tpu.memory_space<vmem_shared>>) offsets(%dma_start3A_86 : memref<128xi32, #tpu.memory_space<vmem>>) semaphore(%run_scoped3A_84 : memref<!tpu.dma_semaphore, #tpu.memory_space<semaphore_mem>>)
      %dma_wait3A = arith.constant 0 : i32
      %dma_wait3A_90 = tpu.memref_slice %arg9[%run_scoped3A_4, %dma_wait3A] : memref<8x128xi32, #tpu.memory_space<vmem>> -> memref<1x128xi32, #tpu.memory_space<vmem>>
      %dma_wait3A_91 = tpu.memref_squeeze %dma_wait3A_90 : memref<1x128xi32, #tpu.memory_space<vmem>> -> memref<128xi32, #tpu.memory_space<vmem>>
      %dma_wait3A_92 = arith.constant 0 : i32
      %dma_wait3A_93 = arith.constant 0 : i32
      %dma_wait3A_94 = tpu.memref_slice %arg10[%dma_wait3A_92, %dma_wait3A_93] : memref<10112x128xf32, #tpu.memory_space<vmem_shared>> -> memref<10112x128xf32, #tpu.memory_space<vmem_shared>>
      tpu.wait_indirect_dma semaphore(%run_scoped3A_84 : memref<!tpu.dma_semaphore, #tpu.memory_space<semaphore_mem>>) src(%arg8 : memref<128x128xf32, #tpu.memory_space<vmem>>) dst(%dma_wait3A_94 : memref<10112x128xf32, #tpu.memory_space<vmem_shared>>)
      tpu.yield
    }) : () -> ()
    %run_scoped3A_5 = arith.constant 3 : i32
    "tpu.region"() ({
      %run_scoped3A_84 = tpu.sem_alloc : memref<!tpu.dma_semaphore, #tpu.memory_space<semaphore_mem>>
      %dma_start3A = arith.constant 0 : i32
      %dma_start3A_85 = tpu.memref_slice %arg9[%run_scoped3A_5, %dma_start3A] : memref<8x128xi32, #tpu.memory_space<vmem>> -> memref<1x128xi32, #tpu.memory_space<vmem>>
      %dma_start3A_86 = tpu.memref_squeeze %dma_start3A_85 : memref<1x128xi32, #tpu.memory_space<vmem>> -> memref<128xi32, #tpu.memory_space<vmem>>
      %dma_start3A_87 = arith.constant 0 : i32
      %dma_start3A_88 = arith.constant 0 : i32
      %dma_start3A_89 = tpu.memref_slice %arg10[%dma_start3A_87, %dma_start3A_88] : memref<10112x128xf32, #tpu.memory_space<vmem_shared>> -> memref<10112x128xf32, #tpu.memory_space<vmem_shared>>
      tpu.enqueue_indirect_dma source(%arg8 : memref<128x128xf32, #tpu.memory_space<vmem>>) target(%dma_start3A_89 : memref<10112x128xf32, #tpu.memory_space<vmem_shared>>) offsets(%dma_start3A_86 : memref<128xi32, #tpu.memory_space<vmem>>) semaphore(%run_scoped3A_84 : memref<!tpu.dma_semaphore, #tpu.memory_space<semaphore_mem>>)
      %dma_wait3A = arith.constant 0 : i32
      %dma_wait3A_90 = tpu.memref_slice %arg9[%run_scoped3A_5, %dma_wait3A] : memref<8x128xi32, #tpu.memory_space<vmem>> -> memref<1x128xi32, #tpu.memory_space<vmem>>
      %dma_wait3A_91 = tpu.memref_squeeze %dma_wait3A_90 : memref<1x128xi32, #tpu.memory_space<vmem>> -> memref<128xi32, #tpu.memory_space<vmem>>
      %dma_wait3A_92 = arith.constant 0 : i32
      %dma_wait3A_93 = arith.constant 0 : i32
      %dma_wait3A_94 = tpu.memref_slice %arg10[%dma_wait3A_92, %dma_wait3A_93] : memref<10112x128xf32, #tpu.memory_space<vmem_shared>> -> memref<10112x128xf32, #tpu.memory_space<vmem_shared>>
      tpu.wait_indirect_dma semaphore(%run_scoped3A_84 : memref<!tpu.dma_semaphore, #tpu.memory_space<semaphore_mem>>) src(%arg8 : memref<128x128xf32, #tpu.memory_space<vmem>>) dst(%dma_wait3A_94 : memref<10112x128xf32, #tpu.memory_space<vmem_shared>>)
      tpu.yield
    }) : () -> ()
    %run_scoped3A_6 = arith.constant 4 : i32
    "tpu.region"() ({
      %run_scoped3A_84 = tpu.sem_alloc : memref<!tpu.dma_semaphore, #tpu.memory_space<semaphore_mem>>
      %dma_start3A = arith.constant 0 : i32
      %dma_start3A_85 = tpu.memref_slice %arg9[%run_scoped3A_6, %dma_start3A] : memref<8x128xi32, #tpu.memory_space<vmem>> -> memref<1x128xi32, #tpu.memory_space<vmem>>
      %dma_start3A_86 = tpu.memref_squeeze %dma_start3A_85 : memref<1x128xi32, #tpu.memory_space<vmem>> -> memref<128xi32, #tpu.memory_space<vmem>>
      %dma_start3A_87 = arith.constant 0 : i32
      %dma_start3A_88 = arith.constant 0 : i32
      %dma_start3A_89 = tpu.memref_slice %arg10[%dma_start3A_87, %dma_start3A_88] : memref<10112x128xf32, #tpu.memory_space<vmem_shared>> -> memref<10112x128xf32, #tpu.memory_space<vmem_shared>>
      tpu.enqueue_indirect_dma source(%arg8 : memref<128x128xf32, #tpu.memory_space<vmem>>) target(%dma_start3A_89 : memref<10112x128xf32, #tpu.memory_space<vmem_shared>>) offsets(%dma_start3A_86 : memref<128xi32, #tpu.memory_space<vmem>>) semaphore(%run_scoped3A_84 : memref<!tpu.dma_semaphore, #tpu.memory_space<semaphore_mem>>)
      %dma_wait3A = arith.constant 0 : i32
      %dma_wait3A_90 = tpu.memref_slice %arg9[%run_scoped3A_6, %dma_wait3A] : memref<8x128xi32, #tpu.memory_space<vmem>> -> memref<1x128xi32, #tpu.memory_space<vmem>>
      %dma_wait3A_91 = tpu.memref_squeeze %dma_wait3A_90 : memref<1x128xi32, #tpu.memory_space<vmem>> -> memref<128xi32, #tpu.memory_space<vmem>>
      %dma_wait3A_92 = arith.constant 0 : i32
      %dma_wait3A_93 = arith.constant 0 : i32
      %dma_wait3A_94 = tpu.memref_slice %arg10[%dma_wait3A_92, %dma_wait3A_93] : memref<10112x128xf32, #tpu.memory_space<vmem_shared>> -> memref<10112x128xf32, #tpu.memory_space<vmem_shared>>
      tpu.wait_indirect_dma semaphore(%run_scoped3A_84 : memref<!tpu.dma_semaphore, #tpu.memory_space<semaphore_mem>>) src(%arg8 : memref<128x128xf32, #tpu.memory_space<vmem>>) dst(%dma_wait3A_94 : memref<10112x128xf32, #tpu.memory_space<vmem_shared>>)
      tpu.yield
    }) : () -> ()
    %run_scoped3A_7 = arith.constant 5 : i32
    "tpu.region"() ({
      %run_scoped3A_84 = tpu.sem_alloc : memref<!tpu.dma_semaphore, #tpu.memory_space<semaphore_mem>>
      %dma_start3A = arith.constant 0 : i32
      %dma_start3A_85 = tpu.memref_slice %arg9[%run_scoped3A_7, %dma_start3A] : memref<8x128xi32, #tpu.memory_space<vmem>> -> memref<1x128xi32, #tpu.memory_space<vmem>>
      %dma_start3A_86 = tpu.memref_squeeze %dma_start3A_85 : memref<1x128xi32, #tpu.memory_space<vmem>> -> memref<128xi32, #tpu.memory_space<vmem>>
      %dma_start3A_87 = arith.constant 0 : i32
      %dma_start3A_88 = arith.constant 0 : i32
      %dma_start3A_89 = tpu.memref_slice %arg10[%dma_start3A_87, %dma_start3A_88] : memref<10112x128xf32, #tpu.memory_space<vmem_shared>> -> memref<10112x128xf32, #tpu.memory_space<vmem_shared>>
      tpu.enqueue_indirect_dma source(%arg8 : memref<128x128xf32, #tpu.memory_space<vmem>>) target(%dma_start3A_89 : memref<10112x128xf32, #tpu.memory_space<vmem_shared>>) offsets(%dma_start3A_86 : memref<128xi32, #tpu.memory_space<vmem>>) semaphore(%run_scoped3A_84 : memref<!tpu.dma_semaphore, #tpu.memory_space<semaphore_mem>>)
      %dma_wait3A = arith.constant 0 : i32
      %dma_wait3A_90 = tpu.memref_slice %arg9[%run_scoped3A_7, %dma_wait3A] : memref<8x128xi32, #tpu.memory_space<vmem>> -> memref<1x128xi32, #tpu.memory_space<vmem>>
      %dma_wait3A_91 = tpu.memref_squeeze %dma_wait3A_90 : memref<1x128xi32, #tpu.memory_space<vmem>> -> memref<128xi32, #tpu.memory_space<vmem>>
      %dma_wait3A_92 = arith.constant 0 : i32
      %dma_wait3A_93 = arith.constant 0 : i32
      %dma_wait3A_94 = tpu.memref_slice %arg10[%dma_wait3A_92, %dma_wait3A_93] : memref<10112x128xf32, #tpu.memory_space<vmem_shared>> -> memref<10112x128xf32, #tpu.memory_space<vmem_shared>>
      tpu.wait_indirect_dma semaphore(%run_scoped3A_84 : memref<!tpu.dma_semaphore, #tpu.memory_space<semaphore_mem>>) src(%arg8 : memref<128x128xf32, #tpu.memory_space<vmem>>) dst(%dma_wait3A_94 : memref<10112x128xf32, #tpu.memory_space<vmem_shared>>)
      tpu.yield
    }) : () -> ()
    %run_scoped3A_8 = arith.constant 6 : i32
    "tpu.region"() ({
      %run_scoped3A_84 = tpu.sem_alloc : memref<!tpu.dma_semaphore, #tpu.memory_space<semaphore_mem>>
      %dma_start3A = arith.constant 0 : i32
      %dma_start3A_85 = tpu.memref_slice %arg9[%run_scoped3A_8, %dma_start3A] : memref<8x128xi32, #tpu.memory_space<vmem>> -> memref<1x128xi32, #tpu.memory_space<vmem>>
      %dma_start3A_86 = tpu.memref_squeeze %dma_start3A_85 : memref<1x128xi32, #tpu.memory_space<vmem>> -> memref<128xi32, #tpu.memory_space<vmem>>
      %dma_start3A_87 = arith.constant 0 : i32
      %dma_start3A_88 = arith.constant 0 : i32
      %dma_start3A_89 = tpu.memref_slice %arg10[%dma_start3A_87, %dma_start3A_88] : memref<10112x128xf32, #tpu.memory_space<vmem_shared>> -> memref<10112x128xf32, #tpu.memory_space<vmem_shared>>
      tpu.enqueue_indirect_dma source(%arg8 : memref<128x128xf32, #tpu.memory_space<vmem>>) target(%dma_start3A_89 : memref<10112x128xf32, #tpu.memory_space<vmem_shared>>) offsets(%dma_start3A_86 : memref<128xi32, #tpu.memory_space<vmem>>) semaphore(%run_scoped3A_84 : memref<!tpu.dma_semaphore, #tpu.memory_space<semaphore_mem>>)
      %dma_wait3A = arith.constant 0 : i32
      %dma_wait3A_90 = tpu.memref_slice %arg9[%run_scoped3A_8, %dma_wait3A] : memref<8x128xi32, #tpu.memory_space<vmem>> -> memref<1x128xi32, #tpu.memory_space<vmem>>
      %dma_wait3A_91 = tpu.memref_squeeze %dma_wait3A_90 : memref<1x128xi32, #tpu.memory_space<vmem>> -> memref<128xi32, #tpu.memory_space<vmem>>
      %dma_wait3A_92 = arith.constant 0 : i32
      %dma_wait3A_93 = arith.constant 0 : i32
      %dma_wait3A_94 = tpu.memref_slice %arg10[%dma_wait3A_92, %dma_wait3A_93] : memref<10112x128xf32, #tpu.memory_space<vmem_shared>> -> memref<10112x128xf32, #tpu.memory_space<vmem_shared>>
      tpu.wait_indirect_dma semaphore(%run_scoped3A_84 : memref<!tpu.dma_semaphore, #tpu.memory_space<semaphore_mem>>) src(%arg8 : memref<128x128xf32, #tpu.memory_space<vmem>>) dst(%dma_wait3A_94 : memref<10112x128xf32, #tpu.memory_space<vmem_shared>>)
      tpu.yield
    }) : () -> ()
    %run_scoped3A_9 = arith.constant 7 : i32
    "tpu.region"() ({
      %run_scoped3A_84 = tpu.sem_alloc : memref<!tpu.dma_semaphore, #tpu.memory_space<semaphore_mem>>
      %dma_start3A = arith.constant 0 : i32
      %dma_start3A_85 = tpu.memref_slice %arg9[%run_scoped3A_9, %dma_start3A] : memref<8x128xi32, #tpu.memory_space<vmem>> -> memref<1x128xi32, #tpu.memory_space<vmem>>
      %dma_start3A_86 = tpu.memref_squeeze %dma_start3A_85 : memref<1x128xi32, #tpu.memory_space<vmem>> -> memref<128xi32, #tpu.memory_space<vmem>>
      %dma_start3A_87 = arith.constant 0 : i32
      %dma_start3A_88 = arith.constant 0 : i32
      %dma_start3A_89 = tpu.memref_slice %arg10[%dma_start3A_87, %dma_start3A_88] : memref<10112x128xf32, #tpu.memory_space<vmem_shared>> -> memref<10112x128xf32, #tpu.memory_space<vmem_shared>>
      tpu.enqueue_indirect_dma source(%arg8 : memref<128x128xf32, #tpu.memory_space<vmem>>) target(%dma_start3A_89 : memref<10112x128xf32, #tpu.memory_space<vmem_shared>>) offsets(%dma_start3A_86 : memref<128xi32, #tpu.memory_space<vmem>>) semaphore(%run_scoped3A_84 : memref<!tpu.dma_semaphore, #tpu.memory_space<semaphore_mem>>)
      %dma_wait3A = arith.constant 0 : i32
      %dma_wait3A_90 = tpu.memref_slice %arg9[%run_scoped3A_9, %dma_wait3A] : memref<8x128xi32, #tpu.memory_space<vmem>> -> memref<1x128xi32, #tpu.memory_space<vmem>>
      %dma_wait3A_91 = tpu.memref_squeeze %dma_wait3A_90 : memref<1x128xi32, #tpu.memory_space<vmem>> -> memref<128xi32, #tpu.memory_space<vmem>>
      %dma_wait3A_92 = arith.constant 0 : i32
      %dma_wait3A_93 = arith.constant 0 : i32
      %dma_wait3A_94 = tpu.memref_slice %arg10[%dma_wait3A_92, %dma_wait3A_93] : memref<10112x128xf32, #tpu.memory_space<vmem_shared>> -> memref<10112x128xf32, #tpu.memory_space<vmem_shared>>
      tpu.wait_indirect_dma semaphore(%run_scoped3A_84 : memref<!tpu.dma_semaphore, #tpu.memory_space<semaphore_mem>>) src(%arg8 : memref<128x128xf32, #tpu.memory_space<vmem>>) dst(%dma_wait3A_94 : memref<10112x128xf32, #tpu.memory_space<vmem_shared>>)
      tpu.yield
    }) : () -> ()
    %barrier3A = arith.constant 0 : index
    tpu.barrier barrier_id(%barrier3A)
    "tpu.region"() ({
      %run_scoped3A_84 = tpu.sem_alloc : memref<!tpu.dma_semaphore, #tpu.memory_space<semaphore_mem>>
      tpu.enqueue_dma source(%arg5 : memref<128x128xf32, #tpu.memory_space<hbm>>) target(%arg8 : memref<128x128xf32, #tpu.memory_space<vmem>>) target_semaphore(%run_scoped3A_84 : memref<!tpu.dma_semaphore, #tpu.memory_space<semaphore_mem>>)
      tpu.wait_dma2 semaphore(%run_scoped3A_84 : memref<!tpu.dma_semaphore, #tpu.memory_space<semaphore_mem>>) src(%arg5 : memref<128x128xf32, #tpu.memory_space<hbm>>) dst(%arg8 : memref<128x128xf32, #tpu.memory_space<vmem>>)
      tpu.yield
    }) : () -> ()
    %scan3A = arith.constant 0 : i32
    %scan3A_10 = arith.constant 10 : i32
    %scan3A_11 = arith.addi %scan3A, %scan3A_10 : i32
    %scan3A_12 = arith.constant 1 : i32
    scf.for %scan3A_84 = %scan3A to %scan3A_11 step %scan3A_12  : i32 {
      %mul3A_85 = arith.constant 1 : i32
      %mul3A_86 = arith.muli %scan3A_84, %mul3A_85 : i32
      %add3A_87 = arith.constant 0 : i32
      %add3A_88 = arith.addi %add3A_87, %mul3A_86 : i32
      %mul3A_89 = arith.constant 80 : i32
      %mul3A_90 = arith.muli %add3A, %mul3A_89 : i32
      %mul3A_91 = arith.constant 8 : i32
      %mul3A_92 = arith.muli %add3A_88, %mul3A_91 : i32
      %add3A_93 = arith.addi %mul3A_90, %mul3A_92 : i32
      "tpu.region"() ({
        %run_scoped3A_204 = tpu.sem_alloc : memref<!tpu.dma_semaphore, #tpu.memory_space<semaphore_mem>>
        %dma_start3A_205 = arith.constant 0 : i32
        %dma_start3A_206 = tpu.memref_slice %arg2[%add3A_93, %dma_start3A_205] : memref<2560x128xi32, #tpu.memory_space<hbm>> -> memref<8x128xi32, #tpu.memory_space<hbm>>
        %dma_start3A_207 = arith.constant 0 : i32
        %dma_start3A_208 = tpu.memref_slice %arg2[%add3A_93, %dma_start3A_207] : memref<2560x128xi32, #tpu.memory_space<hbm>> -> memref<8x128xi32, #tpu.memory_space<hbm>>
        tpu.enqueue_dma source(%dma_start3A_208 : memref<8x128xi32, #tpu.memory_space<hbm>>) target(%arg7 : memref<8x128xi32, #tpu.memory_space<vmem>>) target_semaphore(%run_scoped3A_204 : memref<!tpu.dma_semaphore, #tpu.memory_space<semaphore_mem>>)
        %dma_wait3A_209 = arith.constant 0 : i32
        %dma_wait3A_210 = tpu.memref_slice %arg2[%add3A_93, %dma_wait3A_209] : memref<2560x128xi32, #tpu.memory_space<hbm>> -> memref<8x128xi32, #tpu.memory_space<hbm>>
        %dma_wait3A_211 = arith.constant 0 : i32
        %dma_wait3A_212 = tpu.memref_slice %arg2[%add3A_93, %dma_wait3A_211] : memref<2560x128xi32, #tpu.memory_space<hbm>> -> memref<8x128xi32, #tpu.memory_space<hbm>>
        tpu.wait_dma2 semaphore(%run_scoped3A_204 : memref<!tpu.dma_semaphore, #tpu.memory_space<semaphore_mem>>) src(%dma_wait3A_212 : memref<8x128xi32, #tpu.memory_space<hbm>>) dst(%arg7 : memref<8x128xi32, #tpu.memory_space<vmem>>)
        tpu.yield
      }) : () -> ()
      %dma_start3A = arith.constant 0 : i32
      %dma_start3A_94 = arith.constant 0 : i32
      %dma_start3A_95 = tpu.memref_slice %arg7[%dma_start3A, %dma_start3A_94] : memref<8x128xi32, #tpu.memory_space<vmem>> -> memref<1x128xi32, #tpu.memory_space<vmem>>
      %dma_start3A_96 = tpu.memref_squeeze %dma_start3A_95 : memref<1x128xi32, #tpu.memory_space<vmem>> -> memref<128xi32, #tpu.memory_space<vmem>>
      %dma_start3A_97 = arith.constant 0 : i32
      %dma_start3A_98 = arith.constant 0 : i32
      %dma_start3A_99 = tpu.memref_slice %arg10[%dma_start3A_97, %dma_start3A_98] : memref<10112x128xf32, #tpu.memory_space<vmem_shared>> -> memref<10112x128xf32, #tpu.memory_space<vmem_shared>>
      tpu.enqueue_indirect_dma source(%arg8 : memref<128x128xf32, #tpu.memory_space<vmem>>) target(%dma_start3A_99 : memref<10112x128xf32, #tpu.memory_space<vmem_shared>>) offsets(%dma_start3A_96 : memref<128xi32, #tpu.memory_space<vmem>>) semaphore(%arg11 : memref<!tpu.dma_semaphore, #tpu.memory_space<semaphore_mem>>) {add = true}
      %dma_start3A_100 = arith.constant 1 : i32
      %dma_start3A_101 = arith.constant 0 : i32
      %dma_start3A_102 = tpu.memref_slice %arg7[%dma_start3A_100, %dma_start3A_101] : memref<8x128xi32, #tpu.memory_space<vmem>> -> memref<1x128xi32, #tpu.memory_space<vmem>>
      %dma_start3A_103 = tpu.memref_squeeze %dma_start3A_102 : memref<1x128xi32, #tpu.memory_space<vmem>> -> memref<128xi32, #tpu.memory_space<vmem>>
      %dma_start3A_104 = arith.constant 0 : i32
      %dma_start3A_105 = arith.constant 0 : i32
      %dma_start3A_106 = tpu.memref_slice %arg10[%dma_start3A_104, %dma_start3A_105] : memref<10112x128xf32, #tpu.memory_space<vmem_shared>> -> memref<10112x128xf32, #tpu.memory_space<vmem_shared>>
      tpu.enqueue_indirect_dma source(%arg8 : memref<128x128xf32, #tpu.memory_space<vmem>>) target(%dma_start3A_106 : memref<10112x128xf32, #tpu.memory_space<vmem_shared>>) offsets(%dma_start3A_103 : memref<128xi32, #tpu.memory_space<vmem>>) semaphore(%arg12 : memref<!tpu.dma_semaphore, #tpu.memory_space<semaphore_mem>>) {add = true}
      %dma_wait3A = arith.constant 0 : i32
      %dma_wait3A_107 = arith.constant 0 : i32
      %dma_wait3A_108 = tpu.memref_slice %arg7[%dma_wait3A, %dma_wait3A_107] : memref<8x128xi32, #tpu.memory_space<vmem>> -> memref<1x128xi32, #tpu.memory_space<vmem>>
      %dma_wait3A_109 = tpu.memref_squeeze %dma_wait3A_108 : memref<1x128xi32, #tpu.memory_space<vmem>> -> memref<128xi32, #tpu.memory_space<vmem>>
      %dma_wait3A_110 = arith.constant 0 : i32
      %dma_wait3A_111 = arith.constant 0 : i32
      %dma_wait3A_112 = tpu.memref_slice %arg10[%dma_wait3A_110, %dma_wait3A_111] : memref<10112x128xf32, #tpu.memory_space<vmem_shared>> -> memref<10112x128xf32, #tpu.memory_space<vmem_shared>>
      tpu.wait_indirect_dma semaphore(%arg11 : memref<!tpu.dma_semaphore, #tpu.memory_space<semaphore_mem>>) src(%arg8 : memref<128x128xf32, #tpu.memory_space<vmem>>) dst(%dma_wait3A_112 : memref<10112x128xf32, #tpu.memory_space<vmem_shared>>)
      %dma_start3A_113 = arith.constant 2 : i32
      %dma_start3A_114 = arith.constant 0 : i32
      %dma_start3A_115 = tpu.memref_slice %arg7[%dma_start3A_113, %dma_start3A_114] : memref<8x128xi32, #tpu.memory_space<vmem>> -> memref<1x128xi32, #tpu.memory_space<vmem>>
      %dma_start3A_116 = tpu.memref_squeeze %dma_start3A_115 : memref<1x128xi32, #tpu.memory_space<vmem>> -> memref<128xi32, #tpu.memory_space<vmem>>
      %dma_start3A_117 = arith.constant 0 : i32
      %dma_start3A_118 = arith.constant 0 : i32
      %dma_start3A_119 = tpu.memref_slice %arg10[%dma_start3A_117, %dma_start3A_118] : memref<10112x128xf32, #tpu.memory_space<vmem_shared>> -> memref<10112x128xf32, #tpu.memory_space<vmem_shared>>
      tpu.enqueue_indirect_dma source(%arg8 : memref<128x128xf32, #tpu.memory_space<vmem>>) target(%dma_start3A_119 : memref<10112x128xf32, #tpu.memory_space<vmem_shared>>) offsets(%dma_start3A_116 : memref<128xi32, #tpu.memory_space<vmem>>) semaphore(%arg11 : memref<!tpu.dma_semaphore, #tpu.memory_space<semaphore_mem>>) {add = true}
      %dma_wait3A_120 = arith.constant 1 : i32
      %dma_wait3A_121 = arith.constant 0 : i32
      %dma_wait3A_122 = tpu.memref_slice %arg7[%dma_wait3A_120, %dma_wait3A_121] : memref<8x128xi32, #tpu.memory_space<vmem>> -> memref<1x128xi32, #tpu.memory_space<vmem>>
      %dma_wait3A_123 = tpu.memref_squeeze %dma_wait3A_122 : memref<1x128xi32, #tpu.memory_space<vmem>> -> memref<128xi32, #tpu.memory_space<vmem>>
      %dma_wait3A_124 = arith.constant 0 : i32
      %dma_wait3A_125 = arith.constant 0 : i32
      %dma_wait3A_126 = tpu.memref_slice %arg10[%dma_wait3A_124, %dma_wait3A_125] : memref<10112x128xf32, #tpu.memory_space<vmem_shared>> -> memref<10112x128xf32, #tpu.memory_space<vmem_shared>>
      tpu.wait_indirect_dma semaphore(%arg12 : memref<!tpu.dma_semaphore, #tpu.memory_space<semaphore_mem>>) src(%arg8 : memref<128x128xf32, #tpu.memory_space<vmem>>) dst(%dma_wait3A_126 : memref<10112x128xf32, #tpu.memory_space<vmem_shared>>)
      %dma_start3A_127 = arith.constant 3 : i32
      %dma_start3A_128 = arith.constant 0 : i32
      %dma_start3A_129 = tpu.memref_slice %arg7[%dma_start3A_127, %dma_start3A_128] : memref<8x128xi32, #tpu.memory_space<vmem>> -> memref<1x128xi32, #tpu.memory_space<vmem>>
      %dma_start3A_130 = tpu.memref_squeeze %dma_start3A_129 : memref<1x128xi32, #tpu.memory_space<vmem>> -> memref<128xi32, #tpu.memory_space<vmem>>
      %dma_start3A_131 = arith.constant 0 : i32
      %dma_start3A_132 = arith.constant 0 : i32
      %dma_start3A_133 = tpu.memref_slice %arg10[%dma_start3A_131, %dma_start3A_132] : memref<10112x128xf32, #tpu.memory_space<vmem_shared>> -> memref<10112x128xf32, #tpu.memory_space<vmem_shared>>
      tpu.enqueue_indirect_dma source(%arg8 : memref<128x128xf32, #tpu.memory_space<vmem>>) target(%dma_start3A_133 : memref<10112x128xf32, #tpu.memory_space<vmem_shared>>) offsets(%dma_start3A_130 : memref<128xi32, #tpu.memory_space<vmem>>) semaphore(%arg12 : memref<!tpu.dma_semaphore, #tpu.memory_space<semaphore_mem>>) {add = true}
      %dma_wait3A_134 = arith.constant 2 : i32
      %dma_wait3A_135 = arith.constant 0 : i32
      %dma_wait3A_136 = tpu.memref_slice %arg7[%dma_wait3A_134, %dma_wait3A_135] : memref<8x128xi32, #tpu.memory_space<vmem>> -> memref<1x128xi32, #tpu.memory_space<vmem>>
      %dma_wait3A_137 = tpu.memref_squeeze %dma_wait3A_136 : memref<1x128xi32, #tpu.memory_space<vmem>> -> memref<128xi32, #tpu.memory_space<vmem>>
      %dma_wait3A_138 = arith.constant 0 : i32
      %dma_wait3A_139 = arith.constant 0 : i32
      %dma_wait3A_140 = tpu.memref_slice %arg10[%dma_wait3A_138, %dma_wait3A_139] : memref<10112x128xf32, #tpu.memory_space<vmem_shared>> -> memref<10112x128xf32, #tpu.memory_space<vmem_shared>>
      tpu.wait_indirect_dma semaphore(%arg11 : memref<!tpu.dma_semaphore, #tpu.memory_space<semaphore_mem>>) src(%arg8 : memref<128x128xf32, #tpu.memory_space<vmem>>) dst(%dma_wait3A_140 : memref<10112x128xf32, #tpu.memory_space<vmem_shared>>)
      %dma_start3A_141 = arith.constant 4 : i32
      %dma_start3A_142 = arith.constant 0 : i32
      %dma_start3A_143 = tpu.memref_slice %arg7[%dma_start3A_141, %dma_start3A_142] : memref<8x128xi32, #tpu.memory_space<vmem>> -> memref<1x128xi32, #tpu.memory_space<vmem>>
      %dma_start3A_144 = tpu.memref_squeeze %dma_start3A_143 : memref<1x128xi32, #tpu.memory_space<vmem>> -> memref<128xi32, #tpu.memory_space<vmem>>
      %dma_start3A_145 = arith.constant 0 : i32
      %dma_start3A_146 = arith.constant 0 : i32
      %dma_start3A_147 = tpu.memref_slice %arg10[%dma_start3A_145, %dma_start3A_146] : memref<10112x128xf32, #tpu.memory_space<vmem_shared>> -> memref<10112x128xf32, #tpu.memory_space<vmem_shared>>
      tpu.enqueue_indirect_dma source(%arg8 : memref<128x128xf32, #tpu.memory_space<vmem>>) target(%dma_start3A_147 : memref<10112x128xf32, #tpu.memory_space<vmem_shared>>) offsets(%dma_start3A_144 : memref<128xi32, #tpu.memory_space<vmem>>) semaphore(%arg11 : memref<!tpu.dma_semaphore, #tpu.memory_space<semaphore_mem>>) {add = true}
      %dma_wait3A_148 = arith.constant 3 : i32
      %dma_wait3A_149 = arith.constant 0 : i32
      %dma_wait3A_150 = tpu.memref_slice %arg7[%dma_wait3A_148, %dma_wait3A_149] : memref<8x128xi32, #tpu.memory_space<vmem>> -> memref<1x128xi32, #tpu.memory_space<vmem>>
      %dma_wait3A_151 = tpu.memref_squeeze %dma_wait3A_150 : memref<1x128xi32, #tpu.memory_space<vmem>> -> memref<128xi32, #tpu.memory_space<vmem>>
      %dma_wait3A_152 = arith.constant 0 : i32
      %dma_wait3A_153 = arith.constant 0 : i32
      %dma_wait3A_154 = tpu.memref_slice %arg10[%dma_wait3A_152, %dma_wait3A_153] : memref<10112x128xf32, #tpu.memory_space<vmem_shared>> -> memref<10112x128xf32, #tpu.memory_space<vmem_shared>>
      tpu.wait_indirect_dma semaphore(%arg12 : memref<!tpu.dma_semaphore, #tpu.memory_space<semaphore_mem>>) src(%arg8 : memref<128x128xf32, #tpu.memory_space<vmem>>) dst(%dma_wait3A_154 : memref<10112x128xf32, #tpu.memory_space<vmem_shared>>)
      %dma_start3A_155 = arith.constant 5 : i32
      %dma_start3A_156 = arith.constant 0 : i32
      %dma_start3A_157 = tpu.memref_slice %arg7[%dma_start3A_155, %dma_start3A_156] : memref<8x128xi32, #tpu.memory_space<vmem>> -> memref<1x128xi32, #tpu.memory_space<vmem>>
      %dma_start3A_158 = tpu.memref_squeeze %dma_start3A_157 : memref<1x128xi32, #tpu.memory_space<vmem>> -> memref<128xi32, #tpu.memory_space<vmem>>
      %dma_start3A_159 = arith.constant 0 : i32
      %dma_start3A_160 = arith.constant 0 : i32
      %dma_start3A_161 = tpu.memref_slice %arg10[%dma_start3A_159, %dma_start3A_160] : memref<10112x128xf32, #tpu.memory_space<vmem_shared>> -> memref<10112x128xf32, #tpu.memory_space<vmem_shared>>
      tpu.enqueue_indirect_dma source(%arg8 : memref<128x128xf32, #tpu.memory_space<vmem>>) target(%dma_start3A_161 : memref<10112x128xf32, #tpu.memory_space<vmem_shared>>) offsets(%dma_start3A_158 : memref<128xi32, #tpu.memory_space<vmem>>) semaphore(%arg12 : memref<!tpu.dma_semaphore, #tpu.memory_space<semaphore_mem>>) {add = true}
      %dma_wait3A_162 = arith.constant 4 : i32
      %dma_wait3A_163 = arith.constant 0 : i32
      %dma_wait3A_164 = tpu.memref_slice %arg7[%dma_wait3A_162, %dma_wait3A_163] : memref<8x128xi32, #tpu.memory_space<vmem>> -> memref<1x128xi32, #tpu.memory_space<vmem>>
      %dma_wait3A_165 = tpu.memref_squeeze %dma_wait3A_164 : memref<1x128xi32, #tpu.memory_space<vmem>> -> memref<128xi32, #tpu.memory_space<vmem>>
      %dma_wait3A_166 = arith.constant 0 : i32
      %dma_wait3A_167 = arith.constant 0 : i32
      %dma_wait3A_168 = tpu.memref_slice %arg10[%dma_wait3A_166, %dma_wait3A_167] : memref<10112x128xf32, #tpu.memory_space<vmem_shared>> -> memref<10112x128xf32, #tpu.memory_space<vmem_shared>>
      tpu.wait_indirect_dma semaphore(%arg11 : memref<!tpu.dma_semaphore, #tpu.memory_space<semaphore_mem>>) src(%arg8 : memref<128x128xf32, #tpu.memory_space<vmem>>) dst(%dma_wait3A_168 : memref<10112x128xf32, #tpu.memory_space<vmem_shared>>)
      %dma_start3A_169 = arith.constant 6 : i32
      %dma_start3A_170 = arith.constant 0 : i32
      %dma_start3A_171 = tpu.memref_slice %arg7[%dma_start3A_169, %dma_start3A_170] : memref<8x128xi32, #tpu.memory_space<vmem>> -> memref<1x128xi32, #tpu.memory_space<vmem>>
      %dma_start3A_172 = tpu.memref_squeeze %dma_start3A_171 : memref<1x128xi32, #tpu.memory_space<vmem>> -> memref<128xi32, #tpu.memory_space<vmem>>
      %dma_start3A_173 = arith.constant 0 : i32
      %dma_start3A_174 = arith.constant 0 : i32
      %dma_start3A_175 = tpu.memref_slice %arg10[%dma_start3A_173, %dma_start3A_174] : memref<10112x128xf32, #tpu.memory_space<vmem_shared>> -> memref<10112x128xf32, #tpu.memory_space<vmem_shared>>
      tpu.enqueue_indirect_dma source(%arg8 : memref<128x128xf32, #tpu.memory_space<vmem>>) target(%dma_start3A_175 : memref<10112x128xf32, #tpu.memory_space<vmem_shared>>) offsets(%dma_start3A_172 : memref<128xi32, #tpu.memory_space<vmem>>) semaphore(%arg11 : memref<!tpu.dma_semaphore, #tpu.memory_space<semaphore_mem>>) {add = true}
      %dma_wait3A_176 = arith.constant 5 : i32
      %dma_wait3A_177 = arith.constant 0 : i32
      %dma_wait3A_178 = tpu.memref_slice %arg7[%dma_wait3A_176, %dma_wait3A_177] : memref<8x128xi32, #tpu.memory_space<vmem>> -> memref<1x128xi32, #tpu.memory_space<vmem>>
      %dma_wait3A_179 = tpu.memref_squeeze %dma_wait3A_178 : memref<1x128xi32, #tpu.memory_space<vmem>> -> memref<128xi32, #tpu.memory_space<vmem>>
      %dma_wait3A_180 = arith.constant 0 : i32
      %dma_wait3A_181 = arith.constant 0 : i32
      %dma_wait3A_182 = tpu.memref_slice %arg10[%dma_wait3A_180, %dma_wait3A_181] : memref<10112x128xf32, #tpu.memory_space<vmem_shared>> -> memref<10112x128xf32, #tpu.memory_space<vmem_shared>>
      tpu.wait_indirect_dma semaphore(%arg12 : memref<!tpu.dma_semaphore, #tpu.memory_space<semaphore_mem>>) src(%arg8 : memref<128x128xf32, #tpu.memory_space<vmem>>) dst(%dma_wait3A_182 : memref<10112x128xf32, #tpu.memory_space<vmem_shared>>)
      %dma_start3A_183 = arith.constant 7 : i32
      %dma_start3A_184 = arith.constant 0 : i32
      %dma_start3A_185 = tpu.memref_slice %arg7[%dma_start3A_183, %dma_start3A_184] : memref<8x128xi32, #tpu.memory_space<vmem>> -> memref<1x128xi32, #tpu.memory_space<vmem>>
      %dma_start3A_186 = tpu.memref_squeeze %dma_start3A_185 : memref<1x128xi32, #tpu.memory_space<vmem>> -> memref<128xi32, #tpu.memory_space<vmem>>
      %dma_start3A_187 = arith.constant 0 : i32
      %dma_start3A_188 = arith.constant 0 : i32
      %dma_start3A_189 = tpu.memref_slice %arg10[%dma_start3A_187, %dma_start3A_188] : memref<10112x128xf32, #tpu.memory_space<vmem_shared>> -> memref<10112x128xf32, #tpu.memory_space<vmem_shared>>
      tpu.enqueue_indirect_dma source(%arg8 : memref<128x128xf32, #tpu.memory_space<vmem>>) target(%dma_start3A_189 : memref<10112x128xf32, #tpu.memory_space<vmem_shared>>) offsets(%dma_start3A_186 : memref<128xi32, #tpu.memory_space<vmem>>) semaphore(%arg12 : memref<!tpu.dma_semaphore, #tpu.memory_space<semaphore_mem>>) {add = true}
      %dma_wait3A_190 = arith.constant 6 : i32
      %dma_wait3A_191 = arith.constant 0 : i32
      %dma_wait3A_192 = tpu.memref_slice %arg7[%dma_wait3A_190, %dma_wait3A_191] : memref<8x128xi32, #tpu.memory_space<vmem>> -> memref<1x128xi32, #tpu.memory_space<vmem>>
      %dma_wait3A_193 = tpu.memref_squeeze %dma_wait3A_192 : memref<1x128xi32, #tpu.memory_space<vmem>> -> memref<128xi32, #tpu.memory_space<vmem>>
      %dma_wait3A_194 = arith.constant 0 : i32
      %dma_wait3A_195 = arith.constant 0 : i32
      %dma_wait3A_196 = tpu.memref_slice %arg10[%dma_wait3A_194, %dma_wait3A_195] : memref<10112x128xf32, #tpu.memory_space<vmem_shared>> -> memref<10112x128xf32, #tpu.memory_space<vmem_shared>>
      tpu.wait_indirect_dma semaphore(%arg11 : memref<!tpu.dma_semaphore, #tpu.memory_space<semaphore_mem>>) src(%arg8 : memref<128x128xf32, #tpu.memory_space<vmem>>) dst(%dma_wait3A_196 : memref<10112x128xf32, #tpu.memory_space<vmem_shared>>)
      %dma_wait3A_197 = arith.constant 7 : i32
      %dma_wait3A_198 = arith.constant 0 : i32
      %dma_wait3A_199 = tpu.memref_slice %arg7[%dma_wait3A_197, %dma_wait3A_198] : memref<8x128xi32, #tpu.memory_space<vmem>> -> memref<1x128xi32, #tpu.memory_space<vmem>>
      %dma_wait3A_200 = tpu.memref_squeeze %dma_wait3A_199 : memref<1x128xi32, #tpu.memory_space<vmem>> -> memref<128xi32, #tpu.memory_space<vmem>>
      %dma_wait3A_201 = arith.constant 0 : i32
      %dma_wait3A_202 = arith.constant 0 : i32
      %dma_wait3A_203 = tpu.memref_slice %arg10[%dma_wait3A_201, %dma_wait3A_202] : memref<10112x128xf32, #tpu.memory_space<vmem_shared>> -> memref<10112x128xf32, #tpu.memory_space<vmem_shared>>
      tpu.wait_indirect_dma semaphore(%arg12 : memref<!tpu.dma_semaphore, #tpu.memory_space<semaphore_mem>>) src(%arg8 : memref<128x128xf32, #tpu.memory_space<vmem>>) dst(%dma_wait3A_203 : memref<10112x128xf32, #tpu.memory_space<vmem_shared>>)
    }
    %scan3A_13 = arith.constant 10 : i32
    %barrier3A_14 = arith.constant 0 : index
    tpu.barrier barrier_id(%barrier3A_14)
    %mul3A_15 = arith.constant 8 : i32
    %mul3A_16 = arith.muli %arg1, %mul3A_15 : i32
    %add3A_17 = arith.constant 0 : i32
    %add3A_18 = arith.addi %mul3A_16, %add3A_17 : i32
    %lt3A = arith.constant 79 : i32
    %lt3A_19 = arith.cmpi slt, %add3A_18, %lt3A : i32
    %convert_element_type3A = arith.extui %lt3A_19 : i1 to i32
    %cond3A = arith.constant 0 : i32
    %cond3A_20 = arith.cmpi ne, %convert_element_type3A, %cond3A : i32
    scf.if %cond3A_20 {
      %dma_start3A = arith.constant 0 : i32
      %dma_start3A_84 = arith.constant 0 : i32
      %dma_start3A_85 = tpu.memref_slice %arg9[%dma_start3A, %dma_start3A_84] : memref<8x128xi32, #tpu.memory_space<vmem>> -> memref<1x128xi32, #tpu.memory_space<vmem>>
      %dma_start3A_86 = tpu.memref_squeeze %dma_start3A_85 : memref<1x128xi32, #tpu.memory_space<vmem>> -> memref<128xi32, #tpu.memory_space<vmem>>
      %dma_start3A_87 = arith.constant 0 : i32
      %dma_start3A_88 = arith.constant 0 : i32
      %dma_start3A_89 = tpu.memref_slice %arg10[%dma_start3A_87, %dma_start3A_88] : memref<10112x128xf32, #tpu.memory_space<vmem_shared>> -> memref<10112x128xf32, #tpu.memory_space<vmem_shared>>
      tpu.enqueue_indirect_dma source(%dma_start3A_89 : memref<10112x128xf32, #tpu.memory_space<vmem_shared>>) target(%arg8 : memref<128x128xf32, #tpu.memory_space<vmem>>) offsets(%dma_start3A_86 : memref<128xi32, #tpu.memory_space<vmem>>) semaphore(%arg11 : memref<!tpu.dma_semaphore, #tpu.memory_space<semaphore_mem>>)
      %dma_wait3A = arith.constant 0 : i32
      %dma_wait3A_90 = arith.constant 0 : i32
      %dma_wait3A_91 = tpu.memref_slice %arg9[%dma_wait3A, %dma_wait3A_90] : memref<8x128xi32, #tpu.memory_space<vmem>> -> memref<1x128xi32, #tpu.memory_space<vmem>>
      %dma_wait3A_92 = tpu.memref_squeeze %dma_wait3A_91 : memref<1x128xi32, #tpu.memory_space<vmem>> -> memref<128xi32, #tpu.memory_space<vmem>>
      %dma_wait3A_93 = arith.constant 0 : i32
      %dma_wait3A_94 = arith.constant 0 : i32
      %dma_wait3A_95 = tpu.memref_slice %arg10[%dma_wait3A_93, %dma_wait3A_94] : memref<10112x128xf32, #tpu.memory_space<vmem_shared>> -> memref<10112x128xf32, #tpu.memory_space<vmem_shared>>
      tpu.wait_indirect_dma semaphore(%arg11 : memref<!tpu.dma_semaphore, #tpu.memory_space<semaphore_mem>>) src(%dma_wait3A_95 : memref<10112x128xf32, #tpu.memory_space<vmem_shared>>) dst(%arg8 : memref<128x128xf32, #tpu.memory_space<vmem>>)
      %mul3A_96 = arith.constant 10112 : i32
      %mul3A_97 = arith.muli %arg0, %mul3A_96 : i32
      %mul3A_98 = arith.constant 128 : i32
      %mul3A_99 = arith.muli %add3A_18, %mul3A_98 : i32
      %add3A_100 = arith.addi %mul3A_97, %mul3A_99 : i32
      "tpu.region"() ({
        %run_scoped3A_101 = tpu.sem_alloc : memref<!tpu.dma_semaphore, #tpu.memory_space<semaphore_mem>>
        %dma_start3A_102 = arith.constant 0 : i32
        %dma_start3A_103 = tpu.memref_slice %arg6[%add3A_100, %dma_start3A_102] : memref<20224x128xf32, #tpu.memory_space<hbm>> -> memref<128x128xf32, #tpu.memory_space<hbm>>
        %dma_start3A_104 = arith.constant 0 : i32
        %dma_start3A_105 = tpu.memref_slice %arg6[%add3A_100, %dma_start3A_104] : memref<20224x128xf32, #tpu.memory_space<hbm>> -> memref<128x128xf32, #tpu.memory_space<hbm>>
        tpu.enqueue_dma source(%arg8 : memref<128x128xf32, #tpu.memory_space<vmem>>) target(%dma_start3A_105 : memref<128x128xf32, #tpu.memory_space<hbm>>) target_semaphore(%run_scoped3A_101 : memref<!tpu.dma_semaphore, #tpu.memory_space<semaphore_mem>>)
        %dma_wait3A_106 = arith.constant 0 : i32
        %dma_wait3A_107 = tpu.memref_slice %arg6[%add3A_100, %dma_wait3A_106] : memref<20224x128xf32, #tpu.memory_space<hbm>> -> memref<128x128xf32, #tpu.memory_space<hbm>>
        %dma_wait3A_108 = arith.constant 0 : i32
        %dma_wait3A_109 = tpu.memref_slice %arg6[%add3A_100, %dma_wait3A_108] : memref<20224x128xf32, #tpu.memory_space<hbm>> -> memref<128x128xf32, #tpu.memory_space<hbm>>
        tpu.wait_dma2 semaphore(%run_scoped3A_101 : memref<!tpu.dma_semaphore, #tpu.memory_space<semaphore_mem>>) src(%arg8 : memref<128x128xf32, #tpu.memory_space<vmem>>) dst(%dma_wait3A_109 : memref<128x128xf32, #tpu.memory_space<hbm>>)
        tpu.yield
      }) : () -> ()
    } else {
    }
    %mul3A_21 = arith.constant 8 : i32
    %mul3A_22 = arith.muli %arg1, %mul3A_21 : i32
    %add3A_23 = arith.constant 1 : i32
    %add3A_24 = arith.addi %mul3A_22, %add3A_23 : i32
    %lt3A_25 = arith.constant 79 : i32
    %lt3A_26 = arith.cmpi slt, %add3A_24, %lt3A_25 : i32
    %convert_element_type3A_27 = arith.extui %lt3A_26 : i1 to i32
    %cond3A_28 = arith.constant 0 : i32
    %cond3A_29 = arith.cmpi ne, %convert_element_type3A_27, %cond3A_28 : i32
    scf.if %cond3A_29 {
      %dma_start3A = arith.constant 1 : i32
      %dma_start3A_84 = arith.constant 0 : i32
      %dma_start3A_85 = tpu.memref_slice %arg9[%dma_start3A, %dma_start3A_84] : memref<8x128xi32, #tpu.memory_space<vmem>> -> memref<1x128xi32, #tpu.memory_space<vmem>>
      %dma_start3A_86 = tpu.memref_squeeze %dma_start3A_85 : memref<1x128xi32, #tpu.memory_space<vmem>> -> memref<128xi32, #tpu.memory_space<vmem>>
      %dma_start3A_87 = arith.constant 0 : i32
      %dma_start3A_88 = arith.constant 0 : i32
      %dma_start3A_89 = tpu.memref_slice %arg10[%dma_start3A_87, %dma_start3A_88] : memref<10112x128xf32, #tpu.memory_space<vmem_shared>> -> memref<10112x128xf32, #tpu.memory_space<vmem_shared>>
      tpu.enqueue_indirect_dma source(%dma_start3A_89 : memref<10112x128xf32, #tpu.memory_space<vmem_shared>>) target(%arg8 : memref<128x128xf32, #tpu.memory_space<vmem>>) offsets(%dma_start3A_86 : memref<128xi32, #tpu.memory_space<vmem>>) semaphore(%arg11 : memref<!tpu.dma_semaphore, #tpu.memory_space<semaphore_mem>>)
      %dma_wait3A = arith.constant 1 : i32
      %dma_wait3A_90 = arith.constant 0 : i32
      %dma_wait3A_91 = tpu.memref_slice %arg9[%dma_wait3A, %dma_wait3A_90] : memref<8x128xi32, #tpu.memory_space<vmem>> -> memref<1x128xi32, #tpu.memory_space<vmem>>
      %dma_wait3A_92 = tpu.memref_squeeze %dma_wait3A_91 : memref<1x128xi32, #tpu.memory_space<vmem>> -> memref<128xi32, #tpu.memory_space<vmem>>
      %dma_wait3A_93 = arith.constant 0 : i32
      %dma_wait3A_94 = arith.constant 0 : i32
      %dma_wait3A_95 = tpu.memref_slice %arg10[%dma_wait3A_93, %dma_wait3A_94] : memref<10112x128xf32, #tpu.memory_space<vmem_shared>> -> memref<10112x128xf32, #tpu.memory_space<vmem_shared>>
      tpu.wait_indirect_dma semaphore(%arg11 : memref<!tpu.dma_semaphore, #tpu.memory_space<semaphore_mem>>) src(%dma_wait3A_95 : memref<10112x128xf32, #tpu.memory_space<vmem_shared>>) dst(%arg8 : memref<128x128xf32, #tpu.memory_space<vmem>>)
      %mul3A_96 = arith.constant 10112 : i32
      %mul3A_97 = arith.muli %arg0, %mul3A_96 : i32
      %mul3A_98 = arith.constant 128 : i32
      %mul3A_99 = arith.muli %add3A_24, %mul3A_98 : i32
      %add3A_100 = arith.addi %mul3A_97, %mul3A_99 : i32
      "tpu.region"() ({
        %run_scoped3A_101 = tpu.sem_alloc : memref<!tpu.dma_semaphore, #tpu.memory_space<semaphore_mem>>
        %dma_start3A_102 = arith.constant 0 : i32
        %dma_start3A_103 = tpu.memref_slice %arg6[%add3A_100, %dma_start3A_102] : memref<20224x128xf32, #tpu.memory_space<hbm>> -> memref<128x128xf32, #tpu.memory_space<hbm>>
        %dma_start3A_104 = arith.constant 0 : i32
        %dma_start3A_105 = tpu.memref_slice %arg6[%add3A_100, %dma_start3A_104] : memref<20224x128xf32, #tpu.memory_space<hbm>> -> memref<128x128xf32, #tpu.memory_space<hbm>>
        tpu.enqueue_dma source(%arg8 : memref<128x128xf32, #tpu.memory_space<vmem>>) target(%dma_start3A_105 : memref<128x128xf32, #tpu.memory_space<hbm>>) target_semaphore(%run_scoped3A_101 : memref<!tpu.dma_semaphore, #tpu.memory_space<semaphore_mem>>)
        %dma_wait3A_106 = arith.constant 0 : i32
        %dma_wait3A_107 = tpu.memref_slice %arg6[%add3A_100, %dma_wait3A_106] : memref<20224x128xf32, #tpu.memory_space<hbm>> -> memref<128x128xf32, #tpu.memory_space<hbm>>
        %dma_wait3A_108 = arith.constant 0 : i32
        %dma_wait3A_109 = tpu.memref_slice %arg6[%add3A_100, %dma_wait3A_108] : memref<20224x128xf32, #tpu.memory_space<hbm>> -> memref<128x128xf32, #tpu.memory_space<hbm>>
        tpu.wait_dma2 semaphore(%run_scoped3A_101 : memref<!tpu.dma_semaphore, #tpu.memory_space<semaphore_mem>>) src(%arg8 : memref<128x128xf32, #tpu.memory_space<vmem>>) dst(%dma_wait3A_109 : memref<128x128xf32, #tpu.memory_space<hbm>>)
        tpu.yield
      }) : () -> ()
    } else {
    }
    %mul3A_30 = arith.constant 8 : i32
    %mul3A_31 = arith.muli %arg1, %mul3A_30 : i32
    %add3A_32 = arith.constant 2 : i32
    %add3A_33 = arith.addi %mul3A_31, %add3A_32 : i32
    %lt3A_34 = arith.constant 79 : i32
    %lt3A_35 = arith.cmpi slt, %add3A_33, %lt3A_34 : i32
    %convert_element_type3A_36 = arith.extui %lt3A_35 : i1 to i32
    %cond3A_37 = arith.constant 0 : i32
    %cond3A_38 = arith.cmpi ne, %convert_element_type3A_36, %cond3A_37 : i32
    scf.if %cond3A_38 {
      %dma_start3A = arith.constant 2 : i32
      %dma_start3A_84 = arith.constant 0 : i32
      %dma_start3A_85 = tpu.memref_slice %arg9[%dma_start3A, %dma_start3A_84] : memref<8x128xi32, #tpu.memory_space<vmem>> -> memref<1x128xi32, #tpu.memory_space<vmem>>
      %dma_start3A_86 = tpu.memref_squeeze %dma_start3A_85 : memref<1x128xi32, #tpu.memory_space<vmem>> -> memref<128xi32, #tpu.memory_space<vmem>>
      %dma_start3A_87 = arith.constant 0 : i32
      %dma_start3A_88 = arith.constant 0 : i32
      %dma_start3A_89 = tpu.memref_slice %arg10[%dma_start3A_87, %dma_start3A_88] : memref<10112x128xf32, #tpu.memory_space<vmem_shared>> -> memref<10112x128xf32, #tpu.memory_space<vmem_shared>>
      tpu.enqueue_indirect_dma source(%dma_start3A_89 : memref<10112x128xf32, #tpu.memory_space<vmem_shared>>) target(%arg8 : memref<128x128xf32, #tpu.memory_space<vmem>>) offsets(%dma_start3A_86 : memref<128xi32, #tpu.memory_space<vmem>>) semaphore(%arg11 : memref<!tpu.dma_semaphore, #tpu.memory_space<semaphore_mem>>)
      %dma_wait3A = arith.constant 2 : i32
      %dma_wait3A_90 = arith.constant 0 : i32
      %dma_wait3A_91 = tpu.memref_slice %arg9[%dma_wait3A, %dma_wait3A_90] : memref<8x128xi32, #tpu.memory_space<vmem>> -> memref<1x128xi32, #tpu.memory_space<vmem>>
      %dma_wait3A_92 = tpu.memref_squeeze %dma_wait3A_91 : memref<1x128xi32, #tpu.memory_space<vmem>> -> memref<128xi32, #tpu.memory_space<vmem>>
      %dma_wait3A_93 = arith.constant 0 : i32
      %dma_wait3A_94 = arith.constant 0 : i32
      %dma_wait3A_95 = tpu.memref_slice %arg10[%dma_wait3A_93, %dma_wait3A_94] : memref<10112x128xf32, #tpu.memory_space<vmem_shared>> -> memref<10112x128xf32, #tpu.memory_space<vmem_shared>>
      tpu.wait_indirect_dma semaphore(%arg11 : memref<!tpu.dma_semaphore, #tpu.memory_space<semaphore_mem>>) src(%dma_wait3A_95 : memref<10112x128xf32, #tpu.memory_space<vmem_shared>>) dst(%arg8 : memref<128x128xf32, #tpu.memory_space<vmem>>)
      %mul3A_96 = arith.constant 10112 : i32
      %mul3A_97 = arith.muli %arg0, %mul3A_96 : i32
      %mul3A_98 = arith.constant 128 : i32
      %mul3A_99 = arith.muli %add3A_33, %mul3A_98 : i32
      %add3A_100 = arith.addi %mul3A_97, %mul3A_99 : i32
      "tpu.region"() ({
        %run_scoped3A_101 = tpu.sem_alloc : memref<!tpu.dma_semaphore, #tpu.memory_space<semaphore_mem>>
        %dma_start3A_102 = arith.constant 0 : i32
        %dma_start3A_103 = tpu.memref_slice %arg6[%add3A_100, %dma_start3A_102] : memref<20224x128xf32, #tpu.memory_space<hbm>> -> memref<128x128xf32, #tpu.memory_space<hbm>>
        %dma_start3A_104 = arith.constant 0 : i32
        %dma_start3A_105 = tpu.memref_slice %arg6[%add3A_100, %dma_start3A_104] : memref<20224x128xf32, #tpu.memory_space<hbm>> -> memref<128x128xf32, #tpu.memory_space<hbm>>
        tpu.enqueue_dma source(%arg8 : memref<128x128xf32, #tpu.memory_space<vmem>>) target(%dma_start3A_105 : memref<128x128xf32, #tpu.memory_space<hbm>>) target_semaphore(%run_scoped3A_101 : memref<!tpu.dma_semaphore, #tpu.memory_space<semaphore_mem>>)
        %dma_wait3A_106 = arith.constant 0 : i32
        %dma_wait3A_107 = tpu.memref_slice %arg6[%add3A_100, %dma_wait3A_106] : memref<20224x128xf32, #tpu.memory_space<hbm>> -> memref<128x128xf32, #tpu.memory_space<hbm>>
        %dma_wait3A_108 = arith.constant 0 : i32
        %dma_wait3A_109 = tpu.memref_slice %arg6[%add3A_100, %dma_wait3A_108] : memref<20224x128xf32, #tpu.memory_space<hbm>> -> memref<128x128xf32, #tpu.memory_space<hbm>>
        tpu.wait_dma2 semaphore(%run_scoped3A_101 : memref<!tpu.dma_semaphore, #tpu.memory_space<semaphore_mem>>) src(%arg8 : memref<128x128xf32, #tpu.memory_space<vmem>>) dst(%dma_wait3A_109 : memref<128x128xf32, #tpu.memory_space<hbm>>)
        tpu.yield
      }) : () -> ()
    } else {
    }
    %mul3A_39 = arith.constant 8 : i32
    %mul3A_40 = arith.muli %arg1, %mul3A_39 : i32
    %add3A_41 = arith.constant 3 : i32
    %add3A_42 = arith.addi %mul3A_40, %add3A_41 : i32
    %lt3A_43 = arith.constant 79 : i32
    %lt3A_44 = arith.cmpi slt, %add3A_42, %lt3A_43 : i32
    %convert_element_type3A_45 = arith.extui %lt3A_44 : i1 to i32
    %cond3A_46 = arith.constant 0 : i32
    %cond3A_47 = arith.cmpi ne, %convert_element_type3A_45, %cond3A_46 : i32
    scf.if %cond3A_47 {
      %dma_start3A = arith.constant 3 : i32
      %dma_start3A_84 = arith.constant 0 : i32
      %dma_start3A_85 = tpu.memref_slice %arg9[%dma_start3A, %dma_start3A_84] : memref<8x128xi32, #tpu.memory_space<vmem>> -> memref<1x128xi32, #tpu.memory_space<vmem>>
      %dma_start3A_86 = tpu.memref_squeeze %dma_start3A_85 : memref<1x128xi32, #tpu.memory_space<vmem>> -> memref<128xi32, #tpu.memory_space<vmem>>
      %dma_start3A_87 = arith.constant 0 : i32
      %dma_start3A_88 = arith.constant 0 : i32
      %dma_start3A_89 = tpu.memref_slice %arg10[%dma_start3A_87, %dma_start3A_88] : memref<10112x128xf32, #tpu.memory_space<vmem_shared>> -> memref<10112x128xf32, #tpu.memory_space<vmem_shared>>
      tpu.enqueue_indirect_dma source(%dma_start3A_89 : memref<10112x128xf32, #tpu.memory_space<vmem_shared>>) target(%arg8 : memref<128x128xf32, #tpu.memory_space<vmem>>) offsets(%dma_start3A_86 : memref<128xi32, #tpu.memory_space<vmem>>) semaphore(%arg11 : memref<!tpu.dma_semaphore, #tpu.memory_space<semaphore_mem>>)
      %dma_wait3A = arith.constant 3 : i32
      %dma_wait3A_90 = arith.constant 0 : i32
      %dma_wait3A_91 = tpu.memref_slice %arg9[%dma_wait3A, %dma_wait3A_90] : memref<8x128xi32, #tpu.memory_space<vmem>> -> memref<1x128xi32, #tpu.memory_space<vmem>>
      %dma_wait3A_92 = tpu.memref_squeeze %dma_wait3A_91 : memref<1x128xi32, #tpu.memory_space<vmem>> -> memref<128xi32, #tpu.memory_space<vmem>>
      %dma_wait3A_93 = arith.constant 0 : i32
      %dma_wait3A_94 = arith.constant 0 : i32
      %dma_wait3A_95 = tpu.memref_slice %arg10[%dma_wait3A_93, %dma_wait3A_94] : memref<10112x128xf32, #tpu.memory_space<vmem_shared>> -> memref<10112x128xf32, #tpu.memory_space<vmem_shared>>
      tpu.wait_indirect_dma semaphore(%arg11 : memref<!tpu.dma_semaphore, #tpu.memory_space<semaphore_mem>>) src(%dma_wait3A_95 : memref<10112x128xf32, #tpu.memory_space<vmem_shared>>) dst(%arg8 : memref<128x128xf32, #tpu.memory_space<vmem>>)
      %mul3A_96 = arith.constant 10112 : i32
      %mul3A_97 = arith.muli %arg0, %mul3A_96 : i32
      %mul3A_98 = arith.constant 128 : i32
      %mul3A_99 = arith.muli %add3A_42, %mul3A_98 : i32
      %add3A_100 = arith.addi %mul3A_97, %mul3A_99 : i32
      "tpu.region"() ({
        %run_scoped3A_101 = tpu.sem_alloc : memref<!tpu.dma_semaphore, #tpu.memory_space<semaphore_mem>>
        %dma_start3A_102 = arith.constant 0 : i32
        %dma_start3A_103 = tpu.memref_slice %arg6[%add3A_100, %dma_start3A_102] : memref<20224x128xf32, #tpu.memory_space<hbm>> -> memref<128x128xf32, #tpu.memory_space<hbm>>
        %dma_start3A_104 = arith.constant 0 : i32
        %dma_start3A_105 = tpu.memref_slice %arg6[%add3A_100, %dma_start3A_104] : memref<20224x128xf32, #tpu.memory_space<hbm>> -> memref<128x128xf32, #tpu.memory_space<hbm>>
        tpu.enqueue_dma source(%arg8 : memref<128x128xf32, #tpu.memory_space<vmem>>) target(%dma_start3A_105 : memref<128x128xf32, #tpu.memory_space<hbm>>) target_semaphore(%run_scoped3A_101 : memref<!tpu.dma_semaphore, #tpu.memory_space<semaphore_mem>>)
        %dma_wait3A_106 = arith.constant 0 : i32
        %dma_wait3A_107 = tpu.memref_slice %arg6[%add3A_100, %dma_wait3A_106] : memref<20224x128xf32, #tpu.memory_space<hbm>> -> memref<128x128xf32, #tpu.memory_space<hbm>>
        %dma_wait3A_108 = arith.constant 0 : i32
        %dma_wait3A_109 = tpu.memref_slice %arg6[%add3A_100, %dma_wait3A_108] : memref<20224x128xf32, #tpu.memory_space<hbm>> -> memref<128x128xf32, #tpu.memory_space<hbm>>
        tpu.wait_dma2 semaphore(%run_scoped3A_101 : memref<!tpu.dma_semaphore, #tpu.memory_space<semaphore_mem>>) src(%arg8 : memref<128x128xf32, #tpu.memory_space<vmem>>) dst(%dma_wait3A_109 : memref<128x128xf32, #tpu.memory_space<hbm>>)
        tpu.yield
      }) : () -> ()
    } else {
    }
    %mul3A_48 = arith.constant 8 : i32
    %mul3A_49 = arith.muli %arg1, %mul3A_48 : i32
    %add3A_50 = arith.constant 4 : i32
    %add3A_51 = arith.addi %mul3A_49, %add3A_50 : i32
    %lt3A_52 = arith.constant 79 : i32
    %lt3A_53 = arith.cmpi slt, %add3A_51, %lt3A_52 : i32
    %convert_element_type3A_54 = arith.extui %lt3A_53 : i1 to i32
    %cond3A_55 = arith.constant 0 : i32
    %cond3A_56 = arith.cmpi ne, %convert_element_type3A_54, %cond3A_55 : i32
    scf.if %cond3A_56 {
      %dma_start3A = arith.constant 4 : i32
      %dma_start3A_84 = arith.constant 0 : i32
      %dma_start3A_85 = tpu.memref_slice %arg9[%dma_start3A, %dma_start3A_84] : memref<8x128xi32, #tpu.memory_space<vmem>> -> memref<1x128xi32, #tpu.memory_space<vmem>>
      %dma_start3A_86 = tpu.memref_squeeze %dma_start3A_85 : memref<1x128xi32, #tpu.memory_space<vmem>> -> memref<128xi32, #tpu.memory_space<vmem>>
      %dma_start3A_87 = arith.constant 0 : i32
      %dma_start3A_88 = arith.constant 0 : i32
      %dma_start3A_89 = tpu.memref_slice %arg10[%dma_start3A_87, %dma_start3A_88] : memref<10112x128xf32, #tpu.memory_space<vmem_shared>> -> memref<10112x128xf32, #tpu.memory_space<vmem_shared>>
      tpu.enqueue_indirect_dma source(%dma_start3A_89 : memref<10112x128xf32, #tpu.memory_space<vmem_shared>>) target(%arg8 : memref<128x128xf32, #tpu.memory_space<vmem>>) offsets(%dma_start3A_86 : memref<128xi32, #tpu.memory_space<vmem>>) semaphore(%arg11 : memref<!tpu.dma_semaphore, #tpu.memory_space<semaphore_mem>>)
      %dma_wait3A = arith.constant 4 : i32
      %dma_wait3A_90 = arith.constant 0 : i32
      %dma_wait3A_91 = tpu.memref_slice %arg9[%dma_wait3A, %dma_wait3A_90] : memref<8x128xi32, #tpu.memory_space<vmem>> -> memref<1x128xi32, #tpu.memory_space<vmem>>
      %dma_wait3A_92 = tpu.memref_squeeze %dma_wait3A_91 : memref<1x128xi32, #tpu.memory_space<vmem>> -> memref<128xi32, #tpu.memory_space<vmem>>
      %dma_wait3A_93 = arith.constant 0 : i32
      %dma_wait3A_94 = arith.constant 0 : i32
      %dma_wait3A_95 = tpu.memref_slice %arg10[%dma_wait3A_93, %dma_wait3A_94] : memref<10112x128xf32, #tpu.memory_space<vmem_shared>> -> memref<10112x128xf32, #tpu.memory_space<vmem_shared>>
      tpu.wait_indirect_dma semaphore(%arg11 : memref<!tpu.dma_semaphore, #tpu.memory_space<semaphore_mem>>) src(%dma_wait3A_95 : memref<10112x128xf32, #tpu.memory_space<vmem_shared>>) dst(%arg8 : memref<128x128xf32, #tpu.memory_space<vmem>>)
      %mul3A_96 = arith.constant 10112 : i32
      %mul3A_97 = arith.muli %arg0, %mul3A_96 : i32
      %mul3A_98 = arith.constant 128 : i32
      %mul3A_99 = arith.muli %add3A_51, %mul3A_98 : i32
      %add3A_100 = arith.addi %mul3A_97, %mul3A_99 : i32
      "tpu.region"() ({
        %run_scoped3A_101 = tpu.sem_alloc : memref<!tpu.dma_semaphore, #tpu.memory_space<semaphore_mem>>
        %dma_start3A_102 = arith.constant 0 : i32
        %dma_start3A_103 = tpu.memref_slice %arg6[%add3A_100, %dma_start3A_102] : memref<20224x128xf32, #tpu.memory_space<hbm>> -> memref<128x128xf32, #tpu.memory_space<hbm>>
        %dma_start3A_104 = arith.constant 0 : i32
        %dma_start3A_105 = tpu.memref_slice %arg6[%add3A_100, %dma_start3A_104] : memref<20224x128xf32, #tpu.memory_space<hbm>> -> memref<128x128xf32, #tpu.memory_space<hbm>>
        tpu.enqueue_dma source(%arg8 : memref<128x128xf32, #tpu.memory_space<vmem>>) target(%dma_start3A_105 : memref<128x128xf32, #tpu.memory_space<hbm>>) target_semaphore(%run_scoped3A_101 : memref<!tpu.dma_semaphore, #tpu.memory_space<semaphore_mem>>)
        %dma_wait3A_106 = arith.constant 0 : i32
        %dma_wait3A_107 = tpu.memref_slice %arg6[%add3A_100, %dma_wait3A_106] : memref<20224x128xf32, #tpu.memory_space<hbm>> -> memref<128x128xf32, #tpu.memory_space<hbm>>
        %dma_wait3A_108 = arith.constant 0 : i32
        %dma_wait3A_109 = tpu.memref_slice %arg6[%add3A_100, %dma_wait3A_108] : memref<20224x128xf32, #tpu.memory_space<hbm>> -> memref<128x128xf32, #tpu.memory_space<hbm>>
        tpu.wait_dma2 semaphore(%run_scoped3A_101 : memref<!tpu.dma_semaphore, #tpu.memory_space<semaphore_mem>>) src(%arg8 : memref<128x128xf32, #tpu.memory_space<vmem>>) dst(%dma_wait3A_109 : memref<128x128xf32, #tpu.memory_space<hbm>>)
        tpu.yield
      }) : () -> ()
    } else {
    }
    %mul3A_57 = arith.constant 8 : i32
    %mul3A_58 = arith.muli %arg1, %mul3A_57 : i32
    %add3A_59 = arith.constant 5 : i32
    %add3A_60 = arith.addi %mul3A_58, %add3A_59 : i32
    %lt3A_61 = arith.constant 79 : i32
    %lt3A_62 = arith.cmpi slt, %add3A_60, %lt3A_61 : i32
    %convert_element_type3A_63 = arith.extui %lt3A_62 : i1 to i32
    %cond3A_64 = arith.constant 0 : i32
    %cond3A_65 = arith.cmpi ne, %convert_element_type3A_63, %cond3A_64 : i32
    scf.if %cond3A_65 {
      %dma_start3A = arith.constant 5 : i32
      %dma_start3A_84 = arith.constant 0 : i32
      %dma_start3A_85 = tpu.memref_slice %arg9[%dma_start3A, %dma_start3A_84] : memref<8x128xi32, #tpu.memory_space<vmem>> -> memref<1x128xi32, #tpu.memory_space<vmem>>
      %dma_start3A_86 = tpu.memref_squeeze %dma_start3A_85 : memref<1x128xi32, #tpu.memory_space<vmem>> -> memref<128xi32, #tpu.memory_space<vmem>>
      %dma_start3A_87 = arith.constant 0 : i32
      %dma_start3A_88 = arith.constant 0 : i32
      %dma_start3A_89 = tpu.memref_slice %arg10[%dma_start3A_87, %dma_start3A_88] : memref<10112x128xf32, #tpu.memory_space<vmem_shared>> -> memref<10112x128xf32, #tpu.memory_space<vmem_shared>>
      tpu.enqueue_indirect_dma source(%dma_start3A_89 : memref<10112x128xf32, #tpu.memory_space<vmem_shared>>) target(%arg8 : memref<128x128xf32, #tpu.memory_space<vmem>>) offsets(%dma_start3A_86 : memref<128xi32, #tpu.memory_space<vmem>>) semaphore(%arg11 : memref<!tpu.dma_semaphore, #tpu.memory_space<semaphore_mem>>)
      %dma_wait3A = arith.constant 5 : i32
      %dma_wait3A_90 = arith.constant 0 : i32
      %dma_wait3A_91 = tpu.memref_slice %arg9[%dma_wait3A, %dma_wait3A_90] : memref<8x128xi32, #tpu.memory_space<vmem>> -> memref<1x128xi32, #tpu.memory_space<vmem>>
      %dma_wait3A_92 = tpu.memref_squeeze %dma_wait3A_91 : memref<1x128xi32, #tpu.memory_space<vmem>> -> memref<128xi32, #tpu.memory_space<vmem>>
      %dma_wait3A_93 = arith.constant 0 : i32
      %dma_wait3A_94 = arith.constant 0 : i32
      %dma_wait3A_95 = tpu.memref_slice %arg10[%dma_wait3A_93, %dma_wait3A_94] : memref<10112x128xf32, #tpu.memory_space<vmem_shared>> -> memref<10112x128xf32, #tpu.memory_space<vmem_shared>>
      tpu.wait_indirect_dma semaphore(%arg11 : memref<!tpu.dma_semaphore, #tpu.memory_space<semaphore_mem>>) src(%dma_wait3A_95 : memref<10112x128xf32, #tpu.memory_space<vmem_shared>>) dst(%arg8 : memref<128x128xf32, #tpu.memory_space<vmem>>)
      %mul3A_96 = arith.constant 10112 : i32
      %mul3A_97 = arith.muli %arg0, %mul3A_96 : i32
      %mul3A_98 = arith.constant 128 : i32
      %mul3A_99 = arith.muli %add3A_60, %mul3A_98 : i32
      %add3A_100 = arith.addi %mul3A_97, %mul3A_99 : i32
      "tpu.region"() ({
        %run_scoped3A_101 = tpu.sem_alloc : memref<!tpu.dma_semaphore, #tpu.memory_space<semaphore_mem>>
        %dma_start3A_102 = arith.constant 0 : i32
        %dma_start3A_103 = tpu.memref_slice %arg6[%add3A_100, %dma_start3A_102] : memref<20224x128xf32, #tpu.memory_space<hbm>> -> memref<128x128xf32, #tpu.memory_space<hbm>>
        %dma_start3A_104 = arith.constant 0 : i32
        %dma_start3A_105 = tpu.memref_slice %arg6[%add3A_100, %dma_start3A_104] : memref<20224x128xf32, #tpu.memory_space<hbm>> -> memref<128x128xf32, #tpu.memory_space<hbm>>
        tpu.enqueue_dma source(%arg8 : memref<128x128xf32, #tpu.memory_space<vmem>>) target(%dma_start3A_105 : memref<128x128xf32, #tpu.memory_space<hbm>>) target_semaphore(%run_scoped3A_101 : memref<!tpu.dma_semaphore, #tpu.memory_space<semaphore_mem>>)
        %dma_wait3A_106 = arith.constant 0 : i32
        %dma_wait3A_107 = tpu.memref_slice %arg6[%add3A_100, %dma_wait3A_106] : memref<20224x128xf32, #tpu.memory_space<hbm>> -> memref<128x128xf32, #tpu.memory_space<hbm>>
        %dma_wait3A_108 = arith.constant 0 : i32
        %dma_wait3A_109 = tpu.memref_slice %arg6[%add3A_100, %dma_wait3A_108] : memref<20224x128xf32, #tpu.memory_space<hbm>> -> memref<128x128xf32, #tpu.memory_space<hbm>>
        tpu.wait_dma2 semaphore(%run_scoped3A_101 : memref<!tpu.dma_semaphore, #tpu.memory_space<semaphore_mem>>) src(%arg8 : memref<128x128xf32, #tpu.memory_space<vmem>>) dst(%dma_wait3A_109 : memref<128x128xf32, #tpu.memory_space<hbm>>)
        tpu.yield
      }) : () -> ()
    } else {
    }
    %mul3A_66 = arith.constant 8 : i32
    %mul3A_67 = arith.muli %arg1, %mul3A_66 : i32
    %add3A_68 = arith.constant 6 : i32
    %add3A_69 = arith.addi %mul3A_67, %add3A_68 : i32
    %lt3A_70 = arith.constant 79 : i32
    %lt3A_71 = arith.cmpi slt, %add3A_69, %lt3A_70 : i32
    %convert_element_type3A_72 = arith.extui %lt3A_71 : i1 to i32
    %cond3A_73 = arith.constant 0 : i32
    %cond3A_74 = arith.cmpi ne, %convert_element_type3A_72, %cond3A_73 : i32
    scf.if %cond3A_74 {
      %dma_start3A = arith.constant 6 : i32
      %dma_start3A_84 = arith.constant 0 : i32
      %dma_start3A_85 = tpu.memref_slice %arg9[%dma_start3A, %dma_start3A_84] : memref<8x128xi32, #tpu.memory_space<vmem>> -> memref<1x128xi32, #tpu.memory_space<vmem>>
      %dma_start3A_86 = tpu.memref_squeeze %dma_start3A_85 : memref<1x128xi32, #tpu.memory_space<vmem>> -> memref<128xi32, #tpu.memory_space<vmem>>
      %dma_start3A_87 = arith.constant 0 : i32
      %dma_start3A_88 = arith.constant 0 : i32
      %dma_start3A_89 = tpu.memref_slice %arg10[%dma_start3A_87, %dma_start3A_88] : memref<10112x128xf32, #tpu.memory_space<vmem_shared>> -> memref<10112x128xf32, #tpu.memory_space<vmem_shared>>
      tpu.enqueue_indirect_dma source(%dma_start3A_89 : memref<10112x128xf32, #tpu.memory_space<vmem_shared>>) target(%arg8 : memref<128x128xf32, #tpu.memory_space<vmem>>) offsets(%dma_start3A_86 : memref<128xi32, #tpu.memory_space<vmem>>) semaphore(%arg11 : memref<!tpu.dma_semaphore, #tpu.memory_space<semaphore_mem>>)
      %dma_wait3A = arith.constant 6 : i32
      %dma_wait3A_90 = arith.constant 0 : i32
      %dma_wait3A_91 = tpu.memref_slice %arg9[%dma_wait3A, %dma_wait3A_90] : memref<8x128xi32, #tpu.memory_space<vmem>> -> memref<1x128xi32, #tpu.memory_space<vmem>>
      %dma_wait3A_92 = tpu.memref_squeeze %dma_wait3A_91 : memref<1x128xi32, #tpu.memory_space<vmem>> -> memref<128xi32, #tpu.memory_space<vmem>>
      %dma_wait3A_93 = arith.constant 0 : i32
      %dma_wait3A_94 = arith.constant 0 : i32
      %dma_wait3A_95 = tpu.memref_slice %arg10[%dma_wait3A_93, %dma_wait3A_94] : memref<10112x128xf32, #tpu.memory_space<vmem_shared>> -> memref<10112x128xf32, #tpu.memory_space<vmem_shared>>
      tpu.wait_indirect_dma semaphore(%arg11 : memref<!tpu.dma_semaphore, #tpu.memory_space<semaphore_mem>>) src(%dma_wait3A_95 : memref<10112x128xf32, #tpu.memory_space<vmem_shared>>) dst(%arg8 : memref<128x128xf32, #tpu.memory_space<vmem>>)
      %mul3A_96 = arith.constant 10112 : i32
      %mul3A_97 = arith.muli %arg0, %mul3A_96 : i32
      %mul3A_98 = arith.constant 128 : i32
      %mul3A_99 = arith.muli %add3A_69, %mul3A_98 : i32
      %add3A_100 = arith.addi %mul3A_97, %mul3A_99 : i32
      "tpu.region"() ({
        %run_scoped3A_101 = tpu.sem_alloc : memref<!tpu.dma_semaphore, #tpu.memory_space<semaphore_mem>>
        %dma_start3A_102 = arith.constant 0 : i32
        %dma_start3A_103 = tpu.memref_slice %arg6[%add3A_100, %dma_start3A_102] : memref<20224x128xf32, #tpu.memory_space<hbm>> -> memref<128x128xf32, #tpu.memory_space<hbm>>
        %dma_start3A_104 = arith.constant 0 : i32
        %dma_start3A_105 = tpu.memref_slice %arg6[%add3A_100, %dma_start3A_104] : memref<20224x128xf32, #tpu.memory_space<hbm>> -> memref<128x128xf32, #tpu.memory_space<hbm>>
        tpu.enqueue_dma source(%arg8 : memref<128x128xf32, #tpu.memory_space<vmem>>) target(%dma_start3A_105 : memref<128x128xf32, #tpu.memory_space<hbm>>) target_semaphore(%run_scoped3A_101 : memref<!tpu.dma_semaphore, #tpu.memory_space<semaphore_mem>>)
        %dma_wait3A_106 = arith.constant 0 : i32
        %dma_wait3A_107 = tpu.memref_slice %arg6[%add3A_100, %dma_wait3A_106] : memref<20224x128xf32, #tpu.memory_space<hbm>> -> memref<128x128xf32, #tpu.memory_space<hbm>>
        %dma_wait3A_108 = arith.constant 0 : i32
        %dma_wait3A_109 = tpu.memref_slice %arg6[%add3A_100, %dma_wait3A_108] : memref<20224x128xf32, #tpu.memory_space<hbm>> -> memref<128x128xf32, #tpu.memory_space<hbm>>
        tpu.wait_dma2 semaphore(%run_scoped3A_101 : memref<!tpu.dma_semaphore, #tpu.memory_space<semaphore_mem>>) src(%arg8 : memref<128x128xf32, #tpu.memory_space<vmem>>) dst(%dma_wait3A_109 : memref<128x128xf32, #tpu.memory_space<hbm>>)
        tpu.yield
      }) : () -> ()
    } else {
    }
    %mul3A_75 = arith.constant 8 : i32
    %mul3A_76 = arith.muli %arg1, %mul3A_75 : i32
    %add3A_77 = arith.constant 7 : i32
    %add3A_78 = arith.addi %mul3A_76, %add3A_77 : i32
    %lt3A_79 = arith.constant 79 : i32
    %lt3A_80 = arith.cmpi slt, %add3A_78, %lt3A_79 : i32
    %convert_element_type3A_81 = arith.extui %lt3A_80 : i1 to i32
    %cond3A_82 = arith.constant 0 : i32
    %cond3A_83 = arith.cmpi ne, %convert_element_type3A_81, %cond3A_82 : i32
    scf.if %cond3A_83 {
      %dma_start3A = arith.constant 7 : i32
      %dma_start3A_84 = arith.constant 0 : i32
      %dma_start3A_85 = tpu.memref_slice %arg9[%dma_start3A, %dma_start3A_84] : memref<8x128xi32, #tpu.memory_space<vmem>> -> memref<1x128xi32, #tpu.memory_space<vmem>>
      %dma_start3A_86 = tpu.memref_squeeze %dma_start3A_85 : memref<1x128xi32, #tpu.memory_space<vmem>> -> memref<128xi32, #tpu.memory_space<vmem>>
      %dma_start3A_87 = arith.constant 0 : i32
      %dma_start3A_88 = arith.constant 0 : i32
      %dma_start3A_89 = tpu.memref_slice %arg10[%dma_start3A_87, %dma_start3A_88] : memref<10112x128xf32, #tpu.memory_space<vmem_shared>> -> memref<10112x128xf32, #tpu.memory_space<vmem_shared>>
      tpu.enqueue_indirect_dma source(%dma_start3A_89 : memref<10112x128xf32, #tpu.memory_space<vmem_shared>>) target(%arg8 : memref<128x128xf32, #tpu.memory_space<vmem>>) offsets(%dma_start3A_86 : memref<128xi32, #tpu.memory_space<vmem>>) semaphore(%arg11 : memref<!tpu.dma_semaphore, #tpu.memory_space<semaphore_mem>>)
      %dma_wait3A = arith.constant 7 : i32
      %dma_wait3A_90 = arith.constant 0 : i32
      %dma_wait3A_91 = tpu.memref_slice %arg9[%dma_wait3A, %dma_wait3A_90] : memref<8x128xi32, #tpu.memory_space<vmem>> -> memref<1x128xi32, #tpu.memory_space<vmem>>
      %dma_wait3A_92 = tpu.memref_squeeze %dma_wait3A_91 : memref<1x128xi32, #tpu.memory_space<vmem>> -> memref<128xi32, #tpu.memory_space<vmem>>
      %dma_wait3A_93 = arith.constant 0 : i32
      %dma_wait3A_94 = arith.constant 0 : i32
      %dma_wait3A_95 = tpu.memref_slice %arg10[%dma_wait3A_93, %dma_wait3A_94] : memref<10112x128xf32, #tpu.memory_space<vmem_shared>> -> memref<10112x128xf32, #tpu.memory_space<vmem_shared>>
      tpu.wait_indirect_dma semaphore(%arg11 : memref<!tpu.dma_semaphore, #tpu.memory_space<semaphore_mem>>) src(%dma_wait3A_95 : memref<10112x128xf32, #tpu.memory_space<vmem_shared>>) dst(%arg8 : memref<128x128xf32, #tpu.memory_space<vmem>>)
      %mul3A_96 = arith.constant 10112 : i32
      %mul3A_97 = arith.muli %arg0, %mul3A_96 : i32
      %mul3A_98 = arith.constant 128 : i32
      %mul3A_99 = arith.muli %add3A_78, %mul3A_98 : i32
      %add3A_100 = arith.addi %mul3A_97, %mul3A_99 : i32
      "tpu.region"() ({
        %run_scoped3A_101 = tpu.sem_alloc : memref<!tpu.dma_semaphore, #tpu.memory_space<semaphore_mem>>
        %dma_start3A_102 = arith.constant 0 : i32
        %dma_start3A_103 = tpu.memref_slice %arg6[%add3A_100, %dma_start3A_102] : memref<20224x128xf32, #tpu.memory_space<hbm>> -> memref<128x128xf32, #tpu.memory_space<hbm>>
        %dma_start3A_104 = arith.constant 0 : i32
        %dma_start3A_105 = tpu.memref_slice %arg6[%add3A_100, %dma_start3A_104] : memref<20224x128xf32, #tpu.memory_space<hbm>> -> memref<128x128xf32, #tpu.memory_space<hbm>>
        tpu.enqueue_dma source(%arg8 : memref<128x128xf32, #tpu.memory_space<vmem>>) target(%dma_start3A_105 : memref<128x128xf32, #tpu.memory_space<hbm>>) target_semaphore(%run_scoped3A_101 : memref<!tpu.dma_semaphore, #tpu.memory_space<semaphore_mem>>)
        %dma_wait3A_106 = arith.constant 0 : i32
        %dma_wait3A_107 = tpu.memref_slice %arg6[%add3A_100, %dma_wait3A_106] : memref<20224x128xf32, #tpu.memory_space<hbm>> -> memref<128x128xf32, #tpu.memory_space<hbm>>
        %dma_wait3A_108 = arith.constant 0 : i32
        %dma_wait3A_109 = tpu.memref_slice %arg6[%add3A_100, %dma_wait3A_108] : memref<20224x128xf32, #tpu.memory_space<hbm>> -> memref<128x128xf32, #tpu.memory_space<hbm>>
        tpu.wait_dma2 semaphore(%run_scoped3A_101 : memref<!tpu.dma_semaphore, #tpu.memory_space<semaphore_mem>>) src(%arg8 : memref<128x128xf32, #tpu.memory_space<vmem>>) dst(%dma_wait3A_109 : memref<128x128xf32, #tpu.memory_space<hbm>>)
        tpu.yield
      }) : () -> ()
    } else {
    }
    return
  }
}

#map = affine_map<(d0, d1) -> (0, 0)>
module attributes {stable_mosaic.version = 14 : i64} {
  func.func @_sc_agg_body(%arg0: i32, %arg1: i32, %arg2: memref<10000x128xf32, #tpu.memory_space<hbm>>, %arg3: memref<2560x128xi32, #tpu.memory_space<hbm>>, %arg4: memref<2560x128xi32, #tpu.memory_space<hbm>>, %arg5: memref<128x128xi32, #tpu.memory_space<hbm>>, %arg6: memref<128x128xf32, #tpu.memory_space<hbm>>, %arg7: memref<20224x128xf32, #tpu.memory_space<hbm>>, %arg8: memref<8x128xi32, #tpu.memory_space<vmem>>, %arg9: memref<8x128xi32, #tpu.memory_space<vmem>>, %arg10: memref<128x128xf32, #tpu.memory_space<vmem>>, %arg11: memref<128x128xf32, #tpu.memory_space<vmem>>, %arg12: memref<8x128xi32, #tpu.memory_space<vmem>>, %arg13: memref<10112x128xf32, #tpu.memory_space<vmem_shared>>, %arg14: memref<!tpu.dma_semaphore, #tpu.memory_space<semaphore_mem>>, %arg15: memref<!tpu.dma_semaphore, #tpu.memory_space<semaphore_mem>>, %arg16: memref<!tpu.dma_semaphore, #tpu.memory_space<semaphore_mem>>, %arg17: memref<!tpu.dma_semaphore, #tpu.memory_space<semaphore_mem>>) attributes {dimension_semantics = [#tpu.dimension_semantics<core_parallel>, #tpu.dimension_semantics<subcore_parallel>], iteration_bounds = array<i64: 2, 16>, scalar_prefetch = 0 : i64, scratch_operands = 10 : i64, tpu.core_type = #tpu.core_type<sc_vector_subcore>, window_params = [{transform_indices = #map}, {transform_indices = #map}, {transform_indices = #map}, {transform_indices = #map}, {transform_indices = #map}, {transform_indices = #map}]} {
    %mul3A = arith.constant 8 : i32
    %mul3A_0 = arith.muli %arg1, %mul3A : i32
    "tpu.region"() ({
      %run_scoped3A_104 = tpu.sem_alloc : memref<!tpu.dma_semaphore, #tpu.memory_space<semaphore_mem>>
      %dma_start3A = arith.constant 0 : i32
      %dma_start3A_105 = tpu.memref_slice %arg5[%mul3A_0, %dma_start3A] : memref<128x128xi32, #tpu.memory_space<hbm>> -> memref<8x128xi32, #tpu.memory_space<hbm>>
      %dma_start3A_106 = arith.constant 0 : i32
      %dma_start3A_107 = tpu.memref_slice %arg5[%mul3A_0, %dma_start3A_106] : memref<128x128xi32, #tpu.memory_space<hbm>> -> memref<8x128xi32, #tpu.memory_space<hbm>>
      tpu.enqueue_dma source(%dma_start3A_107 : memref<8x128xi32, #tpu.memory_space<hbm>>) target(%arg12 : memref<8x128xi32, #tpu.memory_space<vmem>>) target_semaphore(%run_scoped3A_104 : memref<!tpu.dma_semaphore, #tpu.memory_space<semaphore_mem>>)
      %dma_wait3A = arith.constant 0 : i32
      %dma_wait3A_108 = tpu.memref_slice %arg5[%mul3A_0, %dma_wait3A] : memref<128x128xi32, #tpu.memory_space<hbm>> -> memref<8x128xi32, #tpu.memory_space<hbm>>
      %dma_wait3A_109 = arith.constant 0 : i32
      %dma_wait3A_110 = tpu.memref_slice %arg5[%mul3A_0, %dma_wait3A_109] : memref<128x128xi32, #tpu.memory_space<hbm>> -> memref<8x128xi32, #tpu.memory_space<hbm>>
      tpu.wait_dma2 semaphore(%run_scoped3A_104 : memref<!tpu.dma_semaphore, #tpu.memory_space<semaphore_mem>>) src(%dma_wait3A_110 : memref<8x128xi32, #tpu.memory_space<hbm>>) dst(%arg12 : memref<8x128xi32, #tpu.memory_space<vmem>>)
      tpu.yield
    }) : () -> ()
    "tpu.region"() ({
      %run_scoped3A_104 = tpu.sem_alloc : memref<!tpu.dma_semaphore, #tpu.memory_space<semaphore_mem>>
      tpu.enqueue_dma source(%arg6 : memref<128x128xf32, #tpu.memory_space<hbm>>) target(%arg10 : memref<128x128xf32, #tpu.memory_space<vmem>>) target_semaphore(%run_scoped3A_104 : memref<!tpu.dma_semaphore, #tpu.memory_space<semaphore_mem>>)
      tpu.wait_dma2 semaphore(%run_scoped3A_104 : memref<!tpu.dma_semaphore, #tpu.memory_space<semaphore_mem>>) src(%arg6 : memref<128x128xf32, #tpu.memory_space<hbm>>) dst(%arg10 : memref<128x128xf32, #tpu.memory_space<vmem>>)
      tpu.yield
    }) : () -> ()
    %run_scoped3A = arith.constant 0 : i32
    "tpu.region"() ({
      %run_scoped3A_104 = tpu.sem_alloc : memref<!tpu.dma_semaphore, #tpu.memory_space<semaphore_mem>>
      %dma_start3A = arith.constant 0 : i32
      %dma_start3A_105 = tpu.memref_slice %arg12[%run_scoped3A, %dma_start3A] : memref<8x128xi32, #tpu.memory_space<vmem>> -> memref<1x128xi32, #tpu.memory_space<vmem>>
      %dma_start3A_106 = tpu.memref_squeeze %dma_start3A_105 : memref<1x128xi32, #tpu.memory_space<vmem>> -> memref<128xi32, #tpu.memory_space<vmem>>
      %dma_start3A_107 = arith.constant 0 : i32
      %dma_start3A_108 = arith.constant 0 : i32
      %dma_start3A_109 = tpu.memref_slice %arg13[%dma_start3A_107, %dma_start3A_108] : memref<10112x128xf32, #tpu.memory_space<vmem_shared>> -> memref<10112x128xf32, #tpu.memory_space<vmem_shared>>
      tpu.enqueue_indirect_dma source(%arg10 : memref<128x128xf32, #tpu.memory_space<vmem>>) target(%dma_start3A_109 : memref<10112x128xf32, #tpu.memory_space<vmem_shared>>) offsets(%dma_start3A_106 : memref<128xi32, #tpu.memory_space<vmem>>) semaphore(%run_scoped3A_104 : memref<!tpu.dma_semaphore, #tpu.memory_space<semaphore_mem>>)
      %dma_wait3A = arith.constant 0 : i32
      %dma_wait3A_110 = tpu.memref_slice %arg12[%run_scoped3A, %dma_wait3A] : memref<8x128xi32, #tpu.memory_space<vmem>> -> memref<1x128xi32, #tpu.memory_space<vmem>>
      %dma_wait3A_111 = tpu.memref_squeeze %dma_wait3A_110 : memref<1x128xi32, #tpu.memory_space<vmem>> -> memref<128xi32, #tpu.memory_space<vmem>>
      %dma_wait3A_112 = arith.constant 0 : i32
      %dma_wait3A_113 = arith.constant 0 : i32
      %dma_wait3A_114 = tpu.memref_slice %arg13[%dma_wait3A_112, %dma_wait3A_113] : memref<10112x128xf32, #tpu.memory_space<vmem_shared>> -> memref<10112x128xf32, #tpu.memory_space<vmem_shared>>
      tpu.wait_indirect_dma semaphore(%run_scoped3A_104 : memref<!tpu.dma_semaphore, #tpu.memory_space<semaphore_mem>>) src(%arg10 : memref<128x128xf32, #tpu.memory_space<vmem>>) dst(%dma_wait3A_114 : memref<10112x128xf32, #tpu.memory_space<vmem_shared>>)
      tpu.yield
    }) : () -> ()
    %run_scoped3A_1 = arith.constant 1 : i32
    "tpu.region"() ({
      %run_scoped3A_104 = tpu.sem_alloc : memref<!tpu.dma_semaphore, #tpu.memory_space<semaphore_mem>>
      %dma_start3A = arith.constant 0 : i32
      %dma_start3A_105 = tpu.memref_slice %arg12[%run_scoped3A_1, %dma_start3A] : memref<8x128xi32, #tpu.memory_space<vmem>> -> memref<1x128xi32, #tpu.memory_space<vmem>>
      %dma_start3A_106 = tpu.memref_squeeze %dma_start3A_105 : memref<1x128xi32, #tpu.memory_space<vmem>> -> memref<128xi32, #tpu.memory_space<vmem>>
      %dma_start3A_107 = arith.constant 0 : i32
      %dma_start3A_108 = arith.constant 0 : i32
      %dma_start3A_109 = tpu.memref_slice %arg13[%dma_start3A_107, %dma_start3A_108] : memref<10112x128xf32, #tpu.memory_space<vmem_shared>> -> memref<10112x128xf32, #tpu.memory_space<vmem_shared>>
      tpu.enqueue_indirect_dma source(%arg10 : memref<128x128xf32, #tpu.memory_space<vmem>>) target(%dma_start3A_109 : memref<10112x128xf32, #tpu.memory_space<vmem_shared>>) offsets(%dma_start3A_106 : memref<128xi32, #tpu.memory_space<vmem>>) semaphore(%run_scoped3A_104 : memref<!tpu.dma_semaphore, #tpu.memory_space<semaphore_mem>>)
      %dma_wait3A = arith.constant 0 : i32
      %dma_wait3A_110 = tpu.memref_slice %arg12[%run_scoped3A_1, %dma_wait3A] : memref<8x128xi32, #tpu.memory_space<vmem>> -> memref<1x128xi32, #tpu.memory_space<vmem>>
      %dma_wait3A_111 = tpu.memref_squeeze %dma_wait3A_110 : memref<1x128xi32, #tpu.memory_space<vmem>> -> memref<128xi32, #tpu.memory_space<vmem>>
      %dma_wait3A_112 = arith.constant 0 : i32
      %dma_wait3A_113 = arith.constant 0 : i32
      %dma_wait3A_114 = tpu.memref_slice %arg13[%dma_wait3A_112, %dma_wait3A_113] : memref<10112x128xf32, #tpu.memory_space<vmem_shared>> -> memref<10112x128xf32, #tpu.memory_space<vmem_shared>>
      tpu.wait_indirect_dma semaphore(%run_scoped3A_104 : memref<!tpu.dma_semaphore, #tpu.memory_space<semaphore_mem>>) src(%arg10 : memref<128x128xf32, #tpu.memory_space<vmem>>) dst(%dma_wait3A_114 : memref<10112x128xf32, #tpu.memory_space<vmem_shared>>)
      tpu.yield
    }) : () -> ()
    %run_scoped3A_2 = arith.constant 2 : i32
    "tpu.region"() ({
      %run_scoped3A_104 = tpu.sem_alloc : memref<!tpu.dma_semaphore, #tpu.memory_space<semaphore_mem>>
      %dma_start3A = arith.constant 0 : i32
      %dma_start3A_105 = tpu.memref_slice %arg12[%run_scoped3A_2, %dma_start3A] : memref<8x128xi32, #tpu.memory_space<vmem>> -> memref<1x128xi32, #tpu.memory_space<vmem>>
      %dma_start3A_106 = tpu.memref_squeeze %dma_start3A_105 : memref<1x128xi32, #tpu.memory_space<vmem>> -> memref<128xi32, #tpu.memory_space<vmem>>
      %dma_start3A_107 = arith.constant 0 : i32
      %dma_start3A_108 = arith.constant 0 : i32
      %dma_start3A_109 = tpu.memref_slice %arg13[%dma_start3A_107, %dma_start3A_108] : memref<10112x128xf32, #tpu.memory_space<vmem_shared>> -> memref<10112x128xf32, #tpu.memory_space<vmem_shared>>
      tpu.enqueue_indirect_dma source(%arg10 : memref<128x128xf32, #tpu.memory_space<vmem>>) target(%dma_start3A_109 : memref<10112x128xf32, #tpu.memory_space<vmem_shared>>) offsets(%dma_start3A_106 : memref<128xi32, #tpu.memory_space<vmem>>) semaphore(%run_scoped3A_104 : memref<!tpu.dma_semaphore, #tpu.memory_space<semaphore_mem>>)
      %dma_wait3A = arith.constant 0 : i32
      %dma_wait3A_110 = tpu.memref_slice %arg12[%run_scoped3A_2, %dma_wait3A] : memref<8x128xi32, #tpu.memory_space<vmem>> -> memref<1x128xi32, #tpu.memory_space<vmem>>
      %dma_wait3A_111 = tpu.memref_squeeze %dma_wait3A_110 : memref<1x128xi32, #tpu.memory_space<vmem>> -> memref<128xi32, #tpu.memory_space<vmem>>
      %dma_wait3A_112 = arith.constant 0 : i32
      %dma_wait3A_113 = arith.constant 0 : i32
      %dma_wait3A_114 = tpu.memref_slice %arg13[%dma_wait3A_112, %dma_wait3A_113] : memref<10112x128xf32, #tpu.memory_space<vmem_shared>> -> memref<10112x128xf32, #tpu.memory_space<vmem_shared>>
      tpu.wait_indirect_dma semaphore(%run_scoped3A_104 : memref<!tpu.dma_semaphore, #tpu.memory_space<semaphore_mem>>) src(%arg10 : memref<128x128xf32, #tpu.memory_space<vmem>>) dst(%dma_wait3A_114 : memref<10112x128xf32, #tpu.memory_space<vmem_shared>>)
      tpu.yield
    }) : () -> ()
    %run_scoped3A_3 = arith.constant 3 : i32
    "tpu.region"() ({
      %run_scoped3A_104 = tpu.sem_alloc : memref<!tpu.dma_semaphore, #tpu.memory_space<semaphore_mem>>
      %dma_start3A = arith.constant 0 : i32
      %dma_start3A_105 = tpu.memref_slice %arg12[%run_scoped3A_3, %dma_start3A] : memref<8x128xi32, #tpu.memory_space<vmem>> -> memref<1x128xi32, #tpu.memory_space<vmem>>
      %dma_start3A_106 = tpu.memref_squeeze %dma_start3A_105 : memref<1x128xi32, #tpu.memory_space<vmem>> -> memref<128xi32, #tpu.memory_space<vmem>>
      %dma_start3A_107 = arith.constant 0 : i32
      %dma_start3A_108 = arith.constant 0 : i32
      %dma_start3A_109 = tpu.memref_slice %arg13[%dma_start3A_107, %dma_start3A_108] : memref<10112x128xf32, #tpu.memory_space<vmem_shared>> -> memref<10112x128xf32, #tpu.memory_space<vmem_shared>>
      tpu.enqueue_indirect_dma source(%arg10 : memref<128x128xf32, #tpu.memory_space<vmem>>) target(%dma_start3A_109 : memref<10112x128xf32, #tpu.memory_space<vmem_shared>>) offsets(%dma_start3A_106 : memref<128xi32, #tpu.memory_space<vmem>>) semaphore(%run_scoped3A_104 : memref<!tpu.dma_semaphore, #tpu.memory_space<semaphore_mem>>)
      %dma_wait3A = arith.constant 0 : i32
      %dma_wait3A_110 = tpu.memref_slice %arg12[%run_scoped3A_3, %dma_wait3A] : memref<8x128xi32, #tpu.memory_space<vmem>> -> memref<1x128xi32, #tpu.memory_space<vmem>>
      %dma_wait3A_111 = tpu.memref_squeeze %dma_wait3A_110 : memref<1x128xi32, #tpu.memory_space<vmem>> -> memref<128xi32, #tpu.memory_space<vmem>>
      %dma_wait3A_112 = arith.constant 0 : i32
      %dma_wait3A_113 = arith.constant 0 : i32
      %dma_wait3A_114 = tpu.memref_slice %arg13[%dma_wait3A_112, %dma_wait3A_113] : memref<10112x128xf32, #tpu.memory_space<vmem_shared>> -> memref<10112x128xf32, #tpu.memory_space<vmem_shared>>
      tpu.wait_indirect_dma semaphore(%run_scoped3A_104 : memref<!tpu.dma_semaphore, #tpu.memory_space<semaphore_mem>>) src(%arg10 : memref<128x128xf32, #tpu.memory_space<vmem>>) dst(%dma_wait3A_114 : memref<10112x128xf32, #tpu.memory_space<vmem_shared>>)
      tpu.yield
    }) : () -> ()
    %run_scoped3A_4 = arith.constant 4 : i32
    "tpu.region"() ({
      %run_scoped3A_104 = tpu.sem_alloc : memref<!tpu.dma_semaphore, #tpu.memory_space<semaphore_mem>>
      %dma_start3A = arith.constant 0 : i32
      %dma_start3A_105 = tpu.memref_slice %arg12[%run_scoped3A_4, %dma_start3A] : memref<8x128xi32, #tpu.memory_space<vmem>> -> memref<1x128xi32, #tpu.memory_space<vmem>>
      %dma_start3A_106 = tpu.memref_squeeze %dma_start3A_105 : memref<1x128xi32, #tpu.memory_space<vmem>> -> memref<128xi32, #tpu.memory_space<vmem>>
      %dma_start3A_107 = arith.constant 0 : i32
      %dma_start3A_108 = arith.constant 0 : i32
      %dma_start3A_109 = tpu.memref_slice %arg13[%dma_start3A_107, %dma_start3A_108] : memref<10112x128xf32, #tpu.memory_space<vmem_shared>> -> memref<10112x128xf32, #tpu.memory_space<vmem_shared>>
      tpu.enqueue_indirect_dma source(%arg10 : memref<128x128xf32, #tpu.memory_space<vmem>>) target(%dma_start3A_109 : memref<10112x128xf32, #tpu.memory_space<vmem_shared>>) offsets(%dma_start3A_106 : memref<128xi32, #tpu.memory_space<vmem>>) semaphore(%run_scoped3A_104 : memref<!tpu.dma_semaphore, #tpu.memory_space<semaphore_mem>>)
      %dma_wait3A = arith.constant 0 : i32
      %dma_wait3A_110 = tpu.memref_slice %arg12[%run_scoped3A_4, %dma_wait3A] : memref<8x128xi32, #tpu.memory_space<vmem>> -> memref<1x128xi32, #tpu.memory_space<vmem>>
      %dma_wait3A_111 = tpu.memref_squeeze %dma_wait3A_110 : memref<1x128xi32, #tpu.memory_space<vmem>> -> memref<128xi32, #tpu.memory_space<vmem>>
      %dma_wait3A_112 = arith.constant 0 : i32
      %dma_wait3A_113 = arith.constant 0 : i32
      %dma_wait3A_114 = tpu.memref_slice %arg13[%dma_wait3A_112, %dma_wait3A_113] : memref<10112x128xf32, #tpu.memory_space<vmem_shared>> -> memref<10112x128xf32, #tpu.memory_space<vmem_shared>>
      tpu.wait_indirect_dma semaphore(%run_scoped3A_104 : memref<!tpu.dma_semaphore, #tpu.memory_space<semaphore_mem>>) src(%arg10 : memref<128x128xf32, #tpu.memory_space<vmem>>) dst(%dma_wait3A_114 : memref<10112x128xf32, #tpu.memory_space<vmem_shared>>)
      tpu.yield
    }) : () -> ()
    %run_scoped3A_5 = arith.constant 5 : i32
    "tpu.region"() ({
      %run_scoped3A_104 = tpu.sem_alloc : memref<!tpu.dma_semaphore, #tpu.memory_space<semaphore_mem>>
      %dma_start3A = arith.constant 0 : i32
      %dma_start3A_105 = tpu.memref_slice %arg12[%run_scoped3A_5, %dma_start3A] : memref<8x128xi32, #tpu.memory_space<vmem>> -> memref<1x128xi32, #tpu.memory_space<vmem>>
      %dma_start3A_106 = tpu.memref_squeeze %dma_start3A_105 : memref<1x128xi32, #tpu.memory_space<vmem>> -> memref<128xi32, #tpu.memory_space<vmem>>
      %dma_start3A_107 = arith.constant 0 : i32
      %dma_start3A_108 = arith.constant 0 : i32
      %dma_start3A_109 = tpu.memref_slice %arg13[%dma_start3A_107, %dma_start3A_108] : memref<10112x128xf32, #tpu.memory_space<vmem_shared>> -> memref<10112x128xf32, #tpu.memory_space<vmem_shared>>
      tpu.enqueue_indirect_dma source(%arg10 : memref<128x128xf32, #tpu.memory_space<vmem>>) target(%dma_start3A_109 : memref<10112x128xf32, #tpu.memory_space<vmem_shared>>) offsets(%dma_start3A_106 : memref<128xi32, #tpu.memory_space<vmem>>) semaphore(%run_scoped3A_104 : memref<!tpu.dma_semaphore, #tpu.memory_space<semaphore_mem>>)
      %dma_wait3A = arith.constant 0 : i32
      %dma_wait3A_110 = tpu.memref_slice %arg12[%run_scoped3A_5, %dma_wait3A] : memref<8x128xi32, #tpu.memory_space<vmem>> -> memref<1x128xi32, #tpu.memory_space<vmem>>
      %dma_wait3A_111 = tpu.memref_squeeze %dma_wait3A_110 : memref<1x128xi32, #tpu.memory_space<vmem>> -> memref<128xi32, #tpu.memory_space<vmem>>
      %dma_wait3A_112 = arith.constant 0 : i32
      %dma_wait3A_113 = arith.constant 0 : i32
      %dma_wait3A_114 = tpu.memref_slice %arg13[%dma_wait3A_112, %dma_wait3A_113] : memref<10112x128xf32, #tpu.memory_space<vmem_shared>> -> memref<10112x128xf32, #tpu.memory_space<vmem_shared>>
      tpu.wait_indirect_dma semaphore(%run_scoped3A_104 : memref<!tpu.dma_semaphore, #tpu.memory_space<semaphore_mem>>) src(%arg10 : memref<128x128xf32, #tpu.memory_space<vmem>>) dst(%dma_wait3A_114 : memref<10112x128xf32, #tpu.memory_space<vmem_shared>>)
      tpu.yield
    }) : () -> ()
    %run_scoped3A_6 = arith.constant 6 : i32
    "tpu.region"() ({
      %run_scoped3A_104 = tpu.sem_alloc : memref<!tpu.dma_semaphore, #tpu.memory_space<semaphore_mem>>
      %dma_start3A = arith.constant 0 : i32
      %dma_start3A_105 = tpu.memref_slice %arg12[%run_scoped3A_6, %dma_start3A] : memref<8x128xi32, #tpu.memory_space<vmem>> -> memref<1x128xi32, #tpu.memory_space<vmem>>
      %dma_start3A_106 = tpu.memref_squeeze %dma_start3A_105 : memref<1x128xi32, #tpu.memory_space<vmem>> -> memref<128xi32, #tpu.memory_space<vmem>>
      %dma_start3A_107 = arith.constant 0 : i32
      %dma_start3A_108 = arith.constant 0 : i32
      %dma_start3A_109 = tpu.memref_slice %arg13[%dma_start3A_107, %dma_start3A_108] : memref<10112x128xf32, #tpu.memory_space<vmem_shared>> -> memref<10112x128xf32, #tpu.memory_space<vmem_shared>>
      tpu.enqueue_indirect_dma source(%arg10 : memref<128x128xf32, #tpu.memory_space<vmem>>) target(%dma_start3A_109 : memref<10112x128xf32, #tpu.memory_space<vmem_shared>>) offsets(%dma_start3A_106 : memref<128xi32, #tpu.memory_space<vmem>>) semaphore(%run_scoped3A_104 : memref<!tpu.dma_semaphore, #tpu.memory_space<semaphore_mem>>)
      %dma_wait3A = arith.constant 0 : i32
      %dma_wait3A_110 = tpu.memref_slice %arg12[%run_scoped3A_6, %dma_wait3A] : memref<8x128xi32, #tpu.memory_space<vmem>> -> memref<1x128xi32, #tpu.memory_space<vmem>>
      %dma_wait3A_111 = tpu.memref_squeeze %dma_wait3A_110 : memref<1x128xi32, #tpu.memory_space<vmem>> -> memref<128xi32, #tpu.memory_space<vmem>>
      %dma_wait3A_112 = arith.constant 0 : i32
      %dma_wait3A_113 = arith.constant 0 : i32
      %dma_wait3A_114 = tpu.memref_slice %arg13[%dma_wait3A_112, %dma_wait3A_113] : memref<10112x128xf32, #tpu.memory_space<vmem_shared>> -> memref<10112x128xf32, #tpu.memory_space<vmem_shared>>
      tpu.wait_indirect_dma semaphore(%run_scoped3A_104 : memref<!tpu.dma_semaphore, #tpu.memory_space<semaphore_mem>>) src(%arg10 : memref<128x128xf32, #tpu.memory_space<vmem>>) dst(%dma_wait3A_114 : memref<10112x128xf32, #tpu.memory_space<vmem_shared>>)
      tpu.yield
    }) : () -> ()
    %run_scoped3A_7 = arith.constant 7 : i32
    "tpu.region"() ({
      %run_scoped3A_104 = tpu.sem_alloc : memref<!tpu.dma_semaphore, #tpu.memory_space<semaphore_mem>>
      %dma_start3A = arith.constant 0 : i32
      %dma_start3A_105 = tpu.memref_slice %arg12[%run_scoped3A_7, %dma_start3A] : memref<8x128xi32, #tpu.memory_space<vmem>> -> memref<1x128xi32, #tpu.memory_space<vmem>>
      %dma_start3A_106 = tpu.memref_squeeze %dma_start3A_105 : memref<1x128xi32, #tpu.memory_space<vmem>> -> memref<128xi32, #tpu.memory_space<vmem>>
      %dma_start3A_107 = arith.constant 0 : i32
      %dma_start3A_108 = arith.constant 0 : i32
      %dma_start3A_109 = tpu.memref_slice %arg13[%dma_start3A_107, %dma_start3A_108] : memref<10112x128xf32, #tpu.memory_space<vmem_shared>> -> memref<10112x128xf32, #tpu.memory_space<vmem_shared>>
      tpu.enqueue_indirect_dma source(%arg10 : memref<128x128xf32, #tpu.memory_space<vmem>>) target(%dma_start3A_109 : memref<10112x128xf32, #tpu.memory_space<vmem_shared>>) offsets(%dma_start3A_106 : memref<128xi32, #tpu.memory_space<vmem>>) semaphore(%run_scoped3A_104 : memref<!tpu.dma_semaphore, #tpu.memory_space<semaphore_mem>>)
      %dma_wait3A = arith.constant 0 : i32
      %dma_wait3A_110 = tpu.memref_slice %arg12[%run_scoped3A_7, %dma_wait3A] : memref<8x128xi32, #tpu.memory_space<vmem>> -> memref<1x128xi32, #tpu.memory_space<vmem>>
      %dma_wait3A_111 = tpu.memref_squeeze %dma_wait3A_110 : memref<1x128xi32, #tpu.memory_space<vmem>> -> memref<128xi32, #tpu.memory_space<vmem>>
      %dma_wait3A_112 = arith.constant 0 : i32
      %dma_wait3A_113 = arith.constant 0 : i32
      %dma_wait3A_114 = tpu.memref_slice %arg13[%dma_wait3A_112, %dma_wait3A_113] : memref<10112x128xf32, #tpu.memory_space<vmem_shared>> -> memref<10112x128xf32, #tpu.memory_space<vmem_shared>>
      tpu.wait_indirect_dma semaphore(%run_scoped3A_104 : memref<!tpu.dma_semaphore, #tpu.memory_space<semaphore_mem>>) src(%arg10 : memref<128x128xf32, #tpu.memory_space<vmem>>) dst(%dma_wait3A_114 : memref<10112x128xf32, #tpu.memory_space<vmem_shared>>)
      tpu.yield
    }) : () -> ()
    %barrier3A = arith.constant 0 : index
    tpu.barrier barrier_id(%barrier3A)
    %eq3A = arith.constant 0 : i32
    %eq3A_8 = arith.cmpi eq, %arg0, %eq3A : i32
    %mul3A_9 = arith.constant 128 : i32
    %mul3A_10 = arith.muli %arg1, %mul3A_9 : i32
    %mul3A_11 = arith.constant 32 : i32
    %mul3A_12 = arith.muli %arg1, %mul3A_11 : i32
    %add3A = arith.constant 2048 : i32
    %add3A_13 = arith.addi %add3A, %mul3A_12 : i32
    %select_n3A = arith.select %eq3A_8, %mul3A_10, %add3A_13 : i32
    %eq3A_14 = arith.constant 0 : i32
    %eq3A_15 = arith.cmpi eq, %arg0, %eq3A_14 : i32
    %jit3A = arith.constant 16 : i32
    %jit3A_16 = arith.constant 4 : i32
    %select_n3A_17 = arith.select %eq3A_15, %jit3A, %jit3A_16 : i32
    %sub3A = arith.constant 0 : i32
    %sub3A_18 = arith.subi %select_n3A_17, %sub3A : i32
    %sub3A_19 = arith.constant 1 : i32
    %sub3A_20 = arith.constant 1 : i32
    %sub3A_21 = arith.subi %sub3A_19, %sub3A_20 : i32
    %add3A_22 = arith.addi %sub3A_18, %sub3A_21 : i32
    %div3A = arith.constant 1 : i32
    %div3A_23 = arith.divsi %add3A_22, %div3A : i32
    %while3A = arith.constant 1 : i32
    %while3A_24 = arith.constant 0 : i32
    %while3A_25 = arith.constant 0 : i32
    %while3A_26 = arith.subi %div3A_23, %while3A_25 : i32
    %while3A_27 = arith.addi %while3A_25, %while3A_26 : i32
    %while3A_28 = arith.constant 1 : i32
    %while3A_29 = arith.divsi %while3A_26, %while3A_28 : i32
    %while3A_30 = arith.muli %while3A_29, %while3A_28 : i32
    %while3A_31 = arith.addi %while3A_25, %while3A_30 : i32
    %while3A_32 = arith.constant 1 : i32
    scf.for %while3A_104 = %while3A_25 to %while3A_31 step %while3A_32  : i32 {
      %mul3A_105 = arith.muli %while3A_104, %while3A : i32
      %add3A_106 = arith.addi %while3A_24, %mul3A_105 : i32
      %mul3A_107 = arith.constant 8 : i32
      %mul3A_108 = arith.muli %add3A_106, %mul3A_107 : i32
      %add3A_109 = arith.addi %select_n3A, %mul3A_108 : i32
      "tpu.region"() ({
        %run_scoped3A_335 = tpu.sem_alloc : memref<!tpu.dma_semaphore, #tpu.memory_space<semaphore_mem>>
        %dma_start3A_336 = arith.constant 0 : i32
        %dma_start3A_337 = tpu.memref_slice %arg3[%add3A_109, %dma_start3A_336] : memref<2560x128xi32, #tpu.memory_space<hbm>> -> memref<8x128xi32, #tpu.memory_space<hbm>>
        %dma_start3A_338 = arith.constant 0 : i32
        %dma_start3A_339 = tpu.memref_slice %arg3[%add3A_109, %dma_start3A_338] : memref<2560x128xi32, #tpu.memory_space<hbm>> -> memref<8x128xi32, #tpu.memory_space<hbm>>
        tpu.enqueue_dma source(%dma_start3A_339 : memref<8x128xi32, #tpu.memory_space<hbm>>) target(%arg8 : memref<8x128xi32, #tpu.memory_space<vmem>>) target_semaphore(%run_scoped3A_335 : memref<!tpu.dma_semaphore, #tpu.memory_space<semaphore_mem>>)
        %dma_wait3A_340 = arith.constant 0 : i32
        %dma_wait3A_341 = tpu.memref_slice %arg3[%add3A_109, %dma_wait3A_340] : memref<2560x128xi32, #tpu.memory_space<hbm>> -> memref<8x128xi32, #tpu.memory_space<hbm>>
        %dma_wait3A_342 = arith.constant 0 : i32
        %dma_wait3A_343 = tpu.memref_slice %arg3[%add3A_109, %dma_wait3A_342] : memref<2560x128xi32, #tpu.memory_space<hbm>> -> memref<8x128xi32, #tpu.memory_space<hbm>>
        tpu.wait_dma2 semaphore(%run_scoped3A_335 : memref<!tpu.dma_semaphore, #tpu.memory_space<semaphore_mem>>) src(%dma_wait3A_343 : memref<8x128xi32, #tpu.memory_space<hbm>>) dst(%arg8 : memref<8x128xi32, #tpu.memory_space<vmem>>)
        tpu.yield
      }) : () -> ()
      %mul3A_110 = arith.constant 8 : i32
      %mul3A_111 = arith.muli %add3A_106, %mul3A_110 : i32
      %add3A_112 = arith.addi %select_n3A, %mul3A_111 : i32
      "tpu.region"() ({
        %run_scoped3A_335 = tpu.sem_alloc : memref<!tpu.dma_semaphore, #tpu.memory_space<semaphore_mem>>
        %dma_start3A_336 = arith.constant 0 : i32
        %dma_start3A_337 = tpu.memref_slice %arg4[%add3A_112, %dma_start3A_336] : memref<2560x128xi32, #tpu.memory_space<hbm>> -> memref<8x128xi32, #tpu.memory_space<hbm>>
        %dma_start3A_338 = arith.constant 0 : i32
        %dma_start3A_339 = tpu.memref_slice %arg4[%add3A_112, %dma_start3A_338] : memref<2560x128xi32, #tpu.memory_space<hbm>> -> memref<8x128xi32, #tpu.memory_space<hbm>>
        tpu.enqueue_dma source(%dma_start3A_339 : memref<8x128xi32, #tpu.memory_space<hbm>>) target(%arg9 : memref<8x128xi32, #tpu.memory_space<vmem>>) target_semaphore(%run_scoped3A_335 : memref<!tpu.dma_semaphore, #tpu.memory_space<semaphore_mem>>)
        %dma_wait3A_340 = arith.constant 0 : i32
        %dma_wait3A_341 = tpu.memref_slice %arg4[%add3A_112, %dma_wait3A_340] : memref<2560x128xi32, #tpu.memory_space<hbm>> -> memref<8x128xi32, #tpu.memory_space<hbm>>
        %dma_wait3A_342 = arith.constant 0 : i32
        %dma_wait3A_343 = tpu.memref_slice %arg4[%add3A_112, %dma_wait3A_342] : memref<2560x128xi32, #tpu.memory_space<hbm>> -> memref<8x128xi32, #tpu.memory_space<hbm>>
        tpu.wait_dma2 semaphore(%run_scoped3A_335 : memref<!tpu.dma_semaphore, #tpu.memory_space<semaphore_mem>>) src(%dma_wait3A_343 : memref<8x128xi32, #tpu.memory_space<hbm>>) dst(%arg9 : memref<8x128xi32, #tpu.memory_space<vmem>>)
        tpu.yield
      }) : () -> ()
      %dma_start3A = arith.constant 0 : i32
      %dma_start3A_113 = arith.constant 0 : i32
      %dma_start3A_114 = tpu.memref_slice %arg8[%dma_start3A, %dma_start3A_113] : memref<8x128xi32, #tpu.memory_space<vmem>> -> memref<1x128xi32, #tpu.memory_space<vmem>>
      %dma_start3A_115 = tpu.memref_squeeze %dma_start3A_114 : memref<1x128xi32, #tpu.memory_space<vmem>> -> memref<128xi32, #tpu.memory_space<vmem>>
      %dma_start3A_116 = arith.constant 0 : i32
      %dma_start3A_117 = arith.constant 0 : i32
      %dma_start3A_118 = tpu.memref_slice %arg2[%dma_start3A_116, %dma_start3A_117] : memref<10000x128xf32, #tpu.memory_space<hbm>> -> memref<10000x128xf32, #tpu.memory_space<hbm>>
      tpu.enqueue_indirect_dma source(%dma_start3A_118 : memref<10000x128xf32, #tpu.memory_space<hbm>>) target(%arg10 : memref<128x128xf32, #tpu.memory_space<vmem>>) offsets(%dma_start3A_115 : memref<128xi32, #tpu.memory_space<vmem>>) semaphore(%arg14 : memref<!tpu.dma_semaphore, #tpu.memory_space<semaphore_mem>>)
      %dma_start3A_119 = arith.constant 1 : i32
      %dma_start3A_120 = arith.constant 0 : i32
      %dma_start3A_121 = tpu.memref_slice %arg8[%dma_start3A_119, %dma_start3A_120] : memref<8x128xi32, #tpu.memory_space<vmem>> -> memref<1x128xi32, #tpu.memory_space<vmem>>
      %dma_start3A_122 = tpu.memref_squeeze %dma_start3A_121 : memref<1x128xi32, #tpu.memory_space<vmem>> -> memref<128xi32, #tpu.memory_space<vmem>>
      %dma_start3A_123 = arith.constant 0 : i32
      %dma_start3A_124 = arith.constant 0 : i32
      %dma_start3A_125 = tpu.memref_slice %arg2[%dma_start3A_123, %dma_start3A_124] : memref<10000x128xf32, #tpu.memory_space<hbm>> -> memref<10000x128xf32, #tpu.memory_space<hbm>>
      tpu.enqueue_indirect_dma source(%dma_start3A_125 : memref<10000x128xf32, #tpu.memory_space<hbm>>) target(%arg11 : memref<128x128xf32, #tpu.memory_space<vmem>>) offsets(%dma_start3A_122 : memref<128xi32, #tpu.memory_space<vmem>>) semaphore(%arg15 : memref<!tpu.dma_semaphore, #tpu.memory_space<semaphore_mem>>)
      %dma_wait3A = arith.constant 0 : i32
      %dma_wait3A_126 = arith.constant 0 : i32
      %dma_wait3A_127 = tpu.memref_slice %arg8[%dma_wait3A, %dma_wait3A_126] : memref<8x128xi32, #tpu.memory_space<vmem>> -> memref<1x128xi32, #tpu.memory_space<vmem>>
      %dma_wait3A_128 = tpu.memref_squeeze %dma_wait3A_127 : memref<1x128xi32, #tpu.memory_space<vmem>> -> memref<128xi32, #tpu.memory_space<vmem>>
      %dma_wait3A_129 = arith.constant 0 : i32
      %dma_wait3A_130 = arith.constant 0 : i32
      %dma_wait3A_131 = tpu.memref_slice %arg2[%dma_wait3A_129, %dma_wait3A_130] : memref<10000x128xf32, #tpu.memory_space<hbm>> -> memref<10000x128xf32, #tpu.memory_space<hbm>>
      tpu.wait_indirect_dma semaphore(%arg14 : memref<!tpu.dma_semaphore, #tpu.memory_space<semaphore_mem>>) src(%dma_wait3A_131 : memref<10000x128xf32, #tpu.memory_space<hbm>>) dst(%arg10 : memref<128x128xf32, #tpu.memory_space<vmem>>)
      %dma_start3A_132 = arith.constant 0 : i32
      %dma_start3A_133 = arith.constant 0 : i32
      %dma_start3A_134 = tpu.memref_slice %arg9[%dma_start3A_132, %dma_start3A_133] : memref<8x128xi32, #tpu.memory_space<vmem>> -> memref<1x128xi32, #tpu.memory_space<vmem>>
      %dma_start3A_135 = tpu.memref_squeeze %dma_start3A_134 : memref<1x128xi32, #tpu.memory_space<vmem>> -> memref<128xi32, #tpu.memory_space<vmem>>
      %dma_start3A_136 = arith.constant 0 : i32
      %dma_start3A_137 = arith.constant 0 : i32
      %dma_start3A_138 = tpu.memref_slice %arg13[%dma_start3A_136, %dma_start3A_137] : memref<10112x128xf32, #tpu.memory_space<vmem_shared>> -> memref<10112x128xf32, #tpu.memory_space<vmem_shared>>
      tpu.enqueue_indirect_dma source(%arg10 : memref<128x128xf32, #tpu.memory_space<vmem>>) target(%dma_start3A_138 : memref<10112x128xf32, #tpu.memory_space<vmem_shared>>) offsets(%dma_start3A_135 : memref<128xi32, #tpu.memory_space<vmem>>) semaphore(%arg16 : memref<!tpu.dma_semaphore, #tpu.memory_space<semaphore_mem>>) {add = true}
      %dma_wait3A_139 = arith.constant 0 : i32
      %dma_wait3A_140 = arith.constant 0 : i32
      %dma_wait3A_141 = tpu.memref_slice %arg9[%dma_wait3A_139, %dma_wait3A_140] : memref<8x128xi32, #tpu.memory_space<vmem>> -> memref<1x128xi32, #tpu.memory_space<vmem>>
      %dma_wait3A_142 = tpu.memref_squeeze %dma_wait3A_141 : memref<1x128xi32, #tpu.memory_space<vmem>> -> memref<128xi32, #tpu.memory_space<vmem>>
      %dma_wait3A_143 = arith.constant 0 : i32
      %dma_wait3A_144 = arith.constant 0 : i32
      %dma_wait3A_145 = tpu.memref_slice %arg13[%dma_wait3A_143, %dma_wait3A_144] : memref<10112x128xf32, #tpu.memory_space<vmem_shared>> -> memref<10112x128xf32, #tpu.memory_space<vmem_shared>>
      tpu.wait_indirect_dma semaphore(%arg16 : memref<!tpu.dma_semaphore, #tpu.memory_space<semaphore_mem>>) src(%arg10 : memref<128x128xf32, #tpu.memory_space<vmem>>) dst(%dma_wait3A_145 : memref<10112x128xf32, #tpu.memory_space<vmem_shared>>)
      %dma_start3A_146 = arith.constant 2 : i32
      %dma_start3A_147 = arith.constant 0 : i32
      %dma_start3A_148 = tpu.memref_slice %arg8[%dma_start3A_146, %dma_start3A_147] : memref<8x128xi32, #tpu.memory_space<vmem>> -> memref<1x128xi32, #tpu.memory_space<vmem>>
      %dma_start3A_149 = tpu.memref_squeeze %dma_start3A_148 : memref<1x128xi32, #tpu.memory_space<vmem>> -> memref<128xi32, #tpu.memory_space<vmem>>
      %dma_start3A_150 = arith.constant 0 : i32
      %dma_start3A_151 = arith.constant 0 : i32
      %dma_start3A_152 = tpu.memref_slice %arg2[%dma_start3A_150, %dma_start3A_151] : memref<10000x128xf32, #tpu.memory_space<hbm>> -> memref<10000x128xf32, #tpu.memory_space<hbm>>
      tpu.enqueue_indirect_dma source(%dma_start3A_152 : memref<10000x128xf32, #tpu.memory_space<hbm>>) target(%arg10 : memref<128x128xf32, #tpu.memory_space<vmem>>) offsets(%dma_start3A_149 : memref<128xi32, #tpu.memory_space<vmem>>) semaphore(%arg14 : memref<!tpu.dma_semaphore, #tpu.memory_space<semaphore_mem>>)
      %dma_wait3A_153 = arith.constant 1 : i32
      %dma_wait3A_154 = arith.constant 0 : i32
      %dma_wait3A_155 = tpu.memref_slice %arg8[%dma_wait3A_153, %dma_wait3A_154] : memref<8x128xi32, #tpu.memory_space<vmem>> -> memref<1x128xi32, #tpu.memory_space<vmem>>
      %dma_wait3A_156 = tpu.memref_squeeze %dma_wait3A_155 : memref<1x128xi32, #tpu.memory_space<vmem>> -> memref<128xi32, #tpu.memory_space<vmem>>
      %dma_wait3A_157 = arith.constant 0 : i32
      %dma_wait3A_158 = arith.constant 0 : i32
      %dma_wait3A_159 = tpu.memref_slice %arg2[%dma_wait3A_157, %dma_wait3A_158] : memref<10000x128xf32, #tpu.memory_space<hbm>> -> memref<10000x128xf32, #tpu.memory_space<hbm>>
      tpu.wait_indirect_dma semaphore(%arg15 : memref<!tpu.dma_semaphore, #tpu.memory_space<semaphore_mem>>) src(%dma_wait3A_159 : memref<10000x128xf32, #tpu.memory_space<hbm>>) dst(%arg11 : memref<128x128xf32, #tpu.memory_space<vmem>>)
      %dma_start3A_160 = arith.constant 1 : i32
      %dma_start3A_161 = arith.constant 0 : i32
      %dma_start3A_162 = tpu.memref_slice %arg9[%dma_start3A_160, %dma_start3A_161] : memref<8x128xi32, #tpu.memory_space<vmem>> -> memref<1x128xi32, #tpu.memory_space<vmem>>
      %dma_start3A_163 = tpu.memref_squeeze %dma_start3A_162 : memref<1x128xi32, #tpu.memory_space<vmem>> -> memref<128xi32, #tpu.memory_space<vmem>>
      %dma_start3A_164 = arith.constant 0 : i32
      %dma_start3A_165 = arith.constant 0 : i32
      %dma_start3A_166 = tpu.memref_slice %arg13[%dma_start3A_164, %dma_start3A_165] : memref<10112x128xf32, #tpu.memory_space<vmem_shared>> -> memref<10112x128xf32, #tpu.memory_space<vmem_shared>>
      tpu.enqueue_indirect_dma source(%arg11 : memref<128x128xf32, #tpu.memory_space<vmem>>) target(%dma_start3A_166 : memref<10112x128xf32, #tpu.memory_space<vmem_shared>>) offsets(%dma_start3A_163 : memref<128xi32, #tpu.memory_space<vmem>>) semaphore(%arg17 : memref<!tpu.dma_semaphore, #tpu.memory_space<semaphore_mem>>) {add = true}
      %dma_wait3A_167 = arith.constant 1 : i32
      %dma_wait3A_168 = arith.constant 0 : i32
      %dma_wait3A_169 = tpu.memref_slice %arg9[%dma_wait3A_167, %dma_wait3A_168] : memref<8x128xi32, #tpu.memory_space<vmem>> -> memref<1x128xi32, #tpu.memory_space<vmem>>
      %dma_wait3A_170 = tpu.memref_squeeze %dma_wait3A_169 : memref<1x128xi32, #tpu.memory_space<vmem>> -> memref<128xi32, #tpu.memory_space<vmem>>
      %dma_wait3A_171 = arith.constant 0 : i32
      %dma_wait3A_172 = arith.constant 0 : i32
      %dma_wait3A_173 = tpu.memref_slice %arg13[%dma_wait3A_171, %dma_wait3A_172] : memref<10112x128xf32, #tpu.memory_space<vmem_shared>> -> memref<10112x128xf32, #tpu.memory_space<vmem_shared>>
      tpu.wait_indirect_dma semaphore(%arg17 : memref<!tpu.dma_semaphore, #tpu.memory_space<semaphore_mem>>) src(%arg11 : memref<128x128xf32, #tpu.memory_space<vmem>>) dst(%dma_wait3A_173 : memref<10112x128xf32, #tpu.memory_space<vmem_shared>>)
      %dma_start3A_174 = arith.constant 3 : i32
      %dma_start3A_175 = arith.constant 0 : i32
      %dma_start3A_176 = tpu.memref_slice %arg8[%dma_start3A_174, %dma_start3A_175] : memref<8x128xi32, #tpu.memory_space<vmem>> -> memref<1x128xi32, #tpu.memory_space<vmem>>
      %dma_start3A_177 = tpu.memref_squeeze %dma_start3A_176 : memref<1x128xi32, #tpu.memory_space<vmem>> -> memref<128xi32, #tpu.memory_space<vmem>>
      %dma_start3A_178 = arith.constant 0 : i32
      %dma_start3A_179 = arith.constant 0 : i32
      %dma_start3A_180 = tpu.memref_slice %arg2[%dma_start3A_178, %dma_start3A_179] : memref<10000x128xf32, #tpu.memory_space<hbm>> -> memref<10000x128xf32, #tpu.memory_space<hbm>>
      tpu.enqueue_indirect_dma source(%dma_start3A_180 : memref<10000x128xf32, #tpu.memory_space<hbm>>) target(%arg11 : memref<128x128xf32, #tpu.memory_space<vmem>>) offsets(%dma_start3A_177 : memref<128xi32, #tpu.memory_space<vmem>>) semaphore(%arg15 : memref<!tpu.dma_semaphore, #tpu.memory_space<semaphore_mem>>)
      %dma_wait3A_181 = arith.constant 2 : i32
      %dma_wait3A_182 = arith.constant 0 : i32
      %dma_wait3A_183 = tpu.memref_slice %arg8[%dma_wait3A_181, %dma_wait3A_182] : memref<8x128xi32, #tpu.memory_space<vmem>> -> memref<1x128xi32, #tpu.memory_space<vmem>>
      %dma_wait3A_184 = tpu.memref_squeeze %dma_wait3A_183 : memref<1x128xi32, #tpu.memory_space<vmem>> -> memref<128xi32, #tpu.memory_space<vmem>>
      %dma_wait3A_185 = arith.constant 0 : i32
      %dma_wait3A_186 = arith.constant 0 : i32
      %dma_wait3A_187 = tpu.memref_slice %arg2[%dma_wait3A_185, %dma_wait3A_186] : memref<10000x128xf32, #tpu.memory_space<hbm>> -> memref<10000x128xf32, #tpu.memory_space<hbm>>
      tpu.wait_indirect_dma semaphore(%arg14 : memref<!tpu.dma_semaphore, #tpu.memory_space<semaphore_mem>>) src(%dma_wait3A_187 : memref<10000x128xf32, #tpu.memory_space<hbm>>) dst(%arg10 : memref<128x128xf32, #tpu.memory_space<vmem>>)
      %dma_start3A_188 = arith.constant 2 : i32
      %dma_start3A_189 = arith.constant 0 : i32
      %dma_start3A_190 = tpu.memref_slice %arg9[%dma_start3A_188, %dma_start3A_189] : memref<8x128xi32, #tpu.memory_space<vmem>> -> memref<1x128xi32, #tpu.memory_space<vmem>>
      %dma_start3A_191 = tpu.memref_squeeze %dma_start3A_190 : memref<1x128xi32, #tpu.memory_space<vmem>> -> memref<128xi32, #tpu.memory_space<vmem>>
      %dma_start3A_192 = arith.constant 0 : i32
      %dma_start3A_193 = arith.constant 0 : i32
      %dma_start3A_194 = tpu.memref_slice %arg13[%dma_start3A_192, %dma_start3A_193] : memref<10112x128xf32, #tpu.memory_space<vmem_shared>> -> memref<10112x128xf32, #tpu.memory_space<vmem_shared>>
      tpu.enqueue_indirect_dma source(%arg10 : memref<128x128xf32, #tpu.memory_space<vmem>>) target(%dma_start3A_194 : memref<10112x128xf32, #tpu.memory_space<vmem_shared>>) offsets(%dma_start3A_191 : memref<128xi32, #tpu.memory_space<vmem>>) semaphore(%arg16 : memref<!tpu.dma_semaphore, #tpu.memory_space<semaphore_mem>>) {add = true}
      %dma_wait3A_195 = arith.constant 2 : i32
      %dma_wait3A_196 = arith.constant 0 : i32
      %dma_wait3A_197 = tpu.memref_slice %arg9[%dma_wait3A_195, %dma_wait3A_196] : memref<8x128xi32, #tpu.memory_space<vmem>> -> memref<1x128xi32, #tpu.memory_space<vmem>>
      %dma_wait3A_198 = tpu.memref_squeeze %dma_wait3A_197 : memref<1x128xi32, #tpu.memory_space<vmem>> -> memref<128xi32, #tpu.memory_space<vmem>>
      %dma_wait3A_199 = arith.constant 0 : i32
      %dma_wait3A_200 = arith.constant 0 : i32
      %dma_wait3A_201 = tpu.memref_slice %arg13[%dma_wait3A_199, %dma_wait3A_200] : memref<10112x128xf32, #tpu.memory_space<vmem_shared>> -> memref<10112x128xf32, #tpu.memory_space<vmem_shared>>
      tpu.wait_indirect_dma semaphore(%arg16 : memref<!tpu.dma_semaphore, #tpu.memory_space<semaphore_mem>>) src(%arg10 : memref<128x128xf32, #tpu.memory_space<vmem>>) dst(%dma_wait3A_201 : memref<10112x128xf32, #tpu.memory_space<vmem_shared>>)
      %dma_start3A_202 = arith.constant 4 : i32
      %dma_start3A_203 = arith.constant 0 : i32
      %dma_start3A_204 = tpu.memref_slice %arg8[%dma_start3A_202, %dma_start3A_203] : memref<8x128xi32, #tpu.memory_space<vmem>> -> memref<1x128xi32, #tpu.memory_space<vmem>>
      %dma_start3A_205 = tpu.memref_squeeze %dma_start3A_204 : memref<1x128xi32, #tpu.memory_space<vmem>> -> memref<128xi32, #tpu.memory_space<vmem>>
      %dma_start3A_206 = arith.constant 0 : i32
      %dma_start3A_207 = arith.constant 0 : i32
      %dma_start3A_208 = tpu.memref_slice %arg2[%dma_start3A_206, %dma_start3A_207] : memref<10000x128xf32, #tpu.memory_space<hbm>> -> memref<10000x128xf32, #tpu.memory_space<hbm>>
      tpu.enqueue_indirect_dma source(%dma_start3A_208 : memref<10000x128xf32, #tpu.memory_space<hbm>>) target(%arg10 : memref<128x128xf32, #tpu.memory_space<vmem>>) offsets(%dma_start3A_205 : memref<128xi32, #tpu.memory_space<vmem>>) semaphore(%arg14 : memref<!tpu.dma_semaphore, #tpu.memory_space<semaphore_mem>>)
      %dma_wait3A_209 = arith.constant 3 : i32
      %dma_wait3A_210 = arith.constant 0 : i32
      %dma_wait3A_211 = tpu.memref_slice %arg8[%dma_wait3A_209, %dma_wait3A_210] : memref<8x128xi32, #tpu.memory_space<vmem>> -> memref<1x128xi32, #tpu.memory_space<vmem>>
      %dma_wait3A_212 = tpu.memref_squeeze %dma_wait3A_211 : memref<1x128xi32, #tpu.memory_space<vmem>> -> memref<128xi32, #tpu.memory_space<vmem>>
      %dma_wait3A_213 = arith.constant 0 : i32
      %dma_wait3A_214 = arith.constant 0 : i32
      %dma_wait3A_215 = tpu.memref_slice %arg2[%dma_wait3A_213, %dma_wait3A_214] : memref<10000x128xf32, #tpu.memory_space<hbm>> -> memref<10000x128xf32, #tpu.memory_space<hbm>>
      tpu.wait_indirect_dma semaphore(%arg15 : memref<!tpu.dma_semaphore, #tpu.memory_space<semaphore_mem>>) src(%dma_wait3A_215 : memref<10000x128xf32, #tpu.memory_space<hbm>>) dst(%arg11 : memref<128x128xf32, #tpu.memory_space<vmem>>)
      %dma_start3A_216 = arith.constant 3 : i32
      %dma_start3A_217 = arith.constant 0 : i32
      %dma_start3A_218 = tpu.memref_slice %arg9[%dma_start3A_216, %dma_start3A_217] : memref<8x128xi32, #tpu.memory_space<vmem>> -> memref<1x128xi32, #tpu.memory_space<vmem>>
      %dma_start3A_219 = tpu.memref_squeeze %dma_start3A_218 : memref<1x128xi32, #tpu.memory_space<vmem>> -> memref<128xi32, #tpu.memory_space<vmem>>
      %dma_start3A_220 = arith.constant 0 : i32
      %dma_start3A_221 = arith.constant 0 : i32
      %dma_start3A_222 = tpu.memref_slice %arg13[%dma_start3A_220, %dma_start3A_221] : memref<10112x128xf32, #tpu.memory_space<vmem_shared>> -> memref<10112x128xf32, #tpu.memory_space<vmem_shared>>
      tpu.enqueue_indirect_dma source(%arg11 : memref<128x128xf32, #tpu.memory_space<vmem>>) target(%dma_start3A_222 : memref<10112x128xf32, #tpu.memory_space<vmem_shared>>) offsets(%dma_start3A_219 : memref<128xi32, #tpu.memory_space<vmem>>) semaphore(%arg17 : memref<!tpu.dma_semaphore, #tpu.memory_space<semaphore_mem>>) {add = true}
      %dma_wait3A_223 = arith.constant 3 : i32
      %dma_wait3A_224 = arith.constant 0 : i32
      %dma_wait3A_225 = tpu.memref_slice %arg9[%dma_wait3A_223, %dma_wait3A_224] : memref<8x128xi32, #tpu.memory_space<vmem>> -> memref<1x128xi32, #tpu.memory_space<vmem>>
      %dma_wait3A_226 = tpu.memref_squeeze %dma_wait3A_225 : memref<1x128xi32, #tpu.memory_space<vmem>> -> memref<128xi32, #tpu.memory_space<vmem>>
      %dma_wait3A_227 = arith.constant 0 : i32
      %dma_wait3A_228 = arith.constant 0 : i32
      %dma_wait3A_229 = tpu.memref_slice %arg13[%dma_wait3A_227, %dma_wait3A_228] : memref<10112x128xf32, #tpu.memory_space<vmem_shared>> -> memref<10112x128xf32, #tpu.memory_space<vmem_shared>>
      tpu.wait_indirect_dma semaphore(%arg17 : memref<!tpu.dma_semaphore, #tpu.memory_space<semaphore_mem>>) src(%arg11 : memref<128x128xf32, #tpu.memory_space<vmem>>) dst(%dma_wait3A_229 : memref<10112x128xf32, #tpu.memory_space<vmem_shared>>)
      %dma_start3A_230 = arith.constant 5 : i32
      %dma_start3A_231 = arith.constant 0 : i32
      %dma_start3A_232 = tpu.memref_slice %arg8[%dma_start3A_230, %dma_start3A_231] : memref<8x128xi32, #tpu.memory_space<vmem>> -> memref<1x128xi32, #tpu.memory_space<vmem>>
      %dma_start3A_233 = tpu.memref_squeeze %dma_start3A_232 : memref<1x128xi32, #tpu.memory_space<vmem>> -> memref<128xi32, #tpu.memory_space<vmem>>
      %dma_start3A_234 = arith.constant 0 : i32
      %dma_start3A_235 = arith.constant 0 : i32
      %dma_start3A_236 = tpu.memref_slice %arg2[%dma_start3A_234, %dma_start3A_235] : memref<10000x128xf32, #tpu.memory_space<hbm>> -> memref<10000x128xf32, #tpu.memory_space<hbm>>
      tpu.enqueue_indirect_dma source(%dma_start3A_236 : memref<10000x128xf32, #tpu.memory_space<hbm>>) target(%arg11 : memref<128x128xf32, #tpu.memory_space<vmem>>) offsets(%dma_start3A_233 : memref<128xi32, #tpu.memory_space<vmem>>) semaphore(%arg15 : memref<!tpu.dma_semaphore, #tpu.memory_space<semaphore_mem>>)
      %dma_wait3A_237 = arith.constant 4 : i32
      %dma_wait3A_238 = arith.constant 0 : i32
      %dma_wait3A_239 = tpu.memref_slice %arg8[%dma_wait3A_237, %dma_wait3A_238] : memref<8x128xi32, #tpu.memory_space<vmem>> -> memref<1x128xi32, #tpu.memory_space<vmem>>
      %dma_wait3A_240 = tpu.memref_squeeze %dma_wait3A_239 : memref<1x128xi32, #tpu.memory_space<vmem>> -> memref<128xi32, #tpu.memory_space<vmem>>
      %dma_wait3A_241 = arith.constant 0 : i32
      %dma_wait3A_242 = arith.constant 0 : i32
      %dma_wait3A_243 = tpu.memref_slice %arg2[%dma_wait3A_241, %dma_wait3A_242] : memref<10000x128xf32, #tpu.memory_space<hbm>> -> memref<10000x128xf32, #tpu.memory_space<hbm>>
      tpu.wait_indirect_dma semaphore(%arg14 : memref<!tpu.dma_semaphore, #tpu.memory_space<semaphore_mem>>) src(%dma_wait3A_243 : memref<10000x128xf32, #tpu.memory_space<hbm>>) dst(%arg10 : memref<128x128xf32, #tpu.memory_space<vmem>>)
      %dma_start3A_244 = arith.constant 4 : i32
      %dma_start3A_245 = arith.constant 0 : i32
      %dma_start3A_246 = tpu.memref_slice %arg9[%dma_start3A_244, %dma_start3A_245] : memref<8x128xi32, #tpu.memory_space<vmem>> -> memref<1x128xi32, #tpu.memory_space<vmem>>
      %dma_start3A_247 = tpu.memref_squeeze %dma_start3A_246 : memref<1x128xi32, #tpu.memory_space<vmem>> -> memref<128xi32, #tpu.memory_space<vmem>>
      %dma_start3A_248 = arith.constant 0 : i32
      %dma_start3A_249 = arith.constant 0 : i32
      %dma_start3A_250 = tpu.memref_slice %arg13[%dma_start3A_248, %dma_start3A_249] : memref<10112x128xf32, #tpu.memory_space<vmem_shared>> -> memref<10112x128xf32, #tpu.memory_space<vmem_shared>>
      tpu.enqueue_indirect_dma source(%arg10 : memref<128x128xf32, #tpu.memory_space<vmem>>) target(%dma_start3A_250 : memref<10112x128xf32, #tpu.memory_space<vmem_shared>>) offsets(%dma_start3A_247 : memref<128xi32, #tpu.memory_space<vmem>>) semaphore(%arg16 : memref<!tpu.dma_semaphore, #tpu.memory_space<semaphore_mem>>) {add = true}
      %dma_wait3A_251 = arith.constant 4 : i32
      %dma_wait3A_252 = arith.constant 0 : i32
      %dma_wait3A_253 = tpu.memref_slice %arg9[%dma_wait3A_251, %dma_wait3A_252] : memref<8x128xi32, #tpu.memory_space<vmem>> -> memref<1x128xi32, #tpu.memory_space<vmem>>
      %dma_wait3A_254 = tpu.memref_squeeze %dma_wait3A_253 : memref<1x128xi32, #tpu.memory_space<vmem>> -> memref<128xi32, #tpu.memory_space<vmem>>
      %dma_wait3A_255 = arith.constant 0 : i32
      %dma_wait3A_256 = arith.constant 0 : i32
      %dma_wait3A_257 = tpu.memref_slice %arg13[%dma_wait3A_255, %dma_wait3A_256] : memref<10112x128xf32, #tpu.memory_space<vmem_shared>> -> memref<10112x128xf32, #tpu.memory_space<vmem_shared>>
      tpu.wait_indirect_dma semaphore(%arg16 : memref<!tpu.dma_semaphore, #tpu.memory_space<semaphore_mem>>) src(%arg10 : memref<128x128xf32, #tpu.memory_space<vmem>>) dst(%dma_wait3A_257 : memref<10112x128xf32, #tpu.memory_space<vmem_shared>>)
      %dma_start3A_258 = arith.constant 6 : i32
      %dma_start3A_259 = arith.constant 0 : i32
      %dma_start3A_260 = tpu.memref_slice %arg8[%dma_start3A_258, %dma_start3A_259] : memref<8x128xi32, #tpu.memory_space<vmem>> -> memref<1x128xi32, #tpu.memory_space<vmem>>
      %dma_start3A_261 = tpu.memref_squeeze %dma_start3A_260 : memref<1x128xi32, #tpu.memory_space<vmem>> -> memref<128xi32, #tpu.memory_space<vmem>>
      %dma_start3A_262 = arith.constant 0 : i32
      %dma_start3A_263 = arith.constant 0 : i32
      %dma_start3A_264 = tpu.memref_slice %arg2[%dma_start3A_262, %dma_start3A_263] : memref<10000x128xf32, #tpu.memory_space<hbm>> -> memref<10000x128xf32, #tpu.memory_space<hbm>>
      tpu.enqueue_indirect_dma source(%dma_start3A_264 : memref<10000x128xf32, #tpu.memory_space<hbm>>) target(%arg10 : memref<128x128xf32, #tpu.memory_space<vmem>>) offsets(%dma_start3A_261 : memref<128xi32, #tpu.memory_space<vmem>>) semaphore(%arg14 : memref<!tpu.dma_semaphore, #tpu.memory_space<semaphore_mem>>)
      %dma_wait3A_265 = arith.constant 5 : i32
      %dma_wait3A_266 = arith.constant 0 : i32
      %dma_wait3A_267 = tpu.memref_slice %arg8[%dma_wait3A_265, %dma_wait3A_266] : memref<8x128xi32, #tpu.memory_space<vmem>> -> memref<1x128xi32, #tpu.memory_space<vmem>>
      %dma_wait3A_268 = tpu.memref_squeeze %dma_wait3A_267 : memref<1x128xi32, #tpu.memory_space<vmem>> -> memref<128xi32, #tpu.memory_space<vmem>>
      %dma_wait3A_269 = arith.constant 0 : i32
      %dma_wait3A_270 = arith.constant 0 : i32
      %dma_wait3A_271 = tpu.memref_slice %arg2[%dma_wait3A_269, %dma_wait3A_270] : memref<10000x128xf32, #tpu.memory_space<hbm>> -> memref<10000x128xf32, #tpu.memory_space<hbm>>
      tpu.wait_indirect_dma semaphore(%arg15 : memref<!tpu.dma_semaphore, #tpu.memory_space<semaphore_mem>>) src(%dma_wait3A_271 : memref<10000x128xf32, #tpu.memory_space<hbm>>) dst(%arg11 : memref<128x128xf32, #tpu.memory_space<vmem>>)
      %dma_start3A_272 = arith.constant 5 : i32
      %dma_start3A_273 = arith.constant 0 : i32
      %dma_start3A_274 = tpu.memref_slice %arg9[%dma_start3A_272, %dma_start3A_273] : memref<8x128xi32, #tpu.memory_space<vmem>> -> memref<1x128xi32, #tpu.memory_space<vmem>>
      %dma_start3A_275 = tpu.memref_squeeze %dma_start3A_274 : memref<1x128xi32, #tpu.memory_space<vmem>> -> memref<128xi32, #tpu.memory_space<vmem>>
      %dma_start3A_276 = arith.constant 0 : i32
      %dma_start3A_277 = arith.constant 0 : i32
      %dma_start3A_278 = tpu.memref_slice %arg13[%dma_start3A_276, %dma_start3A_277] : memref<10112x128xf32, #tpu.memory_space<vmem_shared>> -> memref<10112x128xf32, #tpu.memory_space<vmem_shared>>
      tpu.enqueue_indirect_dma source(%arg11 : memref<128x128xf32, #tpu.memory_space<vmem>>) target(%dma_start3A_278 : memref<10112x128xf32, #tpu.memory_space<vmem_shared>>) offsets(%dma_start3A_275 : memref<128xi32, #tpu.memory_space<vmem>>) semaphore(%arg17 : memref<!tpu.dma_semaphore, #tpu.memory_space<semaphore_mem>>) {add = true}
      %dma_wait3A_279 = arith.constant 5 : i32
      %dma_wait3A_280 = arith.constant 0 : i32
      %dma_wait3A_281 = tpu.memref_slice %arg9[%dma_wait3A_279, %dma_wait3A_280] : memref<8x128xi32, #tpu.memory_space<vmem>> -> memref<1x128xi32, #tpu.memory_space<vmem>>
      %dma_wait3A_282 = tpu.memref_squeeze %dma_wait3A_281 : memref<1x128xi32, #tpu.memory_space<vmem>> -> memref<128xi32, #tpu.memory_space<vmem>>
      %dma_wait3A_283 = arith.constant 0 : i32
      %dma_wait3A_284 = arith.constant 0 : i32
      %dma_wait3A_285 = tpu.memref_slice %arg13[%dma_wait3A_283, %dma_wait3A_284] : memref<10112x128xf32, #tpu.memory_space<vmem_shared>> -> memref<10112x128xf32, #tpu.memory_space<vmem_shared>>
      tpu.wait_indirect_dma semaphore(%arg17 : memref<!tpu.dma_semaphore, #tpu.memory_space<semaphore_mem>>) src(%arg11 : memref<128x128xf32, #tpu.memory_space<vmem>>) dst(%dma_wait3A_285 : memref<10112x128xf32, #tpu.memory_space<vmem_shared>>)
      %dma_start3A_286 = arith.constant 7 : i32
      %dma_start3A_287 = arith.constant 0 : i32
      %dma_start3A_288 = tpu.memref_slice %arg8[%dma_start3A_286, %dma_start3A_287] : memref<8x128xi32, #tpu.memory_space<vmem>> -> memref<1x128xi32, #tpu.memory_space<vmem>>
      %dma_start3A_289 = tpu.memref_squeeze %dma_start3A_288 : memref<1x128xi32, #tpu.memory_space<vmem>> -> memref<128xi32, #tpu.memory_space<vmem>>
      %dma_start3A_290 = arith.constant 0 : i32
      %dma_start3A_291 = arith.constant 0 : i32
      %dma_start3A_292 = tpu.memref_slice %arg2[%dma_start3A_290, %dma_start3A_291] : memref<10000x128xf32, #tpu.memory_space<hbm>> -> memref<10000x128xf32, #tpu.memory_space<hbm>>
      tpu.enqueue_indirect_dma source(%dma_start3A_292 : memref<10000x128xf32, #tpu.memory_space<hbm>>) target(%arg11 : memref<128x128xf32, #tpu.memory_space<vmem>>) offsets(%dma_start3A_289 : memref<128xi32, #tpu.memory_space<vmem>>) semaphore(%arg15 : memref<!tpu.dma_semaphore, #tpu.memory_space<semaphore_mem>>)
      %dma_wait3A_293 = arith.constant 6 : i32
      %dma_wait3A_294 = arith.constant 0 : i32
      %dma_wait3A_295 = tpu.memref_slice %arg8[%dma_wait3A_293, %dma_wait3A_294] : memref<8x128xi32, #tpu.memory_space<vmem>> -> memref<1x128xi32, #tpu.memory_space<vmem>>
      %dma_wait3A_296 = tpu.memref_squeeze %dma_wait3A_295 : memref<1x128xi32, #tpu.memory_space<vmem>> -> memref<128xi32, #tpu.memory_space<vmem>>
      %dma_wait3A_297 = arith.constant 0 : i32
      %dma_wait3A_298 = arith.constant 0 : i32
      %dma_wait3A_299 = tpu.memref_slice %arg2[%dma_wait3A_297, %dma_wait3A_298] : memref<10000x128xf32, #tpu.memory_space<hbm>> -> memref<10000x128xf32, #tpu.memory_space<hbm>>
      tpu.wait_indirect_dma semaphore(%arg14 : memref<!tpu.dma_semaphore, #tpu.memory_space<semaphore_mem>>) src(%dma_wait3A_299 : memref<10000x128xf32, #tpu.memory_space<hbm>>) dst(%arg10 : memref<128x128xf32, #tpu.memory_space<vmem>>)
      %dma_start3A_300 = arith.constant 6 : i32
      %dma_start3A_301 = arith.constant 0 : i32
      %dma_start3A_302 = tpu.memref_slice %arg9[%dma_start3A_300, %dma_start3A_301] : memref<8x128xi32, #tpu.memory_space<vmem>> -> memref<1x128xi32, #tpu.memory_space<vmem>>
      %dma_start3A_303 = tpu.memref_squeeze %dma_start3A_302 : memref<1x128xi32, #tpu.memory_space<vmem>> -> memref<128xi32, #tpu.memory_space<vmem>>
      %dma_start3A_304 = arith.constant 0 : i32
      %dma_start3A_305 = arith.constant 0 : i32
      %dma_start3A_306 = tpu.memref_slice %arg13[%dma_start3A_304, %dma_start3A_305] : memref<10112x128xf32, #tpu.memory_space<vmem_shared>> -> memref<10112x128xf32, #tpu.memory_space<vmem_shared>>
      tpu.enqueue_indirect_dma source(%arg10 : memref<128x128xf32, #tpu.memory_space<vmem>>) target(%dma_start3A_306 : memref<10112x128xf32, #tpu.memory_space<vmem_shared>>) offsets(%dma_start3A_303 : memref<128xi32, #tpu.memory_space<vmem>>) semaphore(%arg16 : memref<!tpu.dma_semaphore, #tpu.memory_space<semaphore_mem>>) {add = true}
      %dma_wait3A_307 = arith.constant 7 : i32
      %dma_wait3A_308 = arith.constant 0 : i32
      %dma_wait3A_309 = tpu.memref_slice %arg8[%dma_wait3A_307, %dma_wait3A_308] : memref<8x128xi32, #tpu.memory_space<vmem>> -> memref<1x128xi32, #tpu.memory_space<vmem>>
      %dma_wait3A_310 = tpu.memref_squeeze %dma_wait3A_309 : memref<1x128xi32, #tpu.memory_space<vmem>> -> memref<128xi32, #tpu.memory_space<vmem>>
      %dma_wait3A_311 = arith.constant 0 : i32
      %dma_wait3A_312 = arith.constant 0 : i32
      %dma_wait3A_313 = tpu.memref_slice %arg2[%dma_wait3A_311, %dma_wait3A_312] : memref<10000x128xf32, #tpu.memory_space<hbm>> -> memref<10000x128xf32, #tpu.memory_space<hbm>>
      tpu.wait_indirect_dma semaphore(%arg15 : memref<!tpu.dma_semaphore, #tpu.memory_space<semaphore_mem>>) src(%dma_wait3A_313 : memref<10000x128xf32, #tpu.memory_space<hbm>>) dst(%arg11 : memref<128x128xf32, #tpu.memory_space<vmem>>)
      %dma_start3A_314 = arith.constant 7 : i32
      %dma_start3A_315 = arith.constant 0 : i32
      %dma_start3A_316 = tpu.memref_slice %arg9[%dma_start3A_314, %dma_start3A_315] : memref<8x128xi32, #tpu.memory_space<vmem>> -> memref<1x128xi32, #tpu.memory_space<vmem>>
      %dma_start3A_317 = tpu.memref_squeeze %dma_start3A_316 : memref<1x128xi32, #tpu.memory_space<vmem>> -> memref<128xi32, #tpu.memory_space<vmem>>
      %dma_start3A_318 = arith.constant 0 : i32
      %dma_start3A_319 = arith.constant 0 : i32
      %dma_start3A_320 = tpu.memref_slice %arg13[%dma_start3A_318, %dma_start3A_319] : memref<10112x128xf32, #tpu.memory_space<vmem_shared>> -> memref<10112x128xf32, #tpu.memory_space<vmem_shared>>
      tpu.enqueue_indirect_dma source(%arg11 : memref<128x128xf32, #tpu.memory_space<vmem>>) target(%dma_start3A_320 : memref<10112x128xf32, #tpu.memory_space<vmem_shared>>) offsets(%dma_start3A_317 : memref<128xi32, #tpu.memory_space<vmem>>) semaphore(%arg17 : memref<!tpu.dma_semaphore, #tpu.memory_space<semaphore_mem>>) {add = true}
      %dma_wait3A_321 = arith.constant 6 : i32
      %dma_wait3A_322 = arith.constant 0 : i32
      %dma_wait3A_323 = tpu.memref_slice %arg9[%dma_wait3A_321, %dma_wait3A_322] : memref<8x128xi32, #tpu.memory_space<vmem>> -> memref<1x128xi32, #tpu.memory_space<vmem>>
      %dma_wait3A_324 = tpu.memref_squeeze %dma_wait3A_323 : memref<1x128xi32, #tpu.memory_space<vmem>> -> memref<128xi32, #tpu.memory_space<vmem>>
      %dma_wait3A_325 = arith.constant 0 : i32
      %dma_wait3A_326 = arith.constant 0 : i32
      %dma_wait3A_327 = tpu.memref_slice %arg13[%dma_wait3A_325, %dma_wait3A_326] : memref<10112x128xf32, #tpu.memory_space<vmem_shared>> -> memref<10112x128xf32, #tpu.memory_space<vmem_shared>>
      tpu.wait_indirect_dma semaphore(%arg16 : memref<!tpu.dma_semaphore, #tpu.memory_space<semaphore_mem>>) src(%arg10 : memref<128x128xf32, #tpu.memory_space<vmem>>) dst(%dma_wait3A_327 : memref<10112x128xf32, #tpu.memory_space<vmem_shared>>)
      %dma_wait3A_328 = arith.constant 7 : i32
      %dma_wait3A_329 = arith.constant 0 : i32
      %dma_wait3A_330 = tpu.memref_slice %arg9[%dma_wait3A_328, %dma_wait3A_329] : memref<8x128xi32, #tpu.memory_space<vmem>> -> memref<1x128xi32, #tpu.memory_space<vmem>>
      %dma_wait3A_331 = tpu.memref_squeeze %dma_wait3A_330 : memref<1x128xi32, #tpu.memory_space<vmem>> -> memref<128xi32, #tpu.memory_space<vmem>>
      %dma_wait3A_332 = arith.constant 0 : i32
      %dma_wait3A_333 = arith.constant 0 : i32
      %dma_wait3A_334 = tpu.memref_slice %arg13[%dma_wait3A_332, %dma_wait3A_333] : memref<10112x128xf32, #tpu.memory_space<vmem_shared>> -> memref<10112x128xf32, #tpu.memory_space<vmem_shared>>
      tpu.wait_indirect_dma semaphore(%arg17 : memref<!tpu.dma_semaphore, #tpu.memory_space<semaphore_mem>>) src(%arg11 : memref<128x128xf32, #tpu.memory_space<vmem>>) dst(%dma_wait3A_334 : memref<10112x128xf32, #tpu.memory_space<vmem_shared>>)
    }
    %while3A_33 = arith.constant 1 : i32
    scf.for %while3A_104 = %while3A_31 to %while3A_27 step %while3A_33  : i32 {
      %mul3A_105 = arith.muli %while3A_104, %while3A : i32
      %add3A_106 = arith.addi %while3A_24, %mul3A_105 : i32
      %mul3A_107 = arith.constant 8 : i32
      %mul3A_108 = arith.muli %add3A_106, %mul3A_107 : i32
      %add3A_109 = arith.addi %select_n3A, %mul3A_108 : i32
      "tpu.region"() ({
        %run_scoped3A_335 = tpu.sem_alloc : memref<!tpu.dma_semaphore, #tpu.memory_space<semaphore_mem>>
        %dma_start3A_336 = arith.constant 0 : i32
        %dma_start3A_337 = tpu.memref_slice %arg3[%add3A_109, %dma_start3A_336] : memref<2560x128xi32, #tpu.memory_space<hbm>> -> memref<8x128xi32, #tpu.memory_space<hbm>>
        %dma_start3A_338 = arith.constant 0 : i32
        %dma_start3A_339 = tpu.memref_slice %arg3[%add3A_109, %dma_start3A_338] : memref<2560x128xi32, #tpu.memory_space<hbm>> -> memref<8x128xi32, #tpu.memory_space<hbm>>
        tpu.enqueue_dma source(%dma_start3A_339 : memref<8x128xi32, #tpu.memory_space<hbm>>) target(%arg8 : memref<8x128xi32, #tpu.memory_space<vmem>>) target_semaphore(%run_scoped3A_335 : memref<!tpu.dma_semaphore, #tpu.memory_space<semaphore_mem>>)
        %dma_wait3A_340 = arith.constant 0 : i32
        %dma_wait3A_341 = tpu.memref_slice %arg3[%add3A_109, %dma_wait3A_340] : memref<2560x128xi32, #tpu.memory_space<hbm>> -> memref<8x128xi32, #tpu.memory_space<hbm>>
        %dma_wait3A_342 = arith.constant 0 : i32
        %dma_wait3A_343 = tpu.memref_slice %arg3[%add3A_109, %dma_wait3A_342] : memref<2560x128xi32, #tpu.memory_space<hbm>> -> memref<8x128xi32, #tpu.memory_space<hbm>>
        tpu.wait_dma2 semaphore(%run_scoped3A_335 : memref<!tpu.dma_semaphore, #tpu.memory_space<semaphore_mem>>) src(%dma_wait3A_343 : memref<8x128xi32, #tpu.memory_space<hbm>>) dst(%arg8 : memref<8x128xi32, #tpu.memory_space<vmem>>)
        tpu.yield
      }) : () -> ()
      %mul3A_110 = arith.constant 8 : i32
      %mul3A_111 = arith.muli %add3A_106, %mul3A_110 : i32
      %add3A_112 = arith.addi %select_n3A, %mul3A_111 : i32
      "tpu.region"() ({
        %run_scoped3A_335 = tpu.sem_alloc : memref<!tpu.dma_semaphore, #tpu.memory_space<semaphore_mem>>
        %dma_start3A_336 = arith.constant 0 : i32
        %dma_start3A_337 = tpu.memref_slice %arg4[%add3A_112, %dma_start3A_336] : memref<2560x128xi32, #tpu.memory_space<hbm>> -> memref<8x128xi32, #tpu.memory_space<hbm>>
        %dma_start3A_338 = arith.constant 0 : i32
        %dma_start3A_339 = tpu.memref_slice %arg4[%add3A_112, %dma_start3A_338] : memref<2560x128xi32, #tpu.memory_space<hbm>> -> memref<8x128xi32, #tpu.memory_space<hbm>>
        tpu.enqueue_dma source(%dma_start3A_339 : memref<8x128xi32, #tpu.memory_space<hbm>>) target(%arg9 : memref<8x128xi32, #tpu.memory_space<vmem>>) target_semaphore(%run_scoped3A_335 : memref<!tpu.dma_semaphore, #tpu.memory_space<semaphore_mem>>)
        %dma_wait3A_340 = arith.constant 0 : i32
        %dma_wait3A_341 = tpu.memref_slice %arg4[%add3A_112, %dma_wait3A_340] : memref<2560x128xi32, #tpu.memory_space<hbm>> -> memref<8x128xi32, #tpu.memory_space<hbm>>
        %dma_wait3A_342 = arith.constant 0 : i32
        %dma_wait3A_343 = tpu.memref_slice %arg4[%add3A_112, %dma_wait3A_342] : memref<2560x128xi32, #tpu.memory_space<hbm>> -> memref<8x128xi32, #tpu.memory_space<hbm>>
        tpu.wait_dma2 semaphore(%run_scoped3A_335 : memref<!tpu.dma_semaphore, #tpu.memory_space<semaphore_mem>>) src(%dma_wait3A_343 : memref<8x128xi32, #tpu.memory_space<hbm>>) dst(%arg9 : memref<8x128xi32, #tpu.memory_space<vmem>>)
        tpu.yield
      }) : () -> ()
      %dma_start3A = arith.constant 0 : i32
      %dma_start3A_113 = arith.constant 0 : i32
      %dma_start3A_114 = tpu.memref_slice %arg8[%dma_start3A, %dma_start3A_113] : memref<8x128xi32, #tpu.memory_space<vmem>> -> memref<1x128xi32, #tpu.memory_space<vmem>>
      %dma_start3A_115 = tpu.memref_squeeze %dma_start3A_114 : memref<1x128xi32, #tpu.memory_space<vmem>> -> memref<128xi32, #tpu.memory_space<vmem>>
      %dma_start3A_116 = arith.constant 0 : i32
      %dma_start3A_117 = arith.constant 0 : i32
      %dma_start3A_118 = tpu.memref_slice %arg2[%dma_start3A_116, %dma_start3A_117] : memref<10000x128xf32, #tpu.memory_space<hbm>> -> memref<10000x128xf32, #tpu.memory_space<hbm>>
      tpu.enqueue_indirect_dma source(%dma_start3A_118 : memref<10000x128xf32, #tpu.memory_space<hbm>>) target(%arg10 : memref<128x128xf32, #tpu.memory_space<vmem>>) offsets(%dma_start3A_115 : memref<128xi32, #tpu.memory_space<vmem>>) semaphore(%arg14 : memref<!tpu.dma_semaphore, #tpu.memory_space<semaphore_mem>>)
      %dma_start3A_119 = arith.constant 1 : i32
      %dma_start3A_120 = arith.constant 0 : i32
      %dma_start3A_121 = tpu.memref_slice %arg8[%dma_start3A_119, %dma_start3A_120] : memref<8x128xi32, #tpu.memory_space<vmem>> -> memref<1x128xi32, #tpu.memory_space<vmem>>
      %dma_start3A_122 = tpu.memref_squeeze %dma_start3A_121 : memref<1x128xi32, #tpu.memory_space<vmem>> -> memref<128xi32, #tpu.memory_space<vmem>>
      %dma_start3A_123 = arith.constant 0 : i32
      %dma_start3A_124 = arith.constant 0 : i32
      %dma_start3A_125 = tpu.memref_slice %arg2[%dma_start3A_123, %dma_start3A_124] : memref<10000x128xf32, #tpu.memory_space<hbm>> -> memref<10000x128xf32, #tpu.memory_space<hbm>>
      tpu.enqueue_indirect_dma source(%dma_start3A_125 : memref<10000x128xf32, #tpu.memory_space<hbm>>) target(%arg11 : memref<128x128xf32, #tpu.memory_space<vmem>>) offsets(%dma_start3A_122 : memref<128xi32, #tpu.memory_space<vmem>>) semaphore(%arg15 : memref<!tpu.dma_semaphore, #tpu.memory_space<semaphore_mem>>)
      %dma_wait3A = arith.constant 0 : i32
      %dma_wait3A_126 = arith.constant 0 : i32
      %dma_wait3A_127 = tpu.memref_slice %arg8[%dma_wait3A, %dma_wait3A_126] : memref<8x128xi32, #tpu.memory_space<vmem>> -> memref<1x128xi32, #tpu.memory_space<vmem>>
      %dma_wait3A_128 = tpu.memref_squeeze %dma_wait3A_127 : memref<1x128xi32, #tpu.memory_space<vmem>> -> memref<128xi32, #tpu.memory_space<vmem>>
      %dma_wait3A_129 = arith.constant 0 : i32
      %dma_wait3A_130 = arith.constant 0 : i32
      %dma_wait3A_131 = tpu.memref_slice %arg2[%dma_wait3A_129, %dma_wait3A_130] : memref<10000x128xf32, #tpu.memory_space<hbm>> -> memref<10000x128xf32, #tpu.memory_space<hbm>>
      tpu.wait_indirect_dma semaphore(%arg14 : memref<!tpu.dma_semaphore, #tpu.memory_space<semaphore_mem>>) src(%dma_wait3A_131 : memref<10000x128xf32, #tpu.memory_space<hbm>>) dst(%arg10 : memref<128x128xf32, #tpu.memory_space<vmem>>)
      %dma_start3A_132 = arith.constant 0 : i32
      %dma_start3A_133 = arith.constant 0 : i32
      %dma_start3A_134 = tpu.memref_slice %arg9[%dma_start3A_132, %dma_start3A_133] : memref<8x128xi32, #tpu.memory_space<vmem>> -> memref<1x128xi32, #tpu.memory_space<vmem>>
      %dma_start3A_135 = tpu.memref_squeeze %dma_start3A_134 : memref<1x128xi32, #tpu.memory_space<vmem>> -> memref<128xi32, #tpu.memory_space<vmem>>
      %dma_start3A_136 = arith.constant 0 : i32
      %dma_start3A_137 = arith.constant 0 : i32
      %dma_start3A_138 = tpu.memref_slice %arg13[%dma_start3A_136, %dma_start3A_137] : memref<10112x128xf32, #tpu.memory_space<vmem_shared>> -> memref<10112x128xf32, #tpu.memory_space<vmem_shared>>
      tpu.enqueue_indirect_dma source(%arg10 : memref<128x128xf32, #tpu.memory_space<vmem>>) target(%dma_start3A_138 : memref<10112x128xf32, #tpu.memory_space<vmem_shared>>) offsets(%dma_start3A_135 : memref<128xi32, #tpu.memory_space<vmem>>) semaphore(%arg16 : memref<!tpu.dma_semaphore, #tpu.memory_space<semaphore_mem>>) {add = true}
      %dma_wait3A_139 = arith.constant 0 : i32
      %dma_wait3A_140 = arith.constant 0 : i32
      %dma_wait3A_141 = tpu.memref_slice %arg9[%dma_wait3A_139, %dma_wait3A_140] : memref<8x128xi32, #tpu.memory_space<vmem>> -> memref<1x128xi32, #tpu.memory_space<vmem>>
      %dma_wait3A_142 = tpu.memref_squeeze %dma_wait3A_141 : memref<1x128xi32, #tpu.memory_space<vmem>> -> memref<128xi32, #tpu.memory_space<vmem>>
      %dma_wait3A_143 = arith.constant 0 : i32
      %dma_wait3A_144 = arith.constant 0 : i32
      %dma_wait3A_145 = tpu.memref_slice %arg13[%dma_wait3A_143, %dma_wait3A_144] : memref<10112x128xf32, #tpu.memory_space<vmem_shared>> -> memref<10112x128xf32, #tpu.memory_space<vmem_shared>>
      tpu.wait_indirect_dma semaphore(%arg16 : memref<!tpu.dma_semaphore, #tpu.memory_space<semaphore_mem>>) src(%arg10 : memref<128x128xf32, #tpu.memory_space<vmem>>) dst(%dma_wait3A_145 : memref<10112x128xf32, #tpu.memory_space<vmem_shared>>)
      %dma_start3A_146 = arith.constant 2 : i32
      %dma_start3A_147 = arith.constant 0 : i32
      %dma_start3A_148 = tpu.memref_slice %arg8[%dma_start3A_146, %dma_start3A_147] : memref<8x128xi32, #tpu.memory_space<vmem>> -> memref<1x128xi32, #tpu.memory_space<vmem>>
      %dma_start3A_149 = tpu.memref_squeeze %dma_start3A_148 : memref<1x128xi32, #tpu.memory_space<vmem>> -> memref<128xi32, #tpu.memory_space<vmem>>
      %dma_start3A_150 = arith.constant 0 : i32
      %dma_start3A_151 = arith.constant 0 : i32
      %dma_start3A_152 = tpu.memref_slice %arg2[%dma_start3A_150, %dma_start3A_151] : memref<10000x128xf32, #tpu.memory_space<hbm>> -> memref<10000x128xf32, #tpu.memory_space<hbm>>
      tpu.enqueue_indirect_dma source(%dma_start3A_152 : memref<10000x128xf32, #tpu.memory_space<hbm>>) target(%arg10 : memref<128x128xf32, #tpu.memory_space<vmem>>) offsets(%dma_start3A_149 : memref<128xi32, #tpu.memory_space<vmem>>) semaphore(%arg14 : memref<!tpu.dma_semaphore, #tpu.memory_space<semaphore_mem>>)
      %dma_wait3A_153 = arith.constant 1 : i32
      %dma_wait3A_154 = arith.constant 0 : i32
      %dma_wait3A_155 = tpu.memref_slice %arg8[%dma_wait3A_153, %dma_wait3A_154] : memref<8x128xi32, #tpu.memory_space<vmem>> -> memref<1x128xi32, #tpu.memory_space<vmem>>
      %dma_wait3A_156 = tpu.memref_squeeze %dma_wait3A_155 : memref<1x128xi32, #tpu.memory_space<vmem>> -> memref<128xi32, #tpu.memory_space<vmem>>
      %dma_wait3A_157 = arith.constant 0 : i32
      %dma_wait3A_158 = arith.constant 0 : i32
      %dma_wait3A_159 = tpu.memref_slice %arg2[%dma_wait3A_157, %dma_wait3A_158] : memref<10000x128xf32, #tpu.memory_space<hbm>> -> memref<10000x128xf32, #tpu.memory_space<hbm>>
      tpu.wait_indirect_dma semaphore(%arg15 : memref<!tpu.dma_semaphore, #tpu.memory_space<semaphore_mem>>) src(%dma_wait3A_159 : memref<10000x128xf32, #tpu.memory_space<hbm>>) dst(%arg11 : memref<128x128xf32, #tpu.memory_space<vmem>>)
      %dma_start3A_160 = arith.constant 1 : i32
      %dma_start3A_161 = arith.constant 0 : i32
      %dma_start3A_162 = tpu.memref_slice %arg9[%dma_start3A_160, %dma_start3A_161] : memref<8x128xi32, #tpu.memory_space<vmem>> -> memref<1x128xi32, #tpu.memory_space<vmem>>
      %dma_start3A_163 = tpu.memref_squeeze %dma_start3A_162 : memref<1x128xi32, #tpu.memory_space<vmem>> -> memref<128xi32, #tpu.memory_space<vmem>>
      %dma_start3A_164 = arith.constant 0 : i32
      %dma_start3A_165 = arith.constant 0 : i32
      %dma_start3A_166 = tpu.memref_slice %arg13[%dma_start3A_164, %dma_start3A_165] : memref<10112x128xf32, #tpu.memory_space<vmem_shared>> -> memref<10112x128xf32, #tpu.memory_space<vmem_shared>>
      tpu.enqueue_indirect_dma source(%arg11 : memref<128x128xf32, #tpu.memory_space<vmem>>) target(%dma_start3A_166 : memref<10112x128xf32, #tpu.memory_space<vmem_shared>>) offsets(%dma_start3A_163 : memref<128xi32, #tpu.memory_space<vmem>>) semaphore(%arg17 : memref<!tpu.dma_semaphore, #tpu.memory_space<semaphore_mem>>) {add = true}
      %dma_wait3A_167 = arith.constant 1 : i32
      %dma_wait3A_168 = arith.constant 0 : i32
      %dma_wait3A_169 = tpu.memref_slice %arg9[%dma_wait3A_167, %dma_wait3A_168] : memref<8x128xi32, #tpu.memory_space<vmem>> -> memref<1x128xi32, #tpu.memory_space<vmem>>
      %dma_wait3A_170 = tpu.memref_squeeze %dma_wait3A_169 : memref<1x128xi32, #tpu.memory_space<vmem>> -> memref<128xi32, #tpu.memory_space<vmem>>
      %dma_wait3A_171 = arith.constant 0 : i32
      %dma_wait3A_172 = arith.constant 0 : i32
      %dma_wait3A_173 = tpu.memref_slice %arg13[%dma_wait3A_171, %dma_wait3A_172] : memref<10112x128xf32, #tpu.memory_space<vmem_shared>> -> memref<10112x128xf32, #tpu.memory_space<vmem_shared>>
      tpu.wait_indirect_dma semaphore(%arg17 : memref<!tpu.dma_semaphore, #tpu.memory_space<semaphore_mem>>) src(%arg11 : memref<128x128xf32, #tpu.memory_space<vmem>>) dst(%dma_wait3A_173 : memref<10112x128xf32, #tpu.memory_space<vmem_shared>>)
      %dma_start3A_174 = arith.constant 3 : i32
      %dma_start3A_175 = arith.constant 0 : i32
      %dma_start3A_176 = tpu.memref_slice %arg8[%dma_start3A_174, %dma_start3A_175] : memref<8x128xi32, #tpu.memory_space<vmem>> -> memref<1x128xi32, #tpu.memory_space<vmem>>
      %dma_start3A_177 = tpu.memref_squeeze %dma_start3A_176 : memref<1x128xi32, #tpu.memory_space<vmem>> -> memref<128xi32, #tpu.memory_space<vmem>>
      %dma_start3A_178 = arith.constant 0 : i32
      %dma_start3A_179 = arith.constant 0 : i32
      %dma_start3A_180 = tpu.memref_slice %arg2[%dma_start3A_178, %dma_start3A_179] : memref<10000x128xf32, #tpu.memory_space<hbm>> -> memref<10000x128xf32, #tpu.memory_space<hbm>>
      tpu.enqueue_indirect_dma source(%dma_start3A_180 : memref<10000x128xf32, #tpu.memory_space<hbm>>) target(%arg11 : memref<128x128xf32, #tpu.memory_space<vmem>>) offsets(%dma_start3A_177 : memref<128xi32, #tpu.memory_space<vmem>>) semaphore(%arg15 : memref<!tpu.dma_semaphore, #tpu.memory_space<semaphore_mem>>)
      %dma_wait3A_181 = arith.constant 2 : i32
      %dma_wait3A_182 = arith.constant 0 : i32
      %dma_wait3A_183 = tpu.memref_slice %arg8[%dma_wait3A_181, %dma_wait3A_182] : memref<8x128xi32, #tpu.memory_space<vmem>> -> memref<1x128xi32, #tpu.memory_space<vmem>>
      %dma_wait3A_184 = tpu.memref_squeeze %dma_wait3A_183 : memref<1x128xi32, #tpu.memory_space<vmem>> -> memref<128xi32, #tpu.memory_space<vmem>>
      %dma_wait3A_185 = arith.constant 0 : i32
      %dma_wait3A_186 = arith.constant 0 : i32
      %dma_wait3A_187 = tpu.memref_slice %arg2[%dma_wait3A_185, %dma_wait3A_186] : memref<10000x128xf32, #tpu.memory_space<hbm>> -> memref<10000x128xf32, #tpu.memory_space<hbm>>
      tpu.wait_indirect_dma semaphore(%arg14 : memref<!tpu.dma_semaphore, #tpu.memory_space<semaphore_mem>>) src(%dma_wait3A_187 : memref<10000x128xf32, #tpu.memory_space<hbm>>) dst(%arg10 : memref<128x128xf32, #tpu.memory_space<vmem>>)
      %dma_start3A_188 = arith.constant 2 : i32
      %dma_start3A_189 = arith.constant 0 : i32
      %dma_start3A_190 = tpu.memref_slice %arg9[%dma_start3A_188, %dma_start3A_189] : memref<8x128xi32, #tpu.memory_space<vmem>> -> memref<1x128xi32, #tpu.memory_space<vmem>>
      %dma_start3A_191 = tpu.memref_squeeze %dma_start3A_190 : memref<1x128xi32, #tpu.memory_space<vmem>> -> memref<128xi32, #tpu.memory_space<vmem>>
      %dma_start3A_192 = arith.constant 0 : i32
      %dma_start3A_193 = arith.constant 0 : i32
      %dma_start3A_194 = tpu.memref_slice %arg13[%dma_start3A_192, %dma_start3A_193] : memref<10112x128xf32, #tpu.memory_space<vmem_shared>> -> memref<10112x128xf32, #tpu.memory_space<vmem_shared>>
      tpu.enqueue_indirect_dma source(%arg10 : memref<128x128xf32, #tpu.memory_space<vmem>>) target(%dma_start3A_194 : memref<10112x128xf32, #tpu.memory_space<vmem_shared>>) offsets(%dma_start3A_191 : memref<128xi32, #tpu.memory_space<vmem>>) semaphore(%arg16 : memref<!tpu.dma_semaphore, #tpu.memory_space<semaphore_mem>>) {add = true}
      %dma_wait3A_195 = arith.constant 2 : i32
      %dma_wait3A_196 = arith.constant 0 : i32
      %dma_wait3A_197 = tpu.memref_slice %arg9[%dma_wait3A_195, %dma_wait3A_196] : memref<8x128xi32, #tpu.memory_space<vmem>> -> memref<1x128xi32, #tpu.memory_space<vmem>>
      %dma_wait3A_198 = tpu.memref_squeeze %dma_wait3A_197 : memref<1x128xi32, #tpu.memory_space<vmem>> -> memref<128xi32, #tpu.memory_space<vmem>>
      %dma_wait3A_199 = arith.constant 0 : i32
      %dma_wait3A_200 = arith.constant 0 : i32
      %dma_wait3A_201 = tpu.memref_slice %arg13[%dma_wait3A_199, %dma_wait3A_200] : memref<10112x128xf32, #tpu.memory_space<vmem_shared>> -> memref<10112x128xf32, #tpu.memory_space<vmem_shared>>
      tpu.wait_indirect_dma semaphore(%arg16 : memref<!tpu.dma_semaphore, #tpu.memory_space<semaphore_mem>>) src(%arg10 : memref<128x128xf32, #tpu.memory_space<vmem>>) dst(%dma_wait3A_201 : memref<10112x128xf32, #tpu.memory_space<vmem_shared>>)
      %dma_start3A_202 = arith.constant 4 : i32
      %dma_start3A_203 = arith.constant 0 : i32
      %dma_start3A_204 = tpu.memref_slice %arg8[%dma_start3A_202, %dma_start3A_203] : memref<8x128xi32, #tpu.memory_space<vmem>> -> memref<1x128xi32, #tpu.memory_space<vmem>>
      %dma_start3A_205 = tpu.memref_squeeze %dma_start3A_204 : memref<1x128xi32, #tpu.memory_space<vmem>> -> memref<128xi32, #tpu.memory_space<vmem>>
      %dma_start3A_206 = arith.constant 0 : i32
      %dma_start3A_207 = arith.constant 0 : i32
      %dma_start3A_208 = tpu.memref_slice %arg2[%dma_start3A_206, %dma_start3A_207] : memref<10000x128xf32, #tpu.memory_space<hbm>> -> memref<10000x128xf32, #tpu.memory_space<hbm>>
      tpu.enqueue_indirect_dma source(%dma_start3A_208 : memref<10000x128xf32, #tpu.memory_space<hbm>>) target(%arg10 : memref<128x128xf32, #tpu.memory_space<vmem>>) offsets(%dma_start3A_205 : memref<128xi32, #tpu.memory_space<vmem>>) semaphore(%arg14 : memref<!tpu.dma_semaphore, #tpu.memory_space<semaphore_mem>>)
      %dma_wait3A_209 = arith.constant 3 : i32
      %dma_wait3A_210 = arith.constant 0 : i32
      %dma_wait3A_211 = tpu.memref_slice %arg8[%dma_wait3A_209, %dma_wait3A_210] : memref<8x128xi32, #tpu.memory_space<vmem>> -> memref<1x128xi32, #tpu.memory_space<vmem>>
      %dma_wait3A_212 = tpu.memref_squeeze %dma_wait3A_211 : memref<1x128xi32, #tpu.memory_space<vmem>> -> memref<128xi32, #tpu.memory_space<vmem>>
      %dma_wait3A_213 = arith.constant 0 : i32
      %dma_wait3A_214 = arith.constant 0 : i32
      %dma_wait3A_215 = tpu.memref_slice %arg2[%dma_wait3A_213, %dma_wait3A_214] : memref<10000x128xf32, #tpu.memory_space<hbm>> -> memref<10000x128xf32, #tpu.memory_space<hbm>>
      tpu.wait_indirect_dma semaphore(%arg15 : memref<!tpu.dma_semaphore, #tpu.memory_space<semaphore_mem>>) src(%dma_wait3A_215 : memref<10000x128xf32, #tpu.memory_space<hbm>>) dst(%arg11 : memref<128x128xf32, #tpu.memory_space<vmem>>)
      %dma_start3A_216 = arith.constant 3 : i32
      %dma_start3A_217 = arith.constant 0 : i32
      %dma_start3A_218 = tpu.memref_slice %arg9[%dma_start3A_216, %dma_start3A_217] : memref<8x128xi32, #tpu.memory_space<vmem>> -> memref<1x128xi32, #tpu.memory_space<vmem>>
      %dma_start3A_219 = tpu.memref_squeeze %dma_start3A_218 : memref<1x128xi32, #tpu.memory_space<vmem>> -> memref<128xi32, #tpu.memory_space<vmem>>
      %dma_start3A_220 = arith.constant 0 : i32
      %dma_start3A_221 = arith.constant 0 : i32
      %dma_start3A_222 = tpu.memref_slice %arg13[%dma_start3A_220, %dma_start3A_221] : memref<10112x128xf32, #tpu.memory_space<vmem_shared>> -> memref<10112x128xf32, #tpu.memory_space<vmem_shared>>
      tpu.enqueue_indirect_dma source(%arg11 : memref<128x128xf32, #tpu.memory_space<vmem>>) target(%dma_start3A_222 : memref<10112x128xf32, #tpu.memory_space<vmem_shared>>) offsets(%dma_start3A_219 : memref<128xi32, #tpu.memory_space<vmem>>) semaphore(%arg17 : memref<!tpu.dma_semaphore, #tpu.memory_space<semaphore_mem>>) {add = true}
      %dma_wait3A_223 = arith.constant 3 : i32
      %dma_wait3A_224 = arith.constant 0 : i32
      %dma_wait3A_225 = tpu.memref_slice %arg9[%dma_wait3A_223, %dma_wait3A_224] : memref<8x128xi32, #tpu.memory_space<vmem>> -> memref<1x128xi32, #tpu.memory_space<vmem>>
      %dma_wait3A_226 = tpu.memref_squeeze %dma_wait3A_225 : memref<1x128xi32, #tpu.memory_space<vmem>> -> memref<128xi32, #tpu.memory_space<vmem>>
      %dma_wait3A_227 = arith.constant 0 : i32
      %dma_wait3A_228 = arith.constant 0 : i32
      %dma_wait3A_229 = tpu.memref_slice %arg13[%dma_wait3A_227, %dma_wait3A_228] : memref<10112x128xf32, #tpu.memory_space<vmem_shared>> -> memref<10112x128xf32, #tpu.memory_space<vmem_shared>>
      tpu.wait_indirect_dma semaphore(%arg17 : memref<!tpu.dma_semaphore, #tpu.memory_space<semaphore_mem>>) src(%arg11 : memref<128x128xf32, #tpu.memory_space<vmem>>) dst(%dma_wait3A_229 : memref<10112x128xf32, #tpu.memory_space<vmem_shared>>)
      %dma_start3A_230 = arith.constant 5 : i32
      %dma_start3A_231 = arith.constant 0 : i32
      %dma_start3A_232 = tpu.memref_slice %arg8[%dma_start3A_230, %dma_start3A_231] : memref<8x128xi32, #tpu.memory_space<vmem>> -> memref<1x128xi32, #tpu.memory_space<vmem>>
      %dma_start3A_233 = tpu.memref_squeeze %dma_start3A_232 : memref<1x128xi32, #tpu.memory_space<vmem>> -> memref<128xi32, #tpu.memory_space<vmem>>
      %dma_start3A_234 = arith.constant 0 : i32
      %dma_start3A_235 = arith.constant 0 : i32
      %dma_start3A_236 = tpu.memref_slice %arg2[%dma_start3A_234, %dma_start3A_235] : memref<10000x128xf32, #tpu.memory_space<hbm>> -> memref<10000x128xf32, #tpu.memory_space<hbm>>
      tpu.enqueue_indirect_dma source(%dma_start3A_236 : memref<10000x128xf32, #tpu.memory_space<hbm>>) target(%arg11 : memref<128x128xf32, #tpu.memory_space<vmem>>) offsets(%dma_start3A_233 : memref<128xi32, #tpu.memory_space<vmem>>) semaphore(%arg15 : memref<!tpu.dma_semaphore, #tpu.memory_space<semaphore_mem>>)
      %dma_wait3A_237 = arith.constant 4 : i32
      %dma_wait3A_238 = arith.constant 0 : i32
      %dma_wait3A_239 = tpu.memref_slice %arg8[%dma_wait3A_237, %dma_wait3A_238] : memref<8x128xi32, #tpu.memory_space<vmem>> -> memref<1x128xi32, #tpu.memory_space<vmem>>
      %dma_wait3A_240 = tpu.memref_squeeze %dma_wait3A_239 : memref<1x128xi32, #tpu.memory_space<vmem>> -> memref<128xi32, #tpu.memory_space<vmem>>
      %dma_wait3A_241 = arith.constant 0 : i32
      %dma_wait3A_242 = arith.constant 0 : i32
      %dma_wait3A_243 = tpu.memref_slice %arg2[%dma_wait3A_241, %dma_wait3A_242] : memref<10000x128xf32, #tpu.memory_space<hbm>> -> memref<10000x128xf32, #tpu.memory_space<hbm>>
      tpu.wait_indirect_dma semaphore(%arg14 : memref<!tpu.dma_semaphore, #tpu.memory_space<semaphore_mem>>) src(%dma_wait3A_243 : memref<10000x128xf32, #tpu.memory_space<hbm>>) dst(%arg10 : memref<128x128xf32, #tpu.memory_space<vmem>>)
      %dma_start3A_244 = arith.constant 4 : i32
      %dma_start3A_245 = arith.constant 0 : i32
      %dma_start3A_246 = tpu.memref_slice %arg9[%dma_start3A_244, %dma_start3A_245] : memref<8x128xi32, #tpu.memory_space<vmem>> -> memref<1x128xi32, #tpu.memory_space<vmem>>
      %dma_start3A_247 = tpu.memref_squeeze %dma_start3A_246 : memref<1x128xi32, #tpu.memory_space<vmem>> -> memref<128xi32, #tpu.memory_space<vmem>>
      %dma_start3A_248 = arith.constant 0 : i32
      %dma_start3A_249 = arith.constant 0 : i32
      %dma_start3A_250 = tpu.memref_slice %arg13[%dma_start3A_248, %dma_start3A_249] : memref<10112x128xf32, #tpu.memory_space<vmem_shared>> -> memref<10112x128xf32, #tpu.memory_space<vmem_shared>>
      tpu.enqueue_indirect_dma source(%arg10 : memref<128x128xf32, #tpu.memory_space<vmem>>) target(%dma_start3A_250 : memref<10112x128xf32, #tpu.memory_space<vmem_shared>>) offsets(%dma_start3A_247 : memref<128xi32, #tpu.memory_space<vmem>>) semaphore(%arg16 : memref<!tpu.dma_semaphore, #tpu.memory_space<semaphore_mem>>) {add = true}
      %dma_wait3A_251 = arith.constant 4 : i32
      %dma_wait3A_252 = arith.constant 0 : i32
      %dma_wait3A_253 = tpu.memref_slice %arg9[%dma_wait3A_251, %dma_wait3A_252] : memref<8x128xi32, #tpu.memory_space<vmem>> -> memref<1x128xi32, #tpu.memory_space<vmem>>
      %dma_wait3A_254 = tpu.memref_squeeze %dma_wait3A_253 : memref<1x128xi32, #tpu.memory_space<vmem>> -> memref<128xi32, #tpu.memory_space<vmem>>
      %dma_wait3A_255 = arith.constant 0 : i32
      %dma_wait3A_256 = arith.constant 0 : i32
      %dma_wait3A_257 = tpu.memref_slice %arg13[%dma_wait3A_255, %dma_wait3A_256] : memref<10112x128xf32, #tpu.memory_space<vmem_shared>> -> memref<10112x128xf32, #tpu.memory_space<vmem_shared>>
      tpu.wait_indirect_dma semaphore(%arg16 : memref<!tpu.dma_semaphore, #tpu.memory_space<semaphore_mem>>) src(%arg10 : memref<128x128xf32, #tpu.memory_space<vmem>>) dst(%dma_wait3A_257 : memref<10112x128xf32, #tpu.memory_space<vmem_shared>>)
      %dma_start3A_258 = arith.constant 6 : i32
      %dma_start3A_259 = arith.constant 0 : i32
      %dma_start3A_260 = tpu.memref_slice %arg8[%dma_start3A_258, %dma_start3A_259] : memref<8x128xi32, #tpu.memory_space<vmem>> -> memref<1x128xi32, #tpu.memory_space<vmem>>
      %dma_start3A_261 = tpu.memref_squeeze %dma_start3A_260 : memref<1x128xi32, #tpu.memory_space<vmem>> -> memref<128xi32, #tpu.memory_space<vmem>>
      %dma_start3A_262 = arith.constant 0 : i32
      %dma_start3A_263 = arith.constant 0 : i32
      %dma_start3A_264 = tpu.memref_slice %arg2[%dma_start3A_262, %dma_start3A_263] : memref<10000x128xf32, #tpu.memory_space<hbm>> -> memref<10000x128xf32, #tpu.memory_space<hbm>>
      tpu.enqueue_indirect_dma source(%dma_start3A_264 : memref<10000x128xf32, #tpu.memory_space<hbm>>) target(%arg10 : memref<128x128xf32, #tpu.memory_space<vmem>>) offsets(%dma_start3A_261 : memref<128xi32, #tpu.memory_space<vmem>>) semaphore(%arg14 : memref<!tpu.dma_semaphore, #tpu.memory_space<semaphore_mem>>)
      %dma_wait3A_265 = arith.constant 5 : i32
      %dma_wait3A_266 = arith.constant 0 : i32
      %dma_wait3A_267 = tpu.memref_slice %arg8[%dma_wait3A_265, %dma_wait3A_266] : memref<8x128xi32, #tpu.memory_space<vmem>> -> memref<1x128xi32, #tpu.memory_space<vmem>>
      %dma_wait3A_268 = tpu.memref_squeeze %dma_wait3A_267 : memref<1x128xi32, #tpu.memory_space<vmem>> -> memref<128xi32, #tpu.memory_space<vmem>>
      %dma_wait3A_269 = arith.constant 0 : i32
      %dma_wait3A_270 = arith.constant 0 : i32
      %dma_wait3A_271 = tpu.memref_slice %arg2[%dma_wait3A_269, %dma_wait3A_270] : memref<10000x128xf32, #tpu.memory_space<hbm>> -> memref<10000x128xf32, #tpu.memory_space<hbm>>
      tpu.wait_indirect_dma semaphore(%arg15 : memref<!tpu.dma_semaphore, #tpu.memory_space<semaphore_mem>>) src(%dma_wait3A_271 : memref<10000x128xf32, #tpu.memory_space<hbm>>) dst(%arg11 : memref<128x128xf32, #tpu.memory_space<vmem>>)
      %dma_start3A_272 = arith.constant 5 : i32
      %dma_start3A_273 = arith.constant 0 : i32
      %dma_start3A_274 = tpu.memref_slice %arg9[%dma_start3A_272, %dma_start3A_273] : memref<8x128xi32, #tpu.memory_space<vmem>> -> memref<1x128xi32, #tpu.memory_space<vmem>>
      %dma_start3A_275 = tpu.memref_squeeze %dma_start3A_274 : memref<1x128xi32, #tpu.memory_space<vmem>> -> memref<128xi32, #tpu.memory_space<vmem>>
      %dma_start3A_276 = arith.constant 0 : i32
      %dma_start3A_277 = arith.constant 0 : i32
      %dma_start3A_278 = tpu.memref_slice %arg13[%dma_start3A_276, %dma_start3A_277] : memref<10112x128xf32, #tpu.memory_space<vmem_shared>> -> memref<10112x128xf32, #tpu.memory_space<vmem_shared>>
      tpu.enqueue_indirect_dma source(%arg11 : memref<128x128xf32, #tpu.memory_space<vmem>>) target(%dma_start3A_278 : memref<10112x128xf32, #tpu.memory_space<vmem_shared>>) offsets(%dma_start3A_275 : memref<128xi32, #tpu.memory_space<vmem>>) semaphore(%arg17 : memref<!tpu.dma_semaphore, #tpu.memory_space<semaphore_mem>>) {add = true}
      %dma_wait3A_279 = arith.constant 5 : i32
      %dma_wait3A_280 = arith.constant 0 : i32
      %dma_wait3A_281 = tpu.memref_slice %arg9[%dma_wait3A_279, %dma_wait3A_280] : memref<8x128xi32, #tpu.memory_space<vmem>> -> memref<1x128xi32, #tpu.memory_space<vmem>>
      %dma_wait3A_282 = tpu.memref_squeeze %dma_wait3A_281 : memref<1x128xi32, #tpu.memory_space<vmem>> -> memref<128xi32, #tpu.memory_space<vmem>>
      %dma_wait3A_283 = arith.constant 0 : i32
      %dma_wait3A_284 = arith.constant 0 : i32
      %dma_wait3A_285 = tpu.memref_slice %arg13[%dma_wait3A_283, %dma_wait3A_284] : memref<10112x128xf32, #tpu.memory_space<vmem_shared>> -> memref<10112x128xf32, #tpu.memory_space<vmem_shared>>
      tpu.wait_indirect_dma semaphore(%arg17 : memref<!tpu.dma_semaphore, #tpu.memory_space<semaphore_mem>>) src(%arg11 : memref<128x128xf32, #tpu.memory_space<vmem>>) dst(%dma_wait3A_285 : memref<10112x128xf32, #tpu.memory_space<vmem_shared>>)
      %dma_start3A_286 = arith.constant 7 : i32
      %dma_start3A_287 = arith.constant 0 : i32
      %dma_start3A_288 = tpu.memref_slice %arg8[%dma_start3A_286, %dma_start3A_287] : memref<8x128xi32, #tpu.memory_space<vmem>> -> memref<1x128xi32, #tpu.memory_space<vmem>>
      %dma_start3A_289 = tpu.memref_squeeze %dma_start3A_288 : memref<1x128xi32, #tpu.memory_space<vmem>> -> memref<128xi32, #tpu.memory_space<vmem>>
      %dma_start3A_290 = arith.constant 0 : i32
      %dma_start3A_291 = arith.constant 0 : i32
      %dma_start3A_292 = tpu.memref_slice %arg2[%dma_start3A_290, %dma_start3A_291] : memref<10000x128xf32, #tpu.memory_space<hbm>> -> memref<10000x128xf32, #tpu.memory_space<hbm>>
      tpu.enqueue_indirect_dma source(%dma_start3A_292 : memref<10000x128xf32, #tpu.memory_space<hbm>>) target(%arg11 : memref<128x128xf32, #tpu.memory_space<vmem>>) offsets(%dma_start3A_289 : memref<128xi32, #tpu.memory_space<vmem>>) semaphore(%arg15 : memref<!tpu.dma_semaphore, #tpu.memory_space<semaphore_mem>>)
      %dma_wait3A_293 = arith.constant 6 : i32
      %dma_wait3A_294 = arith.constant 0 : i32
      %dma_wait3A_295 = tpu.memref_slice %arg8[%dma_wait3A_293, %dma_wait3A_294] : memref<8x128xi32, #tpu.memory_space<vmem>> -> memref<1x128xi32, #tpu.memory_space<vmem>>
      %dma_wait3A_296 = tpu.memref_squeeze %dma_wait3A_295 : memref<1x128xi32, #tpu.memory_space<vmem>> -> memref<128xi32, #tpu.memory_space<vmem>>
      %dma_wait3A_297 = arith.constant 0 : i32
      %dma_wait3A_298 = arith.constant 0 : i32
      %dma_wait3A_299 = tpu.memref_slice %arg2[%dma_wait3A_297, %dma_wait3A_298] : memref<10000x128xf32, #tpu.memory_space<hbm>> -> memref<10000x128xf32, #tpu.memory_space<hbm>>
      tpu.wait_indirect_dma semaphore(%arg14 : memref<!tpu.dma_semaphore, #tpu.memory_space<semaphore_mem>>) src(%dma_wait3A_299 : memref<10000x128xf32, #tpu.memory_space<hbm>>) dst(%arg10 : memref<128x128xf32, #tpu.memory_space<vmem>>)
      %dma_start3A_300 = arith.constant 6 : i32
      %dma_start3A_301 = arith.constant 0 : i32
      %dma_start3A_302 = tpu.memref_slice %arg9[%dma_start3A_300, %dma_start3A_301] : memref<8x128xi32, #tpu.memory_space<vmem>> -> memref<1x128xi32, #tpu.memory_space<vmem>>
      %dma_start3A_303 = tpu.memref_squeeze %dma_start3A_302 : memref<1x128xi32, #tpu.memory_space<vmem>> -> memref<128xi32, #tpu.memory_space<vmem>>
      %dma_start3A_304 = arith.constant 0 : i32
      %dma_start3A_305 = arith.constant 0 : i32
      %dma_start3A_306 = tpu.memref_slice %arg13[%dma_start3A_304, %dma_start3A_305] : memref<10112x128xf32, #tpu.memory_space<vmem_shared>> -> memref<10112x128xf32, #tpu.memory_space<vmem_shared>>
      tpu.enqueue_indirect_dma source(%arg10 : memref<128x128xf32, #tpu.memory_space<vmem>>) target(%dma_start3A_306 : memref<10112x128xf32, #tpu.memory_space<vmem_shared>>) offsets(%dma_start3A_303 : memref<128xi32, #tpu.memory_space<vmem>>) semaphore(%arg16 : memref<!tpu.dma_semaphore, #tpu.memory_space<semaphore_mem>>) {add = true}
      %dma_wait3A_307 = arith.constant 7 : i32
      %dma_wait3A_308 = arith.constant 0 : i32
      %dma_wait3A_309 = tpu.memref_slice %arg8[%dma_wait3A_307, %dma_wait3A_308] : memref<8x128xi32, #tpu.memory_space<vmem>> -> memref<1x128xi32, #tpu.memory_space<vmem>>
      %dma_wait3A_310 = tpu.memref_squeeze %dma_wait3A_309 : memref<1x128xi32, #tpu.memory_space<vmem>> -> memref<128xi32, #tpu.memory_space<vmem>>
      %dma_wait3A_311 = arith.constant 0 : i32
      %dma_wait3A_312 = arith.constant 0 : i32
      %dma_wait3A_313 = tpu.memref_slice %arg2[%dma_wait3A_311, %dma_wait3A_312] : memref<10000x128xf32, #tpu.memory_space<hbm>> -> memref<10000x128xf32, #tpu.memory_space<hbm>>
      tpu.wait_indirect_dma semaphore(%arg15 : memref<!tpu.dma_semaphore, #tpu.memory_space<semaphore_mem>>) src(%dma_wait3A_313 : memref<10000x128xf32, #tpu.memory_space<hbm>>) dst(%arg11 : memref<128x128xf32, #tpu.memory_space<vmem>>)
      %dma_start3A_314 = arith.constant 7 : i32
      %dma_start3A_315 = arith.constant 0 : i32
      %dma_start3A_316 = tpu.memref_slice %arg9[%dma_start3A_314, %dma_start3A_315] : memref<8x128xi32, #tpu.memory_space<vmem>> -> memref<1x128xi32, #tpu.memory_space<vmem>>
      %dma_start3A_317 = tpu.memref_squeeze %dma_start3A_316 : memref<1x128xi32, #tpu.memory_space<vmem>> -> memref<128xi32, #tpu.memory_space<vmem>>
      %dma_start3A_318 = arith.constant 0 : i32
      %dma_start3A_319 = arith.constant 0 : i32
      %dma_start3A_320 = tpu.memref_slice %arg13[%dma_start3A_318, %dma_start3A_319] : memref<10112x128xf32, #tpu.memory_space<vmem_shared>> -> memref<10112x128xf32, #tpu.memory_space<vmem_shared>>
      tpu.enqueue_indirect_dma source(%arg11 : memref<128x128xf32, #tpu.memory_space<vmem>>) target(%dma_start3A_320 : memref<10112x128xf32, #tpu.memory_space<vmem_shared>>) offsets(%dma_start3A_317 : memref<128xi32, #tpu.memory_space<vmem>>) semaphore(%arg17 : memref<!tpu.dma_semaphore, #tpu.memory_space<semaphore_mem>>) {add = true}
      %dma_wait3A_321 = arith.constant 6 : i32
      %dma_wait3A_322 = arith.constant 0 : i32
      %dma_wait3A_323 = tpu.memref_slice %arg9[%dma_wait3A_321, %dma_wait3A_322] : memref<8x128xi32, #tpu.memory_space<vmem>> -> memref<1x128xi32, #tpu.memory_space<vmem>>
      %dma_wait3A_324 = tpu.memref_squeeze %dma_wait3A_323 : memref<1x128xi32, #tpu.memory_space<vmem>> -> memref<128xi32, #tpu.memory_space<vmem>>
      %dma_wait3A_325 = arith.constant 0 : i32
      %dma_wait3A_326 = arith.constant 0 : i32
      %dma_wait3A_327 = tpu.memref_slice %arg13[%dma_wait3A_325, %dma_wait3A_326] : memref<10112x128xf32, #tpu.memory_space<vmem_shared>> -> memref<10112x128xf32, #tpu.memory_space<vmem_shared>>
      tpu.wait_indirect_dma semaphore(%arg16 : memref<!tpu.dma_semaphore, #tpu.memory_space<semaphore_mem>>) src(%arg10 : memref<128x128xf32, #tpu.memory_space<vmem>>) dst(%dma_wait3A_327 : memref<10112x128xf32, #tpu.memory_space<vmem_shared>>)
      %dma_wait3A_328 = arith.constant 7 : i32
      %dma_wait3A_329 = arith.constant 0 : i32
      %dma_wait3A_330 = tpu.memref_slice %arg9[%dma_wait3A_328, %dma_wait3A_329] : memref<8x128xi32, #tpu.memory_space<vmem>> -> memref<1x128xi32, #tpu.memory_space<vmem>>
      %dma_wait3A_331 = tpu.memref_squeeze %dma_wait3A_330 : memref<1x128xi32, #tpu.memory_space<vmem>> -> memref<128xi32, #tpu.memory_space<vmem>>
      %dma_wait3A_332 = arith.constant 0 : i32
      %dma_wait3A_333 = arith.constant 0 : i32
      %dma_wait3A_334 = tpu.memref_slice %arg13[%dma_wait3A_332, %dma_wait3A_333] : memref<10112x128xf32, #tpu.memory_space<vmem_shared>> -> memref<10112x128xf32, #tpu.memory_space<vmem_shared>>
      tpu.wait_indirect_dma semaphore(%arg17 : memref<!tpu.dma_semaphore, #tpu.memory_space<semaphore_mem>>) src(%arg11 : memref<128x128xf32, #tpu.memory_space<vmem>>) dst(%dma_wait3A_334 : memref<10112x128xf32, #tpu.memory_space<vmem_shared>>)
    }
    %barrier3A_34 = arith.constant 0 : index
    tpu.barrier barrier_id(%barrier3A_34)
    %mul3A_35 = arith.constant 8 : i32
    %mul3A_36 = arith.muli %arg1, %mul3A_35 : i32
    %add3A_37 = arith.constant 0 : i32
    %add3A_38 = arith.addi %mul3A_36, %add3A_37 : i32
    %lt3A = arith.constant 79 : i32
    %lt3A_39 = arith.cmpi slt, %add3A_38, %lt3A : i32
    %convert_element_type3A = arith.extui %lt3A_39 : i1 to i32
    %cond3A = arith.constant 0 : i32
    %cond3A_40 = arith.cmpi ne, %convert_element_type3A, %cond3A : i32
    scf.if %cond3A_40 {
      %dma_start3A = arith.constant 0 : i32
      %dma_start3A_104 = arith.constant 0 : i32
      %dma_start3A_105 = tpu.memref_slice %arg12[%dma_start3A, %dma_start3A_104] : memref<8x128xi32, #tpu.memory_space<vmem>> -> memref<1x128xi32, #tpu.memory_space<vmem>>
      %dma_start3A_106 = tpu.memref_squeeze %dma_start3A_105 : memref<1x128xi32, #tpu.memory_space<vmem>> -> memref<128xi32, #tpu.memory_space<vmem>>
      %dma_start3A_107 = arith.constant 0 : i32
      %dma_start3A_108 = arith.constant 0 : i32
      %dma_start3A_109 = tpu.memref_slice %arg13[%dma_start3A_107, %dma_start3A_108] : memref<10112x128xf32, #tpu.memory_space<vmem_shared>> -> memref<10112x128xf32, #tpu.memory_space<vmem_shared>>
      tpu.enqueue_indirect_dma source(%dma_start3A_109 : memref<10112x128xf32, #tpu.memory_space<vmem_shared>>) target(%arg10 : memref<128x128xf32, #tpu.memory_space<vmem>>) offsets(%dma_start3A_106 : memref<128xi32, #tpu.memory_space<vmem>>) semaphore(%arg14 : memref<!tpu.dma_semaphore, #tpu.memory_space<semaphore_mem>>)
      %dma_wait3A = arith.constant 0 : i32
      %dma_wait3A_110 = arith.constant 0 : i32
      %dma_wait3A_111 = tpu.memref_slice %arg12[%dma_wait3A, %dma_wait3A_110] : memref<8x128xi32, #tpu.memory_space<vmem>> -> memref<1x128xi32, #tpu.memory_space<vmem>>
      %dma_wait3A_112 = tpu.memref_squeeze %dma_wait3A_111 : memref<1x128xi32, #tpu.memory_space<vmem>> -> memref<128xi32, #tpu.memory_space<vmem>>
      %dma_wait3A_113 = arith.constant 0 : i32
      %dma_wait3A_114 = arith.constant 0 : i32
      %dma_wait3A_115 = tpu.memref_slice %arg13[%dma_wait3A_113, %dma_wait3A_114] : memref<10112x128xf32, #tpu.memory_space<vmem_shared>> -> memref<10112x128xf32, #tpu.memory_space<vmem_shared>>
      tpu.wait_indirect_dma semaphore(%arg14 : memref<!tpu.dma_semaphore, #tpu.memory_space<semaphore_mem>>) src(%dma_wait3A_115 : memref<10112x128xf32, #tpu.memory_space<vmem_shared>>) dst(%arg10 : memref<128x128xf32, #tpu.memory_space<vmem>>)
      %mul3A_116 = arith.constant 10112 : i32
      %mul3A_117 = arith.muli %arg0, %mul3A_116 : i32
      %mul3A_118 = arith.constant 128 : i32
      %mul3A_119 = arith.muli %add3A_38, %mul3A_118 : i32
      %add3A_120 = arith.addi %mul3A_117, %mul3A_119 : i32
      "tpu.region"() ({
        %run_scoped3A_121 = tpu.sem_alloc : memref<!tpu.dma_semaphore, #tpu.memory_space<semaphore_mem>>
        %dma_start3A_122 = arith.constant 0 : i32
        %dma_start3A_123 = tpu.memref_slice %arg7[%add3A_120, %dma_start3A_122] : memref<20224x128xf32, #tpu.memory_space<hbm>> -> memref<128x128xf32, #tpu.memory_space<hbm>>
        %dma_start3A_124 = arith.constant 0 : i32
        %dma_start3A_125 = tpu.memref_slice %arg7[%add3A_120, %dma_start3A_124] : memref<20224x128xf32, #tpu.memory_space<hbm>> -> memref<128x128xf32, #tpu.memory_space<hbm>>
        tpu.enqueue_dma source(%arg10 : memref<128x128xf32, #tpu.memory_space<vmem>>) target(%dma_start3A_125 : memref<128x128xf32, #tpu.memory_space<hbm>>) target_semaphore(%run_scoped3A_121 : memref<!tpu.dma_semaphore, #tpu.memory_space<semaphore_mem>>)
        %dma_wait3A_126 = arith.constant 0 : i32
        %dma_wait3A_127 = tpu.memref_slice %arg7[%add3A_120, %dma_wait3A_126] : memref<20224x128xf32, #tpu.memory_space<hbm>> -> memref<128x128xf32, #tpu.memory_space<hbm>>
        %dma_wait3A_128 = arith.constant 0 : i32
        %dma_wait3A_129 = tpu.memref_slice %arg7[%add3A_120, %dma_wait3A_128] : memref<20224x128xf32, #tpu.memory_space<hbm>> -> memref<128x128xf32, #tpu.memory_space<hbm>>
        tpu.wait_dma2 semaphore(%run_scoped3A_121 : memref<!tpu.dma_semaphore, #tpu.memory_space<semaphore_mem>>) src(%arg10 : memref<128x128xf32, #tpu.memory_space<vmem>>) dst(%dma_wait3A_129 : memref<128x128xf32, #tpu.memory_space<hbm>>)
        tpu.yield
      }) : () -> ()
    } else {
    }
    %mul3A_41 = arith.constant 8 : i32
    %mul3A_42 = arith.muli %arg1, %mul3A_41 : i32
    %add3A_43 = arith.constant 1 : i32
    %add3A_44 = arith.addi %mul3A_42, %add3A_43 : i32
    %lt3A_45 = arith.constant 79 : i32
    %lt3A_46 = arith.cmpi slt, %add3A_44, %lt3A_45 : i32
    %convert_element_type3A_47 = arith.extui %lt3A_46 : i1 to i32
    %cond3A_48 = arith.constant 0 : i32
    %cond3A_49 = arith.cmpi ne, %convert_element_type3A_47, %cond3A_48 : i32
    scf.if %cond3A_49 {
      %dma_start3A = arith.constant 1 : i32
      %dma_start3A_104 = arith.constant 0 : i32
      %dma_start3A_105 = tpu.memref_slice %arg12[%dma_start3A, %dma_start3A_104] : memref<8x128xi32, #tpu.memory_space<vmem>> -> memref<1x128xi32, #tpu.memory_space<vmem>>
      %dma_start3A_106 = tpu.memref_squeeze %dma_start3A_105 : memref<1x128xi32, #tpu.memory_space<vmem>> -> memref<128xi32, #tpu.memory_space<vmem>>
      %dma_start3A_107 = arith.constant 0 : i32
      %dma_start3A_108 = arith.constant 0 : i32
      %dma_start3A_109 = tpu.memref_slice %arg13[%dma_start3A_107, %dma_start3A_108] : memref<10112x128xf32, #tpu.memory_space<vmem_shared>> -> memref<10112x128xf32, #tpu.memory_space<vmem_shared>>
      tpu.enqueue_indirect_dma source(%dma_start3A_109 : memref<10112x128xf32, #tpu.memory_space<vmem_shared>>) target(%arg10 : memref<128x128xf32, #tpu.memory_space<vmem>>) offsets(%dma_start3A_106 : memref<128xi32, #tpu.memory_space<vmem>>) semaphore(%arg14 : memref<!tpu.dma_semaphore, #tpu.memory_space<semaphore_mem>>)
      %dma_wait3A = arith.constant 1 : i32
      %dma_wait3A_110 = arith.constant 0 : i32
      %dma_wait3A_111 = tpu.memref_slice %arg12[%dma_wait3A, %dma_wait3A_110] : memref<8x128xi32, #tpu.memory_space<vmem>> -> memref<1x128xi32, #tpu.memory_space<vmem>>
      %dma_wait3A_112 = tpu.memref_squeeze %dma_wait3A_111 : memref<1x128xi32, #tpu.memory_space<vmem>> -> memref<128xi32, #tpu.memory_space<vmem>>
      %dma_wait3A_113 = arith.constant 0 : i32
      %dma_wait3A_114 = arith.constant 0 : i32
      %dma_wait3A_115 = tpu.memref_slice %arg13[%dma_wait3A_113, %dma_wait3A_114] : memref<10112x128xf32, #tpu.memory_space<vmem_shared>> -> memref<10112x128xf32, #tpu.memory_space<vmem_shared>>
      tpu.wait_indirect_dma semaphore(%arg14 : memref<!tpu.dma_semaphore, #tpu.memory_space<semaphore_mem>>) src(%dma_wait3A_115 : memref<10112x128xf32, #tpu.memory_space<vmem_shared>>) dst(%arg10 : memref<128x128xf32, #tpu.memory_space<vmem>>)
      %mul3A_116 = arith.constant 10112 : i32
      %mul3A_117 = arith.muli %arg0, %mul3A_116 : i32
      %mul3A_118 = arith.constant 128 : i32
      %mul3A_119 = arith.muli %add3A_44, %mul3A_118 : i32
      %add3A_120 = arith.addi %mul3A_117, %mul3A_119 : i32
      "tpu.region"() ({
        %run_scoped3A_121 = tpu.sem_alloc : memref<!tpu.dma_semaphore, #tpu.memory_space<semaphore_mem>>
        %dma_start3A_122 = arith.constant 0 : i32
        %dma_start3A_123 = tpu.memref_slice %arg7[%add3A_120, %dma_start3A_122] : memref<20224x128xf32, #tpu.memory_space<hbm>> -> memref<128x128xf32, #tpu.memory_space<hbm>>
        %dma_start3A_124 = arith.constant 0 : i32
        %dma_start3A_125 = tpu.memref_slice %arg7[%add3A_120, %dma_start3A_124] : memref<20224x128xf32, #tpu.memory_space<hbm>> -> memref<128x128xf32, #tpu.memory_space<hbm>>
        tpu.enqueue_dma source(%arg10 : memref<128x128xf32, #tpu.memory_space<vmem>>) target(%dma_start3A_125 : memref<128x128xf32, #tpu.memory_space<hbm>>) target_semaphore(%run_scoped3A_121 : memref<!tpu.dma_semaphore, #tpu.memory_space<semaphore_mem>>)
        %dma_wait3A_126 = arith.constant 0 : i32
        %dma_wait3A_127 = tpu.memref_slice %arg7[%add3A_120, %dma_wait3A_126] : memref<20224x128xf32, #tpu.memory_space<hbm>> -> memref<128x128xf32, #tpu.memory_space<hbm>>
        %dma_wait3A_128 = arith.constant 0 : i32
        %dma_wait3A_129 = tpu.memref_slice %arg7[%add3A_120, %dma_wait3A_128] : memref<20224x128xf32, #tpu.memory_space<hbm>> -> memref<128x128xf32, #tpu.memory_space<hbm>>
        tpu.wait_dma2 semaphore(%run_scoped3A_121 : memref<!tpu.dma_semaphore, #tpu.memory_space<semaphore_mem>>) src(%arg10 : memref<128x128xf32, #tpu.memory_space<vmem>>) dst(%dma_wait3A_129 : memref<128x128xf32, #tpu.memory_space<hbm>>)
        tpu.yield
      }) : () -> ()
    } else {
    }
    %mul3A_50 = arith.constant 8 : i32
    %mul3A_51 = arith.muli %arg1, %mul3A_50 : i32
    %add3A_52 = arith.constant 2 : i32
    %add3A_53 = arith.addi %mul3A_51, %add3A_52 : i32
    %lt3A_54 = arith.constant 79 : i32
    %lt3A_55 = arith.cmpi slt, %add3A_53, %lt3A_54 : i32
    %convert_element_type3A_56 = arith.extui %lt3A_55 : i1 to i32
    %cond3A_57 = arith.constant 0 : i32
    %cond3A_58 = arith.cmpi ne, %convert_element_type3A_56, %cond3A_57 : i32
    scf.if %cond3A_58 {
      %dma_start3A = arith.constant 2 : i32
      %dma_start3A_104 = arith.constant 0 : i32
      %dma_start3A_105 = tpu.memref_slice %arg12[%dma_start3A, %dma_start3A_104] : memref<8x128xi32, #tpu.memory_space<vmem>> -> memref<1x128xi32, #tpu.memory_space<vmem>>
      %dma_start3A_106 = tpu.memref_squeeze %dma_start3A_105 : memref<1x128xi32, #tpu.memory_space<vmem>> -> memref<128xi32, #tpu.memory_space<vmem>>
      %dma_start3A_107 = arith.constant 0 : i32
      %dma_start3A_108 = arith.constant 0 : i32
      %dma_start3A_109 = tpu.memref_slice %arg13[%dma_start3A_107, %dma_start3A_108] : memref<10112x128xf32, #tpu.memory_space<vmem_shared>> -> memref<10112x128xf32, #tpu.memory_space<vmem_shared>>
      tpu.enqueue_indirect_dma source(%dma_start3A_109 : memref<10112x128xf32, #tpu.memory_space<vmem_shared>>) target(%arg10 : memref<128x128xf32, #tpu.memory_space<vmem>>) offsets(%dma_start3A_106 : memref<128xi32, #tpu.memory_space<vmem>>) semaphore(%arg14 : memref<!tpu.dma_semaphore, #tpu.memory_space<semaphore_mem>>)
      %dma_wait3A = arith.constant 2 : i32
      %dma_wait3A_110 = arith.constant 0 : i32
      %dma_wait3A_111 = tpu.memref_slice %arg12[%dma_wait3A, %dma_wait3A_110] : memref<8x128xi32, #tpu.memory_space<vmem>> -> memref<1x128xi32, #tpu.memory_space<vmem>>
      %dma_wait3A_112 = tpu.memref_squeeze %dma_wait3A_111 : memref<1x128xi32, #tpu.memory_space<vmem>> -> memref<128xi32, #tpu.memory_space<vmem>>
      %dma_wait3A_113 = arith.constant 0 : i32
      %dma_wait3A_114 = arith.constant 0 : i32
      %dma_wait3A_115 = tpu.memref_slice %arg13[%dma_wait3A_113, %dma_wait3A_114] : memref<10112x128xf32, #tpu.memory_space<vmem_shared>> -> memref<10112x128xf32, #tpu.memory_space<vmem_shared>>
      tpu.wait_indirect_dma semaphore(%arg14 : memref<!tpu.dma_semaphore, #tpu.memory_space<semaphore_mem>>) src(%dma_wait3A_115 : memref<10112x128xf32, #tpu.memory_space<vmem_shared>>) dst(%arg10 : memref<128x128xf32, #tpu.memory_space<vmem>>)
      %mul3A_116 = arith.constant 10112 : i32
      %mul3A_117 = arith.muli %arg0, %mul3A_116 : i32
      %mul3A_118 = arith.constant 128 : i32
      %mul3A_119 = arith.muli %add3A_53, %mul3A_118 : i32
      %add3A_120 = arith.addi %mul3A_117, %mul3A_119 : i32
      "tpu.region"() ({
        %run_scoped3A_121 = tpu.sem_alloc : memref<!tpu.dma_semaphore, #tpu.memory_space<semaphore_mem>>
        %dma_start3A_122 = arith.constant 0 : i32
        %dma_start3A_123 = tpu.memref_slice %arg7[%add3A_120, %dma_start3A_122] : memref<20224x128xf32, #tpu.memory_space<hbm>> -> memref<128x128xf32, #tpu.memory_space<hbm>>
        %dma_start3A_124 = arith.constant 0 : i32
        %dma_start3A_125 = tpu.memref_slice %arg7[%add3A_120, %dma_start3A_124] : memref<20224x128xf32, #tpu.memory_space<hbm>> -> memref<128x128xf32, #tpu.memory_space<hbm>>
        tpu.enqueue_dma source(%arg10 : memref<128x128xf32, #tpu.memory_space<vmem>>) target(%dma_start3A_125 : memref<128x128xf32, #tpu.memory_space<hbm>>) target_semaphore(%run_scoped3A_121 : memref<!tpu.dma_semaphore, #tpu.memory_space<semaphore_mem>>)
        %dma_wait3A_126 = arith.constant 0 : i32
        %dma_wait3A_127 = tpu.memref_slice %arg7[%add3A_120, %dma_wait3A_126] : memref<20224x128xf32, #tpu.memory_space<hbm>> -> memref<128x128xf32, #tpu.memory_space<hbm>>
        %dma_wait3A_128 = arith.constant 0 : i32
        %dma_wait3A_129 = tpu.memref_slice %arg7[%add3A_120, %dma_wait3A_128] : memref<20224x128xf32, #tpu.memory_space<hbm>> -> memref<128x128xf32, #tpu.memory_space<hbm>>
        tpu.wait_dma2 semaphore(%run_scoped3A_121 : memref<!tpu.dma_semaphore, #tpu.memory_space<semaphore_mem>>) src(%arg10 : memref<128x128xf32, #tpu.memory_space<vmem>>) dst(%dma_wait3A_129 : memref<128x128xf32, #tpu.memory_space<hbm>>)
        tpu.yield
      }) : () -> ()
    } else {
    }
    %mul3A_59 = arith.constant 8 : i32
    %mul3A_60 = arith.muli %arg1, %mul3A_59 : i32
    %add3A_61 = arith.constant 3 : i32
    %add3A_62 = arith.addi %mul3A_60, %add3A_61 : i32
    %lt3A_63 = arith.constant 79 : i32
    %lt3A_64 = arith.cmpi slt, %add3A_62, %lt3A_63 : i32
    %convert_element_type3A_65 = arith.extui %lt3A_64 : i1 to i32
    %cond3A_66 = arith.constant 0 : i32
    %cond3A_67 = arith.cmpi ne, %convert_element_type3A_65, %cond3A_66 : i32
    scf.if %cond3A_67 {
      %dma_start3A = arith.constant 3 : i32
      %dma_start3A_104 = arith.constant 0 : i32
      %dma_start3A_105 = tpu.memref_slice %arg12[%dma_start3A, %dma_start3A_104] : memref<8x128xi32, #tpu.memory_space<vmem>> -> memref<1x128xi32, #tpu.memory_space<vmem>>
      %dma_start3A_106 = tpu.memref_squeeze %dma_start3A_105 : memref<1x128xi32, #tpu.memory_space<vmem>> -> memref<128xi32, #tpu.memory_space<vmem>>
      %dma_start3A_107 = arith.constant 0 : i32
      %dma_start3A_108 = arith.constant 0 : i32
      %dma_start3A_109 = tpu.memref_slice %arg13[%dma_start3A_107, %dma_start3A_108] : memref<10112x128xf32, #tpu.memory_space<vmem_shared>> -> memref<10112x128xf32, #tpu.memory_space<vmem_shared>>
      tpu.enqueue_indirect_dma source(%dma_start3A_109 : memref<10112x128xf32, #tpu.memory_space<vmem_shared>>) target(%arg10 : memref<128x128xf32, #tpu.memory_space<vmem>>) offsets(%dma_start3A_106 : memref<128xi32, #tpu.memory_space<vmem>>) semaphore(%arg14 : memref<!tpu.dma_semaphore, #tpu.memory_space<semaphore_mem>>)
      %dma_wait3A = arith.constant 3 : i32
      %dma_wait3A_110 = arith.constant 0 : i32
      %dma_wait3A_111 = tpu.memref_slice %arg12[%dma_wait3A, %dma_wait3A_110] : memref<8x128xi32, #tpu.memory_space<vmem>> -> memref<1x128xi32, #tpu.memory_space<vmem>>
      %dma_wait3A_112 = tpu.memref_squeeze %dma_wait3A_111 : memref<1x128xi32, #tpu.memory_space<vmem>> -> memref<128xi32, #tpu.memory_space<vmem>>
      %dma_wait3A_113 = arith.constant 0 : i32
      %dma_wait3A_114 = arith.constant 0 : i32
      %dma_wait3A_115 = tpu.memref_slice %arg13[%dma_wait3A_113, %dma_wait3A_114] : memref<10112x128xf32, #tpu.memory_space<vmem_shared>> -> memref<10112x128xf32, #tpu.memory_space<vmem_shared>>
      tpu.wait_indirect_dma semaphore(%arg14 : memref<!tpu.dma_semaphore, #tpu.memory_space<semaphore_mem>>) src(%dma_wait3A_115 : memref<10112x128xf32, #tpu.memory_space<vmem_shared>>) dst(%arg10 : memref<128x128xf32, #tpu.memory_space<vmem>>)
      %mul3A_116 = arith.constant 10112 : i32
      %mul3A_117 = arith.muli %arg0, %mul3A_116 : i32
      %mul3A_118 = arith.constant 128 : i32
      %mul3A_119 = arith.muli %add3A_62, %mul3A_118 : i32
      %add3A_120 = arith.addi %mul3A_117, %mul3A_119 : i32
      "tpu.region"() ({
        %run_scoped3A_121 = tpu.sem_alloc : memref<!tpu.dma_semaphore, #tpu.memory_space<semaphore_mem>>
        %dma_start3A_122 = arith.constant 0 : i32
        %dma_start3A_123 = tpu.memref_slice %arg7[%add3A_120, %dma_start3A_122] : memref<20224x128xf32, #tpu.memory_space<hbm>> -> memref<128x128xf32, #tpu.memory_space<hbm>>
        %dma_start3A_124 = arith.constant 0 : i32
        %dma_start3A_125 = tpu.memref_slice %arg7[%add3A_120, %dma_start3A_124] : memref<20224x128xf32, #tpu.memory_space<hbm>> -> memref<128x128xf32, #tpu.memory_space<hbm>>
        tpu.enqueue_dma source(%arg10 : memref<128x128xf32, #tpu.memory_space<vmem>>) target(%dma_start3A_125 : memref<128x128xf32, #tpu.memory_space<hbm>>) target_semaphore(%run_scoped3A_121 : memref<!tpu.dma_semaphore, #tpu.memory_space<semaphore_mem>>)
        %dma_wait3A_126 = arith.constant 0 : i32
        %dma_wait3A_127 = tpu.memref_slice %arg7[%add3A_120, %dma_wait3A_126] : memref<20224x128xf32, #tpu.memory_space<hbm>> -> memref<128x128xf32, #tpu.memory_space<hbm>>
        %dma_wait3A_128 = arith.constant 0 : i32
        %dma_wait3A_129 = tpu.memref_slice %arg7[%add3A_120, %dma_wait3A_128] : memref<20224x128xf32, #tpu.memory_space<hbm>> -> memref<128x128xf32, #tpu.memory_space<hbm>>
        tpu.wait_dma2 semaphore(%run_scoped3A_121 : memref<!tpu.dma_semaphore, #tpu.memory_space<semaphore_mem>>) src(%arg10 : memref<128x128xf32, #tpu.memory_space<vmem>>) dst(%dma_wait3A_129 : memref<128x128xf32, #tpu.memory_space<hbm>>)
        tpu.yield
      }) : () -> ()
    } else {
    }
    %mul3A_68 = arith.constant 8 : i32
    %mul3A_69 = arith.muli %arg1, %mul3A_68 : i32
    %add3A_70 = arith.constant 4 : i32
    %add3A_71 = arith.addi %mul3A_69, %add3A_70 : i32
    %lt3A_72 = arith.constant 79 : i32
    %lt3A_73 = arith.cmpi slt, %add3A_71, %lt3A_72 : i32
    %convert_element_type3A_74 = arith.extui %lt3A_73 : i1 to i32
    %cond3A_75 = arith.constant 0 : i32
    %cond3A_76 = arith.cmpi ne, %convert_element_type3A_74, %cond3A_75 : i32
    scf.if %cond3A_76 {
      %dma_start3A = arith.constant 4 : i32
      %dma_start3A_104 = arith.constant 0 : i32
      %dma_start3A_105 = tpu.memref_slice %arg12[%dma_start3A, %dma_start3A_104] : memref<8x128xi32, #tpu.memory_space<vmem>> -> memref<1x128xi32, #tpu.memory_space<vmem>>
      %dma_start3A_106 = tpu.memref_squeeze %dma_start3A_105 : memref<1x128xi32, #tpu.memory_space<vmem>> -> memref<128xi32, #tpu.memory_space<vmem>>
      %dma_start3A_107 = arith.constant 0 : i32
      %dma_start3A_108 = arith.constant 0 : i32
      %dma_start3A_109 = tpu.memref_slice %arg13[%dma_start3A_107, %dma_start3A_108] : memref<10112x128xf32, #tpu.memory_space<vmem_shared>> -> memref<10112x128xf32, #tpu.memory_space<vmem_shared>>
      tpu.enqueue_indirect_dma source(%dma_start3A_109 : memref<10112x128xf32, #tpu.memory_space<vmem_shared>>) target(%arg10 : memref<128x128xf32, #tpu.memory_space<vmem>>) offsets(%dma_start3A_106 : memref<128xi32, #tpu.memory_space<vmem>>) semaphore(%arg14 : memref<!tpu.dma_semaphore, #tpu.memory_space<semaphore_mem>>)
      %dma_wait3A = arith.constant 4 : i32
      %dma_wait3A_110 = arith.constant 0 : i32
      %dma_wait3A_111 = tpu.memref_slice %arg12[%dma_wait3A, %dma_wait3A_110] : memref<8x128xi32, #tpu.memory_space<vmem>> -> memref<1x128xi32, #tpu.memory_space<vmem>>
      %dma_wait3A_112 = tpu.memref_squeeze %dma_wait3A_111 : memref<1x128xi32, #tpu.memory_space<vmem>> -> memref<128xi32, #tpu.memory_space<vmem>>
      %dma_wait3A_113 = arith.constant 0 : i32
      %dma_wait3A_114 = arith.constant 0 : i32
      %dma_wait3A_115 = tpu.memref_slice %arg13[%dma_wait3A_113, %dma_wait3A_114] : memref<10112x128xf32, #tpu.memory_space<vmem_shared>> -> memref<10112x128xf32, #tpu.memory_space<vmem_shared>>
      tpu.wait_indirect_dma semaphore(%arg14 : memref<!tpu.dma_semaphore, #tpu.memory_space<semaphore_mem>>) src(%dma_wait3A_115 : memref<10112x128xf32, #tpu.memory_space<vmem_shared>>) dst(%arg10 : memref<128x128xf32, #tpu.memory_space<vmem>>)
      %mul3A_116 = arith.constant 10112 : i32
      %mul3A_117 = arith.muli %arg0, %mul3A_116 : i32
      %mul3A_118 = arith.constant 128 : i32
      %mul3A_119 = arith.muli %add3A_71, %mul3A_118 : i32
      %add3A_120 = arith.addi %mul3A_117, %mul3A_119 : i32
      "tpu.region"() ({
        %run_scoped3A_121 = tpu.sem_alloc : memref<!tpu.dma_semaphore, #tpu.memory_space<semaphore_mem>>
        %dma_start3A_122 = arith.constant 0 : i32
        %dma_start3A_123 = tpu.memref_slice %arg7[%add3A_120, %dma_start3A_122] : memref<20224x128xf32, #tpu.memory_space<hbm>> -> memref<128x128xf32, #tpu.memory_space<hbm>>
        %dma_start3A_124 = arith.constant 0 : i32
        %dma_start3A_125 = tpu.memref_slice %arg7[%add3A_120, %dma_start3A_124] : memref<20224x128xf32, #tpu.memory_space<hbm>> -> memref<128x128xf32, #tpu.memory_space<hbm>>
        tpu.enqueue_dma source(%arg10 : memref<128x128xf32, #tpu.memory_space<vmem>>) target(%dma_start3A_125 : memref<128x128xf32, #tpu.memory_space<hbm>>) target_semaphore(%run_scoped3A_121 : memref<!tpu.dma_semaphore, #tpu.memory_space<semaphore_mem>>)
        %dma_wait3A_126 = arith.constant 0 : i32
        %dma_wait3A_127 = tpu.memref_slice %arg7[%add3A_120, %dma_wait3A_126] : memref<20224x128xf32, #tpu.memory_space<hbm>> -> memref<128x128xf32, #tpu.memory_space<hbm>>
        %dma_wait3A_128 = arith.constant 0 : i32
        %dma_wait3A_129 = tpu.memref_slice %arg7[%add3A_120, %dma_wait3A_128] : memref<20224x128xf32, #tpu.memory_space<hbm>> -> memref<128x128xf32, #tpu.memory_space<hbm>>
        tpu.wait_dma2 semaphore(%run_scoped3A_121 : memref<!tpu.dma_semaphore, #tpu.memory_space<semaphore_mem>>) src(%arg10 : memref<128x128xf32, #tpu.memory_space<vmem>>) dst(%dma_wait3A_129 : memref<128x128xf32, #tpu.memory_space<hbm>>)
        tpu.yield
      }) : () -> ()
    } else {
    }
    %mul3A_77 = arith.constant 8 : i32
    %mul3A_78 = arith.muli %arg1, %mul3A_77 : i32
    %add3A_79 = arith.constant 5 : i32
    %add3A_80 = arith.addi %mul3A_78, %add3A_79 : i32
    %lt3A_81 = arith.constant 79 : i32
    %lt3A_82 = arith.cmpi slt, %add3A_80, %lt3A_81 : i32
    %convert_element_type3A_83 = arith.extui %lt3A_82 : i1 to i32
    %cond3A_84 = arith.constant 0 : i32
    %cond3A_85 = arith.cmpi ne, %convert_element_type3A_83, %cond3A_84 : i32
    scf.if %cond3A_85 {
      %dma_start3A = arith.constant 5 : i32
      %dma_start3A_104 = arith.constant 0 : i32
      %dma_start3A_105 = tpu.memref_slice %arg12[%dma_start3A, %dma_start3A_104] : memref<8x128xi32, #tpu.memory_space<vmem>> -> memref<1x128xi32, #tpu.memory_space<vmem>>
      %dma_start3A_106 = tpu.memref_squeeze %dma_start3A_105 : memref<1x128xi32, #tpu.memory_space<vmem>> -> memref<128xi32, #tpu.memory_space<vmem>>
      %dma_start3A_107 = arith.constant 0 : i32
      %dma_start3A_108 = arith.constant 0 : i32
      %dma_start3A_109 = tpu.memref_slice %arg13[%dma_start3A_107, %dma_start3A_108] : memref<10112x128xf32, #tpu.memory_space<vmem_shared>> -> memref<10112x128xf32, #tpu.memory_space<vmem_shared>>
      tpu.enqueue_indirect_dma source(%dma_start3A_109 : memref<10112x128xf32, #tpu.memory_space<vmem_shared>>) target(%arg10 : memref<128x128xf32, #tpu.memory_space<vmem>>) offsets(%dma_start3A_106 : memref<128xi32, #tpu.memory_space<vmem>>) semaphore(%arg14 : memref<!tpu.dma_semaphore, #tpu.memory_space<semaphore_mem>>)
      %dma_wait3A = arith.constant 5 : i32
      %dma_wait3A_110 = arith.constant 0 : i32
      %dma_wait3A_111 = tpu.memref_slice %arg12[%dma_wait3A, %dma_wait3A_110] : memref<8x128xi32, #tpu.memory_space<vmem>> -> memref<1x128xi32, #tpu.memory_space<vmem>>
      %dma_wait3A_112 = tpu.memref_squeeze %dma_wait3A_111 : memref<1x128xi32, #tpu.memory_space<vmem>> -> memref<128xi32, #tpu.memory_space<vmem>>
      %dma_wait3A_113 = arith.constant 0 : i32
      %dma_wait3A_114 = arith.constant 0 : i32
      %dma_wait3A_115 = tpu.memref_slice %arg13[%dma_wait3A_113, %dma_wait3A_114] : memref<10112x128xf32, #tpu.memory_space<vmem_shared>> -> memref<10112x128xf32, #tpu.memory_space<vmem_shared>>
      tpu.wait_indirect_dma semaphore(%arg14 : memref<!tpu.dma_semaphore, #tpu.memory_space<semaphore_mem>>) src(%dma_wait3A_115 : memref<10112x128xf32, #tpu.memory_space<vmem_shared>>) dst(%arg10 : memref<128x128xf32, #tpu.memory_space<vmem>>)
      %mul3A_116 = arith.constant 10112 : i32
      %mul3A_117 = arith.muli %arg0, %mul3A_116 : i32
      %mul3A_118 = arith.constant 128 : i32
      %mul3A_119 = arith.muli %add3A_80, %mul3A_118 : i32
      %add3A_120 = arith.addi %mul3A_117, %mul3A_119 : i32
      "tpu.region"() ({
        %run_scoped3A_121 = tpu.sem_alloc : memref<!tpu.dma_semaphore, #tpu.memory_space<semaphore_mem>>
        %dma_start3A_122 = arith.constant 0 : i32
        %dma_start3A_123 = tpu.memref_slice %arg7[%add3A_120, %dma_start3A_122] : memref<20224x128xf32, #tpu.memory_space<hbm>> -> memref<128x128xf32, #tpu.memory_space<hbm>>
        %dma_start3A_124 = arith.constant 0 : i32
        %dma_start3A_125 = tpu.memref_slice %arg7[%add3A_120, %dma_start3A_124] : memref<20224x128xf32, #tpu.memory_space<hbm>> -> memref<128x128xf32, #tpu.memory_space<hbm>>
        tpu.enqueue_dma source(%arg10 : memref<128x128xf32, #tpu.memory_space<vmem>>) target(%dma_start3A_125 : memref<128x128xf32, #tpu.memory_space<hbm>>) target_semaphore(%run_scoped3A_121 : memref<!tpu.dma_semaphore, #tpu.memory_space<semaphore_mem>>)
        %dma_wait3A_126 = arith.constant 0 : i32
        %dma_wait3A_127 = tpu.memref_slice %arg7[%add3A_120, %dma_wait3A_126] : memref<20224x128xf32, #tpu.memory_space<hbm>> -> memref<128x128xf32, #tpu.memory_space<hbm>>
        %dma_wait3A_128 = arith.constant 0 : i32
        %dma_wait3A_129 = tpu.memref_slice %arg7[%add3A_120, %dma_wait3A_128] : memref<20224x128xf32, #tpu.memory_space<hbm>> -> memref<128x128xf32, #tpu.memory_space<hbm>>
        tpu.wait_dma2 semaphore(%run_scoped3A_121 : memref<!tpu.dma_semaphore, #tpu.memory_space<semaphore_mem>>) src(%arg10 : memref<128x128xf32, #tpu.memory_space<vmem>>) dst(%dma_wait3A_129 : memref<128x128xf32, #tpu.memory_space<hbm>>)
        tpu.yield
      }) : () -> ()
    } else {
    }
    %mul3A_86 = arith.constant 8 : i32
    %mul3A_87 = arith.muli %arg1, %mul3A_86 : i32
    %add3A_88 = arith.constant 6 : i32
    %add3A_89 = arith.addi %mul3A_87, %add3A_88 : i32
    %lt3A_90 = arith.constant 79 : i32
    %lt3A_91 = arith.cmpi slt, %add3A_89, %lt3A_90 : i32
    %convert_element_type3A_92 = arith.extui %lt3A_91 : i1 to i32
    %cond3A_93 = arith.constant 0 : i32
    %cond3A_94 = arith.cmpi ne, %convert_element_type3A_92, %cond3A_93 : i32
    scf.if %cond3A_94 {
      %dma_start3A = arith.constant 6 : i32
      %dma_start3A_104 = arith.constant 0 : i32
      %dma_start3A_105 = tpu.memref_slice %arg12[%dma_start3A, %dma_start3A_104] : memref<8x128xi32, #tpu.memory_space<vmem>> -> memref<1x128xi32, #tpu.memory_space<vmem>>
      %dma_start3A_106 = tpu.memref_squeeze %dma_start3A_105 : memref<1x128xi32, #tpu.memory_space<vmem>> -> memref<128xi32, #tpu.memory_space<vmem>>
      %dma_start3A_107 = arith.constant 0 : i32
      %dma_start3A_108 = arith.constant 0 : i32
      %dma_start3A_109 = tpu.memref_slice %arg13[%dma_start3A_107, %dma_start3A_108] : memref<10112x128xf32, #tpu.memory_space<vmem_shared>> -> memref<10112x128xf32, #tpu.memory_space<vmem_shared>>
      tpu.enqueue_indirect_dma source(%dma_start3A_109 : memref<10112x128xf32, #tpu.memory_space<vmem_shared>>) target(%arg10 : memref<128x128xf32, #tpu.memory_space<vmem>>) offsets(%dma_start3A_106 : memref<128xi32, #tpu.memory_space<vmem>>) semaphore(%arg14 : memref<!tpu.dma_semaphore, #tpu.memory_space<semaphore_mem>>)
      %dma_wait3A = arith.constant 6 : i32
      %dma_wait3A_110 = arith.constant 0 : i32
      %dma_wait3A_111 = tpu.memref_slice %arg12[%dma_wait3A, %dma_wait3A_110] : memref<8x128xi32, #tpu.memory_space<vmem>> -> memref<1x128xi32, #tpu.memory_space<vmem>>
      %dma_wait3A_112 = tpu.memref_squeeze %dma_wait3A_111 : memref<1x128xi32, #tpu.memory_space<vmem>> -> memref<128xi32, #tpu.memory_space<vmem>>
      %dma_wait3A_113 = arith.constant 0 : i32
      %dma_wait3A_114 = arith.constant 0 : i32
      %dma_wait3A_115 = tpu.memref_slice %arg13[%dma_wait3A_113, %dma_wait3A_114] : memref<10112x128xf32, #tpu.memory_space<vmem_shared>> -> memref<10112x128xf32, #tpu.memory_space<vmem_shared>>
      tpu.wait_indirect_dma semaphore(%arg14 : memref<!tpu.dma_semaphore, #tpu.memory_space<semaphore_mem>>) src(%dma_wait3A_115 : memref<10112x128xf32, #tpu.memory_space<vmem_shared>>) dst(%arg10 : memref<128x128xf32, #tpu.memory_space<vmem>>)
      %mul3A_116 = arith.constant 10112 : i32
      %mul3A_117 = arith.muli %arg0, %mul3A_116 : i32
      %mul3A_118 = arith.constant 128 : i32
      %mul3A_119 = arith.muli %add3A_89, %mul3A_118 : i32
      %add3A_120 = arith.addi %mul3A_117, %mul3A_119 : i32
      "tpu.region"() ({
        %run_scoped3A_121 = tpu.sem_alloc : memref<!tpu.dma_semaphore, #tpu.memory_space<semaphore_mem>>
        %dma_start3A_122 = arith.constant 0 : i32
        %dma_start3A_123 = tpu.memref_slice %arg7[%add3A_120, %dma_start3A_122] : memref<20224x128xf32, #tpu.memory_space<hbm>> -> memref<128x128xf32, #tpu.memory_space<hbm>>
        %dma_start3A_124 = arith.constant 0 : i32
        %dma_start3A_125 = tpu.memref_slice %arg7[%add3A_120, %dma_start3A_124] : memref<20224x128xf32, #tpu.memory_space<hbm>> -> memref<128x128xf32, #tpu.memory_space<hbm>>
        tpu.enqueue_dma source(%arg10 : memref<128x128xf32, #tpu.memory_space<vmem>>) target(%dma_start3A_125 : memref<128x128xf32, #tpu.memory_space<hbm>>) target_semaphore(%run_scoped3A_121 : memref<!tpu.dma_semaphore, #tpu.memory_space<semaphore_mem>>)
        %dma_wait3A_126 = arith.constant 0 : i32
        %dma_wait3A_127 = tpu.memref_slice %arg7[%add3A_120, %dma_wait3A_126] : memref<20224x128xf32, #tpu.memory_space<hbm>> -> memref<128x128xf32, #tpu.memory_space<hbm>>
        %dma_wait3A_128 = arith.constant 0 : i32
        %dma_wait3A_129 = tpu.memref_slice %arg7[%add3A_120, %dma_wait3A_128] : memref<20224x128xf32, #tpu.memory_space<hbm>> -> memref<128x128xf32, #tpu.memory_space<hbm>>
        tpu.wait_dma2 semaphore(%run_scoped3A_121 : memref<!tpu.dma_semaphore, #tpu.memory_space<semaphore_mem>>) src(%arg10 : memref<128x128xf32, #tpu.memory_space<vmem>>) dst(%dma_wait3A_129 : memref<128x128xf32, #tpu.memory_space<hbm>>)
        tpu.yield
      }) : () -> ()
    } else {
    }
    %mul3A_95 = arith.constant 8 : i32
    %mul3A_96 = arith.muli %arg1, %mul3A_95 : i32
    %add3A_97 = arith.constant 7 : i32
    %add3A_98 = arith.addi %mul3A_96, %add3A_97 : i32
    %lt3A_99 = arith.constant 79 : i32
    %lt3A_100 = arith.cmpi slt, %add3A_98, %lt3A_99 : i32
    %convert_element_type3A_101 = arith.extui %lt3A_100 : i1 to i32
    %cond3A_102 = arith.constant 0 : i32
    %cond3A_103 = arith.cmpi ne, %convert_element_type3A_101, %cond3A_102 : i32
    scf.if %cond3A_103 {
      %dma_start3A = arith.constant 7 : i32
      %dma_start3A_104 = arith.constant 0 : i32
      %dma_start3A_105 = tpu.memref_slice %arg12[%dma_start3A, %dma_start3A_104] : memref<8x128xi32, #tpu.memory_space<vmem>> -> memref<1x128xi32, #tpu.memory_space<vmem>>
      %dma_start3A_106 = tpu.memref_squeeze %dma_start3A_105 : memref<1x128xi32, #tpu.memory_space<vmem>> -> memref<128xi32, #tpu.memory_space<vmem>>
      %dma_start3A_107 = arith.constant 0 : i32
      %dma_start3A_108 = arith.constant 0 : i32
      %dma_start3A_109 = tpu.memref_slice %arg13[%dma_start3A_107, %dma_start3A_108] : memref<10112x128xf32, #tpu.memory_space<vmem_shared>> -> memref<10112x128xf32, #tpu.memory_space<vmem_shared>>
      tpu.enqueue_indirect_dma source(%dma_start3A_109 : memref<10112x128xf32, #tpu.memory_space<vmem_shared>>) target(%arg10 : memref<128x128xf32, #tpu.memory_space<vmem>>) offsets(%dma_start3A_106 : memref<128xi32, #tpu.memory_space<vmem>>) semaphore(%arg14 : memref<!tpu.dma_semaphore, #tpu.memory_space<semaphore_mem>>)
      %dma_wait3A = arith.constant 7 : i32
      %dma_wait3A_110 = arith.constant 0 : i32
      %dma_wait3A_111 = tpu.memref_slice %arg12[%dma_wait3A, %dma_wait3A_110] : memref<8x128xi32, #tpu.memory_space<vmem>> -> memref<1x128xi32, #tpu.memory_space<vmem>>
      %dma_wait3A_112 = tpu.memref_squeeze %dma_wait3A_111 : memref<1x128xi32, #tpu.memory_space<vmem>> -> memref<128xi32, #tpu.memory_space<vmem>>
      %dma_wait3A_113 = arith.constant 0 : i32
      %dma_wait3A_114 = arith.constant 0 : i32
      %dma_wait3A_115 = tpu.memref_slice %arg13[%dma_wait3A_113, %dma_wait3A_114] : memref<10112x128xf32, #tpu.memory_space<vmem_shared>> -> memref<10112x128xf32, #tpu.memory_space<vmem_shared>>
      tpu.wait_indirect_dma semaphore(%arg14 : memref<!tpu.dma_semaphore, #tpu.memory_space<semaphore_mem>>) src(%dma_wait3A_115 : memref<10112x128xf32, #tpu.memory_space<vmem_shared>>) dst(%arg10 : memref<128x128xf32, #tpu.memory_space<vmem>>)
      %mul3A_116 = arith.constant 10112 : i32
      %mul3A_117 = arith.muli %arg0, %mul3A_116 : i32
      %mul3A_118 = arith.constant 128 : i32
      %mul3A_119 = arith.muli %add3A_98, %mul3A_118 : i32
      %add3A_120 = arith.addi %mul3A_117, %mul3A_119 : i32
      "tpu.region"() ({
        %run_scoped3A_121 = tpu.sem_alloc : memref<!tpu.dma_semaphore, #tpu.memory_space<semaphore_mem>>
        %dma_start3A_122 = arith.constant 0 : i32
        %dma_start3A_123 = tpu.memref_slice %arg7[%add3A_120, %dma_start3A_122] : memref<20224x128xf32, #tpu.memory_space<hbm>> -> memref<128x128xf32, #tpu.memory_space<hbm>>
        %dma_start3A_124 = arith.constant 0 : i32
        %dma_start3A_125 = tpu.memref_slice %arg7[%add3A_120, %dma_start3A_124] : memref<20224x128xf32, #tpu.memory_space<hbm>> -> memref<128x128xf32, #tpu.memory_space<hbm>>
        tpu.enqueue_dma source(%arg10 : memref<128x128xf32, #tpu.memory_space<vmem>>) target(%dma_start3A_125 : memref<128x128xf32, #tpu.memory_space<hbm>>) target_semaphore(%run_scoped3A_121 : memref<!tpu.dma_semaphore, #tpu.memory_space<semaphore_mem>>)
        %dma_wait3A_126 = arith.constant 0 : i32
        %dma_wait3A_127 = tpu.memref_slice %arg7[%add3A_120, %dma_wait3A_126] : memref<20224x128xf32, #tpu.memory_space<hbm>> -> memref<128x128xf32, #tpu.memory_space<hbm>>
        %dma_wait3A_128 = arith.constant 0 : i32
        %dma_wait3A_129 = tpu.memref_slice %arg7[%add3A_120, %dma_wait3A_128] : memref<20224x128xf32, #tpu.memory_space<hbm>> -> memref<128x128xf32, #tpu.memory_space<hbm>>
        tpu.wait_dma2 semaphore(%run_scoped3A_121 : memref<!tpu.dma_semaphore, #tpu.memory_space<semaphore_mem>>) src(%arg10 : memref<128x128xf32, #tpu.memory_space<vmem>>) dst(%dma_wait3A_129 : memref<128x128xf32, #tpu.memory_space<hbm>>)
        tpu.yield
      }) : () -> ()
    } else {
    }
    return
  }
}

#map = affine_map<(d0, d1) -> (0, 0)>
module attributes {stable_mosaic.version = 14 : i64} {
  func.func @_sc_agg_body(%arg0: i32, %arg1: i32, %arg2: memref<10000x128xf32, #tpu.memory_space<hbm>>, %arg3: memref<2560x128xi32, #tpu.memory_space<hbm>>, %arg4: memref<2560x128xi32, #tpu.memory_space<hbm>>, %arg5: memref<128x128xi32, #tpu.memory_space<hbm>>, %arg6: memref<128x128xf32, #tpu.memory_space<hbm>>, %arg7: memref<20224x128xf32, #tpu.memory_space<hbm>>, %arg8: memref<8x128xi32, #tpu.memory_space<vmem>>, %arg9: memref<8x128xi32, #tpu.memory_space<vmem>>, %arg10: memref<128x128xf32, #tpu.memory_space<vmem>>, %arg11: memref<128x128xf32, #tpu.memory_space<vmem>>, %arg12: memref<8x128xi32, #tpu.memory_space<vmem>>, %arg13: memref<10112x128xf32, #tpu.memory_space<vmem_shared>>, %arg14: memref<!tpu.dma_semaphore, #tpu.memory_space<semaphore_mem>>, %arg15: memref<!tpu.dma_semaphore, #tpu.memory_space<semaphore_mem>>, %arg16: memref<!tpu.dma_semaphore, #tpu.memory_space<semaphore_mem>>, %arg17: memref<!tpu.dma_semaphore, #tpu.memory_space<semaphore_mem>>) attributes {dimension_semantics = [#tpu.dimension_semantics<core_parallel>, #tpu.dimension_semantics<subcore_parallel>], iteration_bounds = array<i64: 2, 16>, scalar_prefetch = 0 : i64, scratch_operands = 10 : i64, tpu.core_type = #tpu.core_type<sc_vector_subcore>, window_params = [{transform_indices = #map}, {transform_indices = #map}, {transform_indices = #map}, {transform_indices = #map}, {transform_indices = #map}, {transform_indices = #map}]} {
    %mul3A = arith.constant 8 : i32
    %mul3A_0 = arith.muli %arg1, %mul3A : i32
    "tpu.region"() ({
      %run_scoped3A_104 = tpu.sem_alloc : memref<!tpu.dma_semaphore, #tpu.memory_space<semaphore_mem>>
      %dma_start3A = arith.constant 0 : i32
      %dma_start3A_105 = tpu.memref_slice %arg5[%mul3A_0, %dma_start3A] : memref<128x128xi32, #tpu.memory_space<hbm>> -> memref<8x128xi32, #tpu.memory_space<hbm>>
      %dma_start3A_106 = arith.constant 0 : i32
      %dma_start3A_107 = tpu.memref_slice %arg5[%mul3A_0, %dma_start3A_106] : memref<128x128xi32, #tpu.memory_space<hbm>> -> memref<8x128xi32, #tpu.memory_space<hbm>>
      tpu.enqueue_dma source(%dma_start3A_107 : memref<8x128xi32, #tpu.memory_space<hbm>>) target(%arg12 : memref<8x128xi32, #tpu.memory_space<vmem>>) target_semaphore(%run_scoped3A_104 : memref<!tpu.dma_semaphore, #tpu.memory_space<semaphore_mem>>)
      %dma_wait3A = arith.constant 0 : i32
      %dma_wait3A_108 = tpu.memref_slice %arg5[%mul3A_0, %dma_wait3A] : memref<128x128xi32, #tpu.memory_space<hbm>> -> memref<8x128xi32, #tpu.memory_space<hbm>>
      %dma_wait3A_109 = arith.constant 0 : i32
      %dma_wait3A_110 = tpu.memref_slice %arg5[%mul3A_0, %dma_wait3A_109] : memref<128x128xi32, #tpu.memory_space<hbm>> -> memref<8x128xi32, #tpu.memory_space<hbm>>
      tpu.wait_dma2 semaphore(%run_scoped3A_104 : memref<!tpu.dma_semaphore, #tpu.memory_space<semaphore_mem>>) src(%dma_wait3A_110 : memref<8x128xi32, #tpu.memory_space<hbm>>) dst(%arg12 : memref<8x128xi32, #tpu.memory_space<vmem>>)
      tpu.yield
    }) : () -> ()
    "tpu.region"() ({
      %run_scoped3A_104 = tpu.sem_alloc : memref<!tpu.dma_semaphore, #tpu.memory_space<semaphore_mem>>
      tpu.enqueue_dma source(%arg6 : memref<128x128xf32, #tpu.memory_space<hbm>>) target(%arg10 : memref<128x128xf32, #tpu.memory_space<vmem>>) target_semaphore(%run_scoped3A_104 : memref<!tpu.dma_semaphore, #tpu.memory_space<semaphore_mem>>)
      tpu.wait_dma2 semaphore(%run_scoped3A_104 : memref<!tpu.dma_semaphore, #tpu.memory_space<semaphore_mem>>) src(%arg6 : memref<128x128xf32, #tpu.memory_space<hbm>>) dst(%arg10 : memref<128x128xf32, #tpu.memory_space<vmem>>)
      tpu.yield
    }) : () -> ()
    %run_scoped3A = arith.constant 0 : i32
    "tpu.region"() ({
      %run_scoped3A_104 = tpu.sem_alloc : memref<!tpu.dma_semaphore, #tpu.memory_space<semaphore_mem>>
      %dma_start3A = arith.constant 0 : i32
      %dma_start3A_105 = tpu.memref_slice %arg12[%run_scoped3A, %dma_start3A] : memref<8x128xi32, #tpu.memory_space<vmem>> -> memref<1x128xi32, #tpu.memory_space<vmem>>
      %dma_start3A_106 = tpu.memref_squeeze %dma_start3A_105 : memref<1x128xi32, #tpu.memory_space<vmem>> -> memref<128xi32, #tpu.memory_space<vmem>>
      %dma_start3A_107 = arith.constant 0 : i32
      %dma_start3A_108 = arith.constant 0 : i32
      %dma_start3A_109 = tpu.memref_slice %arg13[%dma_start3A_107, %dma_start3A_108] : memref<10112x128xf32, #tpu.memory_space<vmem_shared>> -> memref<10112x128xf32, #tpu.memory_space<vmem_shared>>
      tpu.enqueue_indirect_dma source(%arg10 : memref<128x128xf32, #tpu.memory_space<vmem>>) target(%dma_start3A_109 : memref<10112x128xf32, #tpu.memory_space<vmem_shared>>) offsets(%dma_start3A_106 : memref<128xi32, #tpu.memory_space<vmem>>) semaphore(%run_scoped3A_104 : memref<!tpu.dma_semaphore, #tpu.memory_space<semaphore_mem>>)
      %dma_wait3A = arith.constant 0 : i32
      %dma_wait3A_110 = tpu.memref_slice %arg12[%run_scoped3A, %dma_wait3A] : memref<8x128xi32, #tpu.memory_space<vmem>> -> memref<1x128xi32, #tpu.memory_space<vmem>>
      %dma_wait3A_111 = tpu.memref_squeeze %dma_wait3A_110 : memref<1x128xi32, #tpu.memory_space<vmem>> -> memref<128xi32, #tpu.memory_space<vmem>>
      %dma_wait3A_112 = arith.constant 0 : i32
      %dma_wait3A_113 = arith.constant 0 : i32
      %dma_wait3A_114 = tpu.memref_slice %arg13[%dma_wait3A_112, %dma_wait3A_113] : memref<10112x128xf32, #tpu.memory_space<vmem_shared>> -> memref<10112x128xf32, #tpu.memory_space<vmem_shared>>
      tpu.wait_indirect_dma semaphore(%run_scoped3A_104 : memref<!tpu.dma_semaphore, #tpu.memory_space<semaphore_mem>>) src(%arg10 : memref<128x128xf32, #tpu.memory_space<vmem>>) dst(%dma_wait3A_114 : memref<10112x128xf32, #tpu.memory_space<vmem_shared>>)
      tpu.yield
    }) : () -> ()
    %run_scoped3A_1 = arith.constant 1 : i32
    "tpu.region"() ({
      %run_scoped3A_104 = tpu.sem_alloc : memref<!tpu.dma_semaphore, #tpu.memory_space<semaphore_mem>>
      %dma_start3A = arith.constant 0 : i32
      %dma_start3A_105 = tpu.memref_slice %arg12[%run_scoped3A_1, %dma_start3A] : memref<8x128xi32, #tpu.memory_space<vmem>> -> memref<1x128xi32, #tpu.memory_space<vmem>>
      %dma_start3A_106 = tpu.memref_squeeze %dma_start3A_105 : memref<1x128xi32, #tpu.memory_space<vmem>> -> memref<128xi32, #tpu.memory_space<vmem>>
      %dma_start3A_107 = arith.constant 0 : i32
      %dma_start3A_108 = arith.constant 0 : i32
      %dma_start3A_109 = tpu.memref_slice %arg13[%dma_start3A_107, %dma_start3A_108] : memref<10112x128xf32, #tpu.memory_space<vmem_shared>> -> memref<10112x128xf32, #tpu.memory_space<vmem_shared>>
      tpu.enqueue_indirect_dma source(%arg10 : memref<128x128xf32, #tpu.memory_space<vmem>>) target(%dma_start3A_109 : memref<10112x128xf32, #tpu.memory_space<vmem_shared>>) offsets(%dma_start3A_106 : memref<128xi32, #tpu.memory_space<vmem>>) semaphore(%run_scoped3A_104 : memref<!tpu.dma_semaphore, #tpu.memory_space<semaphore_mem>>)
      %dma_wait3A = arith.constant 0 : i32
      %dma_wait3A_110 = tpu.memref_slice %arg12[%run_scoped3A_1, %dma_wait3A] : memref<8x128xi32, #tpu.memory_space<vmem>> -> memref<1x128xi32, #tpu.memory_space<vmem>>
      %dma_wait3A_111 = tpu.memref_squeeze %dma_wait3A_110 : memref<1x128xi32, #tpu.memory_space<vmem>> -> memref<128xi32, #tpu.memory_space<vmem>>
      %dma_wait3A_112 = arith.constant 0 : i32
      %dma_wait3A_113 = arith.constant 0 : i32
      %dma_wait3A_114 = tpu.memref_slice %arg13[%dma_wait3A_112, %dma_wait3A_113] : memref<10112x128xf32, #tpu.memory_space<vmem_shared>> -> memref<10112x128xf32, #tpu.memory_space<vmem_shared>>
      tpu.wait_indirect_dma semaphore(%run_scoped3A_104 : memref<!tpu.dma_semaphore, #tpu.memory_space<semaphore_mem>>) src(%arg10 : memref<128x128xf32, #tpu.memory_space<vmem>>) dst(%dma_wait3A_114 : memref<10112x128xf32, #tpu.memory_space<vmem_shared>>)
      tpu.yield
    }) : () -> ()
    %run_scoped3A_2 = arith.constant 2 : i32
    "tpu.region"() ({
      %run_scoped3A_104 = tpu.sem_alloc : memref<!tpu.dma_semaphore, #tpu.memory_space<semaphore_mem>>
      %dma_start3A = arith.constant 0 : i32
      %dma_start3A_105 = tpu.memref_slice %arg12[%run_scoped3A_2, %dma_start3A] : memref<8x128xi32, #tpu.memory_space<vmem>> -> memref<1x128xi32, #tpu.memory_space<vmem>>
      %dma_start3A_106 = tpu.memref_squeeze %dma_start3A_105 : memref<1x128xi32, #tpu.memory_space<vmem>> -> memref<128xi32, #tpu.memory_space<vmem>>
      %dma_start3A_107 = arith.constant 0 : i32
      %dma_start3A_108 = arith.constant 0 : i32
      %dma_start3A_109 = tpu.memref_slice %arg13[%dma_start3A_107, %dma_start3A_108] : memref<10112x128xf32, #tpu.memory_space<vmem_shared>> -> memref<10112x128xf32, #tpu.memory_space<vmem_shared>>
      tpu.enqueue_indirect_dma source(%arg10 : memref<128x128xf32, #tpu.memory_space<vmem>>) target(%dma_start3A_109 : memref<10112x128xf32, #tpu.memory_space<vmem_shared>>) offsets(%dma_start3A_106 : memref<128xi32, #tpu.memory_space<vmem>>) semaphore(%run_scoped3A_104 : memref<!tpu.dma_semaphore, #tpu.memory_space<semaphore_mem>>)
      %dma_wait3A = arith.constant 0 : i32
      %dma_wait3A_110 = tpu.memref_slice %arg12[%run_scoped3A_2, %dma_wait3A] : memref<8x128xi32, #tpu.memory_space<vmem>> -> memref<1x128xi32, #tpu.memory_space<vmem>>
      %dma_wait3A_111 = tpu.memref_squeeze %dma_wait3A_110 : memref<1x128xi32, #tpu.memory_space<vmem>> -> memref<128xi32, #tpu.memory_space<vmem>>
      %dma_wait3A_112 = arith.constant 0 : i32
      %dma_wait3A_113 = arith.constant 0 : i32
      %dma_wait3A_114 = tpu.memref_slice %arg13[%dma_wait3A_112, %dma_wait3A_113] : memref<10112x128xf32, #tpu.memory_space<vmem_shared>> -> memref<10112x128xf32, #tpu.memory_space<vmem_shared>>
      tpu.wait_indirect_dma semaphore(%run_scoped3A_104 : memref<!tpu.dma_semaphore, #tpu.memory_space<semaphore_mem>>) src(%arg10 : memref<128x128xf32, #tpu.memory_space<vmem>>) dst(%dma_wait3A_114 : memref<10112x128xf32, #tpu.memory_space<vmem_shared>>)
      tpu.yield
    }) : () -> ()
    %run_scoped3A_3 = arith.constant 3 : i32
    "tpu.region"() ({
      %run_scoped3A_104 = tpu.sem_alloc : memref<!tpu.dma_semaphore, #tpu.memory_space<semaphore_mem>>
      %dma_start3A = arith.constant 0 : i32
      %dma_start3A_105 = tpu.memref_slice %arg12[%run_scoped3A_3, %dma_start3A] : memref<8x128xi32, #tpu.memory_space<vmem>> -> memref<1x128xi32, #tpu.memory_space<vmem>>
      %dma_start3A_106 = tpu.memref_squeeze %dma_start3A_105 : memref<1x128xi32, #tpu.memory_space<vmem>> -> memref<128xi32, #tpu.memory_space<vmem>>
      %dma_start3A_107 = arith.constant 0 : i32
      %dma_start3A_108 = arith.constant 0 : i32
      %dma_start3A_109 = tpu.memref_slice %arg13[%dma_start3A_107, %dma_start3A_108] : memref<10112x128xf32, #tpu.memory_space<vmem_shared>> -> memref<10112x128xf32, #tpu.memory_space<vmem_shared>>
      tpu.enqueue_indirect_dma source(%arg10 : memref<128x128xf32, #tpu.memory_space<vmem>>) target(%dma_start3A_109 : memref<10112x128xf32, #tpu.memory_space<vmem_shared>>) offsets(%dma_start3A_106 : memref<128xi32, #tpu.memory_space<vmem>>) semaphore(%run_scoped3A_104 : memref<!tpu.dma_semaphore, #tpu.memory_space<semaphore_mem>>)
      %dma_wait3A = arith.constant 0 : i32
      %dma_wait3A_110 = tpu.memref_slice %arg12[%run_scoped3A_3, %dma_wait3A] : memref<8x128xi32, #tpu.memory_space<vmem>> -> memref<1x128xi32, #tpu.memory_space<vmem>>
      %dma_wait3A_111 = tpu.memref_squeeze %dma_wait3A_110 : memref<1x128xi32, #tpu.memory_space<vmem>> -> memref<128xi32, #tpu.memory_space<vmem>>
      %dma_wait3A_112 = arith.constant 0 : i32
      %dma_wait3A_113 = arith.constant 0 : i32
      %dma_wait3A_114 = tpu.memref_slice %arg13[%dma_wait3A_112, %dma_wait3A_113] : memref<10112x128xf32, #tpu.memory_space<vmem_shared>> -> memref<10112x128xf32, #tpu.memory_space<vmem_shared>>
      tpu.wait_indirect_dma semaphore(%run_scoped3A_104 : memref<!tpu.dma_semaphore, #tpu.memory_space<semaphore_mem>>) src(%arg10 : memref<128x128xf32, #tpu.memory_space<vmem>>) dst(%dma_wait3A_114 : memref<10112x128xf32, #tpu.memory_space<vmem_shared>>)
      tpu.yield
    }) : () -> ()
    %run_scoped3A_4 = arith.constant 4 : i32
    "tpu.region"() ({
      %run_scoped3A_104 = tpu.sem_alloc : memref<!tpu.dma_semaphore, #tpu.memory_space<semaphore_mem>>
      %dma_start3A = arith.constant 0 : i32
      %dma_start3A_105 = tpu.memref_slice %arg12[%run_scoped3A_4, %dma_start3A] : memref<8x128xi32, #tpu.memory_space<vmem>> -> memref<1x128xi32, #tpu.memory_space<vmem>>
      %dma_start3A_106 = tpu.memref_squeeze %dma_start3A_105 : memref<1x128xi32, #tpu.memory_space<vmem>> -> memref<128xi32, #tpu.memory_space<vmem>>
      %dma_start3A_107 = arith.constant 0 : i32
      %dma_start3A_108 = arith.constant 0 : i32
      %dma_start3A_109 = tpu.memref_slice %arg13[%dma_start3A_107, %dma_start3A_108] : memref<10112x128xf32, #tpu.memory_space<vmem_shared>> -> memref<10112x128xf32, #tpu.memory_space<vmem_shared>>
      tpu.enqueue_indirect_dma source(%arg10 : memref<128x128xf32, #tpu.memory_space<vmem>>) target(%dma_start3A_109 : memref<10112x128xf32, #tpu.memory_space<vmem_shared>>) offsets(%dma_start3A_106 : memref<128xi32, #tpu.memory_space<vmem>>) semaphore(%run_scoped3A_104 : memref<!tpu.dma_semaphore, #tpu.memory_space<semaphore_mem>>)
      %dma_wait3A = arith.constant 0 : i32
      %dma_wait3A_110 = tpu.memref_slice %arg12[%run_scoped3A_4, %dma_wait3A] : memref<8x128xi32, #tpu.memory_space<vmem>> -> memref<1x128xi32, #tpu.memory_space<vmem>>
      %dma_wait3A_111 = tpu.memref_squeeze %dma_wait3A_110 : memref<1x128xi32, #tpu.memory_space<vmem>> -> memref<128xi32, #tpu.memory_space<vmem>>
      %dma_wait3A_112 = arith.constant 0 : i32
      %dma_wait3A_113 = arith.constant 0 : i32
      %dma_wait3A_114 = tpu.memref_slice %arg13[%dma_wait3A_112, %dma_wait3A_113] : memref<10112x128xf32, #tpu.memory_space<vmem_shared>> -> memref<10112x128xf32, #tpu.memory_space<vmem_shared>>
      tpu.wait_indirect_dma semaphore(%run_scoped3A_104 : memref<!tpu.dma_semaphore, #tpu.memory_space<semaphore_mem>>) src(%arg10 : memref<128x128xf32, #tpu.memory_space<vmem>>) dst(%dma_wait3A_114 : memref<10112x128xf32, #tpu.memory_space<vmem_shared>>)
      tpu.yield
    }) : () -> ()
    %run_scoped3A_5 = arith.constant 5 : i32
    "tpu.region"() ({
      %run_scoped3A_104 = tpu.sem_alloc : memref<!tpu.dma_semaphore, #tpu.memory_space<semaphore_mem>>
      %dma_start3A = arith.constant 0 : i32
      %dma_start3A_105 = tpu.memref_slice %arg12[%run_scoped3A_5, %dma_start3A] : memref<8x128xi32, #tpu.memory_space<vmem>> -> memref<1x128xi32, #tpu.memory_space<vmem>>
      %dma_start3A_106 = tpu.memref_squeeze %dma_start3A_105 : memref<1x128xi32, #tpu.memory_space<vmem>> -> memref<128xi32, #tpu.memory_space<vmem>>
      %dma_start3A_107 = arith.constant 0 : i32
      %dma_start3A_108 = arith.constant 0 : i32
      %dma_start3A_109 = tpu.memref_slice %arg13[%dma_start3A_107, %dma_start3A_108] : memref<10112x128xf32, #tpu.memory_space<vmem_shared>> -> memref<10112x128xf32, #tpu.memory_space<vmem_shared>>
      tpu.enqueue_indirect_dma source(%arg10 : memref<128x128xf32, #tpu.memory_space<vmem>>) target(%dma_start3A_109 : memref<10112x128xf32, #tpu.memory_space<vmem_shared>>) offsets(%dma_start3A_106 : memref<128xi32, #tpu.memory_space<vmem>>) semaphore(%run_scoped3A_104 : memref<!tpu.dma_semaphore, #tpu.memory_space<semaphore_mem>>)
      %dma_wait3A = arith.constant 0 : i32
      %dma_wait3A_110 = tpu.memref_slice %arg12[%run_scoped3A_5, %dma_wait3A] : memref<8x128xi32, #tpu.memory_space<vmem>> -> memref<1x128xi32, #tpu.memory_space<vmem>>
      %dma_wait3A_111 = tpu.memref_squeeze %dma_wait3A_110 : memref<1x128xi32, #tpu.memory_space<vmem>> -> memref<128xi32, #tpu.memory_space<vmem>>
      %dma_wait3A_112 = arith.constant 0 : i32
      %dma_wait3A_113 = arith.constant 0 : i32
      %dma_wait3A_114 = tpu.memref_slice %arg13[%dma_wait3A_112, %dma_wait3A_113] : memref<10112x128xf32, #tpu.memory_space<vmem_shared>> -> memref<10112x128xf32, #tpu.memory_space<vmem_shared>>
      tpu.wait_indirect_dma semaphore(%run_scoped3A_104 : memref<!tpu.dma_semaphore, #tpu.memory_space<semaphore_mem>>) src(%arg10 : memref<128x128xf32, #tpu.memory_space<vmem>>) dst(%dma_wait3A_114 : memref<10112x128xf32, #tpu.memory_space<vmem_shared>>)
      tpu.yield
    }) : () -> ()
    %run_scoped3A_6 = arith.constant 6 : i32
    "tpu.region"() ({
      %run_scoped3A_104 = tpu.sem_alloc : memref<!tpu.dma_semaphore, #tpu.memory_space<semaphore_mem>>
      %dma_start3A = arith.constant 0 : i32
      %dma_start3A_105 = tpu.memref_slice %arg12[%run_scoped3A_6, %dma_start3A] : memref<8x128xi32, #tpu.memory_space<vmem>> -> memref<1x128xi32, #tpu.memory_space<vmem>>
      %dma_start3A_106 = tpu.memref_squeeze %dma_start3A_105 : memref<1x128xi32, #tpu.memory_space<vmem>> -> memref<128xi32, #tpu.memory_space<vmem>>
      %dma_start3A_107 = arith.constant 0 : i32
      %dma_start3A_108 = arith.constant 0 : i32
      %dma_start3A_109 = tpu.memref_slice %arg13[%dma_start3A_107, %dma_start3A_108] : memref<10112x128xf32, #tpu.memory_space<vmem_shared>> -> memref<10112x128xf32, #tpu.memory_space<vmem_shared>>
      tpu.enqueue_indirect_dma source(%arg10 : memref<128x128xf32, #tpu.memory_space<vmem>>) target(%dma_start3A_109 : memref<10112x128xf32, #tpu.memory_space<vmem_shared>>) offsets(%dma_start3A_106 : memref<128xi32, #tpu.memory_space<vmem>>) semaphore(%run_scoped3A_104 : memref<!tpu.dma_semaphore, #tpu.memory_space<semaphore_mem>>)
      %dma_wait3A = arith.constant 0 : i32
      %dma_wait3A_110 = tpu.memref_slice %arg12[%run_scoped3A_6, %dma_wait3A] : memref<8x128xi32, #tpu.memory_space<vmem>> -> memref<1x128xi32, #tpu.memory_space<vmem>>
      %dma_wait3A_111 = tpu.memref_squeeze %dma_wait3A_110 : memref<1x128xi32, #tpu.memory_space<vmem>> -> memref<128xi32, #tpu.memory_space<vmem>>
      %dma_wait3A_112 = arith.constant 0 : i32
      %dma_wait3A_113 = arith.constant 0 : i32
      %dma_wait3A_114 = tpu.memref_slice %arg13[%dma_wait3A_112, %dma_wait3A_113] : memref<10112x128xf32, #tpu.memory_space<vmem_shared>> -> memref<10112x128xf32, #tpu.memory_space<vmem_shared>>
      tpu.wait_indirect_dma semaphore(%run_scoped3A_104 : memref<!tpu.dma_semaphore, #tpu.memory_space<semaphore_mem>>) src(%arg10 : memref<128x128xf32, #tpu.memory_space<vmem>>) dst(%dma_wait3A_114 : memref<10112x128xf32, #tpu.memory_space<vmem_shared>>)
      tpu.yield
    }) : () -> ()
    %run_scoped3A_7 = arith.constant 7 : i32
    "tpu.region"() ({
      %run_scoped3A_104 = tpu.sem_alloc : memref<!tpu.dma_semaphore, #tpu.memory_space<semaphore_mem>>
      %dma_start3A = arith.constant 0 : i32
      %dma_start3A_105 = tpu.memref_slice %arg12[%run_scoped3A_7, %dma_start3A] : memref<8x128xi32, #tpu.memory_space<vmem>> -> memref<1x128xi32, #tpu.memory_space<vmem>>
      %dma_start3A_106 = tpu.memref_squeeze %dma_start3A_105 : memref<1x128xi32, #tpu.memory_space<vmem>> -> memref<128xi32, #tpu.memory_space<vmem>>
      %dma_start3A_107 = arith.constant 0 : i32
      %dma_start3A_108 = arith.constant 0 : i32
      %dma_start3A_109 = tpu.memref_slice %arg13[%dma_start3A_107, %dma_start3A_108] : memref<10112x128xf32, #tpu.memory_space<vmem_shared>> -> memref<10112x128xf32, #tpu.memory_space<vmem_shared>>
      tpu.enqueue_indirect_dma source(%arg10 : memref<128x128xf32, #tpu.memory_space<vmem>>) target(%dma_start3A_109 : memref<10112x128xf32, #tpu.memory_space<vmem_shared>>) offsets(%dma_start3A_106 : memref<128xi32, #tpu.memory_space<vmem>>) semaphore(%run_scoped3A_104 : memref<!tpu.dma_semaphore, #tpu.memory_space<semaphore_mem>>)
      %dma_wait3A = arith.constant 0 : i32
      %dma_wait3A_110 = tpu.memref_slice %arg12[%run_scoped3A_7, %dma_wait3A] : memref<8x128xi32, #tpu.memory_space<vmem>> -> memref<1x128xi32, #tpu.memory_space<vmem>>
      %dma_wait3A_111 = tpu.memref_squeeze %dma_wait3A_110 : memref<1x128xi32, #tpu.memory_space<vmem>> -> memref<128xi32, #tpu.memory_space<vmem>>
      %dma_wait3A_112 = arith.constant 0 : i32
      %dma_wait3A_113 = arith.constant 0 : i32
      %dma_wait3A_114 = tpu.memref_slice %arg13[%dma_wait3A_112, %dma_wait3A_113] : memref<10112x128xf32, #tpu.memory_space<vmem_shared>> -> memref<10112x128xf32, #tpu.memory_space<vmem_shared>>
      tpu.wait_indirect_dma semaphore(%run_scoped3A_104 : memref<!tpu.dma_semaphore, #tpu.memory_space<semaphore_mem>>) src(%arg10 : memref<128x128xf32, #tpu.memory_space<vmem>>) dst(%dma_wait3A_114 : memref<10112x128xf32, #tpu.memory_space<vmem_shared>>)
      tpu.yield
    }) : () -> ()
    %barrier3A = arith.constant 0 : index
    tpu.barrier barrier_id(%barrier3A)
    %eq3A = arith.constant 0 : i32
    %eq3A_8 = arith.cmpi eq, %arg0, %eq3A : i32
    %mul3A_9 = arith.constant 128 : i32
    %mul3A_10 = arith.muli %arg1, %mul3A_9 : i32
    %mul3A_11 = arith.constant 32 : i32
    %mul3A_12 = arith.muli %arg1, %mul3A_11 : i32
    %add3A = arith.constant 2048 : i32
    %add3A_13 = arith.addi %add3A, %mul3A_12 : i32
    %select_n3A = arith.select %eq3A_8, %mul3A_10, %add3A_13 : i32
    %eq3A_14 = arith.constant 0 : i32
    %eq3A_15 = arith.cmpi eq, %arg0, %eq3A_14 : i32
    %jit3A = arith.constant 16 : i32
    %jit3A_16 = arith.constant 4 : i32
    %select_n3A_17 = arith.select %eq3A_15, %jit3A, %jit3A_16 : i32
    %sub3A = arith.constant 0 : i32
    %sub3A_18 = arith.subi %select_n3A_17, %sub3A : i32
    %sub3A_19 = arith.constant 1 : i32
    %sub3A_20 = arith.constant 1 : i32
    %sub3A_21 = arith.subi %sub3A_19, %sub3A_20 : i32
    %add3A_22 = arith.addi %sub3A_18, %sub3A_21 : i32
    %div3A = arith.constant 1 : i32
    %div3A_23 = arith.divsi %add3A_22, %div3A : i32
    %while3A = arith.constant 1 : i32
    %while3A_24 = arith.constant 0 : i32
    %while3A_25 = arith.constant 0 : i32
    %while3A_26 = arith.subi %div3A_23, %while3A_25 : i32
    %while3A_27 = arith.addi %while3A_25, %while3A_26 : i32
    %while3A_28 = arith.constant 1 : i32
    %while3A_29 = arith.divsi %while3A_26, %while3A_28 : i32
    %while3A_30 = arith.muli %while3A_29, %while3A_28 : i32
    %while3A_31 = arith.addi %while3A_25, %while3A_30 : i32
    %while3A_32 = arith.constant 1 : i32
    scf.for %while3A_104 = %while3A_25 to %while3A_31 step %while3A_32  : i32 {
      %mul3A_105 = arith.muli %while3A_104, %while3A : i32
      %add3A_106 = arith.addi %while3A_24, %mul3A_105 : i32
      %mul3A_107 = arith.constant 8 : i32
      %mul3A_108 = arith.muli %add3A_106, %mul3A_107 : i32
      %add3A_109 = arith.addi %select_n3A, %mul3A_108 : i32
      "tpu.region"() ({
        %run_scoped3A_335 = tpu.sem_alloc : memref<!tpu.dma_semaphore, #tpu.memory_space<semaphore_mem>>
        %dma_start3A_336 = arith.constant 0 : i32
        %dma_start3A_337 = tpu.memref_slice %arg3[%add3A_109, %dma_start3A_336] : memref<2560x128xi32, #tpu.memory_space<hbm>> -> memref<8x128xi32, #tpu.memory_space<hbm>>
        %dma_start3A_338 = arith.constant 0 : i32
        %dma_start3A_339 = tpu.memref_slice %arg3[%add3A_109, %dma_start3A_338] : memref<2560x128xi32, #tpu.memory_space<hbm>> -> memref<8x128xi32, #tpu.memory_space<hbm>>
        tpu.enqueue_dma source(%dma_start3A_339 : memref<8x128xi32, #tpu.memory_space<hbm>>) target(%arg8 : memref<8x128xi32, #tpu.memory_space<vmem>>) target_semaphore(%run_scoped3A_335 : memref<!tpu.dma_semaphore, #tpu.memory_space<semaphore_mem>>)
        %dma_wait3A_340 = arith.constant 0 : i32
        %dma_wait3A_341 = tpu.memref_slice %arg3[%add3A_109, %dma_wait3A_340] : memref<2560x128xi32, #tpu.memory_space<hbm>> -> memref<8x128xi32, #tpu.memory_space<hbm>>
        %dma_wait3A_342 = arith.constant 0 : i32
        %dma_wait3A_343 = tpu.memref_slice %arg3[%add3A_109, %dma_wait3A_342] : memref<2560x128xi32, #tpu.memory_space<hbm>> -> memref<8x128xi32, #tpu.memory_space<hbm>>
        tpu.wait_dma2 semaphore(%run_scoped3A_335 : memref<!tpu.dma_semaphore, #tpu.memory_space<semaphore_mem>>) src(%dma_wait3A_343 : memref<8x128xi32, #tpu.memory_space<hbm>>) dst(%arg8 : memref<8x128xi32, #tpu.memory_space<vmem>>)
        tpu.yield
      }) : () -> ()
      %mul3A_110 = arith.constant 8 : i32
      %mul3A_111 = arith.muli %add3A_106, %mul3A_110 : i32
      %add3A_112 = arith.addi %select_n3A, %mul3A_111 : i32
      "tpu.region"() ({
        %run_scoped3A_335 = tpu.sem_alloc : memref<!tpu.dma_semaphore, #tpu.memory_space<semaphore_mem>>
        %dma_start3A_336 = arith.constant 0 : i32
        %dma_start3A_337 = tpu.memref_slice %arg4[%add3A_112, %dma_start3A_336] : memref<2560x128xi32, #tpu.memory_space<hbm>> -> memref<8x128xi32, #tpu.memory_space<hbm>>
        %dma_start3A_338 = arith.constant 0 : i32
        %dma_start3A_339 = tpu.memref_slice %arg4[%add3A_112, %dma_start3A_338] : memref<2560x128xi32, #tpu.memory_space<hbm>> -> memref<8x128xi32, #tpu.memory_space<hbm>>
        tpu.enqueue_dma source(%dma_start3A_339 : memref<8x128xi32, #tpu.memory_space<hbm>>) target(%arg9 : memref<8x128xi32, #tpu.memory_space<vmem>>) target_semaphore(%run_scoped3A_335 : memref<!tpu.dma_semaphore, #tpu.memory_space<semaphore_mem>>)
        %dma_wait3A_340 = arith.constant 0 : i32
        %dma_wait3A_341 = tpu.memref_slice %arg4[%add3A_112, %dma_wait3A_340] : memref<2560x128xi32, #tpu.memory_space<hbm>> -> memref<8x128xi32, #tpu.memory_space<hbm>>
        %dma_wait3A_342 = arith.constant 0 : i32
        %dma_wait3A_343 = tpu.memref_slice %arg4[%add3A_112, %dma_wait3A_342] : memref<2560x128xi32, #tpu.memory_space<hbm>> -> memref<8x128xi32, #tpu.memory_space<hbm>>
        tpu.wait_dma2 semaphore(%run_scoped3A_335 : memref<!tpu.dma_semaphore, #tpu.memory_space<semaphore_mem>>) src(%dma_wait3A_343 : memref<8x128xi32, #tpu.memory_space<hbm>>) dst(%arg9 : memref<8x128xi32, #tpu.memory_space<vmem>>)
        tpu.yield
      }) : () -> ()
      %dma_start3A = arith.constant 0 : i32
      %dma_start3A_113 = arith.constant 0 : i32
      %dma_start3A_114 = tpu.memref_slice %arg8[%dma_start3A, %dma_start3A_113] : memref<8x128xi32, #tpu.memory_space<vmem>> -> memref<1x128xi32, #tpu.memory_space<vmem>>
      %dma_start3A_115 = tpu.memref_squeeze %dma_start3A_114 : memref<1x128xi32, #tpu.memory_space<vmem>> -> memref<128xi32, #tpu.memory_space<vmem>>
      %dma_start3A_116 = arith.constant 0 : i32
      %dma_start3A_117 = arith.constant 0 : i32
      %dma_start3A_118 = tpu.memref_slice %arg2[%dma_start3A_116, %dma_start3A_117] : memref<10000x128xf32, #tpu.memory_space<hbm>> -> memref<10000x128xf32, #tpu.memory_space<hbm>>
      tpu.enqueue_indirect_dma source(%dma_start3A_118 : memref<10000x128xf32, #tpu.memory_space<hbm>>) target(%arg10 : memref<128x128xf32, #tpu.memory_space<vmem>>) offsets(%dma_start3A_115 : memref<128xi32, #tpu.memory_space<vmem>>) semaphore(%arg14 : memref<!tpu.dma_semaphore, #tpu.memory_space<semaphore_mem>>)
      %dma_start3A_119 = arith.constant 1 : i32
      %dma_start3A_120 = arith.constant 0 : i32
      %dma_start3A_121 = tpu.memref_slice %arg8[%dma_start3A_119, %dma_start3A_120] : memref<8x128xi32, #tpu.memory_space<vmem>> -> memref<1x128xi32, #tpu.memory_space<vmem>>
      %dma_start3A_122 = tpu.memref_squeeze %dma_start3A_121 : memref<1x128xi32, #tpu.memory_space<vmem>> -> memref<128xi32, #tpu.memory_space<vmem>>
      %dma_start3A_123 = arith.constant 0 : i32
      %dma_start3A_124 = arith.constant 0 : i32
      %dma_start3A_125 = tpu.memref_slice %arg2[%dma_start3A_123, %dma_start3A_124] : memref<10000x128xf32, #tpu.memory_space<hbm>> -> memref<10000x128xf32, #tpu.memory_space<hbm>>
      tpu.enqueue_indirect_dma source(%dma_start3A_125 : memref<10000x128xf32, #tpu.memory_space<hbm>>) target(%arg11 : memref<128x128xf32, #tpu.memory_space<vmem>>) offsets(%dma_start3A_122 : memref<128xi32, #tpu.memory_space<vmem>>) semaphore(%arg15 : memref<!tpu.dma_semaphore, #tpu.memory_space<semaphore_mem>>)
      %dma_wait3A = arith.constant 0 : i32
      %dma_wait3A_126 = arith.constant 0 : i32
      %dma_wait3A_127 = tpu.memref_slice %arg8[%dma_wait3A, %dma_wait3A_126] : memref<8x128xi32, #tpu.memory_space<vmem>> -> memref<1x128xi32, #tpu.memory_space<vmem>>
      %dma_wait3A_128 = tpu.memref_squeeze %dma_wait3A_127 : memref<1x128xi32, #tpu.memory_space<vmem>> -> memref<128xi32, #tpu.memory_space<vmem>>
      %dma_wait3A_129 = arith.constant 0 : i32
      %dma_wait3A_130 = arith.constant 0 : i32
      %dma_wait3A_131 = tpu.memref_slice %arg2[%dma_wait3A_129, %dma_wait3A_130] : memref<10000x128xf32, #tpu.memory_space<hbm>> -> memref<10000x128xf32, #tpu.memory_space<hbm>>
      tpu.wait_indirect_dma semaphore(%arg14 : memref<!tpu.dma_semaphore, #tpu.memory_space<semaphore_mem>>) src(%dma_wait3A_131 : memref<10000x128xf32, #tpu.memory_space<hbm>>) dst(%arg10 : memref<128x128xf32, #tpu.memory_space<vmem>>)
      %dma_start3A_132 = arith.constant 0 : i32
      %dma_start3A_133 = arith.constant 0 : i32
      %dma_start3A_134 = tpu.memref_slice %arg9[%dma_start3A_132, %dma_start3A_133] : memref<8x128xi32, #tpu.memory_space<vmem>> -> memref<1x128xi32, #tpu.memory_space<vmem>>
      %dma_start3A_135 = tpu.memref_squeeze %dma_start3A_134 : memref<1x128xi32, #tpu.memory_space<vmem>> -> memref<128xi32, #tpu.memory_space<vmem>>
      %dma_start3A_136 = arith.constant 0 : i32
      %dma_start3A_137 = arith.constant 0 : i32
      %dma_start3A_138 = tpu.memref_slice %arg13[%dma_start3A_136, %dma_start3A_137] : memref<10112x128xf32, #tpu.memory_space<vmem_shared>> -> memref<10112x128xf32, #tpu.memory_space<vmem_shared>>
      tpu.enqueue_indirect_dma source(%arg10 : memref<128x128xf32, #tpu.memory_space<vmem>>) target(%dma_start3A_138 : memref<10112x128xf32, #tpu.memory_space<vmem_shared>>) offsets(%dma_start3A_135 : memref<128xi32, #tpu.memory_space<vmem>>) semaphore(%arg16 : memref<!tpu.dma_semaphore, #tpu.memory_space<semaphore_mem>>) {add = true}
      %dma_wait3A_139 = arith.constant 0 : i32
      %dma_wait3A_140 = arith.constant 0 : i32
      %dma_wait3A_141 = tpu.memref_slice %arg9[%dma_wait3A_139, %dma_wait3A_140] : memref<8x128xi32, #tpu.memory_space<vmem>> -> memref<1x128xi32, #tpu.memory_space<vmem>>
      %dma_wait3A_142 = tpu.memref_squeeze %dma_wait3A_141 : memref<1x128xi32, #tpu.memory_space<vmem>> -> memref<128xi32, #tpu.memory_space<vmem>>
      %dma_wait3A_143 = arith.constant 0 : i32
      %dma_wait3A_144 = arith.constant 0 : i32
      %dma_wait3A_145 = tpu.memref_slice %arg13[%dma_wait3A_143, %dma_wait3A_144] : memref<10112x128xf32, #tpu.memory_space<vmem_shared>> -> memref<10112x128xf32, #tpu.memory_space<vmem_shared>>
      tpu.wait_indirect_dma semaphore(%arg16 : memref<!tpu.dma_semaphore, #tpu.memory_space<semaphore_mem>>) src(%arg10 : memref<128x128xf32, #tpu.memory_space<vmem>>) dst(%dma_wait3A_145 : memref<10112x128xf32, #tpu.memory_space<vmem_shared>>)
      %dma_start3A_146 = arith.constant 2 : i32
      %dma_start3A_147 = arith.constant 0 : i32
      %dma_start3A_148 = tpu.memref_slice %arg8[%dma_start3A_146, %dma_start3A_147] : memref<8x128xi32, #tpu.memory_space<vmem>> -> memref<1x128xi32, #tpu.memory_space<vmem>>
      %dma_start3A_149 = tpu.memref_squeeze %dma_start3A_148 : memref<1x128xi32, #tpu.memory_space<vmem>> -> memref<128xi32, #tpu.memory_space<vmem>>
      %dma_start3A_150 = arith.constant 0 : i32
      %dma_start3A_151 = arith.constant 0 : i32
      %dma_start3A_152 = tpu.memref_slice %arg2[%dma_start3A_150, %dma_start3A_151] : memref<10000x128xf32, #tpu.memory_space<hbm>> -> memref<10000x128xf32, #tpu.memory_space<hbm>>
      tpu.enqueue_indirect_dma source(%dma_start3A_152 : memref<10000x128xf32, #tpu.memory_space<hbm>>) target(%arg10 : memref<128x128xf32, #tpu.memory_space<vmem>>) offsets(%dma_start3A_149 : memref<128xi32, #tpu.memory_space<vmem>>) semaphore(%arg14 : memref<!tpu.dma_semaphore, #tpu.memory_space<semaphore_mem>>)
      %dma_wait3A_153 = arith.constant 1 : i32
      %dma_wait3A_154 = arith.constant 0 : i32
      %dma_wait3A_155 = tpu.memref_slice %arg8[%dma_wait3A_153, %dma_wait3A_154] : memref<8x128xi32, #tpu.memory_space<vmem>> -> memref<1x128xi32, #tpu.memory_space<vmem>>
      %dma_wait3A_156 = tpu.memref_squeeze %dma_wait3A_155 : memref<1x128xi32, #tpu.memory_space<vmem>> -> memref<128xi32, #tpu.memory_space<vmem>>
      %dma_wait3A_157 = arith.constant 0 : i32
      %dma_wait3A_158 = arith.constant 0 : i32
      %dma_wait3A_159 = tpu.memref_slice %arg2[%dma_wait3A_157, %dma_wait3A_158] : memref<10000x128xf32, #tpu.memory_space<hbm>> -> memref<10000x128xf32, #tpu.memory_space<hbm>>
      tpu.wait_indirect_dma semaphore(%arg15 : memref<!tpu.dma_semaphore, #tpu.memory_space<semaphore_mem>>) src(%dma_wait3A_159 : memref<10000x128xf32, #tpu.memory_space<hbm>>) dst(%arg11 : memref<128x128xf32, #tpu.memory_space<vmem>>)
      %dma_start3A_160 = arith.constant 1 : i32
      %dma_start3A_161 = arith.constant 0 : i32
      %dma_start3A_162 = tpu.memref_slice %arg9[%dma_start3A_160, %dma_start3A_161] : memref<8x128xi32, #tpu.memory_space<vmem>> -> memref<1x128xi32, #tpu.memory_space<vmem>>
      %dma_start3A_163 = tpu.memref_squeeze %dma_start3A_162 : memref<1x128xi32, #tpu.memory_space<vmem>> -> memref<128xi32, #tpu.memory_space<vmem>>
      %dma_start3A_164 = arith.constant 0 : i32
      %dma_start3A_165 = arith.constant 0 : i32
      %dma_start3A_166 = tpu.memref_slice %arg13[%dma_start3A_164, %dma_start3A_165] : memref<10112x128xf32, #tpu.memory_space<vmem_shared>> -> memref<10112x128xf32, #tpu.memory_space<vmem_shared>>
      tpu.enqueue_indirect_dma source(%arg11 : memref<128x128xf32, #tpu.memory_space<vmem>>) target(%dma_start3A_166 : memref<10112x128xf32, #tpu.memory_space<vmem_shared>>) offsets(%dma_start3A_163 : memref<128xi32, #tpu.memory_space<vmem>>) semaphore(%arg17 : memref<!tpu.dma_semaphore, #tpu.memory_space<semaphore_mem>>) {add = true}
      %dma_wait3A_167 = arith.constant 1 : i32
      %dma_wait3A_168 = arith.constant 0 : i32
      %dma_wait3A_169 = tpu.memref_slice %arg9[%dma_wait3A_167, %dma_wait3A_168] : memref<8x128xi32, #tpu.memory_space<vmem>> -> memref<1x128xi32, #tpu.memory_space<vmem>>
      %dma_wait3A_170 = tpu.memref_squeeze %dma_wait3A_169 : memref<1x128xi32, #tpu.memory_space<vmem>> -> memref<128xi32, #tpu.memory_space<vmem>>
      %dma_wait3A_171 = arith.constant 0 : i32
      %dma_wait3A_172 = arith.constant 0 : i32
      %dma_wait3A_173 = tpu.memref_slice %arg13[%dma_wait3A_171, %dma_wait3A_172] : memref<10112x128xf32, #tpu.memory_space<vmem_shared>> -> memref<10112x128xf32, #tpu.memory_space<vmem_shared>>
      tpu.wait_indirect_dma semaphore(%arg17 : memref<!tpu.dma_semaphore, #tpu.memory_space<semaphore_mem>>) src(%arg11 : memref<128x128xf32, #tpu.memory_space<vmem>>) dst(%dma_wait3A_173 : memref<10112x128xf32, #tpu.memory_space<vmem_shared>>)
      %dma_start3A_174 = arith.constant 3 : i32
      %dma_start3A_175 = arith.constant 0 : i32
      %dma_start3A_176 = tpu.memref_slice %arg8[%dma_start3A_174, %dma_start3A_175] : memref<8x128xi32, #tpu.memory_space<vmem>> -> memref<1x128xi32, #tpu.memory_space<vmem>>
      %dma_start3A_177 = tpu.memref_squeeze %dma_start3A_176 : memref<1x128xi32, #tpu.memory_space<vmem>> -> memref<128xi32, #tpu.memory_space<vmem>>
      %dma_start3A_178 = arith.constant 0 : i32
      %dma_start3A_179 = arith.constant 0 : i32
      %dma_start3A_180 = tpu.memref_slice %arg2[%dma_start3A_178, %dma_start3A_179] : memref<10000x128xf32, #tpu.memory_space<hbm>> -> memref<10000x128xf32, #tpu.memory_space<hbm>>
      tpu.enqueue_indirect_dma source(%dma_start3A_180 : memref<10000x128xf32, #tpu.memory_space<hbm>>) target(%arg11 : memref<128x128xf32, #tpu.memory_space<vmem>>) offsets(%dma_start3A_177 : memref<128xi32, #tpu.memory_space<vmem>>) semaphore(%arg15 : memref<!tpu.dma_semaphore, #tpu.memory_space<semaphore_mem>>)
      %dma_wait3A_181 = arith.constant 2 : i32
      %dma_wait3A_182 = arith.constant 0 : i32
      %dma_wait3A_183 = tpu.memref_slice %arg8[%dma_wait3A_181, %dma_wait3A_182] : memref<8x128xi32, #tpu.memory_space<vmem>> -> memref<1x128xi32, #tpu.memory_space<vmem>>
      %dma_wait3A_184 = tpu.memref_squeeze %dma_wait3A_183 : memref<1x128xi32, #tpu.memory_space<vmem>> -> memref<128xi32, #tpu.memory_space<vmem>>
      %dma_wait3A_185 = arith.constant 0 : i32
      %dma_wait3A_186 = arith.constant 0 : i32
      %dma_wait3A_187 = tpu.memref_slice %arg2[%dma_wait3A_185, %dma_wait3A_186] : memref<10000x128xf32, #tpu.memory_space<hbm>> -> memref<10000x128xf32, #tpu.memory_space<hbm>>
      tpu.wait_indirect_dma semaphore(%arg14 : memref<!tpu.dma_semaphore, #tpu.memory_space<semaphore_mem>>) src(%dma_wait3A_187 : memref<10000x128xf32, #tpu.memory_space<hbm>>) dst(%arg10 : memref<128x128xf32, #tpu.memory_space<vmem>>)
      %dma_start3A_188 = arith.constant 2 : i32
      %dma_start3A_189 = arith.constant 0 : i32
      %dma_start3A_190 = tpu.memref_slice %arg9[%dma_start3A_188, %dma_start3A_189] : memref<8x128xi32, #tpu.memory_space<vmem>> -> memref<1x128xi32, #tpu.memory_space<vmem>>
      %dma_start3A_191 = tpu.memref_squeeze %dma_start3A_190 : memref<1x128xi32, #tpu.memory_space<vmem>> -> memref<128xi32, #tpu.memory_space<vmem>>
      %dma_start3A_192 = arith.constant 0 : i32
      %dma_start3A_193 = arith.constant 0 : i32
      %dma_start3A_194 = tpu.memref_slice %arg13[%dma_start3A_192, %dma_start3A_193] : memref<10112x128xf32, #tpu.memory_space<vmem_shared>> -> memref<10112x128xf32, #tpu.memory_space<vmem_shared>>
      tpu.enqueue_indirect_dma source(%arg10 : memref<128x128xf32, #tpu.memory_space<vmem>>) target(%dma_start3A_194 : memref<10112x128xf32, #tpu.memory_space<vmem_shared>>) offsets(%dma_start3A_191 : memref<128xi32, #tpu.memory_space<vmem>>) semaphore(%arg16 : memref<!tpu.dma_semaphore, #tpu.memory_space<semaphore_mem>>) {add = true}
      %dma_wait3A_195 = arith.constant 2 : i32
      %dma_wait3A_196 = arith.constant 0 : i32
      %dma_wait3A_197 = tpu.memref_slice %arg9[%dma_wait3A_195, %dma_wait3A_196] : memref<8x128xi32, #tpu.memory_space<vmem>> -> memref<1x128xi32, #tpu.memory_space<vmem>>
      %dma_wait3A_198 = tpu.memref_squeeze %dma_wait3A_197 : memref<1x128xi32, #tpu.memory_space<vmem>> -> memref<128xi32, #tpu.memory_space<vmem>>
      %dma_wait3A_199 = arith.constant 0 : i32
      %dma_wait3A_200 = arith.constant 0 : i32
      %dma_wait3A_201 = tpu.memref_slice %arg13[%dma_wait3A_199, %dma_wait3A_200] : memref<10112x128xf32, #tpu.memory_space<vmem_shared>> -> memref<10112x128xf32, #tpu.memory_space<vmem_shared>>
      tpu.wait_indirect_dma semaphore(%arg16 : memref<!tpu.dma_semaphore, #tpu.memory_space<semaphore_mem>>) src(%arg10 : memref<128x128xf32, #tpu.memory_space<vmem>>) dst(%dma_wait3A_201 : memref<10112x128xf32, #tpu.memory_space<vmem_shared>>)
      %dma_start3A_202 = arith.constant 4 : i32
      %dma_start3A_203 = arith.constant 0 : i32
      %dma_start3A_204 = tpu.memref_slice %arg8[%dma_start3A_202, %dma_start3A_203] : memref<8x128xi32, #tpu.memory_space<vmem>> -> memref<1x128xi32, #tpu.memory_space<vmem>>
      %dma_start3A_205 = tpu.memref_squeeze %dma_start3A_204 : memref<1x128xi32, #tpu.memory_space<vmem>> -> memref<128xi32, #tpu.memory_space<vmem>>
      %dma_start3A_206 = arith.constant 0 : i32
      %dma_start3A_207 = arith.constant 0 : i32
      %dma_start3A_208 = tpu.memref_slice %arg2[%dma_start3A_206, %dma_start3A_207] : memref<10000x128xf32, #tpu.memory_space<hbm>> -> memref<10000x128xf32, #tpu.memory_space<hbm>>
      tpu.enqueue_indirect_dma source(%dma_start3A_208 : memref<10000x128xf32, #tpu.memory_space<hbm>>) target(%arg10 : memref<128x128xf32, #tpu.memory_space<vmem>>) offsets(%dma_start3A_205 : memref<128xi32, #tpu.memory_space<vmem>>) semaphore(%arg14 : memref<!tpu.dma_semaphore, #tpu.memory_space<semaphore_mem>>)
      %dma_wait3A_209 = arith.constant 3 : i32
      %dma_wait3A_210 = arith.constant 0 : i32
      %dma_wait3A_211 = tpu.memref_slice %arg8[%dma_wait3A_209, %dma_wait3A_210] : memref<8x128xi32, #tpu.memory_space<vmem>> -> memref<1x128xi32, #tpu.memory_space<vmem>>
      %dma_wait3A_212 = tpu.memref_squeeze %dma_wait3A_211 : memref<1x128xi32, #tpu.memory_space<vmem>> -> memref<128xi32, #tpu.memory_space<vmem>>
      %dma_wait3A_213 = arith.constant 0 : i32
      %dma_wait3A_214 = arith.constant 0 : i32
      %dma_wait3A_215 = tpu.memref_slice %arg2[%dma_wait3A_213, %dma_wait3A_214] : memref<10000x128xf32, #tpu.memory_space<hbm>> -> memref<10000x128xf32, #tpu.memory_space<hbm>>
      tpu.wait_indirect_dma semaphore(%arg15 : memref<!tpu.dma_semaphore, #tpu.memory_space<semaphore_mem>>) src(%dma_wait3A_215 : memref<10000x128xf32, #tpu.memory_space<hbm>>) dst(%arg11 : memref<128x128xf32, #tpu.memory_space<vmem>>)
      %dma_start3A_216 = arith.constant 3 : i32
      %dma_start3A_217 = arith.constant 0 : i32
      %dma_start3A_218 = tpu.memref_slice %arg9[%dma_start3A_216, %dma_start3A_217] : memref<8x128xi32, #tpu.memory_space<vmem>> -> memref<1x128xi32, #tpu.memory_space<vmem>>
      %dma_start3A_219 = tpu.memref_squeeze %dma_start3A_218 : memref<1x128xi32, #tpu.memory_space<vmem>> -> memref<128xi32, #tpu.memory_space<vmem>>
      %dma_start3A_220 = arith.constant 0 : i32
      %dma_start3A_221 = arith.constant 0 : i32
      %dma_start3A_222 = tpu.memref_slice %arg13[%dma_start3A_220, %dma_start3A_221] : memref<10112x128xf32, #tpu.memory_space<vmem_shared>> -> memref<10112x128xf32, #tpu.memory_space<vmem_shared>>
      tpu.enqueue_indirect_dma source(%arg11 : memref<128x128xf32, #tpu.memory_space<vmem>>) target(%dma_start3A_222 : memref<10112x128xf32, #tpu.memory_space<vmem_shared>>) offsets(%dma_start3A_219 : memref<128xi32, #tpu.memory_space<vmem>>) semaphore(%arg17 : memref<!tpu.dma_semaphore, #tpu.memory_space<semaphore_mem>>) {add = true}
      %dma_wait3A_223 = arith.constant 3 : i32
      %dma_wait3A_224 = arith.constant 0 : i32
      %dma_wait3A_225 = tpu.memref_slice %arg9[%dma_wait3A_223, %dma_wait3A_224] : memref<8x128xi32, #tpu.memory_space<vmem>> -> memref<1x128xi32, #tpu.memory_space<vmem>>
      %dma_wait3A_226 = tpu.memref_squeeze %dma_wait3A_225 : memref<1x128xi32, #tpu.memory_space<vmem>> -> memref<128xi32, #tpu.memory_space<vmem>>
      %dma_wait3A_227 = arith.constant 0 : i32
      %dma_wait3A_228 = arith.constant 0 : i32
      %dma_wait3A_229 = tpu.memref_slice %arg13[%dma_wait3A_227, %dma_wait3A_228] : memref<10112x128xf32, #tpu.memory_space<vmem_shared>> -> memref<10112x128xf32, #tpu.memory_space<vmem_shared>>
      tpu.wait_indirect_dma semaphore(%arg17 : memref<!tpu.dma_semaphore, #tpu.memory_space<semaphore_mem>>) src(%arg11 : memref<128x128xf32, #tpu.memory_space<vmem>>) dst(%dma_wait3A_229 : memref<10112x128xf32, #tpu.memory_space<vmem_shared>>)
      %dma_start3A_230 = arith.constant 5 : i32
      %dma_start3A_231 = arith.constant 0 : i32
      %dma_start3A_232 = tpu.memref_slice %arg8[%dma_start3A_230, %dma_start3A_231] : memref<8x128xi32, #tpu.memory_space<vmem>> -> memref<1x128xi32, #tpu.memory_space<vmem>>
      %dma_start3A_233 = tpu.memref_squeeze %dma_start3A_232 : memref<1x128xi32, #tpu.memory_space<vmem>> -> memref<128xi32, #tpu.memory_space<vmem>>
      %dma_start3A_234 = arith.constant 0 : i32
      %dma_start3A_235 = arith.constant 0 : i32
      %dma_start3A_236 = tpu.memref_slice %arg2[%dma_start3A_234, %dma_start3A_235] : memref<10000x128xf32, #tpu.memory_space<hbm>> -> memref<10000x128xf32, #tpu.memory_space<hbm>>
      tpu.enqueue_indirect_dma source(%dma_start3A_236 : memref<10000x128xf32, #tpu.memory_space<hbm>>) target(%arg11 : memref<128x128xf32, #tpu.memory_space<vmem>>) offsets(%dma_start3A_233 : memref<128xi32, #tpu.memory_space<vmem>>) semaphore(%arg15 : memref<!tpu.dma_semaphore, #tpu.memory_space<semaphore_mem>>)
      %dma_wait3A_237 = arith.constant 4 : i32
      %dma_wait3A_238 = arith.constant 0 : i32
      %dma_wait3A_239 = tpu.memref_slice %arg8[%dma_wait3A_237, %dma_wait3A_238] : memref<8x128xi32, #tpu.memory_space<vmem>> -> memref<1x128xi32, #tpu.memory_space<vmem>>
      %dma_wait3A_240 = tpu.memref_squeeze %dma_wait3A_239 : memref<1x128xi32, #tpu.memory_space<vmem>> -> memref<128xi32, #tpu.memory_space<vmem>>
      %dma_wait3A_241 = arith.constant 0 : i32
      %dma_wait3A_242 = arith.constant 0 : i32
      %dma_wait3A_243 = tpu.memref_slice %arg2[%dma_wait3A_241, %dma_wait3A_242] : memref<10000x128xf32, #tpu.memory_space<hbm>> -> memref<10000x128xf32, #tpu.memory_space<hbm>>
      tpu.wait_indirect_dma semaphore(%arg14 : memref<!tpu.dma_semaphore, #tpu.memory_space<semaphore_mem>>) src(%dma_wait3A_243 : memref<10000x128xf32, #tpu.memory_space<hbm>>) dst(%arg10 : memref<128x128xf32, #tpu.memory_space<vmem>>)
      %dma_start3A_244 = arith.constant 4 : i32
      %dma_start3A_245 = arith.constant 0 : i32
      %dma_start3A_246 = tpu.memref_slice %arg9[%dma_start3A_244, %dma_start3A_245] : memref<8x128xi32, #tpu.memory_space<vmem>> -> memref<1x128xi32, #tpu.memory_space<vmem>>
      %dma_start3A_247 = tpu.memref_squeeze %dma_start3A_246 : memref<1x128xi32, #tpu.memory_space<vmem>> -> memref<128xi32, #tpu.memory_space<vmem>>
      %dma_start3A_248 = arith.constant 0 : i32
      %dma_start3A_249 = arith.constant 0 : i32
      %dma_start3A_250 = tpu.memref_slice %arg13[%dma_start3A_248, %dma_start3A_249] : memref<10112x128xf32, #tpu.memory_space<vmem_shared>> -> memref<10112x128xf32, #tpu.memory_space<vmem_shared>>
      tpu.enqueue_indirect_dma source(%arg10 : memref<128x128xf32, #tpu.memory_space<vmem>>) target(%dma_start3A_250 : memref<10112x128xf32, #tpu.memory_space<vmem_shared>>) offsets(%dma_start3A_247 : memref<128xi32, #tpu.memory_space<vmem>>) semaphore(%arg16 : memref<!tpu.dma_semaphore, #tpu.memory_space<semaphore_mem>>) {add = true}
      %dma_wait3A_251 = arith.constant 4 : i32
      %dma_wait3A_252 = arith.constant 0 : i32
      %dma_wait3A_253 = tpu.memref_slice %arg9[%dma_wait3A_251, %dma_wait3A_252] : memref<8x128xi32, #tpu.memory_space<vmem>> -> memref<1x128xi32, #tpu.memory_space<vmem>>
      %dma_wait3A_254 = tpu.memref_squeeze %dma_wait3A_253 : memref<1x128xi32, #tpu.memory_space<vmem>> -> memref<128xi32, #tpu.memory_space<vmem>>
      %dma_wait3A_255 = arith.constant 0 : i32
      %dma_wait3A_256 = arith.constant 0 : i32
      %dma_wait3A_257 = tpu.memref_slice %arg13[%dma_wait3A_255, %dma_wait3A_256] : memref<10112x128xf32, #tpu.memory_space<vmem_shared>> -> memref<10112x128xf32, #tpu.memory_space<vmem_shared>>
      tpu.wait_indirect_dma semaphore(%arg16 : memref<!tpu.dma_semaphore, #tpu.memory_space<semaphore_mem>>) src(%arg10 : memref<128x128xf32, #tpu.memory_space<vmem>>) dst(%dma_wait3A_257 : memref<10112x128xf32, #tpu.memory_space<vmem_shared>>)
      %dma_start3A_258 = arith.constant 6 : i32
      %dma_start3A_259 = arith.constant 0 : i32
      %dma_start3A_260 = tpu.memref_slice %arg8[%dma_start3A_258, %dma_start3A_259] : memref<8x128xi32, #tpu.memory_space<vmem>> -> memref<1x128xi32, #tpu.memory_space<vmem>>
      %dma_start3A_261 = tpu.memref_squeeze %dma_start3A_260 : memref<1x128xi32, #tpu.memory_space<vmem>> -> memref<128xi32, #tpu.memory_space<vmem>>
      %dma_start3A_262 = arith.constant 0 : i32
      %dma_start3A_263 = arith.constant 0 : i32
      %dma_start3A_264 = tpu.memref_slice %arg2[%dma_start3A_262, %dma_start3A_263] : memref<10000x128xf32, #tpu.memory_space<hbm>> -> memref<10000x128xf32, #tpu.memory_space<hbm>>
      tpu.enqueue_indirect_dma source(%dma_start3A_264 : memref<10000x128xf32, #tpu.memory_space<hbm>>) target(%arg10 : memref<128x128xf32, #tpu.memory_space<vmem>>) offsets(%dma_start3A_261 : memref<128xi32, #tpu.memory_space<vmem>>) semaphore(%arg14 : memref<!tpu.dma_semaphore, #tpu.memory_space<semaphore_mem>>)
      %dma_wait3A_265 = arith.constant 5 : i32
      %dma_wait3A_266 = arith.constant 0 : i32
      %dma_wait3A_267 = tpu.memref_slice %arg8[%dma_wait3A_265, %dma_wait3A_266] : memref<8x128xi32, #tpu.memory_space<vmem>> -> memref<1x128xi32, #tpu.memory_space<vmem>>
      %dma_wait3A_268 = tpu.memref_squeeze %dma_wait3A_267 : memref<1x128xi32, #tpu.memory_space<vmem>> -> memref<128xi32, #tpu.memory_space<vmem>>
      %dma_wait3A_269 = arith.constant 0 : i32
      %dma_wait3A_270 = arith.constant 0 : i32
      %dma_wait3A_271 = tpu.memref_slice %arg2[%dma_wait3A_269, %dma_wait3A_270] : memref<10000x128xf32, #tpu.memory_space<hbm>> -> memref<10000x128xf32, #tpu.memory_space<hbm>>
      tpu.wait_indirect_dma semaphore(%arg15 : memref<!tpu.dma_semaphore, #tpu.memory_space<semaphore_mem>>) src(%dma_wait3A_271 : memref<10000x128xf32, #tpu.memory_space<hbm>>) dst(%arg11 : memref<128x128xf32, #tpu.memory_space<vmem>>)
      %dma_start3A_272 = arith.constant 5 : i32
      %dma_start3A_273 = arith.constant 0 : i32
      %dma_start3A_274 = tpu.memref_slice %arg9[%dma_start3A_272, %dma_start3A_273] : memref<8x128xi32, #tpu.memory_space<vmem>> -> memref<1x128xi32, #tpu.memory_space<vmem>>
      %dma_start3A_275 = tpu.memref_squeeze %dma_start3A_274 : memref<1x128xi32, #tpu.memory_space<vmem>> -> memref<128xi32, #tpu.memory_space<vmem>>
      %dma_start3A_276 = arith.constant 0 : i32
      %dma_start3A_277 = arith.constant 0 : i32
      %dma_start3A_278 = tpu.memref_slice %arg13[%dma_start3A_276, %dma_start3A_277] : memref<10112x128xf32, #tpu.memory_space<vmem_shared>> -> memref<10112x128xf32, #tpu.memory_space<vmem_shared>>
      tpu.enqueue_indirect_dma source(%arg11 : memref<128x128xf32, #tpu.memory_space<vmem>>) target(%dma_start3A_278 : memref<10112x128xf32, #tpu.memory_space<vmem_shared>>) offsets(%dma_start3A_275 : memref<128xi32, #tpu.memory_space<vmem>>) semaphore(%arg17 : memref<!tpu.dma_semaphore, #tpu.memory_space<semaphore_mem>>) {add = true}
      %dma_wait3A_279 = arith.constant 5 : i32
      %dma_wait3A_280 = arith.constant 0 : i32
      %dma_wait3A_281 = tpu.memref_slice %arg9[%dma_wait3A_279, %dma_wait3A_280] : memref<8x128xi32, #tpu.memory_space<vmem>> -> memref<1x128xi32, #tpu.memory_space<vmem>>
      %dma_wait3A_282 = tpu.memref_squeeze %dma_wait3A_281 : memref<1x128xi32, #tpu.memory_space<vmem>> -> memref<128xi32, #tpu.memory_space<vmem>>
      %dma_wait3A_283 = arith.constant 0 : i32
      %dma_wait3A_284 = arith.constant 0 : i32
      %dma_wait3A_285 = tpu.memref_slice %arg13[%dma_wait3A_283, %dma_wait3A_284] : memref<10112x128xf32, #tpu.memory_space<vmem_shared>> -> memref<10112x128xf32, #tpu.memory_space<vmem_shared>>
      tpu.wait_indirect_dma semaphore(%arg17 : memref<!tpu.dma_semaphore, #tpu.memory_space<semaphore_mem>>) src(%arg11 : memref<128x128xf32, #tpu.memory_space<vmem>>) dst(%dma_wait3A_285 : memref<10112x128xf32, #tpu.memory_space<vmem_shared>>)
      %dma_start3A_286 = arith.constant 7 : i32
      %dma_start3A_287 = arith.constant 0 : i32
      %dma_start3A_288 = tpu.memref_slice %arg8[%dma_start3A_286, %dma_start3A_287] : memref<8x128xi32, #tpu.memory_space<vmem>> -> memref<1x128xi32, #tpu.memory_space<vmem>>
      %dma_start3A_289 = tpu.memref_squeeze %dma_start3A_288 : memref<1x128xi32, #tpu.memory_space<vmem>> -> memref<128xi32, #tpu.memory_space<vmem>>
      %dma_start3A_290 = arith.constant 0 : i32
      %dma_start3A_291 = arith.constant 0 : i32
      %dma_start3A_292 = tpu.memref_slice %arg2[%dma_start3A_290, %dma_start3A_291] : memref<10000x128xf32, #tpu.memory_space<hbm>> -> memref<10000x128xf32, #tpu.memory_space<hbm>>
      tpu.enqueue_indirect_dma source(%dma_start3A_292 : memref<10000x128xf32, #tpu.memory_space<hbm>>) target(%arg11 : memref<128x128xf32, #tpu.memory_space<vmem>>) offsets(%dma_start3A_289 : memref<128xi32, #tpu.memory_space<vmem>>) semaphore(%arg15 : memref<!tpu.dma_semaphore, #tpu.memory_space<semaphore_mem>>)
      %dma_wait3A_293 = arith.constant 6 : i32
      %dma_wait3A_294 = arith.constant 0 : i32
      %dma_wait3A_295 = tpu.memref_slice %arg8[%dma_wait3A_293, %dma_wait3A_294] : memref<8x128xi32, #tpu.memory_space<vmem>> -> memref<1x128xi32, #tpu.memory_space<vmem>>
      %dma_wait3A_296 = tpu.memref_squeeze %dma_wait3A_295 : memref<1x128xi32, #tpu.memory_space<vmem>> -> memref<128xi32, #tpu.memory_space<vmem>>
      %dma_wait3A_297 = arith.constant 0 : i32
      %dma_wait3A_298 = arith.constant 0 : i32
      %dma_wait3A_299 = tpu.memref_slice %arg2[%dma_wait3A_297, %dma_wait3A_298] : memref<10000x128xf32, #tpu.memory_space<hbm>> -> memref<10000x128xf32, #tpu.memory_space<hbm>>
      tpu.wait_indirect_dma semaphore(%arg14 : memref<!tpu.dma_semaphore, #tpu.memory_space<semaphore_mem>>) src(%dma_wait3A_299 : memref<10000x128xf32, #tpu.memory_space<hbm>>) dst(%arg10 : memref<128x128xf32, #tpu.memory_space<vmem>>)
      %dma_start3A_300 = arith.constant 6 : i32
      %dma_start3A_301 = arith.constant 0 : i32
      %dma_start3A_302 = tpu.memref_slice %arg9[%dma_start3A_300, %dma_start3A_301] : memref<8x128xi32, #tpu.memory_space<vmem>> -> memref<1x128xi32, #tpu.memory_space<vmem>>
      %dma_start3A_303 = tpu.memref_squeeze %dma_start3A_302 : memref<1x128xi32, #tpu.memory_space<vmem>> -> memref<128xi32, #tpu.memory_space<vmem>>
      %dma_start3A_304 = arith.constant 0 : i32
      %dma_start3A_305 = arith.constant 0 : i32
      %dma_start3A_306 = tpu.memref_slice %arg13[%dma_start3A_304, %dma_start3A_305] : memref<10112x128xf32, #tpu.memory_space<vmem_shared>> -> memref<10112x128xf32, #tpu.memory_space<vmem_shared>>
      tpu.enqueue_indirect_dma source(%arg10 : memref<128x128xf32, #tpu.memory_space<vmem>>) target(%dma_start3A_306 : memref<10112x128xf32, #tpu.memory_space<vmem_shared>>) offsets(%dma_start3A_303 : memref<128xi32, #tpu.memory_space<vmem>>) semaphore(%arg16 : memref<!tpu.dma_semaphore, #tpu.memory_space<semaphore_mem>>) {add = true}
      %dma_wait3A_307 = arith.constant 7 : i32
      %dma_wait3A_308 = arith.constant 0 : i32
      %dma_wait3A_309 = tpu.memref_slice %arg8[%dma_wait3A_307, %dma_wait3A_308] : memref<8x128xi32, #tpu.memory_space<vmem>> -> memref<1x128xi32, #tpu.memory_space<vmem>>
      %dma_wait3A_310 = tpu.memref_squeeze %dma_wait3A_309 : memref<1x128xi32, #tpu.memory_space<vmem>> -> memref<128xi32, #tpu.memory_space<vmem>>
      %dma_wait3A_311 = arith.constant 0 : i32
      %dma_wait3A_312 = arith.constant 0 : i32
      %dma_wait3A_313 = tpu.memref_slice %arg2[%dma_wait3A_311, %dma_wait3A_312] : memref<10000x128xf32, #tpu.memory_space<hbm>> -> memref<10000x128xf32, #tpu.memory_space<hbm>>
      tpu.wait_indirect_dma semaphore(%arg15 : memref<!tpu.dma_semaphore, #tpu.memory_space<semaphore_mem>>) src(%dma_wait3A_313 : memref<10000x128xf32, #tpu.memory_space<hbm>>) dst(%arg11 : memref<128x128xf32, #tpu.memory_space<vmem>>)
      %dma_start3A_314 = arith.constant 7 : i32
      %dma_start3A_315 = arith.constant 0 : i32
      %dma_start3A_316 = tpu.memref_slice %arg9[%dma_start3A_314, %dma_start3A_315] : memref<8x128xi32, #tpu.memory_space<vmem>> -> memref<1x128xi32, #tpu.memory_space<vmem>>
      %dma_start3A_317 = tpu.memref_squeeze %dma_start3A_316 : memref<1x128xi32, #tpu.memory_space<vmem>> -> memref<128xi32, #tpu.memory_space<vmem>>
      %dma_start3A_318 = arith.constant 0 : i32
      %dma_start3A_319 = arith.constant 0 : i32
      %dma_start3A_320 = tpu.memref_slice %arg13[%dma_start3A_318, %dma_start3A_319] : memref<10112x128xf32, #tpu.memory_space<vmem_shared>> -> memref<10112x128xf32, #tpu.memory_space<vmem_shared>>
      tpu.enqueue_indirect_dma source(%arg11 : memref<128x128xf32, #tpu.memory_space<vmem>>) target(%dma_start3A_320 : memref<10112x128xf32, #tpu.memory_space<vmem_shared>>) offsets(%dma_start3A_317 : memref<128xi32, #tpu.memory_space<vmem>>) semaphore(%arg17 : memref<!tpu.dma_semaphore, #tpu.memory_space<semaphore_mem>>) {add = true}
      %dma_wait3A_321 = arith.constant 6 : i32
      %dma_wait3A_322 = arith.constant 0 : i32
      %dma_wait3A_323 = tpu.memref_slice %arg9[%dma_wait3A_321, %dma_wait3A_322] : memref<8x128xi32, #tpu.memory_space<vmem>> -> memref<1x128xi32, #tpu.memory_space<vmem>>
      %dma_wait3A_324 = tpu.memref_squeeze %dma_wait3A_323 : memref<1x128xi32, #tpu.memory_space<vmem>> -> memref<128xi32, #tpu.memory_space<vmem>>
      %dma_wait3A_325 = arith.constant 0 : i32
      %dma_wait3A_326 = arith.constant 0 : i32
      %dma_wait3A_327 = tpu.memref_slice %arg13[%dma_wait3A_325, %dma_wait3A_326] : memref<10112x128xf32, #tpu.memory_space<vmem_shared>> -> memref<10112x128xf32, #tpu.memory_space<vmem_shared>>
      tpu.wait_indirect_dma semaphore(%arg16 : memref<!tpu.dma_semaphore, #tpu.memory_space<semaphore_mem>>) src(%arg10 : memref<128x128xf32, #tpu.memory_space<vmem>>) dst(%dma_wait3A_327 : memref<10112x128xf32, #tpu.memory_space<vmem_shared>>)
      %dma_wait3A_328 = arith.constant 7 : i32
      %dma_wait3A_329 = arith.constant 0 : i32
      %dma_wait3A_330 = tpu.memref_slice %arg9[%dma_wait3A_328, %dma_wait3A_329] : memref<8x128xi32, #tpu.memory_space<vmem>> -> memref<1x128xi32, #tpu.memory_space<vmem>>
      %dma_wait3A_331 = tpu.memref_squeeze %dma_wait3A_330 : memref<1x128xi32, #tpu.memory_space<vmem>> -> memref<128xi32, #tpu.memory_space<vmem>>
      %dma_wait3A_332 = arith.constant 0 : i32
      %dma_wait3A_333 = arith.constant 0 : i32
      %dma_wait3A_334 = tpu.memref_slice %arg13[%dma_wait3A_332, %dma_wait3A_333] : memref<10112x128xf32, #tpu.memory_space<vmem_shared>> -> memref<10112x128xf32, #tpu.memory_space<vmem_shared>>
      tpu.wait_indirect_dma semaphore(%arg17 : memref<!tpu.dma_semaphore, #tpu.memory_space<semaphore_mem>>) src(%arg11 : memref<128x128xf32, #tpu.memory_space<vmem>>) dst(%dma_wait3A_334 : memref<10112x128xf32, #tpu.memory_space<vmem_shared>>)
    }
    %while3A_33 = arith.constant 1 : i32
    scf.for %while3A_104 = %while3A_31 to %while3A_27 step %while3A_33  : i32 {
      %mul3A_105 = arith.muli %while3A_104, %while3A : i32
      %add3A_106 = arith.addi %while3A_24, %mul3A_105 : i32
      %mul3A_107 = arith.constant 8 : i32
      %mul3A_108 = arith.muli %add3A_106, %mul3A_107 : i32
      %add3A_109 = arith.addi %select_n3A, %mul3A_108 : i32
      "tpu.region"() ({
        %run_scoped3A_335 = tpu.sem_alloc : memref<!tpu.dma_semaphore, #tpu.memory_space<semaphore_mem>>
        %dma_start3A_336 = arith.constant 0 : i32
        %dma_start3A_337 = tpu.memref_slice %arg3[%add3A_109, %dma_start3A_336] : memref<2560x128xi32, #tpu.memory_space<hbm>> -> memref<8x128xi32, #tpu.memory_space<hbm>>
        %dma_start3A_338 = arith.constant 0 : i32
        %dma_start3A_339 = tpu.memref_slice %arg3[%add3A_109, %dma_start3A_338] : memref<2560x128xi32, #tpu.memory_space<hbm>> -> memref<8x128xi32, #tpu.memory_space<hbm>>
        tpu.enqueue_dma source(%dma_start3A_339 : memref<8x128xi32, #tpu.memory_space<hbm>>) target(%arg8 : memref<8x128xi32, #tpu.memory_space<vmem>>) target_semaphore(%run_scoped3A_335 : memref<!tpu.dma_semaphore, #tpu.memory_space<semaphore_mem>>)
        %dma_wait3A_340 = arith.constant 0 : i32
        %dma_wait3A_341 = tpu.memref_slice %arg3[%add3A_109, %dma_wait3A_340] : memref<2560x128xi32, #tpu.memory_space<hbm>> -> memref<8x128xi32, #tpu.memory_space<hbm>>
        %dma_wait3A_342 = arith.constant 0 : i32
        %dma_wait3A_343 = tpu.memref_slice %arg3[%add3A_109, %dma_wait3A_342] : memref<2560x128xi32, #tpu.memory_space<hbm>> -> memref<8x128xi32, #tpu.memory_space<hbm>>
        tpu.wait_dma2 semaphore(%run_scoped3A_335 : memref<!tpu.dma_semaphore, #tpu.memory_space<semaphore_mem>>) src(%dma_wait3A_343 : memref<8x128xi32, #tpu.memory_space<hbm>>) dst(%arg8 : memref<8x128xi32, #tpu.memory_space<vmem>>)
        tpu.yield
      }) : () -> ()
      %mul3A_110 = arith.constant 8 : i32
      %mul3A_111 = arith.muli %add3A_106, %mul3A_110 : i32
      %add3A_112 = arith.addi %select_n3A, %mul3A_111 : i32
      "tpu.region"() ({
        %run_scoped3A_335 = tpu.sem_alloc : memref<!tpu.dma_semaphore, #tpu.memory_space<semaphore_mem>>
        %dma_start3A_336 = arith.constant 0 : i32
        %dma_start3A_337 = tpu.memref_slice %arg4[%add3A_112, %dma_start3A_336] : memref<2560x128xi32, #tpu.memory_space<hbm>> -> memref<8x128xi32, #tpu.memory_space<hbm>>
        %dma_start3A_338 = arith.constant 0 : i32
        %dma_start3A_339 = tpu.memref_slice %arg4[%add3A_112, %dma_start3A_338] : memref<2560x128xi32, #tpu.memory_space<hbm>> -> memref<8x128xi32, #tpu.memory_space<hbm>>
        tpu.enqueue_dma source(%dma_start3A_339 : memref<8x128xi32, #tpu.memory_space<hbm>>) target(%arg9 : memref<8x128xi32, #tpu.memory_space<vmem>>) target_semaphore(%run_scoped3A_335 : memref<!tpu.dma_semaphore, #tpu.memory_space<semaphore_mem>>)
        %dma_wait3A_340 = arith.constant 0 : i32
        %dma_wait3A_341 = tpu.memref_slice %arg4[%add3A_112, %dma_wait3A_340] : memref<2560x128xi32, #tpu.memory_space<hbm>> -> memref<8x128xi32, #tpu.memory_space<hbm>>
        %dma_wait3A_342 = arith.constant 0 : i32
        %dma_wait3A_343 = tpu.memref_slice %arg4[%add3A_112, %dma_wait3A_342] : memref<2560x128xi32, #tpu.memory_space<hbm>> -> memref<8x128xi32, #tpu.memory_space<hbm>>
        tpu.wait_dma2 semaphore(%run_scoped3A_335 : memref<!tpu.dma_semaphore, #tpu.memory_space<semaphore_mem>>) src(%dma_wait3A_343 : memref<8x128xi32, #tpu.memory_space<hbm>>) dst(%arg9 : memref<8x128xi32, #tpu.memory_space<vmem>>)
        tpu.yield
      }) : () -> ()
      %dma_start3A = arith.constant 0 : i32
      %dma_start3A_113 = arith.constant 0 : i32
      %dma_start3A_114 = tpu.memref_slice %arg8[%dma_start3A, %dma_start3A_113] : memref<8x128xi32, #tpu.memory_space<vmem>> -> memref<1x128xi32, #tpu.memory_space<vmem>>
      %dma_start3A_115 = tpu.memref_squeeze %dma_start3A_114 : memref<1x128xi32, #tpu.memory_space<vmem>> -> memref<128xi32, #tpu.memory_space<vmem>>
      %dma_start3A_116 = arith.constant 0 : i32
      %dma_start3A_117 = arith.constant 0 : i32
      %dma_start3A_118 = tpu.memref_slice %arg2[%dma_start3A_116, %dma_start3A_117] : memref<10000x128xf32, #tpu.memory_space<hbm>> -> memref<10000x128xf32, #tpu.memory_space<hbm>>
      tpu.enqueue_indirect_dma source(%dma_start3A_118 : memref<10000x128xf32, #tpu.memory_space<hbm>>) target(%arg10 : memref<128x128xf32, #tpu.memory_space<vmem>>) offsets(%dma_start3A_115 : memref<128xi32, #tpu.memory_space<vmem>>) semaphore(%arg14 : memref<!tpu.dma_semaphore, #tpu.memory_space<semaphore_mem>>)
      %dma_start3A_119 = arith.constant 1 : i32
      %dma_start3A_120 = arith.constant 0 : i32
      %dma_start3A_121 = tpu.memref_slice %arg8[%dma_start3A_119, %dma_start3A_120] : memref<8x128xi32, #tpu.memory_space<vmem>> -> memref<1x128xi32, #tpu.memory_space<vmem>>
      %dma_start3A_122 = tpu.memref_squeeze %dma_start3A_121 : memref<1x128xi32, #tpu.memory_space<vmem>> -> memref<128xi32, #tpu.memory_space<vmem>>
      %dma_start3A_123 = arith.constant 0 : i32
      %dma_start3A_124 = arith.constant 0 : i32
      %dma_start3A_125 = tpu.memref_slice %arg2[%dma_start3A_123, %dma_start3A_124] : memref<10000x128xf32, #tpu.memory_space<hbm>> -> memref<10000x128xf32, #tpu.memory_space<hbm>>
      tpu.enqueue_indirect_dma source(%dma_start3A_125 : memref<10000x128xf32, #tpu.memory_space<hbm>>) target(%arg11 : memref<128x128xf32, #tpu.memory_space<vmem>>) offsets(%dma_start3A_122 : memref<128xi32, #tpu.memory_space<vmem>>) semaphore(%arg15 : memref<!tpu.dma_semaphore, #tpu.memory_space<semaphore_mem>>)
      %dma_wait3A = arith.constant 0 : i32
      %dma_wait3A_126 = arith.constant 0 : i32
      %dma_wait3A_127 = tpu.memref_slice %arg8[%dma_wait3A, %dma_wait3A_126] : memref<8x128xi32, #tpu.memory_space<vmem>> -> memref<1x128xi32, #tpu.memory_space<vmem>>
      %dma_wait3A_128 = tpu.memref_squeeze %dma_wait3A_127 : memref<1x128xi32, #tpu.memory_space<vmem>> -> memref<128xi32, #tpu.memory_space<vmem>>
      %dma_wait3A_129 = arith.constant 0 : i32
      %dma_wait3A_130 = arith.constant 0 : i32
      %dma_wait3A_131 = tpu.memref_slice %arg2[%dma_wait3A_129, %dma_wait3A_130] : memref<10000x128xf32, #tpu.memory_space<hbm>> -> memref<10000x128xf32, #tpu.memory_space<hbm>>
      tpu.wait_indirect_dma semaphore(%arg14 : memref<!tpu.dma_semaphore, #tpu.memory_space<semaphore_mem>>) src(%dma_wait3A_131 : memref<10000x128xf32, #tpu.memory_space<hbm>>) dst(%arg10 : memref<128x128xf32, #tpu.memory_space<vmem>>)
      %dma_start3A_132 = arith.constant 0 : i32
      %dma_start3A_133 = arith.constant 0 : i32
      %dma_start3A_134 = tpu.memref_slice %arg9[%dma_start3A_132, %dma_start3A_133] : memref<8x128xi32, #tpu.memory_space<vmem>> -> memref<1x128xi32, #tpu.memory_space<vmem>>
      %dma_start3A_135 = tpu.memref_squeeze %dma_start3A_134 : memref<1x128xi32, #tpu.memory_space<vmem>> -> memref<128xi32, #tpu.memory_space<vmem>>
      %dma_start3A_136 = arith.constant 0 : i32
      %dma_start3A_137 = arith.constant 0 : i32
      %dma_start3A_138 = tpu.memref_slice %arg13[%dma_start3A_136, %dma_start3A_137] : memref<10112x128xf32, #tpu.memory_space<vmem_shared>> -> memref<10112x128xf32, #tpu.memory_space<vmem_shared>>
      tpu.enqueue_indirect_dma source(%arg10 : memref<128x128xf32, #tpu.memory_space<vmem>>) target(%dma_start3A_138 : memref<10112x128xf32, #tpu.memory_space<vmem_shared>>) offsets(%dma_start3A_135 : memref<128xi32, #tpu.memory_space<vmem>>) semaphore(%arg16 : memref<!tpu.dma_semaphore, #tpu.memory_space<semaphore_mem>>) {add = true}
      %dma_wait3A_139 = arith.constant 0 : i32
      %dma_wait3A_140 = arith.constant 0 : i32
      %dma_wait3A_141 = tpu.memref_slice %arg9[%dma_wait3A_139, %dma_wait3A_140] : memref<8x128xi32, #tpu.memory_space<vmem>> -> memref<1x128xi32, #tpu.memory_space<vmem>>
      %dma_wait3A_142 = tpu.memref_squeeze %dma_wait3A_141 : memref<1x128xi32, #tpu.memory_space<vmem>> -> memref<128xi32, #tpu.memory_space<vmem>>
      %dma_wait3A_143 = arith.constant 0 : i32
      %dma_wait3A_144 = arith.constant 0 : i32
      %dma_wait3A_145 = tpu.memref_slice %arg13[%dma_wait3A_143, %dma_wait3A_144] : memref<10112x128xf32, #tpu.memory_space<vmem_shared>> -> memref<10112x128xf32, #tpu.memory_space<vmem_shared>>
      tpu.wait_indirect_dma semaphore(%arg16 : memref<!tpu.dma_semaphore, #tpu.memory_space<semaphore_mem>>) src(%arg10 : memref<128x128xf32, #tpu.memory_space<vmem>>) dst(%dma_wait3A_145 : memref<10112x128xf32, #tpu.memory_space<vmem_shared>>)
      %dma_start3A_146 = arith.constant 2 : i32
      %dma_start3A_147 = arith.constant 0 : i32
      %dma_start3A_148 = tpu.memref_slice %arg8[%dma_start3A_146, %dma_start3A_147] : memref<8x128xi32, #tpu.memory_space<vmem>> -> memref<1x128xi32, #tpu.memory_space<vmem>>
      %dma_start3A_149 = tpu.memref_squeeze %dma_start3A_148 : memref<1x128xi32, #tpu.memory_space<vmem>> -> memref<128xi32, #tpu.memory_space<vmem>>
      %dma_start3A_150 = arith.constant 0 : i32
      %dma_start3A_151 = arith.constant 0 : i32
      %dma_start3A_152 = tpu.memref_slice %arg2[%dma_start3A_150, %dma_start3A_151] : memref<10000x128xf32, #tpu.memory_space<hbm>> -> memref<10000x128xf32, #tpu.memory_space<hbm>>
      tpu.enqueue_indirect_dma source(%dma_start3A_152 : memref<10000x128xf32, #tpu.memory_space<hbm>>) target(%arg10 : memref<128x128xf32, #tpu.memory_space<vmem>>) offsets(%dma_start3A_149 : memref<128xi32, #tpu.memory_space<vmem>>) semaphore(%arg14 : memref<!tpu.dma_semaphore, #tpu.memory_space<semaphore_mem>>)
      %dma_wait3A_153 = arith.constant 1 : i32
      %dma_wait3A_154 = arith.constant 0 : i32
      %dma_wait3A_155 = tpu.memref_slice %arg8[%dma_wait3A_153, %dma_wait3A_154] : memref<8x128xi32, #tpu.memory_space<vmem>> -> memref<1x128xi32, #tpu.memory_space<vmem>>
      %dma_wait3A_156 = tpu.memref_squeeze %dma_wait3A_155 : memref<1x128xi32, #tpu.memory_space<vmem>> -> memref<128xi32, #tpu.memory_space<vmem>>
      %dma_wait3A_157 = arith.constant 0 : i32
      %dma_wait3A_158 = arith.constant 0 : i32
      %dma_wait3A_159 = tpu.memref_slice %arg2[%dma_wait3A_157, %dma_wait3A_158] : memref<10000x128xf32, #tpu.memory_space<hbm>> -> memref<10000x128xf32, #tpu.memory_space<hbm>>
      tpu.wait_indirect_dma semaphore(%arg15 : memref<!tpu.dma_semaphore, #tpu.memory_space<semaphore_mem>>) src(%dma_wait3A_159 : memref<10000x128xf32, #tpu.memory_space<hbm>>) dst(%arg11 : memref<128x128xf32, #tpu.memory_space<vmem>>)
      %dma_start3A_160 = arith.constant 1 : i32
      %dma_start3A_161 = arith.constant 0 : i32
      %dma_start3A_162 = tpu.memref_slice %arg9[%dma_start3A_160, %dma_start3A_161] : memref<8x128xi32, #tpu.memory_space<vmem>> -> memref<1x128xi32, #tpu.memory_space<vmem>>
      %dma_start3A_163 = tpu.memref_squeeze %dma_start3A_162 : memref<1x128xi32, #tpu.memory_space<vmem>> -> memref<128xi32, #tpu.memory_space<vmem>>
      %dma_start3A_164 = arith.constant 0 : i32
      %dma_start3A_165 = arith.constant 0 : i32
      %dma_start3A_166 = tpu.memref_slice %arg13[%dma_start3A_164, %dma_start3A_165] : memref<10112x128xf32, #tpu.memory_space<vmem_shared>> -> memref<10112x128xf32, #tpu.memory_space<vmem_shared>>
      tpu.enqueue_indirect_dma source(%arg11 : memref<128x128xf32, #tpu.memory_space<vmem>>) target(%dma_start3A_166 : memref<10112x128xf32, #tpu.memory_space<vmem_shared>>) offsets(%dma_start3A_163 : memref<128xi32, #tpu.memory_space<vmem>>) semaphore(%arg17 : memref<!tpu.dma_semaphore, #tpu.memory_space<semaphore_mem>>) {add = true}
      %dma_wait3A_167 = arith.constant 1 : i32
      %dma_wait3A_168 = arith.constant 0 : i32
      %dma_wait3A_169 = tpu.memref_slice %arg9[%dma_wait3A_167, %dma_wait3A_168] : memref<8x128xi32, #tpu.memory_space<vmem>> -> memref<1x128xi32, #tpu.memory_space<vmem>>
      %dma_wait3A_170 = tpu.memref_squeeze %dma_wait3A_169 : memref<1x128xi32, #tpu.memory_space<vmem>> -> memref<128xi32, #tpu.memory_space<vmem>>
      %dma_wait3A_171 = arith.constant 0 : i32
      %dma_wait3A_172 = arith.constant 0 : i32
      %dma_wait3A_173 = tpu.memref_slice %arg13[%dma_wait3A_171, %dma_wait3A_172] : memref<10112x128xf32, #tpu.memory_space<vmem_shared>> -> memref<10112x128xf32, #tpu.memory_space<vmem_shared>>
      tpu.wait_indirect_dma semaphore(%arg17 : memref<!tpu.dma_semaphore, #tpu.memory_space<semaphore_mem>>) src(%arg11 : memref<128x128xf32, #tpu.memory_space<vmem>>) dst(%dma_wait3A_173 : memref<10112x128xf32, #tpu.memory_space<vmem_shared>>)
      %dma_start3A_174 = arith.constant 3 : i32
      %dma_start3A_175 = arith.constant 0 : i32
      %dma_start3A_176 = tpu.memref_slice %arg8[%dma_start3A_174, %dma_start3A_175] : memref<8x128xi32, #tpu.memory_space<vmem>> -> memref<1x128xi32, #tpu.memory_space<vmem>>
      %dma_start3A_177 = tpu.memref_squeeze %dma_start3A_176 : memref<1x128xi32, #tpu.memory_space<vmem>> -> memref<128xi32, #tpu.memory_space<vmem>>
      %dma_start3A_178 = arith.constant 0 : i32
      %dma_start3A_179 = arith.constant 0 : i32
      %dma_start3A_180 = tpu.memref_slice %arg2[%dma_start3A_178, %dma_start3A_179] : memref<10000x128xf32, #tpu.memory_space<hbm>> -> memref<10000x128xf32, #tpu.memory_space<hbm>>
      tpu.enqueue_indirect_dma source(%dma_start3A_180 : memref<10000x128xf32, #tpu.memory_space<hbm>>) target(%arg11 : memref<128x128xf32, #tpu.memory_space<vmem>>) offsets(%dma_start3A_177 : memref<128xi32, #tpu.memory_space<vmem>>) semaphore(%arg15 : memref<!tpu.dma_semaphore, #tpu.memory_space<semaphore_mem>>)
      %dma_wait3A_181 = arith.constant 2 : i32
      %dma_wait3A_182 = arith.constant 0 : i32
      %dma_wait3A_183 = tpu.memref_slice %arg8[%dma_wait3A_181, %dma_wait3A_182] : memref<8x128xi32, #tpu.memory_space<vmem>> -> memref<1x128xi32, #tpu.memory_space<vmem>>
      %dma_wait3A_184 = tpu.memref_squeeze %dma_wait3A_183 : memref<1x128xi32, #tpu.memory_space<vmem>> -> memref<128xi32, #tpu.memory_space<vmem>>
      %dma_wait3A_185 = arith.constant 0 : i32
      %dma_wait3A_186 = arith.constant 0 : i32
      %dma_wait3A_187 = tpu.memref_slice %arg2[%dma_wait3A_185, %dma_wait3A_186] : memref<10000x128xf32, #tpu.memory_space<hbm>> -> memref<10000x128xf32, #tpu.memory_space<hbm>>
      tpu.wait_indirect_dma semaphore(%arg14 : memref<!tpu.dma_semaphore, #tpu.memory_space<semaphore_mem>>) src(%dma_wait3A_187 : memref<10000x128xf32, #tpu.memory_space<hbm>>) dst(%arg10 : memref<128x128xf32, #tpu.memory_space<vmem>>)
      %dma_start3A_188 = arith.constant 2 : i32
      %dma_start3A_189 = arith.constant 0 : i32
      %dma_start3A_190 = tpu.memref_slice %arg9[%dma_start3A_188, %dma_start3A_189] : memref<8x128xi32, #tpu.memory_space<vmem>> -> memref<1x128xi32, #tpu.memory_space<vmem>>
      %dma_start3A_191 = tpu.memref_squeeze %dma_start3A_190 : memref<1x128xi32, #tpu.memory_space<vmem>> -> memref<128xi32, #tpu.memory_space<vmem>>
      %dma_start3A_192 = arith.constant 0 : i32
      %dma_start3A_193 = arith.constant 0 : i32
      %dma_start3A_194 = tpu.memref_slice %arg13[%dma_start3A_192, %dma_start3A_193] : memref<10112x128xf32, #tpu.memory_space<vmem_shared>> -> memref<10112x128xf32, #tpu.memory_space<vmem_shared>>
      tpu.enqueue_indirect_dma source(%arg10 : memref<128x128xf32, #tpu.memory_space<vmem>>) target(%dma_start3A_194 : memref<10112x128xf32, #tpu.memory_space<vmem_shared>>) offsets(%dma_start3A_191 : memref<128xi32, #tpu.memory_space<vmem>>) semaphore(%arg16 : memref<!tpu.dma_semaphore, #tpu.memory_space<semaphore_mem>>) {add = true}
      %dma_wait3A_195 = arith.constant 2 : i32
      %dma_wait3A_196 = arith.constant 0 : i32
      %dma_wait3A_197 = tpu.memref_slice %arg9[%dma_wait3A_195, %dma_wait3A_196] : memref<8x128xi32, #tpu.memory_space<vmem>> -> memref<1x128xi32, #tpu.memory_space<vmem>>
      %dma_wait3A_198 = tpu.memref_squeeze %dma_wait3A_197 : memref<1x128xi32, #tpu.memory_space<vmem>> -> memref<128xi32, #tpu.memory_space<vmem>>
      %dma_wait3A_199 = arith.constant 0 : i32
      %dma_wait3A_200 = arith.constant 0 : i32
      %dma_wait3A_201 = tpu.memref_slice %arg13[%dma_wait3A_199, %dma_wait3A_200] : memref<10112x128xf32, #tpu.memory_space<vmem_shared>> -> memref<10112x128xf32, #tpu.memory_space<vmem_shared>>
      tpu.wait_indirect_dma semaphore(%arg16 : memref<!tpu.dma_semaphore, #tpu.memory_space<semaphore_mem>>) src(%arg10 : memref<128x128xf32, #tpu.memory_space<vmem>>) dst(%dma_wait3A_201 : memref<10112x128xf32, #tpu.memory_space<vmem_shared>>)
      %dma_start3A_202 = arith.constant 4 : i32
      %dma_start3A_203 = arith.constant 0 : i32
      %dma_start3A_204 = tpu.memref_slice %arg8[%dma_start3A_202, %dma_start3A_203] : memref<8x128xi32, #tpu.memory_space<vmem>> -> memref<1x128xi32, #tpu.memory_space<vmem>>
      %dma_start3A_205 = tpu.memref_squeeze %dma_start3A_204 : memref<1x128xi32, #tpu.memory_space<vmem>> -> memref<128xi32, #tpu.memory_space<vmem>>
      %dma_start3A_206 = arith.constant 0 : i32
      %dma_start3A_207 = arith.constant 0 : i32
      %dma_start3A_208 = tpu.memref_slice %arg2[%dma_start3A_206, %dma_start3A_207] : memref<10000x128xf32, #tpu.memory_space<hbm>> -> memref<10000x128xf32, #tpu.memory_space<hbm>>
      tpu.enqueue_indirect_dma source(%dma_start3A_208 : memref<10000x128xf32, #tpu.memory_space<hbm>>) target(%arg10 : memref<128x128xf32, #tpu.memory_space<vmem>>) offsets(%dma_start3A_205 : memref<128xi32, #tpu.memory_space<vmem>>) semaphore(%arg14 : memref<!tpu.dma_semaphore, #tpu.memory_space<semaphore_mem>>)
      %dma_wait3A_209 = arith.constant 3 : i32
      %dma_wait3A_210 = arith.constant 0 : i32
      %dma_wait3A_211 = tpu.memref_slice %arg8[%dma_wait3A_209, %dma_wait3A_210] : memref<8x128xi32, #tpu.memory_space<vmem>> -> memref<1x128xi32, #tpu.memory_space<vmem>>
      %dma_wait3A_212 = tpu.memref_squeeze %dma_wait3A_211 : memref<1x128xi32, #tpu.memory_space<vmem>> -> memref<128xi32, #tpu.memory_space<vmem>>
      %dma_wait3A_213 = arith.constant 0 : i32
      %dma_wait3A_214 = arith.constant 0 : i32
      %dma_wait3A_215 = tpu.memref_slice %arg2[%dma_wait3A_213, %dma_wait3A_214] : memref<10000x128xf32, #tpu.memory_space<hbm>> -> memref<10000x128xf32, #tpu.memory_space<hbm>>
      tpu.wait_indirect_dma semaphore(%arg15 : memref<!tpu.dma_semaphore, #tpu.memory_space<semaphore_mem>>) src(%dma_wait3A_215 : memref<10000x128xf32, #tpu.memory_space<hbm>>) dst(%arg11 : memref<128x128xf32, #tpu.memory_space<vmem>>)
      %dma_start3A_216 = arith.constant 3 : i32
      %dma_start3A_217 = arith.constant 0 : i32
      %dma_start3A_218 = tpu.memref_slice %arg9[%dma_start3A_216, %dma_start3A_217] : memref<8x128xi32, #tpu.memory_space<vmem>> -> memref<1x128xi32, #tpu.memory_space<vmem>>
      %dma_start3A_219 = tpu.memref_squeeze %dma_start3A_218 : memref<1x128xi32, #tpu.memory_space<vmem>> -> memref<128xi32, #tpu.memory_space<vmem>>
      %dma_start3A_220 = arith.constant 0 : i32
      %dma_start3A_221 = arith.constant 0 : i32
      %dma_start3A_222 = tpu.memref_slice %arg13[%dma_start3A_220, %dma_start3A_221] : memref<10112x128xf32, #tpu.memory_space<vmem_shared>> -> memref<10112x128xf32, #tpu.memory_space<vmem_shared>>
      tpu.enqueue_indirect_dma source(%arg11 : memref<128x128xf32, #tpu.memory_space<vmem>>) target(%dma_start3A_222 : memref<10112x128xf32, #tpu.memory_space<vmem_shared>>) offsets(%dma_start3A_219 : memref<128xi32, #tpu.memory_space<vmem>>) semaphore(%arg17 : memref<!tpu.dma_semaphore, #tpu.memory_space<semaphore_mem>>) {add = true}
      %dma_wait3A_223 = arith.constant 3 : i32
      %dma_wait3A_224 = arith.constant 0 : i32
      %dma_wait3A_225 = tpu.memref_slice %arg9[%dma_wait3A_223, %dma_wait3A_224] : memref<8x128xi32, #tpu.memory_space<vmem>> -> memref<1x128xi32, #tpu.memory_space<vmem>>
      %dma_wait3A_226 = tpu.memref_squeeze %dma_wait3A_225 : memref<1x128xi32, #tpu.memory_space<vmem>> -> memref<128xi32, #tpu.memory_space<vmem>>
      %dma_wait3A_227 = arith.constant 0 : i32
      %dma_wait3A_228 = arith.constant 0 : i32
      %dma_wait3A_229 = tpu.memref_slice %arg13[%dma_wait3A_227, %dma_wait3A_228] : memref<10112x128xf32, #tpu.memory_space<vmem_shared>> -> memref<10112x128xf32, #tpu.memory_space<vmem_shared>>
      tpu.wait_indirect_dma semaphore(%arg17 : memref<!tpu.dma_semaphore, #tpu.memory_space<semaphore_mem>>) src(%arg11 : memref<128x128xf32, #tpu.memory_space<vmem>>) dst(%dma_wait3A_229 : memref<10112x128xf32, #tpu.memory_space<vmem_shared>>)
      %dma_start3A_230 = arith.constant 5 : i32
      %dma_start3A_231 = arith.constant 0 : i32
      %dma_start3A_232 = tpu.memref_slice %arg8[%dma_start3A_230, %dma_start3A_231] : memref<8x128xi32, #tpu.memory_space<vmem>> -> memref<1x128xi32, #tpu.memory_space<vmem>>
      %dma_start3A_233 = tpu.memref_squeeze %dma_start3A_232 : memref<1x128xi32, #tpu.memory_space<vmem>> -> memref<128xi32, #tpu.memory_space<vmem>>
      %dma_start3A_234 = arith.constant 0 : i32
      %dma_start3A_235 = arith.constant 0 : i32
      %dma_start3A_236 = tpu.memref_slice %arg2[%dma_start3A_234, %dma_start3A_235] : memref<10000x128xf32, #tpu.memory_space<hbm>> -> memref<10000x128xf32, #tpu.memory_space<hbm>>
      tpu.enqueue_indirect_dma source(%dma_start3A_236 : memref<10000x128xf32, #tpu.memory_space<hbm>>) target(%arg11 : memref<128x128xf32, #tpu.memory_space<vmem>>) offsets(%dma_start3A_233 : memref<128xi32, #tpu.memory_space<vmem>>) semaphore(%arg15 : memref<!tpu.dma_semaphore, #tpu.memory_space<semaphore_mem>>)
      %dma_wait3A_237 = arith.constant 4 : i32
      %dma_wait3A_238 = arith.constant 0 : i32
      %dma_wait3A_239 = tpu.memref_slice %arg8[%dma_wait3A_237, %dma_wait3A_238] : memref<8x128xi32, #tpu.memory_space<vmem>> -> memref<1x128xi32, #tpu.memory_space<vmem>>
      %dma_wait3A_240 = tpu.memref_squeeze %dma_wait3A_239 : memref<1x128xi32, #tpu.memory_space<vmem>> -> memref<128xi32, #tpu.memory_space<vmem>>
      %dma_wait3A_241 = arith.constant 0 : i32
      %dma_wait3A_242 = arith.constant 0 : i32
      %dma_wait3A_243 = tpu.memref_slice %arg2[%dma_wait3A_241, %dma_wait3A_242] : memref<10000x128xf32, #tpu.memory_space<hbm>> -> memref<10000x128xf32, #tpu.memory_space<hbm>>
      tpu.wait_indirect_dma semaphore(%arg14 : memref<!tpu.dma_semaphore, #tpu.memory_space<semaphore_mem>>) src(%dma_wait3A_243 : memref<10000x128xf32, #tpu.memory_space<hbm>>) dst(%arg10 : memref<128x128xf32, #tpu.memory_space<vmem>>)
      %dma_start3A_244 = arith.constant 4 : i32
      %dma_start3A_245 = arith.constant 0 : i32
      %dma_start3A_246 = tpu.memref_slice %arg9[%dma_start3A_244, %dma_start3A_245] : memref<8x128xi32, #tpu.memory_space<vmem>> -> memref<1x128xi32, #tpu.memory_space<vmem>>
      %dma_start3A_247 = tpu.memref_squeeze %dma_start3A_246 : memref<1x128xi32, #tpu.memory_space<vmem>> -> memref<128xi32, #tpu.memory_space<vmem>>
      %dma_start3A_248 = arith.constant 0 : i32
      %dma_start3A_249 = arith.constant 0 : i32
      %dma_start3A_250 = tpu.memref_slice %arg13[%dma_start3A_248, %dma_start3A_249] : memref<10112x128xf32, #tpu.memory_space<vmem_shared>> -> memref<10112x128xf32, #tpu.memory_space<vmem_shared>>
      tpu.enqueue_indirect_dma source(%arg10 : memref<128x128xf32, #tpu.memory_space<vmem>>) target(%dma_start3A_250 : memref<10112x128xf32, #tpu.memory_space<vmem_shared>>) offsets(%dma_start3A_247 : memref<128xi32, #tpu.memory_space<vmem>>) semaphore(%arg16 : memref<!tpu.dma_semaphore, #tpu.memory_space<semaphore_mem>>) {add = true}
      %dma_wait3A_251 = arith.constant 4 : i32
      %dma_wait3A_252 = arith.constant 0 : i32
      %dma_wait3A_253 = tpu.memref_slice %arg9[%dma_wait3A_251, %dma_wait3A_252] : memref<8x128xi32, #tpu.memory_space<vmem>> -> memref<1x128xi32, #tpu.memory_space<vmem>>
      %dma_wait3A_254 = tpu.memref_squeeze %dma_wait3A_253 : memref<1x128xi32, #tpu.memory_space<vmem>> -> memref<128xi32, #tpu.memory_space<vmem>>
      %dma_wait3A_255 = arith.constant 0 : i32
      %dma_wait3A_256 = arith.constant 0 : i32
      %dma_wait3A_257 = tpu.memref_slice %arg13[%dma_wait3A_255, %dma_wait3A_256] : memref<10112x128xf32, #tpu.memory_space<vmem_shared>> -> memref<10112x128xf32, #tpu.memory_space<vmem_shared>>
      tpu.wait_indirect_dma semaphore(%arg16 : memref<!tpu.dma_semaphore, #tpu.memory_space<semaphore_mem>>) src(%arg10 : memref<128x128xf32, #tpu.memory_space<vmem>>) dst(%dma_wait3A_257 : memref<10112x128xf32, #tpu.memory_space<vmem_shared>>)
      %dma_start3A_258 = arith.constant 6 : i32
      %dma_start3A_259 = arith.constant 0 : i32
      %dma_start3A_260 = tpu.memref_slice %arg8[%dma_start3A_258, %dma_start3A_259] : memref<8x128xi32, #tpu.memory_space<vmem>> -> memref<1x128xi32, #tpu.memory_space<vmem>>
      %dma_start3A_261 = tpu.memref_squeeze %dma_start3A_260 : memref<1x128xi32, #tpu.memory_space<vmem>> -> memref<128xi32, #tpu.memory_space<vmem>>
      %dma_start3A_262 = arith.constant 0 : i32
      %dma_start3A_263 = arith.constant 0 : i32
      %dma_start3A_264 = tpu.memref_slice %arg2[%dma_start3A_262, %dma_start3A_263] : memref<10000x128xf32, #tpu.memory_space<hbm>> -> memref<10000x128xf32, #tpu.memory_space<hbm>>
      tpu.enqueue_indirect_dma source(%dma_start3A_264 : memref<10000x128xf32, #tpu.memory_space<hbm>>) target(%arg10 : memref<128x128xf32, #tpu.memory_space<vmem>>) offsets(%dma_start3A_261 : memref<128xi32, #tpu.memory_space<vmem>>) semaphore(%arg14 : memref<!tpu.dma_semaphore, #tpu.memory_space<semaphore_mem>>)
      %dma_wait3A_265 = arith.constant 5 : i32
      %dma_wait3A_266 = arith.constant 0 : i32
      %dma_wait3A_267 = tpu.memref_slice %arg8[%dma_wait3A_265, %dma_wait3A_266] : memref<8x128xi32, #tpu.memory_space<vmem>> -> memref<1x128xi32, #tpu.memory_space<vmem>>
      %dma_wait3A_268 = tpu.memref_squeeze %dma_wait3A_267 : memref<1x128xi32, #tpu.memory_space<vmem>> -> memref<128xi32, #tpu.memory_space<vmem>>
      %dma_wait3A_269 = arith.constant 0 : i32
      %dma_wait3A_270 = arith.constant 0 : i32
      %dma_wait3A_271 = tpu.memref_slice %arg2[%dma_wait3A_269, %dma_wait3A_270] : memref<10000x128xf32, #tpu.memory_space<hbm>> -> memref<10000x128xf32, #tpu.memory_space<hbm>>
      tpu.wait_indirect_dma semaphore(%arg15 : memref<!tpu.dma_semaphore, #tpu.memory_space<semaphore_mem>>) src(%dma_wait3A_271 : memref<10000x128xf32, #tpu.memory_space<hbm>>) dst(%arg11 : memref<128x128xf32, #tpu.memory_space<vmem>>)
      %dma_start3A_272 = arith.constant 5 : i32
      %dma_start3A_273 = arith.constant 0 : i32
      %dma_start3A_274 = tpu.memref_slice %arg9[%dma_start3A_272, %dma_start3A_273] : memref<8x128xi32, #tpu.memory_space<vmem>> -> memref<1x128xi32, #tpu.memory_space<vmem>>
      %dma_start3A_275 = tpu.memref_squeeze %dma_start3A_274 : memref<1x128xi32, #tpu.memory_space<vmem>> -> memref<128xi32, #tpu.memory_space<vmem>>
      %dma_start3A_276 = arith.constant 0 : i32
      %dma_start3A_277 = arith.constant 0 : i32
      %dma_start3A_278 = tpu.memref_slice %arg13[%dma_start3A_276, %dma_start3A_277] : memref<10112x128xf32, #tpu.memory_space<vmem_shared>> -> memref<10112x128xf32, #tpu.memory_space<vmem_shared>>
      tpu.enqueue_indirect_dma source(%arg11 : memref<128x128xf32, #tpu.memory_space<vmem>>) target(%dma_start3A_278 : memref<10112x128xf32, #tpu.memory_space<vmem_shared>>) offsets(%dma_start3A_275 : memref<128xi32, #tpu.memory_space<vmem>>) semaphore(%arg17 : memref<!tpu.dma_semaphore, #tpu.memory_space<semaphore_mem>>) {add = true}
      %dma_wait3A_279 = arith.constant 5 : i32
      %dma_wait3A_280 = arith.constant 0 : i32
      %dma_wait3A_281 = tpu.memref_slice %arg9[%dma_wait3A_279, %dma_wait3A_280] : memref<8x128xi32, #tpu.memory_space<vmem>> -> memref<1x128xi32, #tpu.memory_space<vmem>>
      %dma_wait3A_282 = tpu.memref_squeeze %dma_wait3A_281 : memref<1x128xi32, #tpu.memory_space<vmem>> -> memref<128xi32, #tpu.memory_space<vmem>>
      %dma_wait3A_283 = arith.constant 0 : i32
      %dma_wait3A_284 = arith.constant 0 : i32
      %dma_wait3A_285 = tpu.memref_slice %arg13[%dma_wait3A_283, %dma_wait3A_284] : memref<10112x128xf32, #tpu.memory_space<vmem_shared>> -> memref<10112x128xf32, #tpu.memory_space<vmem_shared>>
      tpu.wait_indirect_dma semaphore(%arg17 : memref<!tpu.dma_semaphore, #tpu.memory_space<semaphore_mem>>) src(%arg11 : memref<128x128xf32, #tpu.memory_space<vmem>>) dst(%dma_wait3A_285 : memref<10112x128xf32, #tpu.memory_space<vmem_shared>>)
      %dma_start3A_286 = arith.constant 7 : i32
      %dma_start3A_287 = arith.constant 0 : i32
      %dma_start3A_288 = tpu.memref_slice %arg8[%dma_start3A_286, %dma_start3A_287] : memref<8x128xi32, #tpu.memory_space<vmem>> -> memref<1x128xi32, #tpu.memory_space<vmem>>
      %dma_start3A_289 = tpu.memref_squeeze %dma_start3A_288 : memref<1x128xi32, #tpu.memory_space<vmem>> -> memref<128xi32, #tpu.memory_space<vmem>>
      %dma_start3A_290 = arith.constant 0 : i32
      %dma_start3A_291 = arith.constant 0 : i32
      %dma_start3A_292 = tpu.memref_slice %arg2[%dma_start3A_290, %dma_start3A_291] : memref<10000x128xf32, #tpu.memory_space<hbm>> -> memref<10000x128xf32, #tpu.memory_space<hbm>>
      tpu.enqueue_indirect_dma source(%dma_start3A_292 : memref<10000x128xf32, #tpu.memory_space<hbm>>) target(%arg11 : memref<128x128xf32, #tpu.memory_space<vmem>>) offsets(%dma_start3A_289 : memref<128xi32, #tpu.memory_space<vmem>>) semaphore(%arg15 : memref<!tpu.dma_semaphore, #tpu.memory_space<semaphore_mem>>)
      %dma_wait3A_293 = arith.constant 6 : i32
      %dma_wait3A_294 = arith.constant 0 : i32
      %dma_wait3A_295 = tpu.memref_slice %arg8[%dma_wait3A_293, %dma_wait3A_294] : memref<8x128xi32, #tpu.memory_space<vmem>> -> memref<1x128xi32, #tpu.memory_space<vmem>>
      %dma_wait3A_296 = tpu.memref_squeeze %dma_wait3A_295 : memref<1x128xi32, #tpu.memory_space<vmem>> -> memref<128xi32, #tpu.memory_space<vmem>>
      %dma_wait3A_297 = arith.constant 0 : i32
      %dma_wait3A_298 = arith.constant 0 : i32
      %dma_wait3A_299 = tpu.memref_slice %arg2[%dma_wait3A_297, %dma_wait3A_298] : memref<10000x128xf32, #tpu.memory_space<hbm>> -> memref<10000x128xf32, #tpu.memory_space<hbm>>
      tpu.wait_indirect_dma semaphore(%arg14 : memref<!tpu.dma_semaphore, #tpu.memory_space<semaphore_mem>>) src(%dma_wait3A_299 : memref<10000x128xf32, #tpu.memory_space<hbm>>) dst(%arg10 : memref<128x128xf32, #tpu.memory_space<vmem>>)
      %dma_start3A_300 = arith.constant 6 : i32
      %dma_start3A_301 = arith.constant 0 : i32
      %dma_start3A_302 = tpu.memref_slice %arg9[%dma_start3A_300, %dma_start3A_301] : memref<8x128xi32, #tpu.memory_space<vmem>> -> memref<1x128xi32, #tpu.memory_space<vmem>>
      %dma_start3A_303 = tpu.memref_squeeze %dma_start3A_302 : memref<1x128xi32, #tpu.memory_space<vmem>> -> memref<128xi32, #tpu.memory_space<vmem>>
      %dma_start3A_304 = arith.constant 0 : i32
      %dma_start3A_305 = arith.constant 0 : i32
      %dma_start3A_306 = tpu.memref_slice %arg13[%dma_start3A_304, %dma_start3A_305] : memref<10112x128xf32, #tpu.memory_space<vmem_shared>> -> memref<10112x128xf32, #tpu.memory_space<vmem_shared>>
      tpu.enqueue_indirect_dma source(%arg10 : memref<128x128xf32, #tpu.memory_space<vmem>>) target(%dma_start3A_306 : memref<10112x128xf32, #tpu.memory_space<vmem_shared>>) offsets(%dma_start3A_303 : memref<128xi32, #tpu.memory_space<vmem>>) semaphore(%arg16 : memref<!tpu.dma_semaphore, #tpu.memory_space<semaphore_mem>>) {add = true}
      %dma_wait3A_307 = arith.constant 7 : i32
      %dma_wait3A_308 = arith.constant 0 : i32
      %dma_wait3A_309 = tpu.memref_slice %arg8[%dma_wait3A_307, %dma_wait3A_308] : memref<8x128xi32, #tpu.memory_space<vmem>> -> memref<1x128xi32, #tpu.memory_space<vmem>>
      %dma_wait3A_310 = tpu.memref_squeeze %dma_wait3A_309 : memref<1x128xi32, #tpu.memory_space<vmem>> -> memref<128xi32, #tpu.memory_space<vmem>>
      %dma_wait3A_311 = arith.constant 0 : i32
      %dma_wait3A_312 = arith.constant 0 : i32
      %dma_wait3A_313 = tpu.memref_slice %arg2[%dma_wait3A_311, %dma_wait3A_312] : memref<10000x128xf32, #tpu.memory_space<hbm>> -> memref<10000x128xf32, #tpu.memory_space<hbm>>
      tpu.wait_indirect_dma semaphore(%arg15 : memref<!tpu.dma_semaphore, #tpu.memory_space<semaphore_mem>>) src(%dma_wait3A_313 : memref<10000x128xf32, #tpu.memory_space<hbm>>) dst(%arg11 : memref<128x128xf32, #tpu.memory_space<vmem>>)
      %dma_start3A_314 = arith.constant 7 : i32
      %dma_start3A_315 = arith.constant 0 : i32
      %dma_start3A_316 = tpu.memref_slice %arg9[%dma_start3A_314, %dma_start3A_315] : memref<8x128xi32, #tpu.memory_space<vmem>> -> memref<1x128xi32, #tpu.memory_space<vmem>>
      %dma_start3A_317 = tpu.memref_squeeze %dma_start3A_316 : memref<1x128xi32, #tpu.memory_space<vmem>> -> memref<128xi32, #tpu.memory_space<vmem>>
      %dma_start3A_318 = arith.constant 0 : i32
      %dma_start3A_319 = arith.constant 0 : i32
      %dma_start3A_320 = tpu.memref_slice %arg13[%dma_start3A_318, %dma_start3A_319] : memref<10112x128xf32, #tpu.memory_space<vmem_shared>> -> memref<10112x128xf32, #tpu.memory_space<vmem_shared>>
      tpu.enqueue_indirect_dma source(%arg11 : memref<128x128xf32, #tpu.memory_space<vmem>>) target(%dma_start3A_320 : memref<10112x128xf32, #tpu.memory_space<vmem_shared>>) offsets(%dma_start3A_317 : memref<128xi32, #tpu.memory_space<vmem>>) semaphore(%arg17 : memref<!tpu.dma_semaphore, #tpu.memory_space<semaphore_mem>>) {add = true}
      %dma_wait3A_321 = arith.constant 6 : i32
      %dma_wait3A_322 = arith.constant 0 : i32
      %dma_wait3A_323 = tpu.memref_slice %arg9[%dma_wait3A_321, %dma_wait3A_322] : memref<8x128xi32, #tpu.memory_space<vmem>> -> memref<1x128xi32, #tpu.memory_space<vmem>>
      %dma_wait3A_324 = tpu.memref_squeeze %dma_wait3A_323 : memref<1x128xi32, #tpu.memory_space<vmem>> -> memref<128xi32, #tpu.memory_space<vmem>>
      %dma_wait3A_325 = arith.constant 0 : i32
      %dma_wait3A_326 = arith.constant 0 : i32
      %dma_wait3A_327 = tpu.memref_slice %arg13[%dma_wait3A_325, %dma_wait3A_326] : memref<10112x128xf32, #tpu.memory_space<vmem_shared>> -> memref<10112x128xf32, #tpu.memory_space<vmem_shared>>
      tpu.wait_indirect_dma semaphore(%arg16 : memref<!tpu.dma_semaphore, #tpu.memory_space<semaphore_mem>>) src(%arg10 : memref<128x128xf32, #tpu.memory_space<vmem>>) dst(%dma_wait3A_327 : memref<10112x128xf32, #tpu.memory_space<vmem_shared>>)
      %dma_wait3A_328 = arith.constant 7 : i32
      %dma_wait3A_329 = arith.constant 0 : i32
      %dma_wait3A_330 = tpu.memref_slice %arg9[%dma_wait3A_328, %dma_wait3A_329] : memref<8x128xi32, #tpu.memory_space<vmem>> -> memref<1x128xi32, #tpu.memory_space<vmem>>
      %dma_wait3A_331 = tpu.memref_squeeze %dma_wait3A_330 : memref<1x128xi32, #tpu.memory_space<vmem>> -> memref<128xi32, #tpu.memory_space<vmem>>
      %dma_wait3A_332 = arith.constant 0 : i32
      %dma_wait3A_333 = arith.constant 0 : i32
      %dma_wait3A_334 = tpu.memref_slice %arg13[%dma_wait3A_332, %dma_wait3A_333] : memref<10112x128xf32, #tpu.memory_space<vmem_shared>> -> memref<10112x128xf32, #tpu.memory_space<vmem_shared>>
      tpu.wait_indirect_dma semaphore(%arg17 : memref<!tpu.dma_semaphore, #tpu.memory_space<semaphore_mem>>) src(%arg11 : memref<128x128xf32, #tpu.memory_space<vmem>>) dst(%dma_wait3A_334 : memref<10112x128xf32, #tpu.memory_space<vmem_shared>>)
    }
    %barrier3A_34 = arith.constant 0 : index
    tpu.barrier barrier_id(%barrier3A_34)
    %mul3A_35 = arith.constant 8 : i32
    %mul3A_36 = arith.muli %arg1, %mul3A_35 : i32
    %add3A_37 = arith.constant 0 : i32
    %add3A_38 = arith.addi %mul3A_36, %add3A_37 : i32
    %lt3A = arith.constant 79 : i32
    %lt3A_39 = arith.cmpi slt, %add3A_38, %lt3A : i32
    %convert_element_type3A = arith.extui %lt3A_39 : i1 to i32
    %cond3A = arith.constant 0 : i32
    %cond3A_40 = arith.cmpi ne, %convert_element_type3A, %cond3A : i32
    scf.if %cond3A_40 {
      %dma_start3A = arith.constant 0 : i32
      %dma_start3A_104 = arith.constant 0 : i32
      %dma_start3A_105 = tpu.memref_slice %arg12[%dma_start3A, %dma_start3A_104] : memref<8x128xi32, #tpu.memory_space<vmem>> -> memref<1x128xi32, #tpu.memory_space<vmem>>
      %dma_start3A_106 = tpu.memref_squeeze %dma_start3A_105 : memref<1x128xi32, #tpu.memory_space<vmem>> -> memref<128xi32, #tpu.memory_space<vmem>>
      %dma_start3A_107 = arith.constant 0 : i32
      %dma_start3A_108 = arith.constant 0 : i32
      %dma_start3A_109 = tpu.memref_slice %arg13[%dma_start3A_107, %dma_start3A_108] : memref<10112x128xf32, #tpu.memory_space<vmem_shared>> -> memref<10112x128xf32, #tpu.memory_space<vmem_shared>>
      tpu.enqueue_indirect_dma source(%dma_start3A_109 : memref<10112x128xf32, #tpu.memory_space<vmem_shared>>) target(%arg10 : memref<128x128xf32, #tpu.memory_space<vmem>>) offsets(%dma_start3A_106 : memref<128xi32, #tpu.memory_space<vmem>>) semaphore(%arg14 : memref<!tpu.dma_semaphore, #tpu.memory_space<semaphore_mem>>)
      %dma_wait3A = arith.constant 0 : i32
      %dma_wait3A_110 = arith.constant 0 : i32
      %dma_wait3A_111 = tpu.memref_slice %arg12[%dma_wait3A, %dma_wait3A_110] : memref<8x128xi32, #tpu.memory_space<vmem>> -> memref<1x128xi32, #tpu.memory_space<vmem>>
      %dma_wait3A_112 = tpu.memref_squeeze %dma_wait3A_111 : memref<1x128xi32, #tpu.memory_space<vmem>> -> memref<128xi32, #tpu.memory_space<vmem>>
      %dma_wait3A_113 = arith.constant 0 : i32
      %dma_wait3A_114 = arith.constant 0 : i32
      %dma_wait3A_115 = tpu.memref_slice %arg13[%dma_wait3A_113, %dma_wait3A_114] : memref<10112x128xf32, #tpu.memory_space<vmem_shared>> -> memref<10112x128xf32, #tpu.memory_space<vmem_shared>>
      tpu.wait_indirect_dma semaphore(%arg14 : memref<!tpu.dma_semaphore, #tpu.memory_space<semaphore_mem>>) src(%dma_wait3A_115 : memref<10112x128xf32, #tpu.memory_space<vmem_shared>>) dst(%arg10 : memref<128x128xf32, #tpu.memory_space<vmem>>)
      %mul3A_116 = arith.constant 10112 : i32
      %mul3A_117 = arith.muli %arg0, %mul3A_116 : i32
      %mul3A_118 = arith.constant 128 : i32
      %mul3A_119 = arith.muli %add3A_38, %mul3A_118 : i32
      %add3A_120 = arith.addi %mul3A_117, %mul3A_119 : i32
      "tpu.region"() ({
        %run_scoped3A_121 = tpu.sem_alloc : memref<!tpu.dma_semaphore, #tpu.memory_space<semaphore_mem>>
        %dma_start3A_122 = arith.constant 0 : i32
        %dma_start3A_123 = tpu.memref_slice %arg7[%add3A_120, %dma_start3A_122] : memref<20224x128xf32, #tpu.memory_space<hbm>> -> memref<128x128xf32, #tpu.memory_space<hbm>>
        %dma_start3A_124 = arith.constant 0 : i32
        %dma_start3A_125 = tpu.memref_slice %arg7[%add3A_120, %dma_start3A_124] : memref<20224x128xf32, #tpu.memory_space<hbm>> -> memref<128x128xf32, #tpu.memory_space<hbm>>
        tpu.enqueue_dma source(%arg10 : memref<128x128xf32, #tpu.memory_space<vmem>>) target(%dma_start3A_125 : memref<128x128xf32, #tpu.memory_space<hbm>>) target_semaphore(%run_scoped3A_121 : memref<!tpu.dma_semaphore, #tpu.memory_space<semaphore_mem>>)
        %dma_wait3A_126 = arith.constant 0 : i32
        %dma_wait3A_127 = tpu.memref_slice %arg7[%add3A_120, %dma_wait3A_126] : memref<20224x128xf32, #tpu.memory_space<hbm>> -> memref<128x128xf32, #tpu.memory_space<hbm>>
        %dma_wait3A_128 = arith.constant 0 : i32
        %dma_wait3A_129 = tpu.memref_slice %arg7[%add3A_120, %dma_wait3A_128] : memref<20224x128xf32, #tpu.memory_space<hbm>> -> memref<128x128xf32, #tpu.memory_space<hbm>>
        tpu.wait_dma2 semaphore(%run_scoped3A_121 : memref<!tpu.dma_semaphore, #tpu.memory_space<semaphore_mem>>) src(%arg10 : memref<128x128xf32, #tpu.memory_space<vmem>>) dst(%dma_wait3A_129 : memref<128x128xf32, #tpu.memory_space<hbm>>)
        tpu.yield
      }) : () -> ()
    } else {
    }
    %mul3A_41 = arith.constant 8 : i32
    %mul3A_42 = arith.muli %arg1, %mul3A_41 : i32
    %add3A_43 = arith.constant 1 : i32
    %add3A_44 = arith.addi %mul3A_42, %add3A_43 : i32
    %lt3A_45 = arith.constant 79 : i32
    %lt3A_46 = arith.cmpi slt, %add3A_44, %lt3A_45 : i32
    %convert_element_type3A_47 = arith.extui %lt3A_46 : i1 to i32
    %cond3A_48 = arith.constant 0 : i32
    %cond3A_49 = arith.cmpi ne, %convert_element_type3A_47, %cond3A_48 : i32
    scf.if %cond3A_49 {
      %dma_start3A = arith.constant 1 : i32
      %dma_start3A_104 = arith.constant 0 : i32
      %dma_start3A_105 = tpu.memref_slice %arg12[%dma_start3A, %dma_start3A_104] : memref<8x128xi32, #tpu.memory_space<vmem>> -> memref<1x128xi32, #tpu.memory_space<vmem>>
      %dma_start3A_106 = tpu.memref_squeeze %dma_start3A_105 : memref<1x128xi32, #tpu.memory_space<vmem>> -> memref<128xi32, #tpu.memory_space<vmem>>
      %dma_start3A_107 = arith.constant 0 : i32
      %dma_start3A_108 = arith.constant 0 : i32
      %dma_start3A_109 = tpu.memref_slice %arg13[%dma_start3A_107, %dma_start3A_108] : memref<10112x128xf32, #tpu.memory_space<vmem_shared>> -> memref<10112x128xf32, #tpu.memory_space<vmem_shared>>
      tpu.enqueue_indirect_dma source(%dma_start3A_109 : memref<10112x128xf32, #tpu.memory_space<vmem_shared>>) target(%arg10 : memref<128x128xf32, #tpu.memory_space<vmem>>) offsets(%dma_start3A_106 : memref<128xi32, #tpu.memory_space<vmem>>) semaphore(%arg14 : memref<!tpu.dma_semaphore, #tpu.memory_space<semaphore_mem>>)
      %dma_wait3A = arith.constant 1 : i32
      %dma_wait3A_110 = arith.constant 0 : i32
      %dma_wait3A_111 = tpu.memref_slice %arg12[%dma_wait3A, %dma_wait3A_110] : memref<8x128xi32, #tpu.memory_space<vmem>> -> memref<1x128xi32, #tpu.memory_space<vmem>>
      %dma_wait3A_112 = tpu.memref_squeeze %dma_wait3A_111 : memref<1x128xi32, #tpu.memory_space<vmem>> -> memref<128xi32, #tpu.memory_space<vmem>>
      %dma_wait3A_113 = arith.constant 0 : i32
      %dma_wait3A_114 = arith.constant 0 : i32
      %dma_wait3A_115 = tpu.memref_slice %arg13[%dma_wait3A_113, %dma_wait3A_114] : memref<10112x128xf32, #tpu.memory_space<vmem_shared>> -> memref<10112x128xf32, #tpu.memory_space<vmem_shared>>
      tpu.wait_indirect_dma semaphore(%arg14 : memref<!tpu.dma_semaphore, #tpu.memory_space<semaphore_mem>>) src(%dma_wait3A_115 : memref<10112x128xf32, #tpu.memory_space<vmem_shared>>) dst(%arg10 : memref<128x128xf32, #tpu.memory_space<vmem>>)
      %mul3A_116 = arith.constant 10112 : i32
      %mul3A_117 = arith.muli %arg0, %mul3A_116 : i32
      %mul3A_118 = arith.constant 128 : i32
      %mul3A_119 = arith.muli %add3A_44, %mul3A_118 : i32
      %add3A_120 = arith.addi %mul3A_117, %mul3A_119 : i32
      "tpu.region"() ({
        %run_scoped3A_121 = tpu.sem_alloc : memref<!tpu.dma_semaphore, #tpu.memory_space<semaphore_mem>>
        %dma_start3A_122 = arith.constant 0 : i32
        %dma_start3A_123 = tpu.memref_slice %arg7[%add3A_120, %dma_start3A_122] : memref<20224x128xf32, #tpu.memory_space<hbm>> -> memref<128x128xf32, #tpu.memory_space<hbm>>
        %dma_start3A_124 = arith.constant 0 : i32
        %dma_start3A_125 = tpu.memref_slice %arg7[%add3A_120, %dma_start3A_124] : memref<20224x128xf32, #tpu.memory_space<hbm>> -> memref<128x128xf32, #tpu.memory_space<hbm>>
        tpu.enqueue_dma source(%arg10 : memref<128x128xf32, #tpu.memory_space<vmem>>) target(%dma_start3A_125 : memref<128x128xf32, #tpu.memory_space<hbm>>) target_semaphore(%run_scoped3A_121 : memref<!tpu.dma_semaphore, #tpu.memory_space<semaphore_mem>>)
        %dma_wait3A_126 = arith.constant 0 : i32
        %dma_wait3A_127 = tpu.memref_slice %arg7[%add3A_120, %dma_wait3A_126] : memref<20224x128xf32, #tpu.memory_space<hbm>> -> memref<128x128xf32, #tpu.memory_space<hbm>>
        %dma_wait3A_128 = arith.constant 0 : i32
        %dma_wait3A_129 = tpu.memref_slice %arg7[%add3A_120, %dma_wait3A_128] : memref<20224x128xf32, #tpu.memory_space<hbm>> -> memref<128x128xf32, #tpu.memory_space<hbm>>
        tpu.wait_dma2 semaphore(%run_scoped3A_121 : memref<!tpu.dma_semaphore, #tpu.memory_space<semaphore_mem>>) src(%arg10 : memref<128x128xf32, #tpu.memory_space<vmem>>) dst(%dma_wait3A_129 : memref<128x128xf32, #tpu.memory_space<hbm>>)
        tpu.yield
      }) : () -> ()
    } else {
    }
    %mul3A_50 = arith.constant 8 : i32
    %mul3A_51 = arith.muli %arg1, %mul3A_50 : i32
    %add3A_52 = arith.constant 2 : i32
    %add3A_53 = arith.addi %mul3A_51, %add3A_52 : i32
    %lt3A_54 = arith.constant 79 : i32
    %lt3A_55 = arith.cmpi slt, %add3A_53, %lt3A_54 : i32
    %convert_element_type3A_56 = arith.extui %lt3A_55 : i1 to i32
    %cond3A_57 = arith.constant 0 : i32
    %cond3A_58 = arith.cmpi ne, %convert_element_type3A_56, %cond3A_57 : i32
    scf.if %cond3A_58 {
      %dma_start3A = arith.constant 2 : i32
      %dma_start3A_104 = arith.constant 0 : i32
      %dma_start3A_105 = tpu.memref_slice %arg12[%dma_start3A, %dma_start3A_104] : memref<8x128xi32, #tpu.memory_space<vmem>> -> memref<1x128xi32, #tpu.memory_space<vmem>>
      %dma_start3A_106 = tpu.memref_squeeze %dma_start3A_105 : memref<1x128xi32, #tpu.memory_space<vmem>> -> memref<128xi32, #tpu.memory_space<vmem>>
      %dma_start3A_107 = arith.constant 0 : i32
      %dma_start3A_108 = arith.constant 0 : i32
      %dma_start3A_109 = tpu.memref_slice %arg13[%dma_start3A_107, %dma_start3A_108] : memref<10112x128xf32, #tpu.memory_space<vmem_shared>> -> memref<10112x128xf32, #tpu.memory_space<vmem_shared>>
      tpu.enqueue_indirect_dma source(%dma_start3A_109 : memref<10112x128xf32, #tpu.memory_space<vmem_shared>>) target(%arg10 : memref<128x128xf32, #tpu.memory_space<vmem>>) offsets(%dma_start3A_106 : memref<128xi32, #tpu.memory_space<vmem>>) semaphore(%arg14 : memref<!tpu.dma_semaphore, #tpu.memory_space<semaphore_mem>>)
      %dma_wait3A = arith.constant 2 : i32
      %dma_wait3A_110 = arith.constant 0 : i32
      %dma_wait3A_111 = tpu.memref_slice %arg12[%dma_wait3A, %dma_wait3A_110] : memref<8x128xi32, #tpu.memory_space<vmem>> -> memref<1x128xi32, #tpu.memory_space<vmem>>
      %dma_wait3A_112 = tpu.memref_squeeze %dma_wait3A_111 : memref<1x128xi32, #tpu.memory_space<vmem>> -> memref<128xi32, #tpu.memory_space<vmem>>
      %dma_wait3A_113 = arith.constant 0 : i32
      %dma_wait3A_114 = arith.constant 0 : i32
      %dma_wait3A_115 = tpu.memref_slice %arg13[%dma_wait3A_113, %dma_wait3A_114] : memref<10112x128xf32, #tpu.memory_space<vmem_shared>> -> memref<10112x128xf32, #tpu.memory_space<vmem_shared>>
      tpu.wait_indirect_dma semaphore(%arg14 : memref<!tpu.dma_semaphore, #tpu.memory_space<semaphore_mem>>) src(%dma_wait3A_115 : memref<10112x128xf32, #tpu.memory_space<vmem_shared>>) dst(%arg10 : memref<128x128xf32, #tpu.memory_space<vmem>>)
      %mul3A_116 = arith.constant 10112 : i32
      %mul3A_117 = arith.muli %arg0, %mul3A_116 : i32
      %mul3A_118 = arith.constant 128 : i32
      %mul3A_119 = arith.muli %add3A_53, %mul3A_118 : i32
      %add3A_120 = arith.addi %mul3A_117, %mul3A_119 : i32
      "tpu.region"() ({
        %run_scoped3A_121 = tpu.sem_alloc : memref<!tpu.dma_semaphore, #tpu.memory_space<semaphore_mem>>
        %dma_start3A_122 = arith.constant 0 : i32
        %dma_start3A_123 = tpu.memref_slice %arg7[%add3A_120, %dma_start3A_122] : memref<20224x128xf32, #tpu.memory_space<hbm>> -> memref<128x128xf32, #tpu.memory_space<hbm>>
        %dma_start3A_124 = arith.constant 0 : i32
        %dma_start3A_125 = tpu.memref_slice %arg7[%add3A_120, %dma_start3A_124] : memref<20224x128xf32, #tpu.memory_space<hbm>> -> memref<128x128xf32, #tpu.memory_space<hbm>>
        tpu.enqueue_dma source(%arg10 : memref<128x128xf32, #tpu.memory_space<vmem>>) target(%dma_start3A_125 : memref<128x128xf32, #tpu.memory_space<hbm>>) target_semaphore(%run_scoped3A_121 : memref<!tpu.dma_semaphore, #tpu.memory_space<semaphore_mem>>)
        %dma_wait3A_126 = arith.constant 0 : i32
        %dma_wait3A_127 = tpu.memref_slice %arg7[%add3A_120, %dma_wait3A_126] : memref<20224x128xf32, #tpu.memory_space<hbm>> -> memref<128x128xf32, #tpu.memory_space<hbm>>
        %dma_wait3A_128 = arith.constant 0 : i32
        %dma_wait3A_129 = tpu.memref_slice %arg7[%add3A_120, %dma_wait3A_128] : memref<20224x128xf32, #tpu.memory_space<hbm>> -> memref<128x128xf32, #tpu.memory_space<hbm>>
        tpu.wait_dma2 semaphore(%run_scoped3A_121 : memref<!tpu.dma_semaphore, #tpu.memory_space<semaphore_mem>>) src(%arg10 : memref<128x128xf32, #tpu.memory_space<vmem>>) dst(%dma_wait3A_129 : memref<128x128xf32, #tpu.memory_space<hbm>>)
        tpu.yield
      }) : () -> ()
    } else {
    }
    %mul3A_59 = arith.constant 8 : i32
    %mul3A_60 = arith.muli %arg1, %mul3A_59 : i32
    %add3A_61 = arith.constant 3 : i32
    %add3A_62 = arith.addi %mul3A_60, %add3A_61 : i32
    %lt3A_63 = arith.constant 79 : i32
    %lt3A_64 = arith.cmpi slt, %add3A_62, %lt3A_63 : i32
    %convert_element_type3A_65 = arith.extui %lt3A_64 : i1 to i32
    %cond3A_66 = arith.constant 0 : i32
    %cond3A_67 = arith.cmpi ne, %convert_element_type3A_65, %cond3A_66 : i32
    scf.if %cond3A_67 {
      %dma_start3A = arith.constant 3 : i32
      %dma_start3A_104 = arith.constant 0 : i32
      %dma_start3A_105 = tpu.memref_slice %arg12[%dma_start3A, %dma_start3A_104] : memref<8x128xi32, #tpu.memory_space<vmem>> -> memref<1x128xi32, #tpu.memory_space<vmem>>
      %dma_start3A_106 = tpu.memref_squeeze %dma_start3A_105 : memref<1x128xi32, #tpu.memory_space<vmem>> -> memref<128xi32, #tpu.memory_space<vmem>>
      %dma_start3A_107 = arith.constant 0 : i32
      %dma_start3A_108 = arith.constant 0 : i32
      %dma_start3A_109 = tpu.memref_slice %arg13[%dma_start3A_107, %dma_start3A_108] : memref<10112x128xf32, #tpu.memory_space<vmem_shared>> -> memref<10112x128xf32, #tpu.memory_space<vmem_shared>>
      tpu.enqueue_indirect_dma source(%dma_start3A_109 : memref<10112x128xf32, #tpu.memory_space<vmem_shared>>) target(%arg10 : memref<128x128xf32, #tpu.memory_space<vmem>>) offsets(%dma_start3A_106 : memref<128xi32, #tpu.memory_space<vmem>>) semaphore(%arg14 : memref<!tpu.dma_semaphore, #tpu.memory_space<semaphore_mem>>)
      %dma_wait3A = arith.constant 3 : i32
      %dma_wait3A_110 = arith.constant 0 : i32
      %dma_wait3A_111 = tpu.memref_slice %arg12[%dma_wait3A, %dma_wait3A_110] : memref<8x128xi32, #tpu.memory_space<vmem>> -> memref<1x128xi32, #tpu.memory_space<vmem>>
      %dma_wait3A_112 = tpu.memref_squeeze %dma_wait3A_111 : memref<1x128xi32, #tpu.memory_space<vmem>> -> memref<128xi32, #tpu.memory_space<vmem>>
      %dma_wait3A_113 = arith.constant 0 : i32
      %dma_wait3A_114 = arith.constant 0 : i32
      %dma_wait3A_115 = tpu.memref_slice %arg13[%dma_wait3A_113, %dma_wait3A_114] : memref<10112x128xf32, #tpu.memory_space<vmem_shared>> -> memref<10112x128xf32, #tpu.memory_space<vmem_shared>>
      tpu.wait_indirect_dma semaphore(%arg14 : memref<!tpu.dma_semaphore, #tpu.memory_space<semaphore_mem>>) src(%dma_wait3A_115 : memref<10112x128xf32, #tpu.memory_space<vmem_shared>>) dst(%arg10 : memref<128x128xf32, #tpu.memory_space<vmem>>)
      %mul3A_116 = arith.constant 10112 : i32
      %mul3A_117 = arith.muli %arg0, %mul3A_116 : i32
      %mul3A_118 = arith.constant 128 : i32
      %mul3A_119 = arith.muli %add3A_62, %mul3A_118 : i32
      %add3A_120 = arith.addi %mul3A_117, %mul3A_119 : i32
      "tpu.region"() ({
        %run_scoped3A_121 = tpu.sem_alloc : memref<!tpu.dma_semaphore, #tpu.memory_space<semaphore_mem>>
        %dma_start3A_122 = arith.constant 0 : i32
        %dma_start3A_123 = tpu.memref_slice %arg7[%add3A_120, %dma_start3A_122] : memref<20224x128xf32, #tpu.memory_space<hbm>> -> memref<128x128xf32, #tpu.memory_space<hbm>>
        %dma_start3A_124 = arith.constant 0 : i32
        %dma_start3A_125 = tpu.memref_slice %arg7[%add3A_120, %dma_start3A_124] : memref<20224x128xf32, #tpu.memory_space<hbm>> -> memref<128x128xf32, #tpu.memory_space<hbm>>
        tpu.enqueue_dma source(%arg10 : memref<128x128xf32, #tpu.memory_space<vmem>>) target(%dma_start3A_125 : memref<128x128xf32, #tpu.memory_space<hbm>>) target_semaphore(%run_scoped3A_121 : memref<!tpu.dma_semaphore, #tpu.memory_space<semaphore_mem>>)
        %dma_wait3A_126 = arith.constant 0 : i32
        %dma_wait3A_127 = tpu.memref_slice %arg7[%add3A_120, %dma_wait3A_126] : memref<20224x128xf32, #tpu.memory_space<hbm>> -> memref<128x128xf32, #tpu.memory_space<hbm>>
        %dma_wait3A_128 = arith.constant 0 : i32
        %dma_wait3A_129 = tpu.memref_slice %arg7[%add3A_120, %dma_wait3A_128] : memref<20224x128xf32, #tpu.memory_space<hbm>> -> memref<128x128xf32, #tpu.memory_space<hbm>>
        tpu.wait_dma2 semaphore(%run_scoped3A_121 : memref<!tpu.dma_semaphore, #tpu.memory_space<semaphore_mem>>) src(%arg10 : memref<128x128xf32, #tpu.memory_space<vmem>>) dst(%dma_wait3A_129 : memref<128x128xf32, #tpu.memory_space<hbm>>)
        tpu.yield
      }) : () -> ()
    } else {
    }
    %mul3A_68 = arith.constant 8 : i32
    %mul3A_69 = arith.muli %arg1, %mul3A_68 : i32
    %add3A_70 = arith.constant 4 : i32
    %add3A_71 = arith.addi %mul3A_69, %add3A_70 : i32
    %lt3A_72 = arith.constant 79 : i32
    %lt3A_73 = arith.cmpi slt, %add3A_71, %lt3A_72 : i32
    %convert_element_type3A_74 = arith.extui %lt3A_73 : i1 to i32
    %cond3A_75 = arith.constant 0 : i32
    %cond3A_76 = arith.cmpi ne, %convert_element_type3A_74, %cond3A_75 : i32
    scf.if %cond3A_76 {
      %dma_start3A = arith.constant 4 : i32
      %dma_start3A_104 = arith.constant 0 : i32
      %dma_start3A_105 = tpu.memref_slice %arg12[%dma_start3A, %dma_start3A_104] : memref<8x128xi32, #tpu.memory_space<vmem>> -> memref<1x128xi32, #tpu.memory_space<vmem>>
      %dma_start3A_106 = tpu.memref_squeeze %dma_start3A_105 : memref<1x128xi32, #tpu.memory_space<vmem>> -> memref<128xi32, #tpu.memory_space<vmem>>
      %dma_start3A_107 = arith.constant 0 : i32
      %dma_start3A_108 = arith.constant 0 : i32
      %dma_start3A_109 = tpu.memref_slice %arg13[%dma_start3A_107, %dma_start3A_108] : memref<10112x128xf32, #tpu.memory_space<vmem_shared>> -> memref<10112x128xf32, #tpu.memory_space<vmem_shared>>
      tpu.enqueue_indirect_dma source(%dma_start3A_109 : memref<10112x128xf32, #tpu.memory_space<vmem_shared>>) target(%arg10 : memref<128x128xf32, #tpu.memory_space<vmem>>) offsets(%dma_start3A_106 : memref<128xi32, #tpu.memory_space<vmem>>) semaphore(%arg14 : memref<!tpu.dma_semaphore, #tpu.memory_space<semaphore_mem>>)
      %dma_wait3A = arith.constant 4 : i32
      %dma_wait3A_110 = arith.constant 0 : i32
      %dma_wait3A_111 = tpu.memref_slice %arg12[%dma_wait3A, %dma_wait3A_110] : memref<8x128xi32, #tpu.memory_space<vmem>> -> memref<1x128xi32, #tpu.memory_space<vmem>>
      %dma_wait3A_112 = tpu.memref_squeeze %dma_wait3A_111 : memref<1x128xi32, #tpu.memory_space<vmem>> -> memref<128xi32, #tpu.memory_space<vmem>>
      %dma_wait3A_113 = arith.constant 0 : i32
      %dma_wait3A_114 = arith.constant 0 : i32
      %dma_wait3A_115 = tpu.memref_slice %arg13[%dma_wait3A_113, %dma_wait3A_114] : memref<10112x128xf32, #tpu.memory_space<vmem_shared>> -> memref<10112x128xf32, #tpu.memory_space<vmem_shared>>
      tpu.wait_indirect_dma semaphore(%arg14 : memref<!tpu.dma_semaphore, #tpu.memory_space<semaphore_mem>>) src(%dma_wait3A_115 : memref<10112x128xf32, #tpu.memory_space<vmem_shared>>) dst(%arg10 : memref<128x128xf32, #tpu.memory_space<vmem>>)
      %mul3A_116 = arith.constant 10112 : i32
      %mul3A_117 = arith.muli %arg0, %mul3A_116 : i32
      %mul3A_118 = arith.constant 128 : i32
      %mul3A_119 = arith.muli %add3A_71, %mul3A_118 : i32
      %add3A_120 = arith.addi %mul3A_117, %mul3A_119 : i32
      "tpu.region"() ({
        %run_scoped3A_121 = tpu.sem_alloc : memref<!tpu.dma_semaphore, #tpu.memory_space<semaphore_mem>>
        %dma_start3A_122 = arith.constant 0 : i32
        %dma_start3A_123 = tpu.memref_slice %arg7[%add3A_120, %dma_start3A_122] : memref<20224x128xf32, #tpu.memory_space<hbm>> -> memref<128x128xf32, #tpu.memory_space<hbm>>
        %dma_start3A_124 = arith.constant 0 : i32
        %dma_start3A_125 = tpu.memref_slice %arg7[%add3A_120, %dma_start3A_124] : memref<20224x128xf32, #tpu.memory_space<hbm>> -> memref<128x128xf32, #tpu.memory_space<hbm>>
        tpu.enqueue_dma source(%arg10 : memref<128x128xf32, #tpu.memory_space<vmem>>) target(%dma_start3A_125 : memref<128x128xf32, #tpu.memory_space<hbm>>) target_semaphore(%run_scoped3A_121 : memref<!tpu.dma_semaphore, #tpu.memory_space<semaphore_mem>>)
        %dma_wait3A_126 = arith.constant 0 : i32
        %dma_wait3A_127 = tpu.memref_slice %arg7[%add3A_120, %dma_wait3A_126] : memref<20224x128xf32, #tpu.memory_space<hbm>> -> memref<128x128xf32, #tpu.memory_space<hbm>>
        %dma_wait3A_128 = arith.constant 0 : i32
        %dma_wait3A_129 = tpu.memref_slice %arg7[%add3A_120, %dma_wait3A_128] : memref<20224x128xf32, #tpu.memory_space<hbm>> -> memref<128x128xf32, #tpu.memory_space<hbm>>
        tpu.wait_dma2 semaphore(%run_scoped3A_121 : memref<!tpu.dma_semaphore, #tpu.memory_space<semaphore_mem>>) src(%arg10 : memref<128x128xf32, #tpu.memory_space<vmem>>) dst(%dma_wait3A_129 : memref<128x128xf32, #tpu.memory_space<hbm>>)
        tpu.yield
      }) : () -> ()
    } else {
    }
    %mul3A_77 = arith.constant 8 : i32
    %mul3A_78 = arith.muli %arg1, %mul3A_77 : i32
    %add3A_79 = arith.constant 5 : i32
    %add3A_80 = arith.addi %mul3A_78, %add3A_79 : i32
    %lt3A_81 = arith.constant 79 : i32
    %lt3A_82 = arith.cmpi slt, %add3A_80, %lt3A_81 : i32
    %convert_element_type3A_83 = arith.extui %lt3A_82 : i1 to i32
    %cond3A_84 = arith.constant 0 : i32
    %cond3A_85 = arith.cmpi ne, %convert_element_type3A_83, %cond3A_84 : i32
    scf.if %cond3A_85 {
      %dma_start3A = arith.constant 5 : i32
      %dma_start3A_104 = arith.constant 0 : i32
      %dma_start3A_105 = tpu.memref_slice %arg12[%dma_start3A, %dma_start3A_104] : memref<8x128xi32, #tpu.memory_space<vmem>> -> memref<1x128xi32, #tpu.memory_space<vmem>>
      %dma_start3A_106 = tpu.memref_squeeze %dma_start3A_105 : memref<1x128xi32, #tpu.memory_space<vmem>> -> memref<128xi32, #tpu.memory_space<vmem>>
      %dma_start3A_107 = arith.constant 0 : i32
      %dma_start3A_108 = arith.constant 0 : i32
      %dma_start3A_109 = tpu.memref_slice %arg13[%dma_start3A_107, %dma_start3A_108] : memref<10112x128xf32, #tpu.memory_space<vmem_shared>> -> memref<10112x128xf32, #tpu.memory_space<vmem_shared>>
      tpu.enqueue_indirect_dma source(%dma_start3A_109 : memref<10112x128xf32, #tpu.memory_space<vmem_shared>>) target(%arg10 : memref<128x128xf32, #tpu.memory_space<vmem>>) offsets(%dma_start3A_106 : memref<128xi32, #tpu.memory_space<vmem>>) semaphore(%arg14 : memref<!tpu.dma_semaphore, #tpu.memory_space<semaphore_mem>>)
      %dma_wait3A = arith.constant 5 : i32
      %dma_wait3A_110 = arith.constant 0 : i32
      %dma_wait3A_111 = tpu.memref_slice %arg12[%dma_wait3A, %dma_wait3A_110] : memref<8x128xi32, #tpu.memory_space<vmem>> -> memref<1x128xi32, #tpu.memory_space<vmem>>
      %dma_wait3A_112 = tpu.memref_squeeze %dma_wait3A_111 : memref<1x128xi32, #tpu.memory_space<vmem>> -> memref<128xi32, #tpu.memory_space<vmem>>
      %dma_wait3A_113 = arith.constant 0 : i32
      %dma_wait3A_114 = arith.constant 0 : i32
      %dma_wait3A_115 = tpu.memref_slice %arg13[%dma_wait3A_113, %dma_wait3A_114] : memref<10112x128xf32, #tpu.memory_space<vmem_shared>> -> memref<10112x128xf32, #tpu.memory_space<vmem_shared>>
      tpu.wait_indirect_dma semaphore(%arg14 : memref<!tpu.dma_semaphore, #tpu.memory_space<semaphore_mem>>) src(%dma_wait3A_115 : memref<10112x128xf32, #tpu.memory_space<vmem_shared>>) dst(%arg10 : memref<128x128xf32, #tpu.memory_space<vmem>>)
      %mul3A_116 = arith.constant 10112 : i32
      %mul3A_117 = arith.muli %arg0, %mul3A_116 : i32
      %mul3A_118 = arith.constant 128 : i32
      %mul3A_119 = arith.muli %add3A_80, %mul3A_118 : i32
      %add3A_120 = arith.addi %mul3A_117, %mul3A_119 : i32
      "tpu.region"() ({
        %run_scoped3A_121 = tpu.sem_alloc : memref<!tpu.dma_semaphore, #tpu.memory_space<semaphore_mem>>
        %dma_start3A_122 = arith.constant 0 : i32
        %dma_start3A_123 = tpu.memref_slice %arg7[%add3A_120, %dma_start3A_122] : memref<20224x128xf32, #tpu.memory_space<hbm>> -> memref<128x128xf32, #tpu.memory_space<hbm>>
        %dma_start3A_124 = arith.constant 0 : i32
        %dma_start3A_125 = tpu.memref_slice %arg7[%add3A_120, %dma_start3A_124] : memref<20224x128xf32, #tpu.memory_space<hbm>> -> memref<128x128xf32, #tpu.memory_space<hbm>>
        tpu.enqueue_dma source(%arg10 : memref<128x128xf32, #tpu.memory_space<vmem>>) target(%dma_start3A_125 : memref<128x128xf32, #tpu.memory_space<hbm>>) target_semaphore(%run_scoped3A_121 : memref<!tpu.dma_semaphore, #tpu.memory_space<semaphore_mem>>)
        %dma_wait3A_126 = arith.constant 0 : i32
        %dma_wait3A_127 = tpu.memref_slice %arg7[%add3A_120, %dma_wait3A_126] : memref<20224x128xf32, #tpu.memory_space<hbm>> -> memref<128x128xf32, #tpu.memory_space<hbm>>
        %dma_wait3A_128 = arith.constant 0 : i32
        %dma_wait3A_129 = tpu.memref_slice %arg7[%add3A_120, %dma_wait3A_128] : memref<20224x128xf32, #tpu.memory_space<hbm>> -> memref<128x128xf32, #tpu.memory_space<hbm>>
        tpu.wait_dma2 semaphore(%run_scoped3A_121 : memref<!tpu.dma_semaphore, #tpu.memory_space<semaphore_mem>>) src(%arg10 : memref<128x128xf32, #tpu.memory_space<vmem>>) dst(%dma_wait3A_129 : memref<128x128xf32, #tpu.memory_space<hbm>>)
        tpu.yield
      }) : () -> ()
    } else {
    }
    %mul3A_86 = arith.constant 8 : i32
    %mul3A_87 = arith.muli %arg1, %mul3A_86 : i32
    %add3A_88 = arith.constant 6 : i32
    %add3A_89 = arith.addi %mul3A_87, %add3A_88 : i32
    %lt3A_90 = arith.constant 79 : i32
    %lt3A_91 = arith.cmpi slt, %add3A_89, %lt3A_90 : i32
    %convert_element_type3A_92 = arith.extui %lt3A_91 : i1 to i32
    %cond3A_93 = arith.constant 0 : i32
    %cond3A_94 = arith.cmpi ne, %convert_element_type3A_92, %cond3A_93 : i32
    scf.if %cond3A_94 {
      %dma_start3A = arith.constant 6 : i32
      %dma_start3A_104 = arith.constant 0 : i32
      %dma_start3A_105 = tpu.memref_slice %arg12[%dma_start3A, %dma_start3A_104] : memref<8x128xi32, #tpu.memory_space<vmem>> -> memref<1x128xi32, #tpu.memory_space<vmem>>
      %dma_start3A_106 = tpu.memref_squeeze %dma_start3A_105 : memref<1x128xi32, #tpu.memory_space<vmem>> -> memref<128xi32, #tpu.memory_space<vmem>>
      %dma_start3A_107 = arith.constant 0 : i32
      %dma_start3A_108 = arith.constant 0 : i32
      %dma_start3A_109 = tpu.memref_slice %arg13[%dma_start3A_107, %dma_start3A_108] : memref<10112x128xf32, #tpu.memory_space<vmem_shared>> -> memref<10112x128xf32, #tpu.memory_space<vmem_shared>>
      tpu.enqueue_indirect_dma source(%dma_start3A_109 : memref<10112x128xf32, #tpu.memory_space<vmem_shared>>) target(%arg10 : memref<128x128xf32, #tpu.memory_space<vmem>>) offsets(%dma_start3A_106 : memref<128xi32, #tpu.memory_space<vmem>>) semaphore(%arg14 : memref<!tpu.dma_semaphore, #tpu.memory_space<semaphore_mem>>)
      %dma_wait3A = arith.constant 6 : i32
      %dma_wait3A_110 = arith.constant 0 : i32
      %dma_wait3A_111 = tpu.memref_slice %arg12[%dma_wait3A, %dma_wait3A_110] : memref<8x128xi32, #tpu.memory_space<vmem>> -> memref<1x128xi32, #tpu.memory_space<vmem>>
      %dma_wait3A_112 = tpu.memref_squeeze %dma_wait3A_111 : memref<1x128xi32, #tpu.memory_space<vmem>> -> memref<128xi32, #tpu.memory_space<vmem>>
      %dma_wait3A_113 = arith.constant 0 : i32
      %dma_wait3A_114 = arith.constant 0 : i32
      %dma_wait3A_115 = tpu.memref_slice %arg13[%dma_wait3A_113, %dma_wait3A_114] : memref<10112x128xf32, #tpu.memory_space<vmem_shared>> -> memref<10112x128xf32, #tpu.memory_space<vmem_shared>>
      tpu.wait_indirect_dma semaphore(%arg14 : memref<!tpu.dma_semaphore, #tpu.memory_space<semaphore_mem>>) src(%dma_wait3A_115 : memref<10112x128xf32, #tpu.memory_space<vmem_shared>>) dst(%arg10 : memref<128x128xf32, #tpu.memory_space<vmem>>)
      %mul3A_116 = arith.constant 10112 : i32
      %mul3A_117 = arith.muli %arg0, %mul3A_116 : i32
      %mul3A_118 = arith.constant 128 : i32
      %mul3A_119 = arith.muli %add3A_89, %mul3A_118 : i32
      %add3A_120 = arith.addi %mul3A_117, %mul3A_119 : i32
      "tpu.region"() ({
        %run_scoped3A_121 = tpu.sem_alloc : memref<!tpu.dma_semaphore, #tpu.memory_space<semaphore_mem>>
        %dma_start3A_122 = arith.constant 0 : i32
        %dma_start3A_123 = tpu.memref_slice %arg7[%add3A_120, %dma_start3A_122] : memref<20224x128xf32, #tpu.memory_space<hbm>> -> memref<128x128xf32, #tpu.memory_space<hbm>>
        %dma_start3A_124 = arith.constant 0 : i32
        %dma_start3A_125 = tpu.memref_slice %arg7[%add3A_120, %dma_start3A_124] : memref<20224x128xf32, #tpu.memory_space<hbm>> -> memref<128x128xf32, #tpu.memory_space<hbm>>
        tpu.enqueue_dma source(%arg10 : memref<128x128xf32, #tpu.memory_space<vmem>>) target(%dma_start3A_125 : memref<128x128xf32, #tpu.memory_space<hbm>>) target_semaphore(%run_scoped3A_121 : memref<!tpu.dma_semaphore, #tpu.memory_space<semaphore_mem>>)
        %dma_wait3A_126 = arith.constant 0 : i32
        %dma_wait3A_127 = tpu.memref_slice %arg7[%add3A_120, %dma_wait3A_126] : memref<20224x128xf32, #tpu.memory_space<hbm>> -> memref<128x128xf32, #tpu.memory_space<hbm>>
        %dma_wait3A_128 = arith.constant 0 : i32
        %dma_wait3A_129 = tpu.memref_slice %arg7[%add3A_120, %dma_wait3A_128] : memref<20224x128xf32, #tpu.memory_space<hbm>> -> memref<128x128xf32, #tpu.memory_space<hbm>>
        tpu.wait_dma2 semaphore(%run_scoped3A_121 : memref<!tpu.dma_semaphore, #tpu.memory_space<semaphore_mem>>) src(%arg10 : memref<128x128xf32, #tpu.memory_space<vmem>>) dst(%dma_wait3A_129 : memref<128x128xf32, #tpu.memory_space<hbm>>)
        tpu.yield
      }) : () -> ()
    } else {
    }
    %mul3A_95 = arith.constant 8 : i32
    %mul3A_96 = arith.muli %arg1, %mul3A_95 : i32
    %add3A_97 = arith.constant 7 : i32
    %add3A_98 = arith.addi %mul3A_96, %add3A_97 : i32
    %lt3A_99 = arith.constant 79 : i32
    %lt3A_100 = arith.cmpi slt, %add3A_98, %lt3A_99 : i32
    %convert_element_type3A_101 = arith.extui %lt3A_100 : i1 to i32
    %cond3A_102 = arith.constant 0 : i32
    %cond3A_103 = arith.cmpi ne, %convert_element_type3A_101, %cond3A_102 : i32
    scf.if %cond3A_103 {
      %dma_start3A = arith.constant 7 : i32
      %dma_start3A_104 = arith.constant 0 : i32
      %dma_start3A_105 = tpu.memref_slice %arg12[%dma_start3A, %dma_start3A_104] : memref<8x128xi32, #tpu.memory_space<vmem>> -> memref<1x128xi32, #tpu.memory_space<vmem>>
      %dma_start3A_106 = tpu.memref_squeeze %dma_start3A_105 : memref<1x128xi32, #tpu.memory_space<vmem>> -> memref<128xi32, #tpu.memory_space<vmem>>
      %dma_start3A_107 = arith.constant 0 : i32
      %dma_start3A_108 = arith.constant 0 : i32
      %dma_start3A_109 = tpu.memref_slice %arg13[%dma_start3A_107, %dma_start3A_108] : memref<10112x128xf32, #tpu.memory_space<vmem_shared>> -> memref<10112x128xf32, #tpu.memory_space<vmem_shared>>
      tpu.enqueue_indirect_dma source(%dma_start3A_109 : memref<10112x128xf32, #tpu.memory_space<vmem_shared>>) target(%arg10 : memref<128x128xf32, #tpu.memory_space<vmem>>) offsets(%dma_start3A_106 : memref<128xi32, #tpu.memory_space<vmem>>) semaphore(%arg14 : memref<!tpu.dma_semaphore, #tpu.memory_space<semaphore_mem>>)
      %dma_wait3A = arith.constant 7 : i32
      %dma_wait3A_110 = arith.constant 0 : i32
      %dma_wait3A_111 = tpu.memref_slice %arg12[%dma_wait3A, %dma_wait3A_110] : memref<8x128xi32, #tpu.memory_space<vmem>> -> memref<1x128xi32, #tpu.memory_space<vmem>>
      %dma_wait3A_112 = tpu.memref_squeeze %dma_wait3A_111 : memref<1x128xi32, #tpu.memory_space<vmem>> -> memref<128xi32, #tpu.memory_space<vmem>>
      %dma_wait3A_113 = arith.constant 0 : i32
      %dma_wait3A_114 = arith.constant 0 : i32
      %dma_wait3A_115 = tpu.memref_slice %arg13[%dma_wait3A_113, %dma_wait3A_114] : memref<10112x128xf32, #tpu.memory_space<vmem_shared>> -> memref<10112x128xf32, #tpu.memory_space<vmem_shared>>
      tpu.wait_indirect_dma semaphore(%arg14 : memref<!tpu.dma_semaphore, #tpu.memory_space<semaphore_mem>>) src(%dma_wait3A_115 : memref<10112x128xf32, #tpu.memory_space<vmem_shared>>) dst(%arg10 : memref<128x128xf32, #tpu.memory_space<vmem>>)
      %mul3A_116 = arith.constant 10112 : i32
      %mul3A_117 = arith.muli %arg0, %mul3A_116 : i32
      %mul3A_118 = arith.constant 128 : i32
      %mul3A_119 = arith.muli %add3A_98, %mul3A_118 : i32
      %add3A_120 = arith.addi %mul3A_117, %mul3A_119 : i32
      "tpu.region"() ({
        %run_scoped3A_121 = tpu.sem_alloc : memref<!tpu.dma_semaphore, #tpu.memory_space<semaphore_mem>>
        %dma_start3A_122 = arith.constant 0 : i32
        %dma_start3A_123 = tpu.memref_slice %arg7[%add3A_120, %dma_start3A_122] : memref<20224x128xf32, #tpu.memory_space<hbm>> -> memref<128x128xf32, #tpu.memory_space<hbm>>
        %dma_start3A_124 = arith.constant 0 : i32
        %dma_start3A_125 = tpu.memref_slice %arg7[%add3A_120, %dma_start3A_124] : memref<20224x128xf32, #tpu.memory_space<hbm>> -> memref<128x128xf32, #tpu.memory_space<hbm>>
        tpu.enqueue_dma source(%arg10 : memref<128x128xf32, #tpu.memory_space<vmem>>) target(%dma_start3A_125 : memref<128x128xf32, #tpu.memory_space<hbm>>) target_semaphore(%run_scoped3A_121 : memref<!tpu.dma_semaphore, #tpu.memory_space<semaphore_mem>>)
        %dma_wait3A_126 = arith.constant 0 : i32
        %dma_wait3A_127 = tpu.memref_slice %arg7[%add3A_120, %dma_wait3A_126] : memref<20224x128xf32, #tpu.memory_space<hbm>> -> memref<128x128xf32, #tpu.memory_space<hbm>>
        %dma_wait3A_128 = arith.constant 0 : i32
        %dma_wait3A_129 = tpu.memref_slice %arg7[%add3A_120, %dma_wait3A_128] : memref<20224x128xf32, #tpu.memory_space<hbm>> -> memref<128x128xf32, #tpu.memory_space<hbm>>
        tpu.wait_dma2 semaphore(%run_scoped3A_121 : memref<!tpu.dma_semaphore, #tpu.memory_space<semaphore_mem>>) src(%arg10 : memref<128x128xf32, #tpu.memory_space<vmem>>) dst(%dma_wait3A_129 : memref<128x128xf32, #tpu.memory_space<hbm>>)
        tpu.yield
      }) : () -> ()
    } else {
    }
    return
  }
}

module attributes {stable_mosaic.version = 14 : i64} {
  func.func @_dense_body(%arg0: i32, %arg1: memref<1000x128xf32, #tpu.memory_space<vmem>>, %arg2: memref<2x1000x128xf32, #tpu.memory_space<vmem>>, %arg3: memref<2x1000x128xf32, #tpu.memory_space<vmem>>, %arg4: memref<128x128xf32, #tpu.memory_space<vmem>>, %arg5: memref<128x128xf32, #tpu.memory_space<vmem>>, %arg6: memref<1x128xf32, #tpu.memory_space<vmem>>, %arg7: memref<1000x128xf32, #tpu.memory_space<vmem>>) attributes {dimension_semantics = [#tpu.dimension_semantics<arbitrary>], iteration_bounds = array<i64: 10>, scalar_prefetch = 0 : i64, scratch_operands = 0 : i64, tpu.core_type = #tpu.core_type<tc>, window_params = [{transform_indices = @transform_0, window_bounds = array<i64: 1000, 128>}, {transform_indices = @transform_1, window_bounds = array<i64: 2, 1000, 128>}, {transform_indices = @transform_2, window_bounds = array<i64: 2, 1000, 128>}, {pipeline_mode = #tpu.pipeline_mode<synchronous>, transform_indices = @transform_3, window_bounds = array<i64: 128, 128>}, {pipeline_mode = #tpu.pipeline_mode<synchronous>, transform_indices = @transform_4, window_bounds = array<i64: 128, 128>}, {pipeline_mode = #tpu.pipeline_mode<synchronous>, transform_indices = @transform_5, window_bounds = array<i64: 1, 128>}, {transform_indices = @transform_6, window_bounds = array<i64: 1000, 128>}]} {
    %get3A = arith.constant 0 : index
    %get3A_0 = arith.constant 0 : index
    %get3A_1 = arith.constant 0 : index
    %get3A_2 = vector.load %arg3[%get3A, %get3A_0, %get3A_1] : memref<2x1000x128xf32, #tpu.memory_space<vmem>>, vector<1x1000x1xf32>
    %get3A_3 = vector.shape_cast %get3A_2 : vector<1x1000x1xf32> to vector<1000x1xf32>
    %get3A_4 = arith.constant 1 : index
    %get3A_5 = arith.constant 0 : index
    %get3A_6 = arith.constant 0 : index
    %get3A_7 = vector.load %arg3[%get3A_4, %get3A_5, %get3A_6] : memref<2x1000x128xf32, #tpu.memory_space<vmem>>, vector<1x1000x1xf32>
    %get3A_8 = vector.shape_cast %get3A_7 : vector<1x1000x1xf32> to vector<1000x1xf32>
    %add3A = arith.addf %get3A_3, %get3A_8 : vector<1000x1xf32>
    %get3A_9 = arith.constant 0 : index
    %get3A_10 = arith.constant 0 : index
    %get3A_11 = arith.constant 0 : index
    %get3A_12 = vector.load %arg2[%get3A_9, %get3A_10, %get3A_11] : memref<2x1000x128xf32, #tpu.memory_space<vmem>>, vector<1x1000x128xf32>
    %get3A_13 = vector.shape_cast %get3A_12 : vector<1x1000x128xf32> to vector<1000x128xf32>
    %get3A_14 = arith.constant 1 : index
    %get3A_15 = arith.constant 0 : index
    %get3A_16 = arith.constant 0 : index
    %get3A_17 = vector.load %arg2[%get3A_14, %get3A_15, %get3A_16] : memref<2x1000x128xf32, #tpu.memory_space<vmem>>, vector<1x1000x128xf32>
    %get3A_18 = vector.shape_cast %get3A_17 : vector<1x1000x128xf32> to vector<1000x128xf32>
    %add3A_19 = arith.addf %get3A_13, %get3A_18 : vector<1000x128xf32>
    %max3A = arith.constant 1.000000e+00 : f32
    %max3A_20 = vector.broadcast %max3A : f32 to vector<1000x1xf32>
    %max3A_21 = arith.maximumf %add3A, %max3A_20 : vector<1000x1xf32>
    %div3A = vector.broadcast %max3A_21 : vector<1000x1xf32> to vector<1000x128xf32>
    %div3A_22 = arith.divf %add3A_19, %div3A : vector<1000x128xf32>
    %get3A_23 = arith.constant 0 : index
    %get3A_24 = arith.constant 0 : index
    %get3A_25 = vector.load %arg1[%get3A_23, %get3A_24] : memref<1000x128xf32, #tpu.memory_space<vmem>>, vector<1000x128xf32>
    %get3A_26 = arith.constant 0 : index
    %get3A_27 = arith.constant 0 : index
    %get3A_28 = vector.load %arg4[%get3A_26, %get3A_27] : memref<128x128xf32, #tpu.memory_space<vmem>>, vector<128x128xf32>
    %dot_general3A = arith.constant dense<0.000000e+00> : vector<1000x128xf32>
    %dot_general3A_29 = tpu.matmul %get3A_25, %get3A_28, %dot_general3A {dimension_numbers = #tpu.dot_dimension_numbers<[1], [0], [0], [1], [0, 0, 1, 1], [], []>, transpose_lhs_hint = false} : vector<1000x128xf32>, vector<128x128xf32>, vector<1000x128xf32> -> vector<1000x128xf32>
    %get3A_30 = arith.constant 0 : index
    %get3A_31 = arith.constant 0 : index
    %get3A_32 = vector.load %arg5[%get3A_30, %get3A_31] : memref<128x128xf32, #tpu.memory_space<vmem>>, vector<128x128xf32>
    %dot_general3A_33 = arith.constant dense<0.000000e+00> : vector<1000x128xf32>
    %dot_general3A_34 = tpu.matmul %div3A_22, %get3A_32, %dot_general3A_33 {dimension_numbers = #tpu.dot_dimension_numbers<[1], [0], [0], [1], [0, 0, 1, 1], [], []>, transpose_lhs_hint = false} : vector<1000x128xf32>, vector<128x128xf32>, vector<1000x128xf32> -> vector<1000x128xf32>
    %add3A_35 = arith.addf %dot_general3A_29, %dot_general3A_34 : vector<1000x128xf32>
    %get3A_36 = arith.constant 0 : index
    %get3A_37 = arith.constant 0 : index
    %get3A_38 = vector.load %arg6[%get3A_36, %get3A_37] : memref<1x128xf32, #tpu.memory_space<vmem>>, vector<1x128xf32>
    %add3A_39 = vector.broadcast %get3A_38 : vector<1x128xf32> to vector<1000x128xf32>
    %add3A_40 = arith.addf %add3A_35, %add3A_39 : vector<1000x128xf32>
    %max3A_41 = arith.constant 0.000000e+00 : f32
    %max3A_42 = vector.broadcast %max3A_41 : f32 to vector<1000x128xf32>
    %max3A_43 = arith.maximumf %add3A_40, %max3A_42 : vector<1000x128xf32>
    %swap3A = arith.constant 0 : index
    %swap3A_44 = arith.constant 0 : index
    %swap3A_45 = vector.load %arg7[%swap3A, %swap3A_44] : memref<1000x128xf32, #tpu.memory_space<vmem>>, vector<1000x128xf32>
    tpu.vector_store %arg7[%swap3A, %swap3A_44], %max3A_43 {strides = array<i32>} : memref<1000x128xf32, #tpu.memory_space<vmem>>, vector<1000x128xf32>,
    return
  }
  func.func @transform_0(%arg0: i32) -> (i32, i32) {
    %c0_i32 = arith.constant 0 : i32
    %c0_i32_0 = arith.constant 0 : i32
    return %arg0, %c0_i32 : i32, i32
  }
  func.func @transform_1(%arg0: i32) -> (i32, i32, i32) {
    %c0_i32 = arith.constant 0 : i32
    %c0_i32_0 = arith.constant 0 : i32
    %c0_i32_1 = arith.constant 0 : i32
    return %c0_i32, %arg0, %c0_i32_0 : i32, i32, i32
  }
  func.func @transform_2(%arg0: i32) -> (i32, i32, i32) {
    %c0_i32 = arith.constant 0 : i32
    %c0_i32_0 = arith.constant 0 : i32
    %c0_i32_1 = arith.constant 0 : i32
    return %c0_i32, %arg0, %c0_i32_0 : i32, i32, i32
  }
  func.func @transform_3(%arg0: i32) -> (i32, i32) {
    %c0_i32 = arith.constant 0 : i32
    %c0_i32_0 = arith.constant 0 : i32
    %c0_i32_1 = arith.constant 0 : i32
    return %c0_i32, %c0_i32_0 : i32, i32
  }
  func.func @transform_4(%arg0: i32) -> (i32, i32) {
    %c0_i32 = arith.constant 0 : i32
    %c0_i32_0 = arith.constant 0 : i32
    %c0_i32_1 = arith.constant 0 : i32
    return %c0_i32, %c0_i32_0 : i32, i32
  }
  func.func @transform_5(%arg0: i32) -> (i32, i32) {
    %c0_i32 = arith.constant 0 : i32
    %c0_i32_0 = arith.constant 0 : i32
    %c0_i32_1 = arith.constant 0 : i32
    return %c0_i32, %c0_i32_0 : i32, i32
  }
  func.func @transform_6(%arg0: i32) -> (i32, i32) {
    %c0_i32 = arith.constant 0 : i32
    %c0_i32_0 = arith.constant 0 : i32
    return %arg0, %c0_i32 : i32, i32
  }
}

module attributes {stable_mosaic.version = 14 : i64} {
  func.func @_dense_body(%arg0: i32, %arg1: memref<1000x128xf32, #tpu.memory_space<vmem>>, %arg2: memref<2x1000x128xf32, #tpu.memory_space<vmem>>, %arg3: memref<2x1000x128xf32, #tpu.memory_space<vmem>>, %arg4: memref<128x128xf32, #tpu.memory_space<vmem>>, %arg5: memref<128x128xf32, #tpu.memory_space<vmem>>, %arg6: memref<1x128xf32, #tpu.memory_space<vmem>>, %arg7: memref<1000x128xf32, #tpu.memory_space<vmem>>) attributes {dimension_semantics = [#tpu.dimension_semantics<arbitrary>], iteration_bounds = array<i64: 10>, scalar_prefetch = 0 : i64, scratch_operands = 0 : i64, tpu.core_type = #tpu.core_type<tc>, window_params = [{transform_indices = @transform_0, window_bounds = array<i64: 1000, 128>}, {transform_indices = @transform_1, window_bounds = array<i64: 2, 1000, 128>}, {transform_indices = @transform_2, window_bounds = array<i64: 2, 1000, 128>}, {pipeline_mode = #tpu.pipeline_mode<synchronous>, transform_indices = @transform_3, window_bounds = array<i64: 128, 128>}, {pipeline_mode = #tpu.pipeline_mode<synchronous>, transform_indices = @transform_4, window_bounds = array<i64: 128, 128>}, {pipeline_mode = #tpu.pipeline_mode<synchronous>, transform_indices = @transform_5, window_bounds = array<i64: 1, 128>}, {transform_indices = @transform_6, window_bounds = array<i64: 1000, 128>}]} {
    %get3A = arith.constant 0 : index
    %get3A_0 = arith.constant 0 : index
    %get3A_1 = arith.constant 0 : index
    %get3A_2 = vector.load %arg3[%get3A, %get3A_0, %get3A_1] : memref<2x1000x128xf32, #tpu.memory_space<vmem>>, vector<1x1000x1xf32>
    %get3A_3 = vector.shape_cast %get3A_2 : vector<1x1000x1xf32> to vector<1000x1xf32>
    %get3A_4 = arith.constant 1 : index
    %get3A_5 = arith.constant 0 : index
    %get3A_6 = arith.constant 0 : index
    %get3A_7 = vector.load %arg3[%get3A_4, %get3A_5, %get3A_6] : memref<2x1000x128xf32, #tpu.memory_space<vmem>>, vector<1x1000x1xf32>
    %get3A_8 = vector.shape_cast %get3A_7 : vector<1x1000x1xf32> to vector<1000x1xf32>
    %add3A = arith.addf %get3A_3, %get3A_8 : vector<1000x1xf32>
    %get3A_9 = arith.constant 0 : index
    %get3A_10 = arith.constant 0 : index
    %get3A_11 = arith.constant 0 : index
    %get3A_12 = vector.load %arg2[%get3A_9, %get3A_10, %get3A_11] : memref<2x1000x128xf32, #tpu.memory_space<vmem>>, vector<1x1000x128xf32>
    %get3A_13 = vector.shape_cast %get3A_12 : vector<1x1000x128xf32> to vector<1000x128xf32>
    %get3A_14 = arith.constant 1 : index
    %get3A_15 = arith.constant 0 : index
    %get3A_16 = arith.constant 0 : index
    %get3A_17 = vector.load %arg2[%get3A_14, %get3A_15, %get3A_16] : memref<2x1000x128xf32, #tpu.memory_space<vmem>>, vector<1x1000x128xf32>
    %get3A_18 = vector.shape_cast %get3A_17 : vector<1x1000x128xf32> to vector<1000x128xf32>
    %add3A_19 = arith.addf %get3A_13, %get3A_18 : vector<1000x128xf32>
    %max3A = arith.constant 1.000000e+00 : f32
    %max3A_20 = vector.broadcast %max3A : f32 to vector<1000x1xf32>
    %max3A_21 = arith.maximumf %add3A, %max3A_20 : vector<1000x1xf32>
    %div3A = vector.broadcast %max3A_21 : vector<1000x1xf32> to vector<1000x128xf32>
    %div3A_22 = arith.divf %add3A_19, %div3A : vector<1000x128xf32>
    %get3A_23 = arith.constant 0 : index
    %get3A_24 = arith.constant 0 : index
    %get3A_25 = vector.load %arg1[%get3A_23, %get3A_24] : memref<1000x128xf32, #tpu.memory_space<vmem>>, vector<1000x128xf32>
    %get3A_26 = arith.constant 0 : index
    %get3A_27 = arith.constant 0 : index
    %get3A_28 = vector.load %arg4[%get3A_26, %get3A_27] : memref<128x128xf32, #tpu.memory_space<vmem>>, vector<128x128xf32>
    %dot_general3A = arith.constant dense<0.000000e+00> : vector<1000x128xf32>
    %dot_general3A_29 = tpu.matmul %get3A_25, %get3A_28, %dot_general3A {dimension_numbers = #tpu.dot_dimension_numbers<[1], [0], [0], [1], [0, 0, 1, 1], [], []>, transpose_lhs_hint = false} : vector<1000x128xf32>, vector<128x128xf32>, vector<1000x128xf32> -> vector<1000x128xf32>
    %get3A_30 = arith.constant 0 : index
    %get3A_31 = arith.constant 0 : index
    %get3A_32 = vector.load %arg5[%get3A_30, %get3A_31] : memref<128x128xf32, #tpu.memory_space<vmem>>, vector<128x128xf32>
    %dot_general3A_33 = arith.constant dense<0.000000e+00> : vector<1000x128xf32>
    %dot_general3A_34 = tpu.matmul %div3A_22, %get3A_32, %dot_general3A_33 {dimension_numbers = #tpu.dot_dimension_numbers<[1], [0], [0], [1], [0, 0, 1, 1], [], []>, transpose_lhs_hint = false} : vector<1000x128xf32>, vector<128x128xf32>, vector<1000x128xf32> -> vector<1000x128xf32>
    %add3A_35 = arith.addf %dot_general3A_29, %dot_general3A_34 : vector<1000x128xf32>
    %get3A_36 = arith.constant 0 : index
    %get3A_37 = arith.constant 0 : index
    %get3A_38 = vector.load %arg6[%get3A_36, %get3A_37] : memref<1x128xf32, #tpu.memory_space<vmem>>, vector<1x128xf32>
    %add3A_39 = vector.broadcast %get3A_38 : vector<1x128xf32> to vector<1000x128xf32>
    %add3A_40 = arith.addf %add3A_35, %add3A_39 : vector<1000x128xf32>
    %swap3A = arith.constant 0 : index
    %swap3A_41 = arith.constant 0 : index
    %swap3A_42 = vector.load %arg7[%swap3A, %swap3A_41] : memref<1000x128xf32, #tpu.memory_space<vmem>>, vector<1000x128xf32>
    tpu.vector_store %arg7[%swap3A, %swap3A_41], %add3A_40 {strides = array<i32>} : memref<1000x128xf32, #tpu.memory_space<vmem>>, vector<1000x128xf32>,
    return
  }
  func.func @transform_0(%arg0: i32) -> (i32, i32) {
    %c0_i32 = arith.constant 0 : i32
    %c0_i32_0 = arith.constant 0 : i32
    return %arg0, %c0_i32 : i32, i32
  }
  func.func @transform_1(%arg0: i32) -> (i32, i32, i32) {
    %c0_i32 = arith.constant 0 : i32
    %c0_i32_0 = arith.constant 0 : i32
    %c0_i32_1 = arith.constant 0 : i32
    return %c0_i32, %arg0, %c0_i32_0 : i32, i32, i32
  }
  func.func @transform_2(%arg0: i32) -> (i32, i32, i32) {
    %c0_i32 = arith.constant 0 : i32
    %c0_i32_0 = arith.constant 0 : i32
    %c0_i32_1 = arith.constant 0 : i32
    return %c0_i32, %arg0, %c0_i32_0 : i32, i32, i32
  }
  func.func @transform_3(%arg0: i32) -> (i32, i32) {
    %c0_i32 = arith.constant 0 : i32
    %c0_i32_0 = arith.constant 0 : i32
    %c0_i32_1 = arith.constant 0 : i32
    return %c0_i32, %c0_i32_0 : i32, i32
  }
  func.func @transform_4(%arg0: i32) -> (i32, i32) {
    %c0_i32 = arith.constant 0 : i32
    %c0_i32_0 = arith.constant 0 : i32
    %c0_i32_1 = arith.constant 0 : i32
    return %c0_i32, %c0_i32_0 : i32, i32
  }
  func.func @transform_5(%arg0: i32) -> (i32, i32) {
    %c0_i32 = arith.constant 0 : i32
    %c0_i32_0 = arith.constant 0 : i32
    %c0_i32_1 = arith.constant 0 : i32
    return %c0_i32, %c0_i32_0 : i32, i32
  }
  func.func @transform_6(%arg0: i32) -> (i32, i32) {
    %c0_i32 = arith.constant 0 : i32
    %c0_i32_0 = arith.constant 0 : i32
    return %arg0, %c0_i32 : i32, i32
  }
}

</mosaic_0001>

<sc_bundles>
// kernel: kernel.10.cloned.1.call-start
scs
__scs_entry_jumppad:
0x0: {  	(pc) =	sbr.rel $0x88, $3  }
0x1: {  	(tag) =	ssettag $0x0;
	lr =	simm.s32 $0x1  }
0x2: {  	[smem:$0x3F99] =	sst lr;
	_ =	strace $0xD0000000  }
0x3: {  	_ = 	snop  }
0x4: {  	_ = 	snop  }
0x5: {  	_ = 	snop  }
0x6: {  	_ = 	snop  }
0x7: {  	_ = 	snop  }
__scs_overlays_trampoline_lowered:
0x8: {  	[smem:$0x3FA8] =	sst s0  }
0x9: {  	[smem:$0x3FA9] =	sst s1  }
0xa: {  	[smem:$0x3FAA] =	sst s2  }
0xb: {  	[smem:$0x3FAB] =	sst s3  }
0xc: {  	[smem:$0x3FAC] =	sst s4  }
0xd: {  	[smem:$0x3FAD] =	sst s5  }
0xe: {  	[smem:$0x3FAE] =	sst s6  }
0xf: {  	[smem:$0x3FAF] =	sst s7  }
0x10: {  	[smem:$0x3FB0] =	sst s8  }
0x11: {  	[smem:$0x3FB1] =	sst s9;
	s0 =	simm.s32 @!p0 $0x0  }
0x12: {  	s1 =	sld [smem:$0x3F97];
	s0 =	simm.s32 @p0 $0x1  }
0x13: {  	[smem:$0x3FB2] =	sst s0;
	s0 =	simm.s32 @!p1 $0x0  }
0x14: {  	s2 =	sld [smem:$0x3F96];
	s0 =	simm.s32 @p1 $0x1  }
0x15: {  	[smem:$0x3FB3] =	sst s0;
	s0 =	simm.s32 @!p2 $0x0  }
0x16: {  	s3 =	sld [smem:$0x3FDB];
	s0 =	simm.s32 @p2 $0x1  }
0x17: {  	s4 =	simm.s32 $0x1BF5;
	[smem:$0x3FB5] =	sst s0  }
0x18: {  	s0 =	sld [smem:$0x3F98];
	_ =	swait.ge [sflag:s4], $0x0  }
0x19: {  	s7 =	sld [smem:$0x3F99]  }
0x1a: {  	s8 =	sadd.s32 $0xFFFFE003, lr  }
0x1b: {  	s9 =	sadd.s32 $0xFFFFFEF7, lr;
	s5 =	simm.s32 $0xFFFFFFFF;
	p2 =	slt.u32 s8, $0xFFFFF086  }
0x1c: {  	p1 =	slt.u32 s9, $0xF7A;
	s5 =	simm.s32 @!p2 $0x0  }
0x1d: {  	s5 =	simm.s32 @p1 $0x1;
	p0 =	seq.s32 s7, s2  }
0x1e: {  	s7 =	smul.u32 @!p0 $0xF7A, s2;
	p2 =	seq.s32 @!p0 s5, $0x0  }
0x1f: {  	s9 =	smul.u32 $0xF7A, s1;
	s8 =	simm.s32 @!p0 $0x1BF5;
	p2 =	por !p2, p0  }
0x20: {  	[sflag:s8] =	ssyncset.s32 @!p0 $0xFFFFF086;
	s6 =	sadd.s32 @!p0 s3, s7;
	s7 =	simm.s32 @!p0 $0x108  }
0x21: {  	s3 =	sadd.s32 s3, s9;
	s6 =	sadd.s32 @!p0 $0x88, s6;
	s7 =	simm.s32 @p2 $0x1082  }
0x22: {  	[simem:s7], [sflag:s8] =	dma.local @!p0 [hbm:s6], $0xF7A  }
0x23: {  	s9 =	sor.u32 $0xD0000000, s2;
	s6 =	simm.s32 $0x108;
	_ =	swait.ge @!p0 [sflag:s8], $0x0  }
0x24: {  	s3 =	sadd.s32 $0x88, s3;
	s6 =	simm.s32 @!p1 $0x1082;
	[sflag:s4] =	ssyncset.s32 $0xFFFFF086  }
0x25: {  	[simem:s6], [sflag:s4] =	dma.local [hbm:s3], $0xF7A  }
0x26: {  	[smem:$0x3F99] =	sst s1;
	(tag) =	ssettag s2;
	_ =	strace s9  }
0x27: {  	s1 =	sld [smem:$0x3FA9]  }
0x28: {  	s2 =	sld [smem:$0x3FAA]  }
0x29: {  	s4 =	sld [smem:$0x3FAC]  }
0x2a: {  	p0 =	seq.s32 s5, $0x0;
	s5 =	sld [smem:$0x3FAD]  }
0x2b: {  	s6 =	sld [smem:$0x3FAE]  }
0x2c: {  	s7 =	sld [smem:$0x3FAF]  }
0x2d: {  	s3 =	simm.s32 $0x108;
	s8 =	sld [smem:$0x3FB0]  }
0x2e: {  	s3 =	simm.s32 @!p0 $0x1082;
	s9 =	sld [smem:$0x3FB1]  }
0x2f: {  	lr =	sadd.s32 s0, s3;
	s0 =	sld [smem:$0x3FA8]  }
0x30: {  	s3 =	sld [smem:$0x3FAB]  }
0x31: {  	[smem:$0x3FB4] =	sst s10  }
0x32: {  	s10 =	sld [smem:$0x3FB2];
	_ =	sdelay $0x3  }
0x33: {  	p0 =	seq.s32 s10, $0x1;
	s10 =	sld [smem:$0x3FB4];
	_ =	sdelay $0x3  }
0x34: {  	[smem:$0x3FB4] =	sst s10  }
0x35: {  	s10 =	sld [smem:$0x3FB3];
	_ =	sdelay $0x3  }
0x36: {  	p1 =	seq.s32 s10, $0x1;
	s10 =	sld [smem:$0x3FB4];
	_ =	sdelay $0x3  }
0x37: {  	[smem:$0x3FB4] =	sst s10  }
0x38: {  	s10 =	sld [smem:$0x3FB5]  }
0x39: {  	_ = 	snop;
	(pc) =	sbr.ind lr, $3  }
0x3a: {  	_ = 	snop  }
0x3b: {  	_ = 	snop  }
0x3c: {  	p2 =	seq.s32 s10, $0x1;
	s10 =	sld [smem:$0x3FB4]  }
0x3d: {  	_ =	shalt  }
0x3e: {  	_ =	shalt  }
0x3f: {  	_ =	shalt  }
0x40: {  	_ =	shalt  }
0x41: {  	_ =	shalt  }
0x42: {  	_ =	shalt  }
0x43: {  	_ =	shalt  }
0x44: {  	_ =	shalt  }
0x45: {  	_ =	shalt  }
0x46: {  	_ =	shalt  }
0x47: {  	_ =	shalt  }
0x48: {  	_ =	shalt  }
0x49: {  	_ =	shalt  }
0x4a: {  	_ =	shalt  }
0x4b: {  	_ =	shalt  }
0x4c: {  	_ =	shalt  }
0x4d: {  	_ =	shalt  }
0x4e: {  	_ =	shalt  }
0x4f: {  	_ =	shalt  }
0x50: {  	_ =	shalt  }
0x51: {  	_ =	shalt  }
0x52: {  	_ =	shalt  }
0x53: {  	_ =	shalt  }
0x54: {  	_ =	shalt  }
0x55: {  	_ =	shalt  }
0x56: {  	_ =	shalt  }
0x57: {  	_ =	shalt  }
0x58: {  	_ =	shalt  }
0x59: {  	_ =	shalt  }
0x5a: {  	_ =	shalt  }
0x5b: {  	_ =	shalt  }
0x5c: {  	_ =	shalt  }
0x5d: {  	_ =	shalt  }
0x5e: {  	_ =	shalt  }
0x5f: {  	_ =	shalt  }
0x60: {  	_ =	shalt  }
0x61: {  	_ =	shalt  }
0x62: {  	_ =	shalt  }
0x63: {  	_ =	shalt  }
0x64: {  	_ =	shalt  }
0x65: {  	_ =	shalt  }
0x66: {  	_ =	shalt  }
0x67: {  	_ =	shalt  }
0x68: {  	_ =	shalt  }
0x69: {  	_ =	shalt  }
0x6a: {  	_ =	shalt  }
0x6b: {  	_ =	shalt  }
0x6c: {  	_ =	shalt  }
0x6d: {  	_ =	shalt  }
0x6e: {  	_ =	shalt  }
0x6f: {  	_ =	shalt  }
0x70: {  	_ =	shalt  }
0x71: {  	_ =	shalt  }
0x72: {  	_ =	shalt  }
0x73: {  	_ =	shalt  }
0x74: {  	_ =	shalt  }
0x75: {  	_ =	shalt  }
0x76: {  	_ =	shalt  }
0x77: {  	_ =	shalt  }
0x78: {  	_ =	shalt  }
0x79: {  	_ =	shalt  }
0x7a: {  	_ =	shalt  }
0x7b: {  	_ =	shalt  }
0x7c: {  	_ =	shalt  }
0x7d: {  	_ =	shalt  }
0x7e: {  	_ =	shalt  }
0x7f: {  	_ =	shalt  }
0x80: {  	_ =	shalt  }
0x81: {  	_ =	shalt  }
0x82: {  	_ =	shalt  }
0x83: {  	_ =	shalt  }
0x84: {  	_ =	shalt  }
0x85: {  	_ =	shalt  }
0x86: {  	_ =	shalt  }
0x87: {  	_ =	shalt  }
.Lfunc_end0:
.L_simem_size_0:
called_computation.1_lowered:
.L_overlay_start_0:
0x88: {  	s2 =	sld [smem:$0x3FD9]  }
0x89: {  	s3 =	sld [smem:$0x3FFE];
	_ =	sdelay $0x1  }
0x8a: {  	s1 =	srdreg.scid  }
0x8b: {  	s0 =	sand.u32 $0x1, s1  }
0x8c: {  	s17 =	sshll.u32 s0, $0xA;
	s2 =	sadd.s32 s3, s2  }
0x8d: {  	s2 =	sadd.s32 s2, s17  }
0x8e: {  	[smem:$0x3FC0] =	sst s2  }
0x8f: {  	_ = 	snop  }
0x90: {  	s2 =	sld [smem:$0x3FC9];
	(tm) =	ssettm $0x1  }
0x91: {  	s18 =	sld [smem:$0x3FFB];
	_ =	sdelay $0x3  }
0x92: {  	_ =	strace s18  }
0x93: {  	s3 =	sld [smem:$0x3FFC];
	_ =	sdelay $0x3  }
0x94: {  	_ =	strace s3  }
0x95: {  	s3 =	sld [smem:$0x3FFD];
	_ =	sdelay $0x3  }
0x96: {  	_ =	strace s3  }
0x97: {  	_ =	strace $0x8FFFFFFF  }
0x98: {  	s19 =	sld [smem:$0x3FDB];
	_ =	sdelay $0x1  }
0x99: {  	s4 =	simm.s32 $_scs_section_size  }
0x9a: {  	s5 =	simm.s32 $_size__tile_overlayer_lowered;
	s6 =	simm.s32 $_tile_overlayer_lowered  }
0x9b: {  	s22 =	simm.s32 $0x1BFF;
	s21 =	sshll.u32 s6, $0x1;
	s3 =	sadd.s32 s4, s19  }
0x9c: {  	s7 =	simm.s32 $0x0;
	s20 =	sshll.u32 s5, $0x1;
	s5 =	sadd.s32 s21, s3  }
0x9d: {  	[timem:s7], [sflag:s22] =	dma.local [hbm:s5], s20  }
0x9e: {  	_ =	swait.ge [sflag:s22], s20  }
0x9f: {  	s4 =	ssub.s32 $0x0, s20;
	[sflag:s22] =	ssyncset.done $0x0  }
0xa0: {  	[sflag:s22] =	ssyncadd.s32 s4;
	_ =	sdelay $0x1  }
0xa1: {  	s23 =	simm.s32 $0x1B8B  }
0xa2: {  	_ =	swait.ge [sflag:s23], $0x1  }
0xa3: {  	[sflag:s23] =	ssyncset.done $0x0  }
0xa4: {  	s25 =	simm.s32 $0x1B8E;
	s24 =	sld [smem:$0x3FFE];
	[sflag:s23] =	ssyncadd.s32 $0xFFFFFFFF  }
0xa5: {  	s26 =	simm.s32 $execute0_lowered;
	[smem:$0x3FD2] =	sst s25  }
0xa6: {  	s5 =	sshll.u32 s26, $0x1;
	_ =	strace $0x80000046;
	[dreg:$0x1] =	wrdreg $0xFFFFFFFF  }
0xa7: {  	s28 =	simm.s32 $_size_execute0_lowered;
	s3 =	sadd.s32 s3, s5;
	[dreg:$0x0] =	wrdreg $0x0  }
0xa8: {  	s5 =	sshll.u32 s28, $0x1;
	[dreg:$0x2] =	wrdreg s3  }
0xa9: {  	[dreg:$0x3] =	wrdreg s5  }
0xaa: {  	[dreg:$0x4] =	wrdreg $0xC0  }
0xab: {  	_ =	task [dreg:s7], $0x5FFFF  }
0xac: {  	[dreg:$0x1] =	wrdreg $0xFFFFFFFF  }
0xad: {  	[dreg:$0x0] =	wrdreg $0x60  }
0xae: {  	[dreg:$0x2] =	wrdreg s2  }
0xaf: {  	[dreg:$0x3] =	wrdreg s24  }
0xb0: {  	[dreg:$0x4] =	wrdreg $0x8C000  }
0xb1: {  	[dreg:$0x5] =	wrdreg $0xA  }
0xb2: {  	_ =	task.clear_ibuf [dreg:s7], $0x6FFFF;
	_ =	strace $0x90000046  }
0xb3: {  	s29 =	simm.s32 $0xA;
	_ =	strace $0x80000048  }
0xb4: {  	_ =	swait.ge [sflag:s29], $0x1  }
0xb5: {  	[sflag:s29] =	ssyncadd.s32 $0xFFFFFFFF  }
0xb6: {  	_ =	strace $0x90000048  }
0xb7: {  	_ =	sfence  }
0xb8: {  	s30 =	sld [smem:$0x0];
	_ =	sdelay $0x2  }
0xb9: {  	s31 =	sshll.u32 s1, $0xD;
	s1 =	sshrl.u32 s1, $0x2  }
0xba: {  	s3 =	sand.u32 $0x4000, s31;
	s1 =	sadd.s32 s1, s30  }
0xbb: {  	s0 =	sor.u32 s3, s0;
	s1 =	sshll.u32 s1, $0x11  }
0xbc: {  	s0 =	sor.u32 s1, s0  }
0xbd: {  	s0 =	sadd.s32 $0x8F2B, s0  }
0xbe: {  	[sflag:s0] =	ssyncadd.remote.s32 $0x1  }
0xbf: {  	_ =	sfence.sel $0xFFFF  }
0xc0: {  	[dreg:$0x0] =	wrdreg $0xFFFFFFFF;
	(pc) =	sbr.abs _section_cstart, $3  }
0xc1: {  	[dreg:$0x1] =	wrdreg $0xFFFFFFFF  }
0xc2: {  	_ =	task.clear_ibuf [dreg:s7], $0x2FFFF;
	_ =	strace $0x9FFFFFFF  }
0xc3: {  	(tm) =	ssettm $0x7FFFFFFF  }
tec
execute0_lowered:
.L_overlay_start_1:
0x0: {  	(tag) =	ssettag $0x1  }
0x1: {  	s1 =	rddreg [dreg:$0x0]  }
0x2: {  	s0 =	rddreg [dreg:$0x1];
	s2 =	srdreg.scid  }
0x3: {  	s24 =	stileid.u32;
	s3 =	rddreg [dreg:$0x2];
	s31 =	simm.s32 $0x400  }
0x4: {  	s28 =	simm.s32 $0x180;
	s29 =	simm.s32 $0x500;
	s30 =	simm.s32 $0x200  }
0x5: {  	s2 =	sand.u32 $0x1, s2;
	s4 =	sshll.u32 s24, $0x2;
	s5 =	sshll.u32 s24, $0x4  }
0x6: {  	s18 =	sshll.u32 s24, $0x7;
	s7 =	sadd.s32 $0x16A00, s0;
	s9 =	sshll.u32 s24, $0x3  }
0x7: {  	s20 =	sshll.u32 s24, $0x11;
	p0 =	seq.s32 s2, $0x0;
	s6 =	sor.u32 $0x100, s4  }
0x8: {  	s4 =	simm.s32 $0x0;
	s19 =	ssub.s32 $0x2, s2;
	s2 =	smul.u32 $0x13C000, s2  }
0x9: {  	s10 =	sor.u32 $0x1, s9;
	s12 =	sor.u32 $0x2, s9;
	s13 =	sor.u32 $0x3, s9  }
0xa: {  	s14 =	sor.u32 $0x4, s9;
	s6 =	smov.u32 @p0 s5;
	[smem:$0x7FF] =	sst s4  }
0xb: {  	s8 =	sshrl.u32 s19, $0x1;
	s21 =	sshll.u32 s10, $0xE;
	s22 =	sshll.u32 s12, $0xE  }
0xc: {  	s23 =	sshll.u32 s13, $0xE;
	s16 =	sshll.u32 s14, $0xE;
	p2 =	sgt.u32 s13, $0x4E  }
0xd: {  	p3 =	sgt.u32 s14, $0x4E;
	s13 =	simm.s32 $0x780;
	s14 =	simm.s32 $0x0  }
0xe: {  	s5 =	sshll.u32 s6, $0x7;
	_ =	strace $0x80000047;
	s6 =	sadd.s32 s18, s0  }
0xf: {  	[dreg:$0x5] =	wrdreg s7;
	s8 =	ssub.s32 s19, s8;
	s11 =	sadd.s32 s2, s21  }
0x10: {  	s15 =	sadd.s32 s2, s22;
	s17 =	sadd.s32 s2, s23;
	s16 =	sadd.s32 s2, s16  }
0x11: {  	s18 =	sor.u32 $0x5, s9;
	s9 =	sor.u32 $0x6, s9;
	s23 =	sshllo.u32 s24, $0x3  }
0x12: {  	s7 =	simm.s32 $0x10;
	s5 =	sadd.s32 s5, s0;
	s0 =	sadd.s32 $0x17200, s0  }
0x13: {  	s6 =	sadd.s32 $0x2200, s6;
	s25 =	sshll.u32 s18, $0xE;
	s26 =	sshll.u32 s9, $0xE  }
0x14: {  	s7 =	simm.s32 @!p0 $0x4;
	s11 =	sshrl.u32 s11, $0x3;
	s16 =	sshrl.u32 s16, $0x3  }
0x15: {  	p0 =	sgt.u32 s10, $0x4E;
	p4 =	sgt.u32 s18, $0x4E;
	p5 =	sgt.u32 s9, $0x4E  }
0x16: {  	p6 =	sgt.u32 s23, $0x4E;
	s9 =	simm.s32 $0x300;
	s10 =	simm.s32 $0x680  }
0x17: {  	[dreg:$0x6] =	wrdreg s6;
	s6 =	sadd.s32 s2, s20;
	s19 =	sadd.s32 s2, s25  }
0x18: {  	s20 =	sshll.u32 s23, $0xE;
	s21 =	sadd.s32 s2, s26;
	[dreg:$0x7] =	wrdreg s7  }
0x19: {  	s7 =	sadd.s32 s0, s11;
	s11 =	sshrl.u32 s15, $0x3;
	s15 =	sshrl.u32 s17, $0x3  }
0x1a: {  	s17 =	sadd.s32 s0, s16;
	s25 =	simm.s32 $0x100;
	s26 =	smax.u32 s8, $0x1  }
0x1b: {  	s16 =	sadd.s32 $0xCA00, s5;
	s23 =	simm.s32 $0x3;
	[dreg:$0x9] =	wrdreg s7  }
0x1c: {  	s8 =	simm.s32 $0x600;
	s2 =	sadd.s32 s2, s20;
	[dreg:$0xc] =	wrdreg s17  }
0x1d: {  	s6 =	sshrl.u32 s6, $0x3;
	s20 =	sshrl.u32 s19, $0x3;
	[dreg:$0x10] =	wrdreg s26  }
0x1e: {  	s22 =	sshrl.u32 s21, $0x3;
	[dreg:$0x4] =	wrdreg s25;
	s19 =	sadd.s32 $0x2A00, s5  }
0x1f: {  	s21 =	simm.s32 $0x800;
	s25 =	simm.s32 $0x480;
	s6 =	sadd.s32 s0, s6  }
0x20: {  	s26 =	simm.s32 $0x4;
	[dreg:$0x8] =	wrdreg s6;
	s6 =	sadd.s32 s0, s11  }
0x21: {  	s5 =	simm.s32 $0x580;
	[dreg:$0xa] =	wrdreg s6;
	s6 =	sadd.s32 s0, s15  }
0x22: {  	s2 =	sshrl.u32 s2, $0x3;
	[dreg:$0xb] =	wrdreg s6;
	s6 =	sadd.s32 s0, s20  }
0x23: {  	s11 =	simm.s32 $0x380;
	s20 =	simm.s32 $0x5;
	[dreg:$0xd] =	wrdreg s6  }
0x24: {  	s6 =	sadd.s32 s0, s22;
	s0 =	sadd.s32 s0, s2;
	s22 =	simm.s32 $0x80  }
0x25: {  	s2 =	simm.s32 $0x4800;
	[dreg:$0xf] =	wrdreg s0;
	s0 =	simm.s32 @!p0 $0x0  }
0x26: {  	[dreg:$0xe] =	wrdreg s6;
	s0 =	simm.s32 @p0 $0x1;
	p0 =	sgt.u32 s12, $0x4E  }
0x27: {  	s6 =	simm.s32 $0x280;
	[smem:$0x7FC] =	sst s0;
	s0 =	simm.s32 @!p0 $0x0  }
0x28: {  	s12 =	simm.s32 $0x700;
	s0 =	simm.s32 @p0 $0x1;
	p0 =	sgt.u32 s24, $0x9  }
0x29: {  	s24 =	simm.s32 $0x2;
	[smem:$0x7FD] =	sst s0;
	s0 =	simm.s32 $0x1  }
.LBB2_1:
0x2a: {  	s7 =	rddreg [dreg:$0x6];
	s15 =	simm.s32 $0x8800  }
0x2b: {  	[tilespmem:s15], [sflag:$0x5] =	stream.linear.gather [hbm4b:s7+s4], $0x400, $0x38;
	[tilespmem:$0x1C800] =	vst v63  }
0x2c: {  	_ =	swait.ge [sflag:s20], $0x400  }
0x2d: {  	[sflag:s20] =	ssyncset.done $0x0  }
0x2e: {  	s18 =	rddreg [dreg:$0x5];
	[sflag:s20] =	ssyncadd.s32 $0xFFFFFC00  }
0x2f: {  	[tilespmem:s21], [sflag:$0x5] =	stream.linear.gather [hbm4b:s18+s4], $0x4000, $0x38;
	[tilespmem:$0x1C800] =	vst v63  }
0x30: {  	_ =	swait.ge [sflag:s20], $0x4000  }
0x31: {  	[sflag:s20] =	ssyncset.done $0x0  }
0x32: {  	[sflag:s20] =	ssyncadd.s32 $0xFFFFC000  }
0x33: {  	[spmem:s3] =	stream.indirect.scatter [tilespmem:s21], [sflag:$0x5], $0x80, s15, s22, $0xb8;
	[tilespmem:$0x1C800] =	vst v63  }
0x34: {  	_ =	swait.ge [sflag:s20], $0x4000  }
0x35: {  	[sflag:s20] =	ssyncset.done $0x0  }
0x36: {  	s15 =	simm.s32 $0x8880;
	[sflag:s20] =	ssyncadd.s32 $0xFFFFC000  }
0x37: {  	[spmem:s3] =	stream.indirect.scatter [tilespmem:s21], [sflag:$0x5], $0x80, s15, s22, $0xb8;
	[tilespmem:$0x1C800] =	vst v63  }
0x38: {  	_ =	swait.ge [sflag:s20], $0x4000  }
0x39: {  	[sflag:s20] =	ssyncset.done $0x0  }
0x3a: {  	s17 =	simm.s32 $0x8900;
	[sflag:s20] =	ssyncadd.s32 $0xFFFFC000  }
0x3b: {  	[spmem:s3] =	stream.indirect.scatter [tilespmem:s21], [sflag:$0x5], $0x80, s17, s22, $0xb8;
	[tilespmem:$0x1C800] =	vst v63  }
0x3c: {  	_ =	swait.ge [sflag:s20], $0x4000  }
0x3d: {  	[sflag:s20] =	ssyncset.done $0x0  }
0x3e: {  	s18 =	simm.s32 $0x8980;
	[sflag:s20] =	ssyncadd.s32 $0xFFFFC000  }
0x3f: {  	[spmem:s3] =	stream.indirect.scatter [tilespmem:s21], [sflag:$0x5], $0x80, s18, s22, $0xb8;
	[tilespmem:$0x1C800] =	vst v63  }
0x40: {  	_ =	swait.ge [sflag:s20], $0x4000  }
0x41: {  	[sflag:s20] =	ssyncset.done $0x0  }
0x42: {  	s15 =	simm.s32 $0x8A00;
	[sflag:s20] =	ssyncadd.s32 $0xFFFFC000  }
0x43: {  	[spmem:s3] =	stream.indirect.scatter [tilespmem:s21], [sflag:$0x5], $0x80, s15, s22, $0xb8;
	[tilespmem:$0x1C800] =	vst v63  }
0x44: {  	_ =	swait.ge [sflag:s20], $0x4000  }
0x45: {  	[sflag:s20] =	ssyncset.done $0x0  }
0x46: {  	s17 =	simm.s32 $0x8A80;
	[sflag:s20] =	ssyncadd.s32 $0xFFFFC000  }
0x47: {  	[spmem:s3] =	stream.indirect.scatter [tilespmem:s21], [sflag:$0x5], $0x80, s17, s22, $0xb8;
	[tilespmem:$0x1C800] =	vst v63  }
0x48: {  	_ =	swait.ge [sflag:s20], $0x4000  }
0x49: {  	[sflag:s20] =	ssyncset.done $0x0  }
0x4a: {  	s18 =	simm.s32 $0x8B00;
	[sflag:s20] =	ssyncadd.s32 $0xFFFFC000  }
0x4b: {  	[spmem:s3] =	stream.indirect.scatter [tilespmem:s21], [sflag:$0x5], $0x80, s18, s22, $0xb8;
	[tilespmem:$0x1C800] =	vst v63  }
0x4c: {  	_ =	swait.ge [sflag:s20], $0x4000  }
0x4d: {  	[sflag:s20] =	ssyncset.done $0x0  }
0x4e: {  	s15 =	simm.s32 $0x8B80;
	[sflag:s20] =	ssyncadd.s32 $0xFFFFC000  }
0x4f: {  	[spmem:s3] =	stream.indirect.scatter [tilespmem:s21], [sflag:$0x5], $0x80, s15, s22, $0xb8;
	[tilespmem:$0x1C800] =	vst v63  }
0x50: {  	_ =	swait.ge [sflag:s20], $0x4000  }
0x51: {  	[sflag:s20] =	ssyncset.done $0x0  }
0x52: {  	[sflag:s20] =	ssyncadd.s32 $0xFFFFC000  }
0x53: {  	[bflag:$0x0] =	sbarrier.arrive $0xFFFF  }
0x54: {  	[tilespmem:s4], [sflag:$0x5] =	stream.linear.gather [hbm4b:s16+s4], $0x400, $0x38;
	[tilespmem:$0x1C800] =	vst v63  }
0x55: {  	_ =	swait.ge [sflag:s20], $0x400  }
0x56: {  	[sflag:s20] =	ssyncset.done $0x0  }
0x57: {  	[sflag:s20] =	ssyncadd.s32 $0xFFFFFC00  }
0x58: {  	[tilespmem:s31], [sflag:$0x5] =	stream.linear.gather [hbm4b:s19+s4], $0x400, $0x38;
	[tilespmem:$0x1C800] =	vst v63  }
0x59: {  	_ =	swait.ge [sflag:s20], $0x400  }
0x5a: {  	[sflag:s20] =	ssyncset.done $0x0  }
0x5b: {  	[sflag:s20] =	ssyncadd.s32 $0xFFFFFC00  }
0x5c: {  	[tilespmem:s21], [sflag:$0x1] =	stream.indirect.gather [hbm4b:s1+s22], $0x80, s4, s22, $0xb8;
	[tilespmem:$0x1C800] =	vst v63  }
0x5d: {  	_ = 	snop  }
0x5e: {  	[tilespmem:s2], [sflag:$0x2] =	stream.indirect.gather [hbm4b:s1+s22], $0x80, s22, s22, $0xb8;
	[tilespmem:$0x1C800] =	vst v63  }
0x5f: {  	_ =	swait.ge [sflag:s0], $0x4000  }
0x60: {  	[sflag:s0] =	ssyncset.done $0x0  }
0x61: {  	[sflag:s0] =	ssyncadd.s32 $0xFFFFC000  }
0x62: {  	[spmem:s3] =	stream.indirect.scatter.add.f32 [tilespmem:s21], [sflag:$0x3], $0x80, s31, s22, $0xb8;
	[tilespmem:$0x1C800] =	vst v63  }
0x63: {  	_ =	swait.ge [sflag:s23], $0x4000  }
0x64: {  	[sflag:s23] =	ssyncset.done $0x0  }
0x65: {  	s17 =	rddreg [dreg:$0x4];
	[sflag:s23] =	ssyncadd.s32 $0xFFFFC000  }
0x66: {  	[tilespmem:s21], [sflag:$0x1] =	stream.indirect.gather [hbm4b:s1+s22], $0x80, s17, s22, $0xb8;
	[tilespmem:$0x1C800] =	vst v63  }
0x67: {  	_ =	swait.ge [sflag:s24], $0x4000  }
0x68: {  	[sflag:s24] =	ssyncset.done $0x0  }
0x69: {  	[sflag:s24] =	ssyncadd.s32 $0xFFFFC000  }
0x6a: {  	[spmem:s3] =	stream.indirect.scatter.add.f32 [tilespmem:s2], [sflag:$0x4], $0x80, s25, s22, $0xb8;
	[tilespmem:$0x1C800] =	vst v63  }
0x6b: {  	_ =	swait.ge [sflag:s26], $0x4000  }
0x6c: {  	[sflag:s26] =	ssyncset.done $0x0  }
0x6d: {  	[sflag:s26] =	ssyncadd.s32 $0xFFFFC000  }
0x6e: {  	[tilespmem:s2], [sflag:$0x2] =	stream.indirect.gather [hbm4b:s1+s22], $0x80, s28, s22, $0xb8;
	[tilespmem:$0x1C800] =	vst v63  }
0x6f: {  	_ =	swait.ge [sflag:s0], $0x4000  }
0x70: {  	[sflag:s0] =	ssyncset.done $0x0  }
0x71: {  	[sflag:s0] =	ssyncadd.s32 $0xFFFFC000  }
0x72: {  	[spmem:s3] =	stream.indirect.scatter.add.f32 [tilespmem:s21], [sflag:$0x3], $0x80, s29, s22, $0xb8;
	[tilespmem:$0x1C800] =	vst v63  }
0x73: {  	_ =	swait.ge [sflag:s23], $0x4000  }
0x74: {  	[sflag:s23] =	ssyncset.done $0x0  }
0x75: {  	[sflag:s23] =	ssyncadd.s32 $0xFFFFC000  }
0x76: {  	[tilespmem:s21], [sflag:$0x1] =	stream.indirect.gather [hbm4b:s1+s22], $0x80, s30, s22, $0xb8;
	[tilespmem:$0x1C800] =	vst v63  }
0x77: {  	_ =	swait.ge [sflag:s24], $0x4000  }
0x78: {  	[sflag:s24] =	ssyncset.done $0x0  }
0x79: {  	[sflag:s24] =	ssyncadd.s32 $0xFFFFC000  }
0x7a: {  	[spmem:s3] =	stream.indirect.scatter.add.f32 [tilespmem:s2], [sflag:$0x4], $0x80, s5, s22, $0xb8;
	[tilespmem:$0x1C800] =	vst v63  }
0x7b: {  	_ =	swait.ge [sflag:s26], $0x4000  }
0x7c: {  	[sflag:s26] =	ssyncset.done $0x0  }
0x7d: {  	[sflag:s26] =	ssyncadd.s32 $0xFFFFC000  }
0x7e: {  	[tilespmem:s2], [sflag:$0x2] =	stream.indirect.gather [hbm4b:s1+s22], $0x80, s6, s22, $0xb8;
	[tilespmem:$0x1C800] =	vst v63  }
0x7f: {  	_ =	swait.ge [sflag:s0], $0x4000  }
0x80: {  	[sflag:s0] =	ssyncset.done $0x0  }
0x81: {  	[sflag:s0] =	ssyncadd.s32 $0xFFFFC000  }
0x82: {  	[spmem:s3] =	stream.indirect.scatter.add.f32 [tilespmem:s21], [sflag:$0x3], $0x80, s8, s22, $0xb8;
	[tilespmem:$0x1C800] =	vst v63  }
0x83: {  	_ =	swait.ge [sflag:s23], $0x4000  }
0x84: {  	[sflag:s23] =	ssyncset.done $0x0  }
0x85: {  	[sflag:s23] =	ssyncadd.s32 $0xFFFFC000  }
0x86: {  	[tilespmem:s21], [sflag:$0x1] =	stream.indirect.gather [hbm4b:s1+s22], $0x80, s9, s22, $0xb8;
	[tilespmem:$0x1C800] =	vst v63  }
0x87: {  	_ =	swait.ge [sflag:s24], $0x4000  }
0x88: {  	[sflag:s24] =	ssyncset.done $0x0  }
0x89: {  	[sflag:s24] =	ssyncadd.s32 $0xFFFFC000  }
0x8a: {  	[spmem:s3] =	stream.indirect.scatter.add.f32 [tilespmem:s2], [sflag:$0x4], $0x80, s10, s22, $0xb8;
	[tilespmem:$0x1C800] =	vst v63  }
0x8b: {  	_ =	swait.ge [sflag:s26], $0x4000  }
0x8c: {  	[sflag:s26] =	ssyncset.done $0x0  }
0x8d: {  	[sflag:s26] =	ssyncadd.s32 $0xFFFFC000  }
0x8e: {  	[tilespmem:s2], [sflag:$0x2] =	stream.indirect.gather [hbm4b:s1+s22], $0x80, s11, s22, $0xb8;
	[tilespmem:$0x1C800] =	vst v63  }
0x8f: {  	_ =	swait.ge [sflag:s0], $0x4000  }
0x90: {  	[sflag:s0] =	ssyncset.done $0x0  }
0x91: {  	[sflag:s0] =	ssyncadd.s32 $0xFFFFC000  }
0x92: {  	[spmem:s3] =	stream.indirect.scatter.add.f32 [tilespmem:s21], [sflag:$0x3], $0x80, s12, s22, $0xb8;
	[tilespmem:$0x1C800] =	vst v63  }
0x93: {  	_ =	swait.ge [sflag:s24], $0x4000  }
0x94: {  	[sflag:s24] =	ssyncset.done $0x0  }
0x95: {  	[sflag:s24] =	ssyncadd.s32 $0xFFFFC000  }
0x96: {  	[spmem:s3] =	stream.indirect.scatter.add.f32 [tilespmem:s2], [sflag:$0x4], $0x80, s13, s22, $0xb8;
	[tilespmem:$0x1C800] =	vst v63  }
0x97: {  	_ =	swait.ge [sflag:s23], $0x4000  }
0x98: {  	s18 =	rddreg [dreg:$0x7]  }
0x99: {  	p1 =	sne.s32 s18, $0x1  }
.Ltmp0:
0x9a: {  	_ = 	snop;
	(pc) =	sbr.rel @!p1 .LBB2_3-.Ltmp0, $4  }
0x9b: {  	[sflag:s23] =	ssyncset.done $0x0  }
0x9c: {  	[sflag:s23] =	ssyncadd.s32 $0xFFFFC000  }
0x9d: {  	s17 =	smov.u32 s19;
	_ =	swait.ge [sflag:s26], $0x4000  }
0x9e: {  	s15 =	sadd.s32 $0xFFFFFFFF, s18;
	s18 =	smov.u32 s16;
	[sflag:s26] =	ssyncset.done $0x0  }
.LBB2_2:
0x9f: {  	[sflag:s26] =	ssyncadd.s32 $0xFFFFC000;
	s18 =	sadd.s32 $0x80, s18  }
0xa0: {  	[tilespmem:s4], [sflag:$0x5] =	stream.linear.gather [hbm4b:s18+s4], $0x400, $0x38;
	[tilespmem:$0x1C800] =	vst v63  }
0xa1: {  	_ =	swait.ge [sflag:s20], $0x400  }
0xa2: {  	[sflag:s20] =	ssyncset.done $0x0  }
0xa3: {  	s17 =	sadd.s32 $0x80, s17;
	[sflag:s20] =	ssyncadd.s32 $0xFFFFFC00  }
0xa4: {  	[tilespmem:s31], [sflag:$0x5] =	stream.linear.gather [hbm4b:s17+s4], $0x400, $0x38;
	[tilespmem:$0x1C800] =	vst v63  }
0xa5: {  	_ =	swait.ge [sflag:s20], $0x400  }
0xa6: {  	[sflag:s20] =	ssyncset.done $0x0  }
0xa7: {  	[sflag:s20] =	ssyncadd.s32 $0xFFFFFC00  }
0xa8: {  	[tilespmem:s21], [sflag:$0x1] =	stream.indirect.gather [hbm4b:s1+s22], $0x80, s4, s22, $0xb8;
	[tilespmem:$0x1C800] =	vst v63  }
0xa9: {  	_ = 	snop  }
0xaa: {  	[tilespmem:s2], [sflag:$0x2] =	stream.indirect.gather [hbm4b:s1+s22], $0x80, s22, s22, $0xb8;
	[tilespmem:$0x1C800] =	vst v63  }
0xab: {  	_ =	swait.ge [sflag:s0], $0x4000  }
0xac: {  	[sflag:s0] =	ssyncset.done $0x0  }
0xad: {  	[sflag:s0] =	ssyncadd.s32 $0xFFFFC000  }
0xae: {  	[spmem:s3] =	stream.indirect.scatter.add.f32 [tilespmem:s21], [sflag:$0x3], $0x80, s31, s22, $0xb8;
	[tilespmem:$0x1C800] =	vst v63  }
0xaf: {  	_ =	swait.ge [sflag:s23], $0x4000  }
0xb0: {  	[sflag:s23] =	ssyncset.done $0x0  }
0xb1: {  	s7 =	rddreg [dreg:$0x4];
	[sflag:s23] =	ssyncadd.s32 $0xFFFFC000  }
0xb2: {  	[tilespmem:s21], [sflag:$0x1] =	stream.indirect.gather [hbm4b:s1+s22], $0x80, s7, s22, $0xb8;
	[tilespmem:$0x1C800] =	vst v63  }
0xb3: {  	_ =	swait.ge [sflag:s24], $0x4000  }
0xb4: {  	[sflag:s24] =	ssyncset.done $0x0  }
0xb5: {  	[sflag:s24] =	ssyncadd.s32 $0xFFFFC000  }
0xb6: {  	[spmem:s3] =	stream.indirect.scatter.add.f32 [tilespmem:s2], [sflag:$0x4], $0x80, s25, s22, $0xb8;
	[tilespmem:$0x1C800] =	vst v63  }
0xb7: {  	_ =	swait.ge [sflag:s26], $0x4000  }
0xb8: {  	[sflag:s26] =	ssyncset.done $0x0  }
0xb9: {  	[sflag:s26] =	ssyncadd.s32 $0xFFFFC000  }
0xba: {  	[tilespmem:s2], [sflag:$0x2] =	stream.indirect.gather [hbm4b:s1+s22], $0x80, s28, s22, $0xb8;
	[tilespmem:$0x1C800] =	vst v63  }
0xbb: {  	_ =	swait.ge [sflag:s0], $0x4000  }
0xbc: {  	[sflag:s0] =	ssyncset.done $0x0  }
0xbd: {  	[sflag:s0] =	ssyncadd.s32 $0xFFFFC000  }
0xbe: {  	[spmem:s3] =	stream.indirect.scatter.add.f32 [tilespmem:s21], [sflag:$0x3], $0x80, s29, s22, $0xb8;
	[tilespmem:$0x1C800] =	vst v63  }
0xbf: {  	_ =	swait.ge [sflag:s23], $0x4000  }
0xc0: {  	[sflag:s23] =	ssyncset.done $0x0  }
0xc1: {  	[sflag:s23] =	ssyncadd.s32 $0xFFFFC000  }
0xc2: {  	[tilespmem:s21], [sflag:$0x1] =	stream.indirect.gather [hbm4b:s1+s22], $0x80, s30, s22, $0xb8;
	[tilespmem:$0x1C800] =	vst v63  }
0xc3: {  	_ =	swait.ge [sflag:s24], $0x4000  }
0xc4: {  	[sflag:s24] =	ssyncset.done $0x0  }
0xc5: {  	[sflag:s24] =	ssyncadd.s32 $0xFFFFC000  }
0xc6: {  	[spmem:s3] =	stream.indirect.scatter.add.f32 [tilespmem:s2], [sflag:$0x4], $0x80, s5, s22, $0xb8;
	[tilespmem:$0x1C800] =	vst v63  }
0xc7: {  	_ =	swait.ge [sflag:s26], $0x4000  }
0xc8: {  	[sflag:s26] =	ssyncset.done $0x0  }
0xc9: {  	[sflag:s26] =	ssyncadd.s32 $0xFFFFC000  }
0xca: {  	[tilespmem:s2], [sflag:$0x2] =	stream.indirect.gather [hbm4b:s1+s22], $0x80, s6, s22, $0xb8;
	[tilespmem:$0x1C800] =	vst v63  }
0xcb: {  	_ =	swait.ge [sflag:s0], $0x4000  }
0xcc: {  	[sflag:s0] =	ssyncset.done $0x0  }
0xcd: {  	[sflag:s0] =	ssyncadd.s32 $0xFFFFC000  }
0xce: {  	[spmem:s3] =	stream.indirect.scatter.add.f32 [tilespmem:s21], [sflag:$0x3], $0x80, s8, s22, $0xb8;
	[tilespmem:$0x1C800] =	vst v63  }
0xcf: {  	_ =	swait.ge [sflag:s23], $0x4000  }
0xd0: {  	[sflag:s23] =	ssyncset.done $0x0  }
0xd1: {  	[sflag:s23] =	ssyncadd.s32 $0xFFFFC000  }
0xd2: {  	[tilespmem:s21], [sflag:$0x1] =	stream.indirect.gather [hbm4b:s1+s22], $0x80, s9, s22, $0xb8;
	[tilespmem:$0x1C800] =	vst v63  }
0xd3: {  	_ =	swait.ge [sflag:s24], $0x4000  }
0xd4: {  	[sflag:s24] =	ssyncset.done $0x0  }
0xd5: {  	[sflag:s24] =	ssyncadd.s32 $0xFFFFC000  }
0xd6: {  	[spmem:s3] =	stream.indirect.scatter.add.f32 [tilespmem:s2], [sflag:$0x4], $0x80, s10, s22, $0xb8;
	[tilespmem:$0x1C800] =	vst v63  }
0xd7: {  	_ =	swait.ge [sflag:s26], $0x4000  }
0xd8: {  	[sflag:s26] =	ssyncset.done $0x0  }
0xd9: {  	[sflag:s26] =	ssyncadd.s32 $0xFFFFC000  }
0xda: {  	[tilespmem:s2], [sflag:$0x2] =	stream.indirect.gather [hbm4b:s1+s22], $0x80, s11, s22, $0xb8;
	[tilespmem:$0x1C800] =	vst v63  }
0xdb: {  	_ =	swait.ge [sflag:s0], $0x4000  }
0xdc: {  	[sflag:s0] =	ssyncset.done $0x0  }
0xdd: {  	[sflag:s0] =	ssyncadd.s32 $0xFFFFC000  }
0xde: {  	[spmem:s3] =	stream.indirect.scatter.add.f32 [tilespmem:s21], [sflag:$0x3], $0x80, s12, s22, $0xb8;
	[tilespmem:$0x1C800] =	vst v63  }
0xdf: {  	_ =	swait.ge [sflag:s24], $0x4000  }
0xe0: {  	[sflag:s24] =	ssyncset.done $0x0  }
0xe1: {  	p1 =	sne.s32 s15, $0x1;
	[sflag:s24] =	ssyncadd.s32 $0xFFFFC000  }
0xe2: {  	[spmem:s3] =	stream.indirect.scatter.add.f32 [tilespmem:s2], [sflag:$0x4], $0x80, s13, s22, $0xb8;
	[tilespmem:$0x1C800] =	vst v63  }
.Ltmp1:
0xe3: {  	_ =	swait.ge [sflag:s23], $0x4000;
	(pc) =	sbr.rel @p1 .LBB2_2-.Ltmp1, $4  }
0xe4: {  	[sflag:s23] =	ssyncset.done $0x0  }
0xe5: {  	[sflag:s23] =	ssyncadd.s32 $0xFFFFC000  }
0xe6: {  	_ =	swait.ge [sflag:s26], $0x4000  }
0xe7: {  	s15 =	sadd.s32 $0xFFFFFFFF, s15;
	[sflag:s26] =	ssyncset.done $0x0  }
.LBB2_3:
0xe8: {  	[sflag:s26] =	ssyncadd.s32 $0xFFFFC000;
	s7 =	simm.s32 @!p0 $0x80  }
0xe9: {  	s15 =	simm.s32 @!p0 $0x8800;
	s17 =	simm.s32 @!p0 $0x800;
	[bflag:$0x0] =	sbarrier.arrive $0xFFFF  }
0xea: {  	[tilespmem:s17], [sflag:$0x1] =	stream.indirect.gather @!p0 [spmem:s3], $0x80, s15, s7, $0xb8;
	[tilespmem:$0x1C800] =	vst v63  }
0xeb: {  	s7 =	simm.s32 @!p0 $0x1  }
0xec: {  	_ =	swait.ge @!p0 [sflag:s7], $0x4000  }
0xed: {  	[sflag:s7] =	ssyncset.done @!p0 $0x0  }
0xee: {  	s15 =	rddreg [dreg:$0x8];
	[sflag:s7] =	ssyncadd.s32 @!p0 $0xFFFFC000;
	s7 =	simm.s32 @!p0 $0x0  }
0xef: {  	[hbm4b:s15+s7] =	stream.linear.scatter @!p0 [tilespmem:s17], [sflag:$0x5], $0x4000, $0x38;
	[tilespmem:$0x1C800] =	vst v63  }
0xf0: {  	s7 =	simm.s32 @!p0 $0x5  }
0xf1: {  	_ =	swait.ge @!p0 [sflag:s7], $0x4000  }
0xf2: {  	s15 =	sld [smem:$0x7FC];
	_ =	sdelay $0x1  }
0xf3: {  	[sflag:s7] =	ssyncset.done @!p0 $0x0  }
0xf4: {  	[sflag:s7] =	ssyncadd.s32 @!p0 $0xFFFFC000;
	p1 =	seq.s32 s15, $0x1  }
0xf5: {  	s7 =	simm.s32 @!p1 $0x80;
	s15 =	simm.s32 @!p1 $0x8880;
	s17 =	simm.s32 @!p1 $0x800  }
0xf6: {  	[tilespmem:s17], [sflag:$0x1] =	stream.indirect.gather @!p1 [spmem:s3], $0x80, s15, s7, $0xb8;
	[tilespmem:$0x1C800] =	vst v63  }
0xf7: {  	s7 =	simm.s32 @!p1 $0x1  }
0xf8: {  	_ =	swait.ge @!p1 [sflag:s7], $0x4000  }
0xf9: {  	[sflag:s7] =	ssyncset.done @!p1 $0x0  }
0xfa: {  	s15 =	rddreg [dreg:$0x9];
	[sflag:s7] =	ssyncadd.s32 @!p1 $0xFFFFC000;
	s7 =	simm.s32 @!p1 $0x0  }
0xfb: {  	[hbm4b:s15+s7] =	stream.linear.scatter @!p1 [tilespmem:s17], [sflag:$0x5], $0x4000, $0x38;
	[tilespmem:$0x1C800] =	vst v63  }
0xfc: {  	s7 =	simm.s32 @!p1 $0x5  }
0xfd: {  	_ =	swait.ge @!p1 [sflag:s7], $0x4000  }
0xfe: {  	s17 =	sld [smem:$0x7FD];
	_ =	sdelay $0x1  }
0xff: {  	[sflag:s7] =	ssyncset.done @!p1 $0x0  }
0x100: {  	[sflag:s7] =	ssyncadd.s32 @!p1 $0xFFFFC000;
	p1 =	seq.s32 s17, $0x1  }
0x101: {  	s7 =	simm.s32 @!p1 $0x80;
	s15 =	simm.s32 @!p1 $0x8900;
	s17 =	simm.s32 @!p1 $0x800  }
0x102: {  	[tilespmem:s17], [sflag:$0x1] =	stream.indirect.gather @!p1 [spmem:s3], $0x80, s15, s7, $0xb8;
	[tilespmem:$0x1C800] =	vst v63  }
0x103: {  	s7 =	simm.s32 @!p1 $0x1  }
0x104: {  	_ =	swait.ge @!p1 [sflag:s7], $0x4000  }
0x105: {  	[sflag:s7] =	ssyncset.done @!p1 $0x0  }
0x106: {  	s15 =	rddreg [dreg:$0xa];
	[sflag:s7] =	ssyncadd.s32 @!p1 $0xFFFFC000;
	s7 =	simm.s32 @!p1 $0x0  }
0x107: {  	[hbm4b:s15+s7] =	stream.linear.scatter @!p1 [tilespmem:s17], [sflag:$0x5], $0x4000, $0x38;
	[tilespmem:$0x1C800] =	vst v63  }
0x108: {  	s7 =	simm.s32 @!p1 $0x5  }
0x109: {  	_ =	swait.ge @!p1 [sflag:s7], $0x4000  }
0x10a: {  	s15 =	simm.s32 @!p2 $0x8980;
	[sflag:s7] =	ssyncset.done @!p1 $0x0  }
0x10b: {  	s17 =	simm.s32 @!p2 $0x800;
	[sflag:s7] =	ssyncadd.s32 @!p1 $0xFFFFC000;
	s7 =	simm.s32 @!p2 $0x80  }
0x10c: {  	[tilespmem:s17], [sflag:$0x1] =	stream.indirect.gather @!p2 [spmem:s3], $0x80, s15, s7, $0xb8;
	[tilespmem:$0x1C800] =	vst v63  }
0x10d: {  	s7 =	simm.s32 @!p2 $0x1  }
0x10e: {  	_ =	swait.ge @!p2 [sflag:s7], $0x4000  }
0x10f: {  	[sflag:s7] =	ssyncset.done @!p2 $0x0  }
0x110: {  	s15 =	rddreg [dreg:$0xb];
	[sflag:s7] =	ssyncadd.s32 @!p2 $0xFFFFC000;
	s7 =	simm.s32 @!p2 $0x0  }
0x111: {  	[hbm4b:s15+s7] =	stream.linear.scatter @!p2 [tilespmem:s17], [sflag:$0x5], $0x4000, $0x38;
	[tilespmem:$0x1C800] =	vst v63  }
0x112: {  	s7 =	simm.s32 @!p2 $0x5  }
0x113: {  	_ =	swait.ge @!p2 [sflag:s7], $0x4000  }
0x114: {  	s15 =	simm.s32 @!p3 $0x8A00;
	[sflag:s7] =	ssyncset.done @!p2 $0x0  }
0x115: {  	s17 =	simm.s32 @!p3 $0x800;
	[sflag:s7] =	ssyncadd.s32 @!p2 $0xFFFFC000;
	s7 =	simm.s32 @!p3 $0x80  }
0x116: {  	[tilespmem:s17], [sflag:$0x1] =	stream.indirect.gather @!p3 [spmem:s3], $0x80, s15, s7, $0xb8;
	[tilespmem:$0x1C800] =	vst v63  }
0x117: {  	s7 =	simm.s32 @!p3 $0x1  }
0x118: {  	_ =	swait.ge @!p3 [sflag:s7], $0x4000  }
0x119: {  	[sflag:s7] =	ssyncset.done @!p3 $0x0  }
0x11a: {  	s15 =	rddreg [dreg:$0xc];
	[sflag:s7] =	ssyncadd.s32 @!p3 $0xFFFFC000;
	s7 =	simm.s32 @!p3 $0x0  }
0x11b: {  	[hbm4b:s15+s7] =	stream.linear.scatter @!p3 [tilespmem:s17], [sflag:$0x5], $0x4000, $0x38;
	[tilespmem:$0x1C800] =	vst v63  }
0x11c: {  	s7 =	simm.s32 @!p3 $0x5  }
0x11d: {  	_ =	swait.ge @!p3 [sflag:s7], $0x4000  }
0x11e: {  	s15 =	simm.s32 @!p4 $0x8A80;
	[sflag:s7] =	ssyncset.done @!p3 $0x0  }
0x11f: {  	s17 =	simm.s32 @!p4 $0x800;
	[sflag:s7] =	ssyncadd.s32 @!p3 $0xFFFFC000;
	s7 =	simm.s32 @!p4 $0x80  }
0x120: {  	[tilespmem:s17], [sflag:$0x1] =	stream.indirect.gather @!p4 [spmem:s3], $0x80, s15, s7, $0xb8;
	[tilespmem:$0x1C800] =	vst v63  }
0x121: {  	s7 =	simm.s32 @!p4 $0x1  }
0x122: {  	_ =	swait.ge @!p4 [sflag:s7], $0x4000  }
0x123: {  	[sflag:s7] =	ssyncset.done @!p4 $0x0  }
0x124: {  	s15 =	rddreg [dreg:$0xd];
	[sflag:s7] =	ssyncadd.s32 @!p4 $0xFFFFC000;
	s7 =	simm.s32 @!p4 $0x0  }
0x125: {  	[hbm4b:s15+s7] =	stream.linear.scatter @!p4 [tilespmem:s17], [sflag:$0x5], $0x4000, $0x38;
	[tilespmem:$0x1C800] =	vst v63  }
0x126: {  	s7 =	simm.s32 @!p4 $0x5  }
0x127: {  	_ =	swait.ge @!p4 [sflag:s7], $0x4000  }
0x128: {  	s15 =	simm.s32 @!p5 $0x8B00;
	[sflag:s7] =	ssyncset.done @!p4 $0x0  }
0x129: {  	s17 =	simm.s32 @!p5 $0x800;
	[sflag:s7] =	ssyncadd.s32 @!p4 $0xFFFFC000;
	s7 =	simm.s32 @!p5 $0x80  }
0x12a: {  	[tilespmem:s17], [sflag:$0x1] =	stream.indirect.gather @!p5 [spmem:s3], $0x80, s15, s7, $0xb8;
	[tilespmem:$0x1C800] =	vst v63  }
0x12b: {  	s7 =	simm.s32 @!p5 $0x1  }
0x12c: {  	_ =	swait.ge @!p5 [sflag:s7], $0x4000  }
0x12d: {  	[sflag:s7] =	ssyncset.done @!p5 $0x0  }
0x12e: {  	s15 =	rddreg [dreg:$0xe];
	[sflag:s7] =	ssyncadd.s32 @!p5 $0xFFFFC000;
	s7 =	simm.s32 @!p5 $0x0  }
0x12f: {  	[hbm4b:s15+s7] =	stream.linear.scatter @!p5 [tilespmem:s17], [sflag:$0x5], $0x4000, $0x38;
	[tilespmem:$0x1C800] =	vst v63  }
0x130: {  	s7 =	simm.s32 @!p5 $0x5  }
0x131: {  	_ =	swait.ge @!p5 [sflag:s7], $0x4000  }
0x132: {  	s15 =	simm.s32 @!p6 $0x8B80;
	[sflag:s7] =	ssyncset.done @!p5 $0x0  }
0x133: {  	s17 =	simm.s32 @!p6 $0x800;
	[sflag:s7] =	ssyncadd.s32 @!p5 $0xFFFFC000;
	s7 =	simm.s32 @!p6 $0x80  }
0x134: {  	[tilespmem:s17], [sflag:$0x1] =	stream.indirect.gather @!p6 [spmem:s3], $0x80, s15, s7, $0xb8;
	[tilespmem:$0x1C800] =	vst v63  }
0x135: {  	s7 =	simm.s32 @!p6 $0x1  }
0x136: {  	_ =	swait.ge @!p6 [sflag:s7], $0x4000  }
0x137: {  	[sflag:s7] =	ssyncset.done @!p6 $0x0  }
0x138: {  	s15 =	rddreg [dreg:$0xf];
	[sflag:s7] =	ssyncadd.s32 @!p6 $0xFFFFC000;
	s7 =	simm.s32 @!p6 $0x0  }
0x139: {  	[hbm4b:s15+s7] =	stream.linear.scatter @!p6 [tilespmem:s17], [sflag:$0x5], $0x4000, $0x38;
	[tilespmem:$0x1C800] =	vst v63  }
0x13a: {  	s7 =	simm.s32 @!p6 $0x5  }
0x13b: {  	_ =	swait.ge @!p6 [sflag:s7], $0x4000  }
0x13c: {  	s14 =	sadd.s32 $0x1, s14;
	s18 =	rddreg [dreg:$0x10]  }
0x13d: {  	p1 =	sne.s32 s14, s18  }
.Ltmp2:
0x13e: {  	_ = 	snop;
	(pc) =	sbr.rel @p1 .LBB2_1-.Ltmp2, $3  }
0x13f: {  	_ =	sdelay $0x1  }
0x140: {  	[sflag:s7] =	ssyncset.done @!p6 $0x0  }
0x141: {  	[sflag:s7] =	ssyncadd.s32 @!p6 $0xFFFFC000  }
0x142: {  	_ =	sfence.sel $0x180000  }
0x143: {  	[bflag:$0x0] =	sbarrier.arrive $0xFFFF  }
0x144: {  	_ =	strace $0x90000047  }
0x145: {  	s0 =	stileid.u32;
	[bflag:$0x2] =	sbarrier.arrive $0xFFFF  }
0x146: {  	p0 =	sne.s32 s0, $0x0;
	s0 =	rddreg [dreg:$0x3]  }
0x147: {  	s0 =	sadd.s32 @!p0 $0x100000, s0  }
0x148: {  	[sflag:s0] =	ssyncadd.tile.s32 @!p0 $0x1;
	_ =	shalt  }
.Lfunc_end2:
_tile_overlayer_lowered:
.L_overlay_start_2:
0x149: {  	(tag) =	ssettag $0x2  }
0x14a: {  	s0 =	rddreg [dreg:$0x0];
	s2 =	stileid.u32  }
0x14b: {  	s1 =	rddreg [dreg:$0x1];
	p0 =	sne.s32 s2, $0x0  }
0x14c: {  	s3 =	rddreg [dreg:$0x2];
	[bflag:$0x3] =	sbarrier.arrive $0xFFFF;
	s2 =	simm.s32 @!p0 $0x1C05  }
0x14d: {  	[timem:s3], [sflag:s2] =	dma.local @!p0 [hbm:s0], s1  }
0x14e: {  	s0 =	simm.s32 @!p0 $0x5  }
0x14f: {  	_ =	swait.ge @!p0 [sflag:s0], s1  }
0x150: {  	s1 =	ssub.s32 @!p0 $0x0, s1;
	[sflag:s0] =	ssyncset.done @!p0 $0x0  }
0x151: {  	[sflag:s0] =	ssyncadd.s32 @!p0 s1  }
0x152: {  	[bflag:$0x3] =	sbarrier.arrive $0xFFFF  }
0x153: {  	_ =	shalt  }

// kernel: kernel.13.cloned.1.call-start
scs
__scs_entry_jumppad:
0x0: {  	(pc) =	sbr.rel $0x88, $3  }
0x1: {  	(tag) =	ssettag $0x0;
	lr =	simm.s32 $0x1  }
0x2: {  	[smem:$0x3F99] =	sst lr;
	_ =	strace $0xD0000000  }
0x3: {  	_ = 	snop  }
0x4: {  	_ = 	snop  }
0x5: {  	_ = 	snop  }
0x6: {  	_ = 	snop  }
0x7: {  	_ = 	snop  }
__scs_overlays_trampoline_lowered:
0x8: {  	[smem:$0x3FA8] =	sst s0  }
0x9: {  	[smem:$0x3FA9] =	sst s1  }
0xa: {  	[smem:$0x3FAA] =	sst s2  }
0xb: {  	[smem:$0x3FAB] =	sst s3  }
0xc: {  	[smem:$0x3FAC] =	sst s4  }
0xd: {  	[smem:$0x3FAD] =	sst s5  }
0xe: {  	[smem:$0x3FAE] =	sst s6  }
0xf: {  	[smem:$0x3FAF] =	sst s7  }
0x10: {  	[smem:$0x3FB0] =	sst s8  }
0x11: {  	[smem:$0x3FB1] =	sst s9;
	s0 =	simm.s32 @!p0 $0x0  }
0x12: {  	s1 =	sld [smem:$0x3F97];
	s0 =	simm.s32 @p0 $0x1  }
0x13: {  	[smem:$0x3FB2] =	sst s0;
	s0 =	simm.s32 @!p1 $0x0  }
0x14: {  	s2 =	sld [smem:$0x3F96];
	s0 =	simm.s32 @p1 $0x1  }
0x15: {  	[smem:$0x3FB3] =	sst s0;
	s0 =	simm.s32 @!p2 $0x0  }
0x16: {  	s3 =	sld [smem:$0x3FDB];
	s0 =	simm.s32 @p2 $0x1  }
0x17: {  	s4 =	simm.s32 $0x1BF5;
	[smem:$0x3FB5] =	sst s0  }
0x18: {  	s0 =	sld [smem:$0x3F98];
	_ =	swait.ge [sflag:s4], $0x0  }
0x19: {  	s7 =	sld [smem:$0x3F99]  }
0x1a: {  	s8 =	sadd.s32 $0xFFFFE003, lr  }
0x1b: {  	s9 =	sadd.s32 $0xFFFFFEF7, lr;
	s5 =	simm.s32 $0xFFFFFFFF;
	p2 =	slt.u32 s8, $0xFFFFF086  }
0x1c: {  	p1 =	slt.u32 s9, $0xF7A;
	s5 =	simm.s32 @!p2 $0x0  }
0x1d: {  	s5 =	simm.s32 @p1 $0x1;
	p0 =	seq.s32 s7, s2  }
0x1e: {  	s7 =	smul.u32 @!p0 $0xF7A, s2;
	p2 =	seq.s32 @!p0 s5, $0x0  }
0x1f: {  	s9 =	smul.u32 $0xF7A, s1;
	s8 =	simm.s32 @!p0 $0x1BF5;
	p2 =	por !p2, p0  }
0x20: {  	[sflag:s8] =	ssyncset.s32 @!p0 $0xFFFFF086;
	s6 =	sadd.s32 @!p0 s3, s7;
	s7 =	simm.s32 @!p0 $0x108  }
0x21: {  	s3 =	sadd.s32 s3, s9;
	s6 =	sadd.s32 @!p0 $0x88, s6;
	s7 =	simm.s32 @p2 $0x1082  }
0x22: {  	[simem:s7], [sflag:s8] =	dma.local @!p0 [hbm:s6], $0xF7A  }
0x23: {  	s9 =	sor.u32 $0xD0000000, s2;
	s6 =	simm.s32 $0x108;
	_ =	swait.ge @!p0 [sflag:s8], $0x0  }
0x24: {  	s3 =	sadd.s32 $0x88, s3;
	s6 =	simm.s32 @!p1 $0x1082;
	[sflag:s4] =	ssyncset.s32 $0xFFFFF086  }
0x25: {  	[simem:s6], [sflag:s4] =	dma.local [hbm:s3], $0xF7A  }
0x26: {  	[smem:$0x3F99] =	sst s1;
	(tag) =	ssettag s2;
	_ =	strace s9  }
0x27: {  	s1 =	sld [smem:$0x3FA9]  }
0x28: {  	s2 =	sld [smem:$0x3FAA]  }
0x29: {  	s4 =	sld [smem:$0x3FAC]  }
0x2a: {  	p0 =	seq.s32 s5, $0x0;
	s5 =	sld [smem:$0x3FAD]  }
0x2b: {  	s6 =	sld [smem:$0x3FAE]  }
0x2c: {  	s7 =	sld [smem:$0x3FAF]  }
0x2d: {  	s3 =	simm.s32 $0x108;
	s8 =	sld [smem:$0x3FB0]  }
0x2e: {  	s3 =	simm.s32 @!p0 $0x1082;
	s9 =	sld [smem:$0x3FB1]  }
0x2f: {  	lr =	sadd.s32 s0, s3;
	s0 =	sld [smem:$0x3FA8]  }
0x30: {  	s3 =	sld [smem:$0x3FAB]  }
0x31: {  	[smem:$0x3FB4] =	sst s10  }
0x32: {  	s10 =	sld [smem:$0x3FB2];
	_ =	sdelay $0x3  }
0x33: {  	p0 =	seq.s32 s10, $0x1;
	s10 =	sld [smem:$0x3FB4];
	_ =	sdelay $0x3  }
0x34: {  	[smem:$0x3FB4] =	sst s10  }
0x35: {  	s10 =	sld [smem:$0x3FB3];
	_ =	sdelay $0x3  }
0x36: {  	p1 =	seq.s32 s10, $0x1;
	s10 =	sld [smem:$0x3FB4];
	_ =	sdelay $0x3  }
0x37: {  	[smem:$0x3FB4] =	sst s10  }
0x38: {  	s10 =	sld [smem:$0x3FB5]  }
0x39: {  	_ = 	snop;
	(pc) =	sbr.ind lr, $3  }
0x3a: {  	_ = 	snop  }
0x3b: {  	_ = 	snop  }
0x3c: {  	p2 =	seq.s32 s10, $0x1;
	s10 =	sld [smem:$0x3FB4]  }
0x3d: {  	_ =	shalt  }
0x3e: {  	_ =	shalt  }
0x3f: {  	_ =	shalt  }
0x40: {  	_ =	shalt  }
0x41: {  	_ =	shalt  }
0x42: {  	_ =	shalt  }
0x43: {  	_ =	shalt  }
0x44: {  	_ =	shalt  }
0x45: {  	_ =	shalt  }
0x46: {  	_ =	shalt  }
0x47: {  	_ =	shalt  }
0x48: {  	_ =	shalt  }
0x49: {  	_ =	shalt  }
0x4a: {  	_ =	shalt  }
0x4b: {  	_ =	shalt  }
0x4c: {  	_ =	shalt  }
0x4d: {  	_ =	shalt  }
0x4e: {  	_ =	shalt  }
0x4f: {  	_ =	shalt  }
0x50: {  	_ =	shalt  }
0x51: {  	_ =	shalt  }
0x52: {  	_ =	shalt  }
0x53: {  	_ =	shalt  }
0x54: {  	_ =	shalt  }
0x55: {  	_ =	shalt  }
0x56: {  	_ =	shalt  }
0x57: {  	_ =	shalt  }
0x58: {  	_ =	shalt  }
0x59: {  	_ =	shalt  }
0x5a: {  	_ =	shalt  }
0x5b: {  	_ =	shalt  }
0x5c: {  	_ =	shalt  }
0x5d: {  	_ =	shalt  }
0x5e: {  	_ =	shalt  }
0x5f: {  	_ =	shalt  }
0x60: {  	_ =	shalt  }
0x61: {  	_ =	shalt  }
0x62: {  	_ =	shalt  }
0x63: {  	_ =	shalt  }
0x64: {  	_ =	shalt  }
0x65: {  	_ =	shalt  }
0x66: {  	_ =	shalt  }
0x67: {  	_ =	shalt  }
0x68: {  	_ =	shalt  }
0x69: {  	_ =	shalt  }
0x6a: {  	_ =	shalt  }
0x6b: {  	_ =	shalt  }
0x6c: {  	_ =	shalt  }
0x6d: {  	_ =	shalt  }
0x6e: {  	_ =	shalt  }
0x6f: {  	_ =	shalt  }
0x70: {  	_ =	shalt  }
0x71: {  	_ =	shalt  }
0x72: {  	_ =	shalt  }
0x73: {  	_ =	shalt  }
0x74: {  	_ =	shalt  }
0x75: {  	_ =	shalt  }
0x76: {  	_ =	shalt  }
0x77: {  	_ =	shalt  }
0x78: {  	_ =	shalt  }
0x79: {  	_ =	shalt  }
0x7a: {  	_ =	shalt  }
0x7b: {  	_ =	shalt  }
0x7c: {  	_ =	shalt  }
0x7d: {  	_ =	shalt  }
0x7e: {  	_ =	shalt  }
0x7f: {  	_ =	shalt  }
0x80: {  	_ =	shalt  }
0x81: {  	_ =	shalt  }
0x82: {  	_ =	shalt  }
0x83: {  	_ =	shalt  }
0x84: {  	_ =	shalt  }
0x85: {  	_ =	shalt  }
0x86: {  	_ =	shalt  }
0x87: {  	_ =	shalt  }
.Lfunc_end0:
.L_simem_size_0:
called_computation.2_lowered:
.L_overlay_start_0:
0x88: {  	s2 =	sld [smem:$0x3FD9]  }
0x89: {  	s3 =	sld [smem:$0x3FFE];
	_ =	sdelay $0x1  }
0x8a: {  	s1 =	srdreg.scid  }
0x8b: {  	s0 =	sand.u32 $0x1, s1  }
0x8c: {  	s17 =	sshll.u32 s0, $0xA;
	s2 =	sadd.s32 s3, s2  }
0x8d: {  	s2 =	sadd.s32 s2, s17  }
0x8e: {  	[smem:$0x3FC0] =	sst s2  }
0x8f: {  	_ = 	snop  }
0x90: {  	s2 =	sld [smem:$0x3FD0];
	(tm) =	ssettm $0x1  }
0x91: {  	s18 =	sld [smem:$0x3FFB];
	_ =	sdelay $0x3  }
0x92: {  	_ =	strace s18  }
0x93: {  	s3 =	sld [smem:$0x3FFC];
	_ =	sdelay $0x3  }
0x94: {  	_ =	strace s3  }
0x95: {  	s3 =	sld [smem:$0x3FFD];
	_ =	sdelay $0x3  }
0x96: {  	_ =	strace s3  }
0x97: {  	_ =	strace $0x8FFFFFFF  }
0x98: {  	s19 =	sld [smem:$0x3FDB];
	_ =	sdelay $0x1  }
0x99: {  	s4 =	simm.s32 $_scs_section_size  }
0x9a: {  	s5 =	simm.s32 $_size__tile_overlayer_lowered;
	s6 =	simm.s32 $_tile_overlayer_lowered  }
0x9b: {  	s22 =	simm.s32 $0x1BFF;
	s21 =	sshll.u32 s6, $0x1;
	s3 =	sadd.s32 s4, s19  }
0x9c: {  	s7 =	simm.s32 $0x0;
	s20 =	sshll.u32 s5, $0x1;
	s5 =	sadd.s32 s21, s3  }
0x9d: {  	[timem:s7], [sflag:s22] =	dma.local [hbm:s5], s20  }
0x9e: {  	_ =	swait.ge [sflag:s22], s20  }
0x9f: {  	s4 =	ssub.s32 $0x0, s20;
	[sflag:s22] =	ssyncset.done $0x0  }
0xa0: {  	[sflag:s22] =	ssyncadd.s32 s4;
	_ =	sdelay $0x1  }
0xa1: {  	s23 =	simm.s32 $0x1B8B  }
0xa2: {  	_ =	swait.ge [sflag:s23], $0x1  }
0xa3: {  	[sflag:s23] =	ssyncset.done $0x0  }
0xa4: {  	s25 =	simm.s32 $0x1B8E;
	s24 =	sld [smem:$0x3FFE];
	[sflag:s23] =	ssyncadd.s32 $0xFFFFFFFF  }
0xa5: {  	s26 =	simm.s32 $execute0_lowered;
	[smem:$0x3FD2] =	sst s25  }
0xa6: {  	s5 =	sshll.u32 s26, $0x1;
	_ =	strace $0x8000004C;
	[dreg:$0x1] =	wrdreg $0xFFFFFFFF  }
0xa7: {  	s28 =	simm.s32 $_size_execute0_lowered;
	s3 =	sadd.s32 s3, s5;
	[dreg:$0x0] =	wrdreg $0x0  }
0xa8: {  	s5 =	sshll.u32 s28, $0x1;
	[dreg:$0x2] =	wrdreg s3  }
0xa9: {  	[dreg:$0x3] =	wrdreg s5  }
0xaa: {  	[dreg:$0x4] =	wrdreg $0xC0  }
0xab: {  	_ =	task [dreg:s7], $0x5FFFF  }
0xac: {  	[dreg:$0x1] =	wrdreg $0xFFFFFFFF  }
0xad: {  	[dreg:$0x0] =	wrdreg $0x60  }
0xae: {  	[dreg:$0x2] =	wrdreg s2  }
0xaf: {  	[dreg:$0x3] =	wrdreg s24  }
0xb0: {  	[dreg:$0x4] =	wrdreg $0x8C000  }
0xb1: {  	[dreg:$0x5] =	wrdreg $0x9  }
0xb2: {  	_ =	task.clear_ibuf [dreg:s7], $0x6FFFF;
	_ =	strace $0x9000004C  }
0xb3: {  	s29 =	simm.s32 $0x9;
	_ =	strace $0x8000004E  }
0xb4: {  	_ =	swait.ge [sflag:s29], $0x1  }
0xb5: {  	[sflag:s29] =	ssyncadd.s32 $0xFFFFFFFF  }
0xb6: {  	_ =	strace $0x9000004E  }
0xb7: {  	_ =	sfence  }
0xb8: {  	s30 =	sld [smem:$0x0];
	_ =	sdelay $0x2  }
0xb9: {  	s31 =	sshll.u32 s1, $0xD;
	s1 =	sshrl.u32 s1, $0x2  }
0xba: {  	s3 =	sand.u32 $0x4000, s31;
	s1 =	sadd.s32 s1, s30  }
0xbb: {  	s0 =	sor.u32 s3, s0;
	s1 =	sshll.u32 s1, $0x11  }
0xbc: {  	s0 =	sor.u32 s1, s0  }
0xbd: {  	s0 =	sadd.s32 $0x8F2B, s0  }
0xbe: {  	[sflag:s0] =	ssyncadd.remote.s32 $0x1  }
0xbf: {  	_ =	sfence.sel $0xFFFF  }
0xc0: {  	[dreg:$0x0] =	wrdreg $0xFFFFFFFF;
	(pc) =	sbr.abs _section_cstart, $3  }
0xc1: {  	[dreg:$0x1] =	wrdreg $0xFFFFFFFF  }
0xc2: {  	_ =	task.clear_ibuf [dreg:s7], $0x2FFFF;
	_ =	strace $0x9FFFFFFF  }
0xc3: {  	(tm) =	ssettm $0x7FFFFFFF  }
tec
execute0_lowered:
.L_overlay_start_1:
0x0: {  	(tag) =	ssettag $0x1  }
0x1: {  	s1 =	rddreg [dreg:$0x0]  }
0x2: {  	s0 =	rddreg [dreg:$0x1];
	s2 =	srdreg.scid  }
0x3: {  	s24 =	stileid.u32;
	s3 =	rddreg [dreg:$0x2];
	s31 =	simm.s32 $0x400  }
0x4: {  	s28 =	simm.s32 $0x180;
	s29 =	simm.s32 $0x500;
	s30 =	simm.s32 $0x200  }
0x5: {  	s2 =	sand.u32 $0x1, s2;
	s4 =	sshll.u32 s24, $0x2;
	s5 =	sshll.u32 s24, $0x4  }
0x6: {  	s18 =	sshll.u32 s24, $0x7;
	s7 =	sadd.s32 $0x16A00, s0;
	s9 =	sshll.u32 s24, $0x3  }
0x7: {  	s20 =	sshll.u32 s24, $0x11;
	p0 =	seq.s32 s2, $0x0;
	s6 =	sor.u32 $0x100, s4  }
0x8: {  	s4 =	simm.s32 $0x0;
	s19 =	ssub.s32 $0x2, s2;
	s2 =	smul.u32 $0x13C000, s2  }
0x9: {  	s10 =	sor.u32 $0x1, s9;
	s12 =	sor.u32 $0x2, s9;
	s13 =	sor.u32 $0x3, s9  }
0xa: {  	s14 =	sor.u32 $0x4, s9;
	s6 =	smov.u32 @p0 s5;
	[smem:$0x7FF] =	sst s4  }
0xb: {  	s8 =	sshrl.u32 s19, $0x1;
	s21 =	sshll.u32 s10, $0xE;
	s22 =	sshll.u32 s12, $0xE  }
0xc: {  	s23 =	sshll.u32 s13, $0xE;
	s16 =	sshll.u32 s14, $0xE;
	p2 =	sgt.u32 s13, $0x4E  }
0xd: {  	p3 =	sgt.u32 s14, $0x4E;
	s13 =	simm.s32 $0x780;
	s14 =	simm.s32 $0x0  }
0xe: {  	s5 =	sshll.u32 s6, $0x7;
	_ =	strace $0x8000004D;
	s6 =	sadd.s32 s18, s0  }
0xf: {  	[dreg:$0x5] =	wrdreg s7;
	s8 =	ssub.s32 s19, s8;
	s11 =	sadd.s32 s2, s21  }
0x10: {  	s15 =	sadd.s32 s2, s22;
	s17 =	sadd.s32 s2, s23;
	s16 =	sadd.s32 s2, s16  }
0x11: {  	s18 =	sor.u32 $0x5, s9;
	s9 =	sor.u32 $0x6, s9;
	s23 =	sshllo.u32 s24, $0x3  }
0x12: {  	s7 =	simm.s32 $0x10;
	s5 =	sadd.s32 s5, s0;
	s0 =	sadd.s32 $0x17200, s0  }
0x13: {  	s6 =	sadd.s32 $0x2200, s6;
	s25 =	sshll.u32 s18, $0xE;
	s26 =	sshll.u32 s9, $0xE  }
0x14: {  	s7 =	simm.s32 @!p0 $0x4;
	s11 =	sshrl.u32 s11, $0x3;
	s16 =	sshrl.u32 s16, $0x3  }
0x15: {  	p0 =	sgt.u32 s10, $0x4E;
	p4 =	sgt.u32 s18, $0x4E;
	p5 =	sgt.u32 s9, $0x4E  }
0x16: {  	p6 =	sgt.u32 s23, $0x4E;
	s9 =	simm.s32 $0x300;
	s10 =	simm.s32 $0x680  }
0x17: {  	[dreg:$0x6] =	wrdreg s6;
	s6 =	sadd.s32 s2, s20;
	s19 =	sadd.s32 s2, s25  }
0x18: {  	s20 =	sshll.u32 s23, $0xE;
	s21 =	sadd.s32 s2, s26;
	[dreg:$0x7] =	wrdreg s7  }
0x19: {  	s7 =	sadd.s32 s0, s11;
	s11 =	sshrl.u32 s15, $0x3;
	s15 =	sshrl.u32 s17, $0x3  }
0x1a: {  	s17 =	sadd.s32 s0, s16;
	s25 =	simm.s32 $0x100;
	s26 =	smax.u32 s8, $0x1  }
0x1b: {  	s16 =	sadd.s32 $0xCA00, s5;
	s23 =	simm.s32 $0x3;
	[dreg:$0x9] =	wrdreg s7  }
0x1c: {  	s8 =	simm.s32 $0x600;
	s2 =	sadd.s32 s2, s20;
	[dreg:$0xc] =	wrdreg s17  }
0x1d: {  	s6 =	sshrl.u32 s6, $0x3;
	s20 =	sshrl.u32 s19, $0x3;
	[dreg:$0x10] =	wrdreg s26  }
0x1e: {  	s22 =	sshrl.u32 s21, $0x3;
	[dreg:$0x4] =	wrdreg s25;
	s19 =	sadd.s32 $0x2A00, s5  }
0x1f: {  	s21 =	simm.s32 $0x800;
	s25 =	simm.s32 $0x480;
	s6 =	sadd.s32 s0, s6  }
0x20: {  	s26 =	simm.s32 $0x4;
	[dreg:$0x8] =	wrdreg s6;
	s6 =	sadd.s32 s0, s11  }
0x21: {  	s5 =	simm.s32 $0x580;
	[dreg:$0xa] =	wrdreg s6;
	s6 =	sadd.s32 s0, s15  }
0x22: {  	s2 =	sshrl.u32 s2, $0x3;
	[dreg:$0xb] =	wrdreg s6;
	s6 =	sadd.s32 s0, s20  }
0x23: {  	s11 =	simm.s32 $0x380;
	s20 =	simm.s32 $0x5;
	[dreg:$0xd] =	wrdreg s6  }
0x24: {  	s6 =	sadd.s32 s0, s22;
	s0 =	sadd.s32 s0, s2;
	s22 =	simm.s32 $0x80  }
0x25: {  	s2 =	simm.s32 $0x4800;
	[dreg:$0xf] =	wrdreg s0;
	s0 =	simm.s32 @!p0 $0x0  }
0x26: {  	[dreg:$0xe] =	wrdreg s6;
	s0 =	simm.s32 @p0 $0x1;
	p0 =	sgt.u32 s12, $0x4E  }
0x27: {  	s6 =	simm.s32 $0x280;
	[smem:$0x7FC] =	sst s0;
	s0 =	simm.s32 @!p0 $0x0  }
0x28: {  	s12 =	simm.s32 $0x700;
	s0 =	simm.s32 @p0 $0x1;
	p0 =	sgt.u32 s24, $0x9  }
0x29: {  	s24 =	simm.s32 $0x2;
	[smem:$0x7FD] =	sst s0;
	s0 =	simm.s32 $0x1  }
.LBB2_1:
0x2a: {  	s7 =	rddreg [dreg:$0x6];
	s15 =	simm.s32 $0x8800  }
0x2b: {  	[tilespmem:s15], [sflag:$0x5] =	stream.linear.gather [hbm4b:s7+s4], $0x400, $0x38;
	[tilespmem:$0x1C800] =	vst v63  }
0x2c: {  	_ =	swait.ge [sflag:s20], $0x400  }
0x2d: {  	[sflag:s20] =	ssyncset.done $0x0  }
0x2e: {  	s18 =	rddreg [dreg:$0x5];
	[sflag:s20] =	ssyncadd.s32 $0xFFFFFC00  }
0x2f: {  	[tilespmem:s21], [sflag:$0x5] =	stream.linear.gather [hbm4b:s18+s4], $0x4000, $0x38;
	[tilespmem:$0x1C800] =	vst v63  }
0x30: {  	_ =	swait.ge [sflag:s20], $0x4000  }
0x31: {  	[sflag:s20] =	ssyncset.done $0x0  }
0x32: {  	[sflag:s20] =	ssyncadd.s32 $0xFFFFC000  }
0x33: {  	[spmem:s3] =	stream.indirect.scatter [tilespmem:s21], [sflag:$0x5], $0x80, s15, s22, $0xb8;
	[tilespmem:$0x1C800] =	vst v63  }
0x34: {  	_ =	swait.ge [sflag:s20], $0x4000  }
0x35: {  	[sflag:s20] =	ssyncset.done $0x0  }
0x36: {  	s15 =	simm.s32 $0x8880;
	[sflag:s20] =	ssyncadd.s32 $0xFFFFC000  }
0x37: {  	[spmem:s3] =	stream.indirect.scatter [tilespmem:s21], [sflag:$0x5], $0x80, s15, s22, $0xb8;
	[tilespmem:$0x1C800] =	vst v63  }
0x38: {  	_ =	swait.ge [sflag:s20], $0x4000  }
0x39: {  	[sflag:s20] =	ssyncset.done $0x0  }
0x3a: {  	s17 =	simm.s32 $0x8900;
	[sflag:s20] =	ssyncadd.s32 $0xFFFFC000  }
0x3b: {  	[spmem:s3] =	stream.indirect.scatter [tilespmem:s21], [sflag:$0x5], $0x80, s17, s22, $0xb8;
	[tilespmem:$0x1C800] =	vst v63  }
0x3c: {  	_ =	swait.ge [sflag:s20], $0x4000  }
0x3d: {  	[sflag:s20] =	ssyncset.done $0x0  }
0x3e: {  	s18 =	simm.s32 $0x8980;
	[sflag:s20] =	ssyncadd.s32 $0xFFFFC000  }
0x3f: {  	[spmem:s3] =	stream.indirect.scatter [tilespmem:s21], [sflag:$0x5], $0x80, s18, s22, $0xb8;
	[tilespmem:$0x1C800] =	vst v63  }
0x40: {  	_ =	swait.ge [sflag:s20], $0x4000  }
0x41: {  	[sflag:s20] =	ssyncset.done $0x0  }
0x42: {  	s15 =	simm.s32 $0x8A00;
	[sflag:s20] =	ssyncadd.s32 $0xFFFFC000  }
0x43: {  	[spmem:s3] =	stream.indirect.scatter [tilespmem:s21], [sflag:$0x5], $0x80, s15, s22, $0xb8;
	[tilespmem:$0x1C800] =	vst v63  }
0x44: {  	_ =	swait.ge [sflag:s20], $0x4000  }
0x45: {  	[sflag:s20] =	ssyncset.done $0x0  }
0x46: {  	s17 =	simm.s32 $0x8A80;
	[sflag:s20] =	ssyncadd.s32 $0xFFFFC000  }
0x47: {  	[spmem:s3] =	stream.indirect.scatter [tilespmem:s21], [sflag:$0x5], $0x80, s17, s22, $0xb8;
	[tilespmem:$0x1C800] =	vst v63  }
0x48: {  	_ =	swait.ge [sflag:s20], $0x4000  }
0x49: {  	[sflag:s20] =	ssyncset.done $0x0  }
0x4a: {  	s18 =	simm.s32 $0x8B00;
	[sflag:s20] =	ssyncadd.s32 $0xFFFFC000  }
0x4b: {  	[spmem:s3] =	stream.indirect.scatter [tilespmem:s21], [sflag:$0x5], $0x80, s18, s22, $0xb8;
	[tilespmem:$0x1C800] =	vst v63  }
0x4c: {  	_ =	swait.ge [sflag:s20], $0x4000  }
0x4d: {  	[sflag:s20] =	ssyncset.done $0x0  }
0x4e: {  	s15 =	simm.s32 $0x8B80;
	[sflag:s20] =	ssyncadd.s32 $0xFFFFC000  }
0x4f: {  	[spmem:s3] =	stream.indirect.scatter [tilespmem:s21], [sflag:$0x5], $0x80, s15, s22, $0xb8;
	[tilespmem:$0x1C800] =	vst v63  }
0x50: {  	_ =	swait.ge [sflag:s20], $0x4000  }
0x51: {  	[sflag:s20] =	ssyncset.done $0x0  }
0x52: {  	[sflag:s20] =	ssyncadd.s32 $0xFFFFC000  }
0x53: {  	[bflag:$0x0] =	sbarrier.arrive $0xFFFF  }
0x54: {  	[tilespmem:s4], [sflag:$0x5] =	stream.linear.gather [hbm4b:s16+s4], $0x400, $0x38;
	[tilespmem:$0x1C800] =	vst v63  }
0x55: {  	_ =	swait.ge [sflag:s20], $0x400  }
0x56: {  	[sflag:s20] =	ssyncset.done $0x0  }
0x57: {  	[sflag:s20] =	ssyncadd.s32 $0xFFFFFC00  }
0x58: {  	[tilespmem:s31], [sflag:$0x5] =	stream.linear.gather [hbm4b:s19+s4], $0x400, $0x38;
	[tilespmem:$0x1C800] =	vst v63  }
0x59: {  	_ =	swait.ge [sflag:s20], $0x400  }
0x5a: {  	[sflag:s20] =	ssyncset.done $0x0  }
0x5b: {  	[sflag:s20] =	ssyncadd.s32 $0xFFFFFC00  }
0x5c: {  	[tilespmem:s21], [sflag:$0x1] =	stream.indirect.gather [hbm4b:s1+s22], $0x80, s4, s22, $0xb8;
	[tilespmem:$0x1C800] =	vst v63  }
0x5d: {  	_ = 	snop  }
0x5e: {  	[tilespmem:s2], [sflag:$0x2] =	stream.indirect.gather [hbm4b:s1+s22], $0x80, s22, s22, $0xb8;
	[tilespmem:$0x1C800] =	vst v63  }
0x5f: {  	_ =	swait.ge [sflag:s0], $0x4000  }
0x60: {  	[sflag:s0] =	ssyncset.done $0x0  }
0x61: {  	[sflag:s0] =	ssyncadd.s32 $0xFFFFC000  }
0x62: {  	[spmem:s3] =	stream.indirect.scatter.add.f32 [tilespmem:s21], [sflag:$0x3], $0x80, s31, s22, $0xb8;
	[tilespmem:$0x1C800] =	vst v63  }
0x63: {  	_ =	swait.ge [sflag:s23], $0x4000  }
0x64: {  	[sflag:s23] =	ssyncset.done $0x0  }
0x65: {  	s17 =	rddreg [dreg:$0x4];
	[sflag:s23] =	ssyncadd.s32 $0xFFFFC000  }
0x66: {  	[tilespmem:s21], [sflag:$0x1] =	stream.indirect.gather [hbm4b:s1+s22], $0x80, s17, s22, $0xb8;
	[tilespmem:$0x1C800] =	vst v63  }
0x67: {  	_ =	swait.ge [sflag:s24], $0x4000  }
0x68: {  	[sflag:s24] =	ssyncset.done $0x0  }
0x69: {  	[sflag:s24] =	ssyncadd.s32 $0xFFFFC000  }
0x6a: {  	[spmem:s3] =	stream.indirect.scatter.add.f32 [tilespmem:s2], [sflag:$0x4], $0x80, s25, s22, $0xb8;
	[tilespmem:$0x1C800] =	vst v63  }
0x6b: {  	_ =	swait.ge [sflag:s26], $0x4000  }
0x6c: {  	[sflag:s26] =	ssyncset.done $0x0  }
0x6d: {  	[sflag:s26] =	ssyncadd.s32 $0xFFFFC000  }
0x6e: {  	[tilespmem:s2], [sflag:$0x2] =	stream.indirect.gather [hbm4b:s1+s22], $0x80, s28, s22, $0xb8;
	[tilespmem:$0x1C800] =	vst v63  }
0x6f: {  	_ =	swait.ge [sflag:s0], $0x4000  }
0x70: {  	[sflag:s0] =	ssyncset.done $0x0  }
0x71: {  	[sflag:s0] =	ssyncadd.s32 $0xFFFFC000  }
0x72: {  	[spmem:s3] =	stream.indirect.scatter.add.f32 [tilespmem:s21], [sflag:$0x3], $0x80, s29, s22, $0xb8;
	[tilespmem:$0x1C800] =	vst v63  }
0x73: {  	_ =	swait.ge [sflag:s23], $0x4000  }
0x74: {  	[sflag:s23] =	ssyncset.done $0x0  }
0x75: {  	[sflag:s23] =	ssyncadd.s32 $0xFFFFC000  }
0x76: {  	[tilespmem:s21], [sflag:$0x1] =	stream.indirect.gather [hbm4b:s1+s22], $0x80, s30, s22, $0xb8;
	[tilespmem:$0x1C800] =	vst v63  }
0x77: {  	_ =	swait.ge [sflag:s24], $0x4000  }
0x78: {  	[sflag:s24] =	ssyncset.done $0x0  }
0x79: {  	[sflag:s24] =	ssyncadd.s32 $0xFFFFC000  }
0x7a: {  	[spmem:s3] =	stream.indirect.scatter.add.f32 [tilespmem:s2], [sflag:$0x4], $0x80, s5, s22, $0xb8;
	[tilespmem:$0x1C800] =	vst v63  }
0x7b: {  	_ =	swait.ge [sflag:s26], $0x4000  }
0x7c: {  	[sflag:s26] =	ssyncset.done $0x0  }
0x7d: {  	[sflag:s26] =	ssyncadd.s32 $0xFFFFC000  }
0x7e: {  	[tilespmem:s2], [sflag:$0x2] =	stream.indirect.gather [hbm4b:s1+s22], $0x80, s6, s22, $0xb8;
	[tilespmem:$0x1C800] =	vst v63  }
0x7f: {  	_ =	swait.ge [sflag:s0], $0x4000  }
0x80: {  	[sflag:s0] =	ssyncset.done $0x0  }
0x81: {  	[sflag:s0] =	ssyncadd.s32 $0xFFFFC000  }
0x82: {  	[spmem:s3] =	stream.indirect.scatter.add.f32 [tilespmem:s21], [sflag:$0x3], $0x80, s8, s22, $0xb8;
	[tilespmem:$0x1C800] =	vst v63  }
0x83: {  	_ =	swait.ge [sflag:s23], $0x4000  }
0x84: {  	[sflag:s23] =	ssyncset.done $0x0  }
0x85: {  	[sflag:s23] =	ssyncadd.s32 $0xFFFFC000  }
0x86: {  	[tilespmem:s21], [sflag:$0x1] =	stream.indirect.gather [hbm4b:s1+s22], $0x80, s9, s22, $0xb8;
	[tilespmem:$0x1C800] =	vst v63  }
0x87: {  	_ =	swait.ge [sflag:s24], $0x4000  }
0x88: {  	[sflag:s24] =	ssyncset.done $0x0  }
0x89: {  	[sflag:s24] =	ssyncadd.s32 $0xFFFFC000  }
0x8a: {  	[spmem:s3] =	stream.indirect.scatter.add.f32 [tilespmem:s2], [sflag:$0x4], $0x80, s10, s22, $0xb8;
	[tilespmem:$0x1C800] =	vst v63  }
0x8b: {  	_ =	swait.ge [sflag:s26], $0x4000  }
0x8c: {  	[sflag:s26] =	ssyncset.done $0x0  }
0x8d: {  	[sflag:s26] =	ssyncadd.s32 $0xFFFFC000  }
0x8e: {  	[tilespmem:s2], [sflag:$0x2] =	stream.indirect.gather [hbm4b:s1+s22], $0x80, s11, s22, $0xb8;
	[tilespmem:$0x1C800] =	vst v63  }
0x8f: {  	_ =	swait.ge [sflag:s0], $0x4000  }
0x90: {  	[sflag:s0] =	ssyncset.done $0x0  }
0x91: {  	[sflag:s0] =	ssyncadd.s32 $0xFFFFC000  }
0x92: {  	[spmem:s3] =	stream.indirect.scatter.add.f32 [tilespmem:s21], [sflag:$0x3], $0x80, s12, s22, $0xb8;
	[tilespmem:$0x1C800] =	vst v63  }
0x93: {  	_ =	swait.ge [sflag:s24], $0x4000  }
0x94: {  	[sflag:s24] =	ssyncset.done $0x0  }
0x95: {  	[sflag:s24] =	ssyncadd.s32 $0xFFFFC000  }
0x96: {  	[spmem:s3] =	stream.indirect.scatter.add.f32 [tilespmem:s2], [sflag:$0x4], $0x80, s13, s22, $0xb8;
	[tilespmem:$0x1C800] =	vst v63  }
0x97: {  	_ =	swait.ge [sflag:s23], $0x4000  }
0x98: {  	s18 =	rddreg [dreg:$0x7]  }
0x99: {  	p1 =	sne.s32 s18, $0x1  }
.Ltmp0:
0x9a: {  	_ = 	snop;
	(pc) =	sbr.rel @!p1 .LBB2_3-.Ltmp0, $4  }
0x9b: {  	[sflag:s23] =	ssyncset.done $0x0  }
0x9c: {  	[sflag:s23] =	ssyncadd.s32 $0xFFFFC000  }
0x9d: {  	s17 =	smov.u32 s19;
	_ =	swait.ge [sflag:s26], $0x4000  }
0x9e: {  	s15 =	sadd.s32 $0xFFFFFFFF, s18;
	s18 =	smov.u32 s16;
	[sflag:s26] =	ssyncset.done $0x0  }
.LBB2_2:
0x9f: {  	[sflag:s26] =	ssyncadd.s32 $0xFFFFC000;
	s18 =	sadd.s32 $0x80, s18  }
0xa0: {  	[tilespmem:s4], [sflag:$0x5] =	stream.linear.gather [hbm4b:s18+s4], $0x400, $0x38;
	[tilespmem:$0x1C800] =	vst v63  }
0xa1: {  	_ =	swait.ge [sflag:s20], $0x400  }
0xa2: {  	[sflag:s20] =	ssyncset.done $0x0  }
0xa3: {  	s17 =	sadd.s32 $0x80, s17;
	[sflag:s20] =	ssyncadd.s32 $0xFFFFFC00  }
0xa4: {  	[tilespmem:s31], [sflag:$0x5] =	stream.linear.gather [hbm4b:s17+s4], $0x400, $0x38;
	[tilespmem:$0x1C800] =	vst v63  }
0xa5: {  	_ =	swait.ge [sflag:s20], $0x400  }
0xa6: {  	[sflag:s20] =	ssyncset.done $0x0  }
0xa7: {  	[sflag:s20] =	ssyncadd.s32 $0xFFFFFC00  }
0xa8: {  	[tilespmem:s21], [sflag:$0x1] =	stream.indirect.gather [hbm4b:s1+s22], $0x80, s4, s22, $0xb8;
	[tilespmem:$0x1C800] =	vst v63  }
0xa9: {  	_ = 	snop  }
0xaa: {  	[tilespmem:s2], [sflag:$0x2] =	stream.indirect.gather [hbm4b:s1+s22], $0x80, s22, s22, $0xb8;
	[tilespmem:$0x1C800] =	vst v63  }
0xab: {  	_ =	swait.ge [sflag:s0], $0x4000  }
0xac: {  	[sflag:s0] =	ssyncset.done $0x0  }
0xad: {  	[sflag:s0] =	ssyncadd.s32 $0xFFFFC000  }
0xae: {  	[spmem:s3] =	stream.indirect.scatter.add.f32 [tilespmem:s21], [sflag:$0x3], $0x80, s31, s22, $0xb8;
	[tilespmem:$0x1C800] =	vst v63  }
0xaf: {  	_ =	swait.ge [sflag:s23], $0x4000  }
0xb0: {  	[sflag:s23] =	ssyncset.done $0x0  }
0xb1: {  	s7 =	rddreg [dreg:$0x4];
	[sflag:s23] =	ssyncadd.s32 $0xFFFFC000  }
0xb2: {  	[tilespmem:s21], [sflag:$0x1] =	stream.indirect.gather [hbm4b:s1+s22], $0x80, s7, s22, $0xb8;
	[tilespmem:$0x1C800] =	vst v63  }
0xb3: {  	_ =	swait.ge [sflag:s24], $0x4000  }
0xb4: {  	[sflag:s24] =	ssyncset.done $0x0  }
0xb5: {  	[sflag:s24] =	ssyncadd.s32 $0xFFFFC000  }
0xb6: {  	[spmem:s3] =	stream.indirect.scatter.add.f32 [tilespmem:s2], [sflag:$0x4], $0x80, s25, s22, $0xb8;
	[tilespmem:$0x1C800] =	vst v63  }
0xb7: {  	_ =	swait.ge [sflag:s26], $0x4000  }
0xb8: {  	[sflag:s26] =	ssyncset.done $0x0  }
0xb9: {  	[sflag:s26] =	ssyncadd.s32 $0xFFFFC000  }
0xba: {  	[tilespmem:s2], [sflag:$0x2] =	stream.indirect.gather [hbm4b:s1+s22], $0x80, s28, s22, $0xb8;
	[tilespmem:$0x1C800] =	vst v63  }
0xbb: {  	_ =	swait.ge [sflag:s0], $0x4000  }
0xbc: {  	[sflag:s0] =	ssyncset.done $0x0  }
0xbd: {  	[sflag:s0] =	ssyncadd.s32 $0xFFFFC000  }
0xbe: {  	[spmem:s3] =	stream.indirect.scatter.add.f32 [tilespmem:s21], [sflag:$0x3], $0x80, s29, s22, $0xb8;
	[tilespmem:$0x1C800] =	vst v63  }
0xbf: {  	_ =	swait.ge [sflag:s23], $0x4000  }
0xc0: {  	[sflag:s23] =	ssyncset.done $0x0  }
0xc1: {  	[sflag:s23] =	ssyncadd.s32 $0xFFFFC000  }
0xc2: {  	[tilespmem:s21], [sflag:$0x1] =	stream.indirect.gather [hbm4b:s1+s22], $0x80, s30, s22, $0xb8;
	[tilespmem:$0x1C800] =	vst v63  }
0xc3: {  	_ =	swait.ge [sflag:s24], $0x4000  }
0xc4: {  	[sflag:s24] =	ssyncset.done $0x0  }
0xc5: {  	[sflag:s24] =	ssyncadd.s32 $0xFFFFC000  }
0xc6: {  	[spmem:s3] =	stream.indirect.scatter.add.f32 [tilespmem:s2], [sflag:$0x4], $0x80, s5, s22, $0xb8;
	[tilespmem:$0x1C800] =	vst v63  }
0xc7: {  	_ =	swait.ge [sflag:s26], $0x4000  }
0xc8: {  	[sflag:s26] =	ssyncset.done $0x0  }
0xc9: {  	[sflag:s26] =	ssyncadd.s32 $0xFFFFC000  }
0xca: {  	[tilespmem:s2], [sflag:$0x2] =	stream.indirect.gather [hbm4b:s1+s22], $0x80, s6, s22, $0xb8;
	[tilespmem:$0x1C800] =	vst v63  }
0xcb: {  	_ =	swait.ge [sflag:s0], $0x4000  }
0xcc: {  	[sflag:s0] =	ssyncset.done $0x0  }
0xcd: {  	[sflag:s0] =	ssyncadd.s32 $0xFFFFC000  }
0xce: {  	[spmem:s3] =	stream.indirect.scatter.add.f32 [tilespmem:s21], [sflag:$0x3], $0x80, s8, s22, $0xb8;
	[tilespmem:$0x1C800] =	vst v63  }
0xcf: {  	_ =	swait.ge [sflag:s23], $0x4000  }
0xd0: {  	[sflag:s23] =	ssyncset.done $0x0  }
0xd1: {  	[sflag:s23] =	ssyncadd.s32 $0xFFFFC000  }
0xd2: {  	[tilespmem:s21], [sflag:$0x1] =	stream.indirect.gather [hbm4b:s1+s22], $0x80, s9, s22, $0xb8;
	[tilespmem:$0x1C800] =	vst v63  }
0xd3: {  	_ =	swait.ge [sflag:s24], $0x4000  }
0xd4: {  	[sflag:s24] =	ssyncset.done $0x0  }
0xd5: {  	[sflag:s24] =	ssyncadd.s32 $0xFFFFC000  }
0xd6: {  	[spmem:s3] =	stream.indirect.scatter.add.f32 [tilespmem:s2], [sflag:$0x4], $0x80, s10, s22, $0xb8;
	[tilespmem:$0x1C800] =	vst v63  }
0xd7: {  	_ =	swait.ge [sflag:s26], $0x4000  }
0xd8: {  	[sflag:s26] =	ssyncset.done $0x0  }
0xd9: {  	[sflag:s26] =	ssyncadd.s32 $0xFFFFC000  }
0xda: {  	[tilespmem:s2], [sflag:$0x2] =	stream.indirect.gather [hbm4b:s1+s22], $0x80, s11, s22, $0xb8;
	[tilespmem:$0x1C800] =	vst v63  }
0xdb: {  	_ =	swait.ge [sflag:s0], $0x4000  }
0xdc: {  	[sflag:s0] =	ssyncset.done $0x0  }
0xdd: {  	[sflag:s0] =	ssyncadd.s32 $0xFFFFC000  }
0xde: {  	[spmem:s3] =	stream.indirect.scatter.add.f32 [tilespmem:s21], [sflag:$0x3], $0x80, s12, s22, $0xb8;
	[tilespmem:$0x1C800] =	vst v63  }
0xdf: {  	_ =	swait.ge [sflag:s24], $0x4000  }
0xe0: {  	[sflag:s24] =	ssyncset.done $0x0  }
0xe1: {  	p1 =	sne.s32 s15, $0x1;
	[sflag:s24] =	ssyncadd.s32 $0xFFFFC000  }
0xe2: {  	[spmem:s3] =	stream.indirect.scatter.add.f32 [tilespmem:s2], [sflag:$0x4], $0x80, s13, s22, $0xb8;
	[tilespmem:$0x1C800] =	vst v63  }
.Ltmp1:
0xe3: {  	_ =	swait.ge [sflag:s23], $0x4000;
	(pc) =	sbr.rel @p1 .LBB2_2-.Ltmp1, $4  }
0xe4: {  	[sflag:s23] =	ssyncset.done $0x0  }
0xe5: {  	[sflag:s23] =	ssyncadd.s32 $0xFFFFC000  }
0xe6: {  	_ =	swait.ge [sflag:s26], $0x4000  }
0xe7: {  	s15 =	sadd.s32 $0xFFFFFFFF, s15;
	[sflag:s26] =	ssyncset.done $0x0  }
.LBB2_3:
0xe8: {  	[sflag:s26] =	ssyncadd.s32 $0xFFFFC000;
	s7 =	simm.s32 @!p0 $0x80  }
0xe9: {  	s15 =	simm.s32 @!p0 $0x8800;
	s17 =	simm.s32 @!p0 $0x800;
	[bflag:$0x0] =	sbarrier.arrive $0xFFFF  }
0xea: {  	[tilespmem:s17], [sflag:$0x1] =	stream.indirect.gather @!p0 [spmem:s3], $0x80, s15, s7, $0xb8;
	[tilespmem:$0x1C800] =	vst v63  }
0xeb: {  	s7 =	simm.s32 @!p0 $0x1  }
0xec: {  	_ =	swait.ge @!p0 [sflag:s7], $0x4000  }
0xed: {  	[sflag:s7] =	ssyncset.done @!p0 $0x0  }
0xee: {  	s15 =	rddreg [dreg:$0x8];
	[sflag:s7] =	ssyncadd.s32 @!p0 $0xFFFFC000;
	s7 =	simm.s32 @!p0 $0x0  }
0xef: {  	[hbm4b:s15+s7] =	stream.linear.scatter @!p0 [tilespmem:s17], [sflag:$0x5], $0x4000, $0x38;
	[tilespmem:$0x1C800] =	vst v63  }
0xf0: {  	s7 =	simm.s32 @!p0 $0x5  }
0xf1: {  	_ =	swait.ge @!p0 [sflag:s7], $0x4000  }
0xf2: {  	s15 =	sld [smem:$0x7FC];
	_ =	sdelay $0x1  }
0xf3: {  	[sflag:s7] =	ssyncset.done @!p0 $0x0  }
0xf4: {  	[sflag:s7] =	ssyncadd.s32 @!p0 $0xFFFFC000;
	p1 =	seq.s32 s15, $0x1  }
0xf5: {  	s7 =	simm.s32 @!p1 $0x80;
	s15 =	simm.s32 @!p1 $0x8880;
	s17 =	simm.s32 @!p1 $0x800  }
0xf6: {  	[tilespmem:s17], [sflag:$0x1] =	stream.indirect.gather @!p1 [spmem:s3], $0x80, s15, s7, $0xb8;
	[tilespmem:$0x1C800] =	vst v63  }
0xf7: {  	s7 =	simm.s32 @!p1 $0x1  }
0xf8: {  	_ =	swait.ge @!p1 [sflag:s7], $0x4000  }
0xf9: {  	[sflag:s7] =	ssyncset.done @!p1 $0x0  }
0xfa: {  	s15 =	rddreg [dreg:$0x9];
	[sflag:s7] =	ssyncadd.s32 @!p1 $0xFFFFC000;
	s7 =	simm.s32 @!p1 $0x0  }
0xfb: {  	[hbm4b:s15+s7] =	stream.linear.scatter @!p1 [tilespmem:s17], [sflag:$0x5], $0x4000, $0x38;
	[tilespmem:$0x1C800] =	vst v63  }
0xfc: {  	s7 =	simm.s32 @!p1 $0x5  }
0xfd: {  	_ =	swait.ge @!p1 [sflag:s7], $0x4000  }
0xfe: {  	s17 =	sld [smem:$0x7FD];
	_ =	sdelay $0x1  }
0xff: {  	[sflag:s7] =	ssyncset.done @!p1 $0x0  }
0x100: {  	[sflag:s7] =	ssyncadd.s32 @!p1 $0xFFFFC000;
	p1 =	seq.s32 s17, $0x1  }
0x101: {  	s7 =	simm.s32 @!p1 $0x80;
	s15 =	simm.s32 @!p1 $0x8900;
	s17 =	simm.s32 @!p1 $0x800  }
0x102: {  	[tilespmem:s17], [sflag:$0x1] =	stream.indirect.gather @!p1 [spmem:s3], $0x80, s15, s7, $0xb8;
	[tilespmem:$0x1C800] =	vst v63  }
0x103: {  	s7 =	simm.s32 @!p1 $0x1  }
0x104: {  	_ =	swait.ge @!p1 [sflag:s7], $0x4000  }
0x105: {  	[sflag:s7] =	ssyncset.done @!p1 $0x0  }
0x106: {  	s15 =	rddreg [dreg:$0xa];
	[sflag:s7] =	ssyncadd.s32 @!p1 $0xFFFFC000;
	s7 =	simm.s32 @!p1 $0x0  }
0x107: {  	[hbm4b:s15+s7] =	stream.linear.scatter @!p1 [tilespmem:s17], [sflag:$0x5], $0x4000, $0x38;
	[tilespmem:$0x1C800] =	vst v63  }
0x108: {  	s7 =	simm.s32 @!p1 $0x5  }
0x109: {  	_ =	swait.ge @!p1 [sflag:s7], $0x4000  }
0x10a: {  	s15 =	simm.s32 @!p2 $0x8980;
	[sflag:s7] =	ssyncset.done @!p1 $0x0  }
0x10b: {  	s17 =	simm.s32 @!p2 $0x800;
	[sflag:s7] =	ssyncadd.s32 @!p1 $0xFFFFC000;
	s7 =	simm.s32 @!p2 $0x80  }
0x10c: {  	[tilespmem:s17], [sflag:$0x1] =	stream.indirect.gather @!p2 [spmem:s3], $0x80, s15, s7, $0xb8;
	[tilespmem:$0x1C800] =	vst v63  }
0x10d: {  	s7 =	simm.s32 @!p2 $0x1  }
0x10e: {  	_ =	swait.ge @!p2 [sflag:s7], $0x4000  }
0x10f: {  	[sflag:s7] =	ssyncset.done @!p2 $0x0  }
0x110: {  	s15 =	rddreg [dreg:$0xb];
	[sflag:s7] =	ssyncadd.s32 @!p2 $0xFFFFC000;
	s7 =	simm.s32 @!p2 $0x0  }
0x111: {  	[hbm4b:s15+s7] =	stream.linear.scatter @!p2 [tilespmem:s17], [sflag:$0x5], $0x4000, $0x38;
	[tilespmem:$0x1C800] =	vst v63  }
0x112: {  	s7 =	simm.s32 @!p2 $0x5  }
0x113: {  	_ =	swait.ge @!p2 [sflag:s7], $0x4000  }
0x114: {  	s15 =	simm.s32 @!p3 $0x8A00;
	[sflag:s7] =	ssyncset.done @!p2 $0x0  }
0x115: {  	s17 =	simm.s32 @!p3 $0x800;
	[sflag:s7] =	ssyncadd.s32 @!p2 $0xFFFFC000;
	s7 =	simm.s32 @!p3 $0x80  }
0x116: {  	[tilespmem:s17], [sflag:$0x1] =	stream.indirect.gather @!p3 [spmem:s3], $0x80, s15, s7, $0xb8;
	[tilespmem:$0x1C800] =	vst v63  }
0x117: {  	s7 =	simm.s32 @!p3 $0x1  }
0x118: {  	_ =	swait.ge @!p3 [sflag:s7], $0x4000  }
0x119: {  	[sflag:s7] =	ssyncset.done @!p3 $0x0  }
0x11a: {  	s15 =	rddreg [dreg:$0xc];
	[sflag:s7] =	ssyncadd.s32 @!p3 $0xFFFFC000;
	s7 =	simm.s32 @!p3 $0x0  }
0x11b: {  	[hbm4b:s15+s7] =	stream.linear.scatter @!p3 [tilespmem:s17], [sflag:$0x5], $0x4000, $0x38;
	[tilespmem:$0x1C800] =	vst v63  }
0x11c: {  	s7 =	simm.s32 @!p3 $0x5  }
0x11d: {  	_ =	swait.ge @!p3 [sflag:s7], $0x4000  }
0x11e: {  	s15 =	simm.s32 @!p4 $0x8A80;
	[sflag:s7] =	ssyncset.done @!p3 $0x0  }
0x11f: {  	s17 =	simm.s32 @!p4 $0x800;
	[sflag:s7] =	ssyncadd.s32 @!p3 $0xFFFFC000;
	s7 =	simm.s32 @!p4 $0x80  }
0x120: {  	[tilespmem:s17], [sflag:$0x1] =	stream.indirect.gather @!p4 [spmem:s3], $0x80, s15, s7, $0xb8;
	[tilespmem:$0x1C800] =	vst v63  }
0x121: {  	s7 =	simm.s32 @!p4 $0x1  }
0x122: {  	_ =	swait.ge @!p4 [sflag:s7], $0x4000  }
0x123: {  	[sflag:s7] =	ssyncset.done @!p4 $0x0  }
0x124: {  	s15 =	rddreg [dreg:$0xd];
	[sflag:s7] =	ssyncadd.s32 @!p4 $0xFFFFC000;
	s7 =	simm.s32 @!p4 $0x0  }
0x125: {  	[hbm4b:s15+s7] =	stream.linear.scatter @!p4 [tilespmem:s17], [sflag:$0x5], $0x4000, $0x38;
	[tilespmem:$0x1C800] =	vst v63  }
0x126: {  	s7 =	simm.s32 @!p4 $0x5  }
0x127: {  	_ =	swait.ge @!p4 [sflag:s7], $0x4000  }
0x128: {  	s15 =	simm.s32 @!p5 $0x8B00;
	[sflag:s7] =	ssyncset.done @!p4 $0x0  }
0x129: {  	s17 =	simm.s32 @!p5 $0x800;
	[sflag:s7] =	ssyncadd.s32 @!p4 $0xFFFFC000;
	s7 =	simm.s32 @!p5 $0x80  }
0x12a: {  	[tilespmem:s17], [sflag:$0x1] =	stream.indirect.gather @!p5 [spmem:s3], $0x80, s15, s7, $0xb8;
	[tilespmem:$0x1C800] =	vst v63  }
0x12b: {  	s7 =	simm.s32 @!p5 $0x1  }
0x12c: {  	_ =	swait.ge @!p5 [sflag:s7], $0x4000  }
0x12d: {  	[sflag:s7] =	ssyncset.done @!p5 $0x0  }
0x12e: {  	s15 =	rddreg [dreg:$0xe];
	[sflag:s7] =	ssyncadd.s32 @!p5 $0xFFFFC000;
	s7 =	simm.s32 @!p5 $0x0  }
0x12f: {  	[hbm4b:s15+s7] =	stream.linear.scatter @!p5 [tilespmem:s17], [sflag:$0x5], $0x4000, $0x38;
	[tilespmem:$0x1C800] =	vst v63  }
0x130: {  	s7 =	simm.s32 @!p5 $0x5  }
0x131: {  	_ =	swait.ge @!p5 [sflag:s7], $0x4000  }
0x132: {  	s15 =	simm.s32 @!p6 $0x8B80;
	[sflag:s7] =	ssyncset.done @!p5 $0x0  }
0x133: {  	s17 =	simm.s32 @!p6 $0x800;
	[sflag:s7] =	ssyncadd.s32 @!p5 $0xFFFFC000;
	s7 =	simm.s32 @!p6 $0x80  }
0x134: {  	[tilespmem:s17], [sflag:$0x1] =	stream.indirect.gather @!p6 [spmem:s3], $0x80, s15, s7, $0xb8;
	[tilespmem:$0x1C800] =	vst v63  }
0x135: {  	s7 =	simm.s32 @!p6 $0x1  }
0x136: {  	_ =	swait.ge @!p6 [sflag:s7], $0x4000  }
0x137: {  	[sflag:s7] =	ssyncset.done @!p6 $0x0  }
0x138: {  	s15 =	rddreg [dreg:$0xf];
	[sflag:s7] =	ssyncadd.s32 @!p6 $0xFFFFC000;
	s7 =	simm.s32 @!p6 $0x0  }
0x139: {  	[hbm4b:s15+s7] =	stream.linear.scatter @!p6 [tilespmem:s17], [sflag:$0x5], $0x4000, $0x38;
	[tilespmem:$0x1C800] =	vst v63  }
0x13a: {  	s7 =	simm.s32 @!p6 $0x5  }
0x13b: {  	_ =	swait.ge @!p6 [sflag:s7], $0x4000  }
0x13c: {  	s14 =	sadd.s32 $0x1, s14;
	s18 =	rddreg [dreg:$0x10]  }
0x13d: {  	p1 =	sne.s32 s14, s18  }
.Ltmp2:
0x13e: {  	_ = 	snop;
	(pc) =	sbr.rel @p1 .LBB2_1-.Ltmp2, $3  }
0x13f: {  	_ =	sdelay $0x1  }
0x140: {  	[sflag:s7] =	ssyncset.done @!p6 $0x0  }
0x141: {  	[sflag:s7] =	ssyncadd.s32 @!p6 $0xFFFFC000  }
0x142: {  	_ =	sfence.sel $0x180000  }
0x143: {  	[bflag:$0x0] =	sbarrier.arrive $0xFFFF  }
0x144: {  	_ =	strace $0x9000004D  }
0x145: {  	s0 =	stileid.u32;
	[bflag:$0x2] =	sbarrier.arrive $0xFFFF  }
0x146: {  	p0 =	sne.s32 s0, $0x0;
	s0 =	rddreg [dreg:$0x3]  }
0x147: {  	s0 =	sadd.s32 @!p0 $0x100000, s0  }
0x148: {  	[sflag:s0] =	ssyncadd.tile.s32 @!p0 $0x1;
	_ =	shalt  }
.Lfunc_end2:
_tile_overlayer_lowered:
.L_overlay_start_2:
0x149: {  	(tag) =	ssettag $0x2  }
0x14a: {  	s0 =	rddreg [dreg:$0x0];
	s2 =	stileid.u32  }
0x14b: {  	s1 =	rddreg [dreg:$0x1];
	p0 =	sne.s32 s2, $0x0  }
0x14c: {  	s3 =	rddreg [dreg:$0x2];
	[bflag:$0x3] =	sbarrier.arrive $0xFFFF;
	s2 =	simm.s32 @!p0 $0x1C05  }
0x14d: {  	[timem:s3], [sflag:s2] =	dma.local @!p0 [hbm:s0], s1  }
0x14e: {  	s0 =	simm.s32 @!p0 $0x5  }
0x14f: {  	_ =	swait.ge @!p0 [sflag:s0], s1  }
0x150: {  	s1 =	ssub.s32 @!p0 $0x0, s1;
	[sflag:s0] =	ssyncset.done @!p0 $0x0  }
0x151: {  	[sflag:s0] =	ssyncadd.s32 @!p0 s1  }
0x152: {  	[bflag:$0x3] =	sbarrier.arrive $0xFFFF  }
0x153: {  	_ =	shalt  }

// kernel: kernel.7.cloned.1.call-start
scs
__scs_entry_jumppad:
0x0: {  	(pc) =	sbr.rel $0x88, $3  }
0x1: {  	(tag) =	ssettag $0x0;
	lr =	simm.s32 $0x1  }
0x2: {  	[smem:$0x3F99] =	sst lr;
	_ =	strace $0xD0000000  }
0x3: {  	_ = 	snop  }
0x4: {  	_ = 	snop  }
0x5: {  	_ = 	snop  }
0x6: {  	_ = 	snop  }
0x7: {  	_ = 	snop  }
__scs_overlays_trampoline_lowered:
0x8: {  	[smem:$0x3FA8] =	sst s0  }
0x9: {  	[smem:$0x3FA9] =	sst s1  }
0xa: {  	[smem:$0x3FAA] =	sst s2  }
0xb: {  	[smem:$0x3FAB] =	sst s3  }
0xc: {  	[smem:$0x3FAC] =	sst s4  }
0xd: {  	[smem:$0x3FAD] =	sst s5  }
0xe: {  	[smem:$0x3FAE] =	sst s6  }
0xf: {  	[smem:$0x3FAF] =	sst s7  }
0x10: {  	[smem:$0x3FB0] =	sst s8  }
0x11: {  	[smem:$0x3FB1] =	sst s9;
	s0 =	simm.s32 @!p0 $0x0  }
0x12: {  	s1 =	sld [smem:$0x3F97];
	s0 =	simm.s32 @p0 $0x1  }
0x13: {  	[smem:$0x3FB2] =	sst s0;
	s0 =	simm.s32 @!p1 $0x0  }
0x14: {  	s2 =	sld [smem:$0x3F96];
	s0 =	simm.s32 @p1 $0x1  }
0x15: {  	[smem:$0x3FB3] =	sst s0;
	s0 =	simm.s32 @!p2 $0x0  }
0x16: {  	s3 =	sld [smem:$0x3FDB];
	s0 =	simm.s32 @p2 $0x1  }
0x17: {  	s4 =	simm.s32 $0x1BF5;
	[smem:$0x3FB5] =	sst s0  }
0x18: {  	s0 =	sld [smem:$0x3F98];
	_ =	swait.ge [sflag:s4], $0x0  }
0x19: {  	s7 =	sld [smem:$0x3F99]  }
0x1a: {  	s8 =	sadd.s32 $0xFFFFE003, lr  }
0x1b: {  	s9 =	sadd.s32 $0xFFFFFEF7, lr;
	s5 =	simm.s32 $0xFFFFFFFF;
	p2 =	slt.u32 s8, $0xFFFFF086  }
0x1c: {  	p1 =	slt.u32 s9, $0xF7A;
	s5 =	simm.s32 @!p2 $0x0  }
0x1d: {  	s5 =	simm.s32 @p1 $0x1;
	p0 =	seq.s32 s7, s2  }
0x1e: {  	s7 =	smul.u32 @!p0 $0xF7A, s2;
	p2 =	seq.s32 @!p0 s5, $0x0  }
0x1f: {  	s9 =	smul.u32 $0xF7A, s1;
	s8 =	simm.s32 @!p0 $0x1BF5;
	p2 =	por !p2, p0  }
0x20: {  	[sflag:s8] =	ssyncset.s32 @!p0 $0xFFFFF086;
	s6 =	sadd.s32 @!p0 s3, s7;
	s7 =	simm.s32 @!p0 $0x108  }
0x21: {  	s3 =	sadd.s32 s3, s9;
	s6 =	sadd.s32 @!p0 $0x88, s6;
	s7 =	simm.s32 @p2 $0x1082  }
0x22: {  	[simem:s7], [sflag:s8] =	dma.local @!p0 [hbm:s6], $0xF7A  }
0x23: {  	s9 =	sor.u32 $0xD0000000, s2;
	s6 =	simm.s32 $0x108;
	_ =	swait.ge @!p0 [sflag:s8], $0x0  }
0x24: {  	s3 =	sadd.s32 $0x88, s3;
	s6 =	simm.s32 @!p1 $0x1082;
	[sflag:s4] =	ssyncset.s32 $0xFFFFF086  }
0x25: {  	[simem:s6], [sflag:s4] =	dma.local [hbm:s3], $0xF7A  }
0x26: {  	[smem:$0x3F99] =	sst s1;
	(tag) =	ssettag s2;
	_ =	strace s9  }
0x27: {  	s1 =	sld [smem:$0x3FA9]  }
0x28: {  	s2 =	sld [smem:$0x3FAA]  }
0x29: {  	s4 =	sld [smem:$0x3FAC]  }
0x2a: {  	p0 =	seq.s32 s5, $0x0;
	s5 =	sld [smem:$0x3FAD]  }
0x2b: {  	s6 =	sld [smem:$0x3FAE]  }
0x2c: {  	s7 =	sld [smem:$0x3FAF]  }
0x2d: {  	s3 =	simm.s32 $0x108;
	s8 =	sld [smem:$0x3FB0]  }
0x2e: {  	s3 =	simm.s32 @!p0 $0x1082;
	s9 =	sld [smem:$0x3FB1]  }
0x2f: {  	lr =	sadd.s32 s0, s3;
	s0 =	sld [smem:$0x3FA8]  }
0x30: {  	s3 =	sld [smem:$0x3FAB]  }
0x31: {  	[smem:$0x3FB4] =	sst s10  }
0x32: {  	s10 =	sld [smem:$0x3FB2];
	_ =	sdelay $0x3  }
0x33: {  	p0 =	seq.s32 s10, $0x1;
	s10 =	sld [smem:$0x3FB4];
	_ =	sdelay $0x3  }
0x34: {  	[smem:$0x3FB4] =	sst s10  }
0x35: {  	s10 =	sld [smem:$0x3FB3];
	_ =	sdelay $0x3  }
0x36: {  	p1 =	seq.s32 s10, $0x1;
	s10 =	sld [smem:$0x3FB4];
	_ =	sdelay $0x3  }
0x37: {  	[smem:$0x3FB4] =	sst s10  }
0x38: {  	s10 =	sld [smem:$0x3FB5]  }
0x39: {  	_ = 	snop;
	(pc) =	sbr.ind lr, $3  }
0x3a: {  	_ = 	snop  }
0x3b: {  	_ = 	snop  }
0x3c: {  	p2 =	seq.s32 s10, $0x1;
	s10 =	sld [smem:$0x3FB4]  }
0x3d: {  	_ =	shalt  }
0x3e: {  	_ =	shalt  }
0x3f: {  	_ =	shalt  }
0x40: {  	_ =	shalt  }
0x41: {  	_ =	shalt  }
0x42: {  	_ =	shalt  }
0x43: {  	_ =	shalt  }
0x44: {  	_ =	shalt  }
0x45: {  	_ =	shalt  }
0x46: {  	_ =	shalt  }
0x47: {  	_ =	shalt  }
0x48: {  	_ =	shalt  }
0x49: {  	_ =	shalt  }
0x4a: {  	_ =	shalt  }
0x4b: {  	_ =	shalt  }
0x4c: {  	_ =	shalt  }
0x4d: {  	_ =	shalt  }
0x4e: {  	_ =	shalt  }
0x4f: {  	_ =	shalt  }
0x50: {  	_ =	shalt  }
0x51: {  	_ =	shalt  }
0x52: {  	_ =	shalt  }
0x53: {  	_ =	shalt  }
0x54: {  	_ =	shalt  }
0x55: {  	_ =	shalt  }
0x56: {  	_ =	shalt  }
0x57: {  	_ =	shalt  }
0x58: {  	_ =	shalt  }
0x59: {  	_ =	shalt  }
0x5a: {  	_ =	shalt  }
0x5b: {  	_ =	shalt  }
0x5c: {  	_ =	shalt  }
0x5d: {  	_ =	shalt  }
0x5e: {  	_ =	shalt  }
0x5f: {  	_ =	shalt  }
0x60: {  	_ =	shalt  }
0x61: {  	_ =	shalt  }
0x62: {  	_ =	shalt  }
0x63: {  	_ =	shalt  }
0x64: {  	_ =	shalt  }
0x65: {  	_ =	shalt  }
0x66: {  	_ =	shalt  }
0x67: {  	_ =	shalt  }
0x68: {  	_ =	shalt  }
0x69: {  	_ =	shalt  }
0x6a: {  	_ =	shalt  }
0x6b: {  	_ =	shalt  }
0x6c: {  	_ =	shalt  }
0x6d: {  	_ =	shalt  }
0x6e: {  	_ =	shalt  }
0x6f: {  	_ =	shalt  }
0x70: {  	_ =	shalt  }
0x71: {  	_ =	shalt  }
0x72: {  	_ =	shalt  }
0x73: {  	_ =	shalt  }
0x74: {  	_ =	shalt  }
0x75: {  	_ =	shalt  }
0x76: {  	_ =	shalt  }
0x77: {  	_ =	shalt  }
0x78: {  	_ =	shalt  }
0x79: {  	_ =	shalt  }
0x7a: {  	_ =	shalt  }
0x7b: {  	_ =	shalt  }
0x7c: {  	_ =	shalt  }
0x7d: {  	_ =	shalt  }
0x7e: {  	_ =	shalt  }
0x7f: {  	_ =	shalt  }
0x80: {  	_ =	shalt  }
0x81: {  	_ =	shalt  }
0x82: {  	_ =	shalt  }
0x83: {  	_ =	shalt  }
0x84: {  	_ =	shalt  }
0x85: {  	_ =	shalt  }
0x86: {  	_ =	shalt  }
0x87: {  	_ =	shalt  }
.Lfunc_end0:
.L_simem_size_0:
called_computation_lowered:
.L_overlay_start_0:
0x88: {  	s2 =	sld [smem:$0x3FD9]  }
0x89: {  	s3 =	sld [smem:$0x3FFE];
	_ =	sdelay $0x1  }
0x8a: {  	s1 =	srdreg.scid  }
0x8b: {  	s0 =	sand.u32 $0x1, s1  }
0x8c: {  	s17 =	sshll.u32 s0, $0xA;
	s2 =	sadd.s32 s3, s2  }
0x8d: {  	s2 =	sadd.s32 s2, s17  }
0x8e: {  	[smem:$0x3FC0] =	sst s2  }
0x8f: {  	_ = 	snop  }
0x90: {  	s18 =	sld [smem:$0x3FD0];
	(tm) =	ssettm $0x1  }
0x91: {  	s19 =	sld [smem:$0x3FFB];
	_ =	sdelay $0x3  }
0x92: {  	_ =	strace s19  }
0x93: {  	s2 =	sld [smem:$0x3FFC];
	_ =	sdelay $0x3  }
0x94: {  	_ =	strace s2  }
0x95: {  	s2 =	sld [smem:$0x3FFD];
	_ =	sdelay $0x3  }
0x96: {  	_ =	strace s2  }
0x97: {  	_ =	strace $0x8FFFFFFF  }
0x98: {  	s20 =	sld [smem:$0x3FDB];
	_ =	sdelay $0x1  }
0x99: {  	s4 =	simm.s32 $_scs_section_size  }
0x9a: {  	s5 =	simm.s32 $_size__tile_overlayer_lowered;
	s6 =	simm.s32 $_tile_overlayer_lowered  }
0x9b: {  	s7 =	simm.s32 $0x1BFF;
	s21 =	sshll.u32 s6, $0x1;
	s4 =	sadd.s32 s4, s20  }
0x9c: {  	s22 =	simm.s32 $0x0;
	s5 =	sshll.u32 s5, $0x1;
	s6 =	sadd.s32 s21, s4  }
0x9d: {  	[timem:s22], [sflag:s7] =	dma.local [hbm:s6], s5  }
0x9e: {  	_ =	swait.ge [sflag:s7], s5  }
0x9f: {  	s5 =	ssub.s32 $0x0, s5;
	[sflag:s7] =	ssyncset.done $0x0  }
0xa0: {  	[sflag:s7] =	ssyncadd.s32 s5;
	_ =	sdelay $0x1  }
0xa1: {  	s23 =	simm.s32 $0x1B8B  }
0xa2: {  	_ =	swait.ge [sflag:s23], $0x1  }
0xa3: {  	[sflag:s23] =	ssyncset.done $0x0  }
0xa4: {  	[sflag:s23] =	ssyncadd.s32 $0xFFFFFFFF  }
0xa5: {  	s5 =	sld [smem:$0x0]  }
0xa6: {  	s6 =	sand.u32 $0xFFFFFFFE, s1  }
0xa7: {  	p0 =	sne.s32 s1, s6  }
0xa8: {  	s6 =	sshll.u32 @p0 s6, $0xE  }
0xa9: {  	s6 =	sadd.s32 @p0 $0x11B8D, s6;
	s7 =	sshll.u32 @p0 s5, $0x11  }
0xaa: {  	s6 =	sor.u32 @p0 s7, s6  }
0xab: {  	[sflag:s6] =	ssyncadd.remote.s32 @p0 $0x1;
	_ =	sdelay $0x1  }
0xac: {  	s6 =	simm.s32 @p0 $0x1B8D  }
0xad: {  	_ =	swait.eq @p0 [sflag:s6], $0x1  }
0xae: {  	[sflag:s6] =	ssyncadd.s32 @p0 $0xFFFFFFFF  }
0xaf: {  	s7 =	sshll.u32 @!p0 s1, $0xE  }
0xb0: {  	s7 =	sor.u32 @!p0 $0x4000, s7;
	s6 =	simm.s32 @!p0 $0x1B8D  }
0xb1: {  	s5 =	sshll.u32 @!p0 s5, $0x11;
	s7 =	sadd.s32 @!p0 $0x11B8D, s7;
	_ =	swait.eq @!p0 [sflag:s6], $0x1  }
0xb2: {  	s5 =	sor.u32 @!p0 s5, s7;
	[sflag:s6] =	ssyncadd.s32 @!p0 $0xFFFFFFFF  }
0xb3: {  	s25 =	simm.s32 $0x1B8E;
	s24 =	sld [smem:$0x3FFE];
	[sflag:s5] =	ssyncadd.remote.s32 @!p0 $0x1  }
0xb4: {  	s26 =	simm.s32 $execute0_lowered;
	[smem:$0x3FD2] =	sst s25  }
0xb5: {  	s6 =	sshll.u32 s26, $0x1;
	_ =	strace $0x80000049;
	[dreg:$0x1] =	wrdreg $0xFFFFFFFF  }
0xb6: {  	s28 =	simm.s32 $_size_execute0_lowered;
	s4 =	sadd.s32 s4, s6;
	[dreg:$0x0] =	wrdreg $0x0  }
0xb7: {  	s6 =	sshll.u32 s28, $0x1;
	[dreg:$0x2] =	wrdreg s4  }
0xb8: {  	[dreg:$0x3] =	wrdreg s6  }
0xb9: {  	[dreg:$0x4] =	wrdreg $0xC0  }
0xba: {  	_ =	task [dreg:s22], $0x5FFFF  }
0xbb: {  	[dreg:$0x1] =	wrdreg $0xFFFFFFFF  }
0xbc: {  	[dreg:$0x0] =	wrdreg $0x60  }
0xbd: {  	[dreg:$0x2] =	wrdreg s24  }
0xbe: {  	[dreg:$0x3] =	wrdreg s18  }
0xbf: {  	[dreg:$0x4] =	wrdreg $0x48000  }
0xc0: {  	[dreg:$0x5] =	wrdreg $0x9  }
0xc1: {  	_ =	task.clear_ibuf [dreg:s22], $0x6FFFF;
	_ =	strace $0x90000049  }
0xc2: {  	s29 =	simm.s32 $0x9;
	_ =	strace $0x8000004B  }
0xc3: {  	_ =	swait.ge [sflag:s29], $0x1  }
0xc4: {  	[sflag:s29] =	ssyncadd.s32 $0xFFFFFFFF  }
0xc5: {  	_ =	strace $0x9000004B  }
0xc6: {  	_ =	sfence  }
0xc7: {  	s30 =	sld [smem:$0x0];
	_ =	sdelay $0x2  }
0xc8: {  	s31 =	sshll.u32 s1, $0xD;
	s1 =	sshrl.u32 s1, $0x2  }
0xc9: {  	s4 =	sand.u32 $0x4000, s31;
	s1 =	sadd.s32 s1, s30  }
0xca: {  	s0 =	sor.u32 s4, s0;
	s1 =	sshll.u32 s1, $0x11  }
0xcb: {  	s0 =	sor.u32 s1, s0  }
0xcc: {  	s0 =	sadd.s32 $0x8F2B, s0  }
0xcd: {  	[sflag:s0] =	ssyncadd.remote.s32 $0x1  }
0xce: {  	_ =	sfence.sel $0xFFFF  }
0xcf: {  	[dreg:$0x0] =	wrdreg $0xFFFFFFFF;
	(pc) =	sbr.abs _section_cstart, $3  }
0xd0: {  	[dreg:$0x1] =	wrdreg $0xFFFFFFFF  }
0xd1: {  	_ =	task.clear_ibuf [dreg:s22], $0x2FFFF;
	_ =	strace $0x9FFFFFFF  }
0xd2: {  	(tm) =	ssettm $0x7FFFFFFF  }
0xd3: {  	_ =	shalt  }
tec
execute0_lowered:
.L_overlay_start_1:
0x0: {  	(tag) =	ssettag $0x1  }
0x1: {  	s0 =	rddreg [dreg:$0x0]  }
0x2: {  	s3 =	rddreg [dreg:$0x2];
	s4 =	simm.s32 $0x0  }
0x3: {  	s26 =	stileid.u32;
	s5 =	srdreg.scid;
	s29 =	simm.s32 $0x1  }
0x4: {  	s30 =	simm.s32 $0x100;
	s31 =	simm.s32 $0x2;
	[smem:$0x7FF] =	sst s4  }
0x5: {  	s1 =	smul.u32 $0xA00, s26;
	s2 =	sshll.u32 s26, $0x7;
	s12 =	sand.u32 $0x1, s5  }
0x6: {  	s25 =	sshll.u32 s26, $0x3;
	s9 =	sshll.u32 s26, $0x11;
	s5 =	sadd.s32 $0x16A00, s0  }
0x7: {  	_ =	strace $0x8000004A;
	s2 =	sadd.s32 s2, s0;
	s6 =	ssub.s32 $0x2, s12  }
0x8: {  	s7 =	smul.u32 $0x13C000, s12;
	s19 =	sor.u32 $0x1, s25;
	s20 =	sor.u32 $0x2, s25  }
0x9: {  	s21 =	sor.u32 $0x3, s25;
	s22 =	sor.u32 $0x4, s25;
	s23 =	sor.u32 $0x5, s25  }
0xa: {  	s24 =	sor.u32 $0x6, s25;
	s25 =	sshllo.u32 s26, $0x3;
	s1 =	sadd.s32 s1, s0  }
0xb: {  	s8 =	sshrl.u32 s6, $0x1;
	s10 =	sshll.u32 s19, $0xE;
	s16 =	sshll.u32 s20, $0xE  }
0xc: {  	s17 =	sshll.u32 s21, $0xE;
	s11 =	sshll.u32 s22, $0xE;
	s18 =	sshll.u32 s23, $0xE  }
0xd: {  	s13 =	sshll.u32 s24, $0xE;
	s14 =	sshll.u32 s25, $0xE;
	s0 =	sadd.s32 $0x66200, s0  }
0xe: {  	p0 =	sgt.u32 s19, $0x4E;
	s19 =	simm.s32 $0x400;
	p2 =	sgt.u32 s21, $0x4E  }
0xf: {  	p3 =	sgt.u32 s22, $0x4E;
	p4 =	sgt.u32 s23, $0x4E;
	p5 =	sgt.u32 s24, $0x4E  }
0x10: {  	p6 =	sgt.u32 s25, $0x4E;
	s21 =	simm.s32 $0x300;
	s22 =	simm.s32 $0x380  }
0x11: {  	s23 =	simm.s32 $0x0;
	s15 =	ssub.s32 s6, s8;
	s28 =	sadd.s32 s7, s9  }
0x12: {  	s8 =	sadd.s32 s7, s10;
	s9 =	sadd.s32 s7, s16;
	s10 =	sadd.s32 s7, s17  }
0x13: {  	s11 =	sadd.s32 s7, s11;
	s16 =	sadd.s32 s7, s18;
	s13 =	sadd.s32 s7, s13  }
0x14: {  	s14 =	sadd.s32 s7, s14;
	s6 =	sadd.s32 $0x2200, s2;
	s17 =	smul.u32 $0x500, s12  }
0x15: {  	s2 =	simm.s32 $0x280;
	s28 =	sshrl.u32 s28, $0x3;
	s8 =	sshrl.u32 s8, $0x3  }
0x16: {  	s9 =	sshrl.u32 s9, $0x3;
	s10 =	sshrl.u32 s10, $0x3;
	s11 =	sshrl.u32 s11, $0x3  }
0x17: {  	s16 =	sshrl.u32 s16, $0x3;
	s18 =	sshrl.u32 s13, $0x3;
	s14 =	sshrl.u32 s14, $0x3  }
0x18: {  	s15 =	smax.u32 s15, $0x1;
	s7 =	sadd.s32 s0, s28;
	s8 =	sadd.s32 s0, s8  }
0x19: {  	s9 =	sadd.s32 s0, s9;
	s10 =	sadd.s32 s0, s10;
	s11 =	sadd.s32 s0, s11  }
0x1a: {  	s12 =	sadd.s32 s0, s16;
	s13 =	sadd.s32 s0, s18;
	s14 =	sadd.s32 s0, s14  }
0x1b: {  	s28 =	sadd.s32 s17, s1;
	s17 =	simm.s32 $0x4400;
	s0 =	simm.s32 @!p0 $0x0  }
0x1c: {  	s18 =	simm.s32 $0x3;
	s0 =	simm.s32 @p0 $0x1;
	p0 =	sgt.u32 s20, $0x4E  }
0x1d: {  	s1 =	simm.s32 $0x200;
	[smem:$0x7FC] =	sst s0;
	s0 =	simm.s32 @!p0 $0x0  }
0x1e: {  	s16 =	sadd.s32 $0x2A00, s28;
	s20 =	simm.s32 $0x80;
	s0 =	simm.s32 @p0 $0x1  }
0x1f: {  	p0 =	sgt.u32 s26, $0x9;
	[smem:$0x7FD] =	sst s0;
	s0 =	simm.s32 $0x180  }
.LBB2_1:
0x20: {  	[tilespmem:s17], [sflag:$0x3] =	stream.linear.gather [hbm4b:s6+s4], $0x400, $0x38;
	[tilespmem:$0x18400] =	vst v63  }
0x21: {  	_ =	swait.ge [sflag:s18], $0x400  }
0x22: {  	[sflag:s18] =	ssyncset.done $0x0  }
0x23: {  	[sflag:s18] =	ssyncadd.s32 $0xFFFFFC00  }
0x24: {  	[tilespmem:s19], [sflag:$0x3] =	stream.linear.gather [hbm4b:s5+s4], $0x4000, $0x38;
	[tilespmem:$0x18400] =	vst v63  }
0x25: {  	_ =	swait.ge [sflag:s18], $0x4000  }
0x26: {  	[sflag:s18] =	ssyncset.done $0x0  }
0x27: {  	[sflag:s18] =	ssyncadd.s32 $0xFFFFC000  }
0x28: {  	[spmem:s3] =	stream.indirect.scatter [tilespmem:s19], [sflag:$0x3], $0x80, s17, s20, $0xb8;
	[tilespmem:$0x18400] =	vst v63  }
0x29: {  	_ =	swait.ge [sflag:s18], $0x4000  }
0x2a: {  	[sflag:s18] =	ssyncset.done $0x0  }
0x2b: {  	s24 =	simm.s32 $0x4480;
	[sflag:s18] =	ssyncadd.s32 $0xFFFFC000  }
0x2c: {  	[spmem:s3] =	stream.indirect.scatter [tilespmem:s19], [sflag:$0x3], $0x80, s24, s20, $0xb8;
	[tilespmem:$0x18400] =	vst v63  }
0x2d: {  	_ =	swait.ge [sflag:s18], $0x4000  }
0x2e: {  	[sflag:s18] =	ssyncset.done $0x0  }
0x2f: {  	s26 =	simm.s32 $0x4500;
	[sflag:s18] =	ssyncadd.s32 $0xFFFFC000  }
0x30: {  	[spmem:s3] =	stream.indirect.scatter [tilespmem:s19], [sflag:$0x3], $0x80, s26, s20, $0xb8;
	[tilespmem:$0x18400] =	vst v63  }
0x31: {  	_ =	swait.ge [sflag:s18], $0x4000  }
0x32: {  	[sflag:s18] =	ssyncset.done $0x0  }
0x33: {  	s28 =	simm.s32 $0x4580;
	[sflag:s18] =	ssyncadd.s32 $0xFFFFC000  }
0x34: {  	[spmem:s3] =	stream.indirect.scatter [tilespmem:s19], [sflag:$0x3], $0x80, s28, s20, $0xb8;
	[tilespmem:$0x18400] =	vst v63  }
0x35: {  	_ =	swait.ge [sflag:s18], $0x4000  }
0x36: {  	[sflag:s18] =	ssyncset.done $0x0  }
0x37: {  	s25 =	simm.s32 $0x4600;
	[sflag:s18] =	ssyncadd.s32 $0xFFFFC000  }
0x38: {  	[spmem:s3] =	stream.indirect.scatter [tilespmem:s19], [sflag:$0x3], $0x80, s25, s20, $0xb8;
	[tilespmem:$0x18400] =	vst v63  }
0x39: {  	_ =	swait.ge [sflag:s18], $0x4000  }
0x3a: {  	[sflag:s18] =	ssyncset.done $0x0  }
0x3b: {  	s26 =	simm.s32 $0x4680;
	[sflag:s18] =	ssyncadd.s32 $0xFFFFC000  }
0x3c: {  	[spmem:s3] =	stream.indirect.scatter [tilespmem:s19], [sflag:$0x3], $0x80, s26, s20, $0xb8;
	[tilespmem:$0x18400] =	vst v63  }
0x3d: {  	_ =	swait.ge [sflag:s18], $0x4000  }
0x3e: {  	[sflag:s18] =	ssyncset.done $0x0  }
0x3f: {  	s28 =	simm.s32 $0x4700;
	[sflag:s18] =	ssyncadd.s32 $0xFFFFC000  }
0x40: {  	[spmem:s3] =	stream.indirect.scatter [tilespmem:s19], [sflag:$0x3], $0x80, s28, s20, $0xb8;
	[tilespmem:$0x18400] =	vst v63  }
0x41: {  	_ =	swait.ge [sflag:s18], $0x4000  }
0x42: {  	[sflag:s18] =	ssyncset.done $0x0  }
0x43: {  	s25 =	simm.s32 $0x4780;
	[sflag:s18] =	ssyncadd.s32 $0xFFFFC000  }
0x44: {  	[spmem:s3] =	stream.indirect.scatter [tilespmem:s19], [sflag:$0x3], $0x80, s25, s20, $0xb8;
	[tilespmem:$0x18400] =	vst v63  }
0x45: {  	_ =	swait.ge [sflag:s18], $0x4000  }
0x46: {  	[sflag:s18] =	ssyncset.done $0x0  }
0x47: {  	[sflag:s18] =	ssyncadd.s32 $0xFFFFC000  }
0x48: {  	[bflag:$0x0] =	sbarrier.arrive $0xFFFF  }
0x49: {  	s26 =	rddreg [dreg:$0x1]  }
0x4a: {  	[tilespmem:s19], [sflag:$0x3] =	stream.linear.gather [hbm4b:s26+s4], $0x4000, $0x38;
	[tilespmem:$0x18400] =	vst v63  }
0x4b: {  	_ =	swait.ge [sflag:s18], $0x4000  }
0x4c: {  	[sflag:s18] =	ssyncset.done $0x0  }
0x4d: {  	s28 =	sadd.s32 $0x0, s16;
	[sflag:s18] =	ssyncadd.s32 $0xFFFFC000  }
0x4e: {  	[tilespmem:s4], [sflag:$0x3] =	stream.linear.gather [hbm4b:s28+s4], $0x400, $0x38;
	[tilespmem:$0x18400] =	vst v63  }
0x4f: {  	_ =	swait.ge [sflag:s18], $0x400  }
0x50: {  	[sflag:s18] =	ssyncset.done $0x0  }
0x51: {  	[sflag:s18] =	ssyncadd.s32 $0xFFFFFC00  }
0x52: {  	[spmem:s3] =	stream.indirect.scatter.add.f32 [tilespmem:s19], [sflag:$0x1], $0x80, s4, s20, $0xb8;
	[tilespmem:$0x18400] =	vst v63  }
0x53: {  	_ = 	snop  }
0x54: {  	[spmem:s3] =	stream.indirect.scatter.add.f32 [tilespmem:s19], [sflag:$0x2], $0x80, s20, s20, $0xb8;
	[tilespmem:$0x18400] =	vst v63  }
0x55: {  	_ =	swait.ge [sflag:s29], $0x4000  }
0x56: {  	[sflag:s29] =	ssyncset.done $0x0  }
0x57: {  	[sflag:s29] =	ssyncadd.s32 $0xFFFFC000  }
0x58: {  	[spmem:s3] =	stream.indirect.scatter.add.f32 [tilespmem:s19], [sflag:$0x1], $0x80, s30, s20, $0xb8;
	[tilespmem:$0x18400] =	vst v63  }
0x59: {  	_ =	swait.ge [sflag:s31], $0x4000  }
0x5a: {  	[sflag:s31] =	ssyncset.done $0x0  }
0x5b: {  	[sflag:s31] =	ssyncadd.s32 $0xFFFFC000  }
0x5c: {  	[spmem:s3] =	stream.indirect.scatter.add.f32 [tilespmem:s19], [sflag:$0x2], $0x80, s0, s20, $0xb8;
	[tilespmem:$0x18400] =	vst v63  }
0x5d: {  	_ =	swait.ge [sflag:s29], $0x4000  }
0x5e: {  	[sflag:s29] =	ssyncset.done $0x0  }
0x5f: {  	[sflag:s29] =	ssyncadd.s32 $0xFFFFC000  }
0x60: {  	[spmem:s3] =	stream.indirect.scatter.add.f32 [tilespmem:s19], [sflag:$0x1], $0x80, s1, s20, $0xb8;
	[tilespmem:$0x18400] =	vst v63  }
0x61: {  	_ =	swait.ge [sflag:s31], $0x4000  }
0x62: {  	[sflag:s31] =	ssyncset.done $0x0  }
0x63: {  	[sflag:s31] =	ssyncadd.s32 $0xFFFFC000  }
0x64: {  	[spmem:s3] =	stream.indirect.scatter.add.f32 [tilespmem:s19], [sflag:$0x2], $0x80, s2, s20, $0xb8;
	[tilespmem:$0x18400] =	vst v63  }
0x65: {  	_ =	swait.ge [sflag:s29], $0x4000  }
0x66: {  	[sflag:s29] =	ssyncset.done $0x0  }
0x67: {  	[sflag:s29] =	ssyncadd.s32 $0xFFFFC000  }
0x68: {  	[spmem:s3] =	stream.indirect.scatter.add.f32 [tilespmem:s19], [sflag:$0x1], $0x80, s21, s20, $0xb8;
	[tilespmem:$0x18400] =	vst v63  }
0x69: {  	_ =	swait.ge [sflag:s31], $0x4000  }
0x6a: {  	[sflag:s31] =	ssyncset.done $0x0  }
0x6b: {  	[sflag:s31] =	ssyncadd.s32 $0xFFFFC000  }
0x6c: {  	[spmem:s3] =	stream.indirect.scatter.add.f32 [tilespmem:s19], [sflag:$0x2], $0x80, s22, s20, $0xb8;
	[tilespmem:$0x18400] =	vst v63  }
0x6d: {  	_ =	swait.ge [sflag:s29], $0x4000  }
0x6e: {  	[sflag:s29] =	ssyncset.done $0x0  }
0x6f: {  	[sflag:s29] =	ssyncadd.s32 $0xFFFFC000  }
0x70: {  	_ =	swait.ge [sflag:s31], $0x4000  }
0x71: {  	s24 =	simm.s32 $0x80;
	s25 =	simm.s32 $0x100;
	[sflag:s31] =	ssyncset.done $0x0  }
.LBB2_2:
0x72: {  	s28 =	sadd.s32 s24, s16  }
0x73: {  	[sflag:s31] =	ssyncadd.s32 $0xFFFFC000;
	s24 =	smov.u32 s25;
	s26 =	sadd.s32 $0x80, s25  }
0x74: {  	[tilespmem:s4], [sflag:$0x3] =	stream.linear.gather [hbm4b:s28+s4], $0x400, $0x38;
	[tilespmem:$0x18400] =	vst v63  }
0x75: {  	p1 =	sne.s32 s25, $0x480;
	_ =	swait.ge [sflag:s18], $0x400  }
0x76: {  	[sflag:s18] =	ssyncset.done $0x0  }
0x77: {  	[sflag:s18] =	ssyncadd.s32 $0xFFFFFC00  }
0x78: {  	[spmem:s3] =	stream.indirect.scatter.add.f32 [tilespmem:s19], [sflag:$0x1], $0x80, s4, s20, $0xb8;
	[tilespmem:$0x18400] =	vst v63  }
0x79: {  	_ = 	snop  }
0x7a: {  	[spmem:s3] =	stream.indirect.scatter.add.f32 [tilespmem:s19], [sflag:$0x2], $0x80, s20, s20, $0xb8;
	[tilespmem:$0x18400] =	vst v63  }
0x7b: {  	_ =	swait.ge [sflag:s29], $0x4000  }
0x7c: {  	[sflag:s29] =	ssyncset.done $0x0  }
0x7d: {  	[sflag:s29] =	ssyncadd.s32 $0xFFFFC000  }
0x7e: {  	[spmem:s3] =	stream.indirect.scatter.add.f32 [tilespmem:s19], [sflag:$0x1], $0x80, s30, s20, $0xb8;
	[tilespmem:$0x18400] =	vst v63  }
0x7f: {  	_ =	swait.ge [sflag:s31], $0x4000  }
0x80: {  	[sflag:s31] =	ssyncset.done $0x0  }
0x81: {  	[sflag:s31] =	ssyncadd.s32 $0xFFFFC000  }
0x82: {  	[spmem:s3] =	stream.indirect.scatter.add.f32 [tilespmem:s19], [sflag:$0x2], $0x80, s0, s20, $0xb8;
	[tilespmem:$0x18400] =	vst v63  }
0x83: {  	_ =	swait.ge [sflag:s29], $0x4000  }
0x84: {  	[sflag:s29] =	ssyncset.done $0x0  }
0x85: {  	[sflag:s29] =	ssyncadd.s32 $0xFFFFC000  }
0x86: {  	[spmem:s3] =	stream.indirect.scatter.add.f32 [tilespmem:s19], [sflag:$0x1], $0x80, s1, s20, $0xb8;
	[tilespmem:$0x18400] =	vst v63  }
0x87: {  	_ =	swait.ge [sflag:s31], $0x4000  }
0x88: {  	[sflag:s31] =	ssyncset.done $0x0  }
0x89: {  	[sflag:s31] =	ssyncadd.s32 $0xFFFFC000  }
0x8a: {  	[spmem:s3] =	stream.indirect.scatter.add.f32 [tilespmem:s19], [sflag:$0x2], $0x80, s2, s20, $0xb8;
	[tilespmem:$0x18400] =	vst v63  }
0x8b: {  	_ =	swait.ge [sflag:s29], $0x4000  }
0x8c: {  	[sflag:s29] =	ssyncset.done $0x0  }
0x8d: {  	[sflag:s29] =	ssyncadd.s32 $0xFFFFC000  }
0x8e: {  	[spmem:s3] =	stream.indirect.scatter.add.f32 [tilespmem:s19], [sflag:$0x1], $0x80, s21, s20, $0xb8;
	[tilespmem:$0x18400] =	vst v63  }
0x8f: {  	_ =	swait.ge [sflag:s31], $0x4000  }
0x90: {  	[sflag:s31] =	ssyncset.done $0x0  }
0x91: {  	[sflag:s31] =	ssyncadd.s32 $0xFFFFC000  }
0x92: {  	[spmem:s3] =	stream.indirect.scatter.add.f32 [tilespmem:s19], [sflag:$0x2], $0x80, s22, s20, $0xb8;
	[tilespmem:$0x18400] =	vst v63  }
.Ltmp0:
0x93: {  	_ =	swait.ge [sflag:s29], $0x4000;
	(pc) =	sbr.rel @p1 .LBB2_2-.Ltmp0, $4  }
0x94: {  	[sflag:s29] =	ssyncset.done $0x0  }
0x95: {  	[sflag:s29] =	ssyncadd.s32 $0xFFFFC000  }
0x96: {  	_ =	swait.ge [sflag:s31], $0x4000  }
0x97: {  	s25 =	smov.u32 s26;
	[sflag:s31] =	ssyncset.done $0x0  }
0x98: {  	s24 =	sadd.s32 s24, s16;
	[sflag:s31] =	ssyncadd.s32 $0xFFFFC000  }
0x99: {  	[tilespmem:s4], [sflag:$0x3] =	stream.linear.gather [hbm4b:s24+s4], $0x400, $0x38;
	[tilespmem:$0x18400] =	vst v63  }
0x9a: {  	_ =	swait.ge [sflag:s18], $0x400  }
0x9b: {  	[sflag:s18] =	ssyncset.done $0x0  }
0x9c: {  	[sflag:s18] =	ssyncadd.s32 $0xFFFFFC00  }
0x9d: {  	[spmem:s3] =	stream.indirect.scatter.add.f32 [tilespmem:s19], [sflag:$0x1], $0x80, s4, s20, $0xb8;
	[tilespmem:$0x18400] =	vst v63  }
0x9e: {  	_ = 	snop  }
0x9f: {  	[spmem:s3] =	stream.indirect.scatter.add.f32 [tilespmem:s19], [sflag:$0x2], $0x80, s20, s20, $0xb8;
	[tilespmem:$0x18400] =	vst v63  }
0xa0: {  	_ =	swait.ge [sflag:s29], $0x4000  }
0xa1: {  	[sflag:s29] =	ssyncset.done $0x0  }
0xa2: {  	[sflag:s29] =	ssyncadd.s32 $0xFFFFC000  }
0xa3: {  	[spmem:s3] =	stream.indirect.scatter.add.f32 [tilespmem:s19], [sflag:$0x1], $0x80, s30, s20, $0xb8;
	[tilespmem:$0x18400] =	vst v63  }
0xa4: {  	_ =	swait.ge [sflag:s31], $0x4000  }
0xa5: {  	[sflag:s31] =	ssyncset.done $0x0  }
0xa6: {  	[sflag:s31] =	ssyncadd.s32 $0xFFFFC000  }
0xa7: {  	[spmem:s3] =	stream.indirect.scatter.add.f32 [tilespmem:s19], [sflag:$0x2], $0x80, s0, s20, $0xb8;
	[tilespmem:$0x18400] =	vst v63  }
0xa8: {  	_ =	swait.ge [sflag:s29], $0x4000  }
0xa9: {  	[sflag:s29] =	ssyncset.done $0x0  }
0xaa: {  	[sflag:s29] =	ssyncadd.s32 $0xFFFFC000  }
0xab: {  	[spmem:s3] =	stream.indirect.scatter.add.f32 [tilespmem:s19], [sflag:$0x1], $0x80, s1, s20, $0xb8;
	[tilespmem:$0x18400] =	vst v63  }
0xac: {  	_ =	swait.ge [sflag:s31], $0x4000  }
0xad: {  	[sflag:s31] =	ssyncset.done $0x0  }
0xae: {  	[sflag:s31] =	ssyncadd.s32 $0xFFFFC000  }
0xaf: {  	[spmem:s3] =	stream.indirect.scatter.add.f32 [tilespmem:s19], [sflag:$0x2], $0x80, s2, s20, $0xb8;
	[tilespmem:$0x18400] =	vst v63  }
0xb0: {  	_ =	swait.ge [sflag:s29], $0x4000  }
0xb1: {  	[sflag:s29] =	ssyncset.done $0x0  }
0xb2: {  	[sflag:s29] =	ssyncadd.s32 $0xFFFFC000  }
0xb3: {  	[spmem:s3] =	stream.indirect.scatter.add.f32 [tilespmem:s19], [sflag:$0x1], $0x80, s21, s20, $0xb8;
	[tilespmem:$0x18400] =	vst v63  }
0xb4: {  	_ =	swait.ge [sflag:s31], $0x4000  }
0xb5: {  	[sflag:s31] =	ssyncset.done $0x0  }
0xb6: {  	[sflag:s31] =	ssyncadd.s32 $0xFFFFC000  }
0xb7: {  	[spmem:s3] =	stream.indirect.scatter.add.f32 [tilespmem:s19], [sflag:$0x2], $0x80, s22, s20, $0xb8;
	[tilespmem:$0x18400] =	vst v63  }
0xb8: {  	_ =	swait.ge [sflag:s29], $0x4000  }
0xb9: {  	[sflag:s29] =	ssyncset.done $0x0  }
0xba: {  	[sflag:s29] =	ssyncadd.s32 $0xFFFFC000  }
0xbb: {  	_ =	swait.ge [sflag:s31], $0x4000  }
0xbc: {  	[sflag:s31] =	ssyncset.done $0x0  }
0xbd: {  	s25 =	simm.s32 @!p0 $0x4400;
	[sflag:s31] =	ssyncadd.s32 $0xFFFFC000  }
0xbe: {  	s26 =	simm.s32 @!p0 $0x400;
	s24 =	simm.s32 @!p0 $0x80;
	[bflag:$0x0] =	sbarrier.arrive $0xFFFF  }
0xbf: {  	[tilespmem:s26], [sflag:$0x1] =	stream.indirect.gather @!p0 [spmem:s3], $0x80, s25, s24, $0xb8;
	[tilespmem:$0x18400] =	vst v63  }
0xc0: {  	s24 =	simm.s32 @!p0 $0x1  }
0xc1: {  	_ =	swait.ge @!p0 [sflag:s24], $0x4000  }
0xc2: {  	[sflag:s24] =	ssyncset.done @!p0 $0x0  }
0xc3: {  	[sflag:s24] =	ssyncadd.s32 @!p0 $0xFFFFC000;
	s24 =	simm.s32 @!p0 $0x0  }
0xc4: {  	[hbm4b:s7+s24] =	stream.linear.scatter @!p0 [tilespmem:s26], [sflag:$0x3], $0x4000, $0x38;
	[tilespmem:$0x18400] =	vst v63  }
0xc5: {  	s24 =	simm.s32 @!p0 $0x3  }
0xc6: {  	_ =	swait.ge @!p0 [sflag:s24], $0x4000  }
0xc7: {  	s26 =	sld [smem:$0x7FC];
	_ =	sdelay $0x1  }
0xc8: {  	[sflag:s24] =	ssyncset.done @!p0 $0x0  }
0xc9: {  	[sflag:s24] =	ssyncadd.s32 @!p0 $0xFFFFC000;
	p1 =	seq.s32 s26, $0x1  }
0xca: {  	s24 =	simm.s32 @!p1 $0x80;
	s25 =	simm.s32 @!p1 $0x4480;
	s26 =	simm.s32 @!p1 $0x400  }
0xcb: {  	[tilespmem:s26], [sflag:$0x1] =	stream.indirect.gather @!p1 [spmem:s3], $0x80, s25, s24, $0xb8;
	[tilespmem:$0x18400] =	vst v63  }
0xcc: {  	s24 =	simm.s32 @!p1 $0x1  }
0xcd: {  	_ =	swait.ge @!p1 [sflag:s24], $0x4000  }
0xce: {  	[sflag:s24] =	ssyncset.done @!p1 $0x0  }
0xcf: {  	[sflag:s24] =	ssyncadd.s32 @!p1 $0xFFFFC000;
	s24 =	simm.s32 @!p1 $0x0  }
0xd0: {  	[hbm4b:s8+s24] =	stream.linear.scatter @!p1 [tilespmem:s26], [sflag:$0x3], $0x4000, $0x38;
	[tilespmem:$0x18400] =	vst v63  }
0xd1: {  	s24 =	simm.s32 @!p1 $0x3  }
0xd2: {  	_ =	swait.ge @!p1 [sflag:s24], $0x4000  }
0xd3: {  	s28 =	sld [smem:$0x7FD];
	_ =	sdelay $0x1  }
0xd4: {  	[sflag:s24] =	ssyncset.done @!p1 $0x0  }
0xd5: {  	[sflag:s24] =	ssyncadd.s32 @!p1 $0xFFFFC000;
	p1 =	seq.s32 s28, $0x1  }
0xd6: {  	s24 =	simm.s32 @!p1 $0x80;
	s25 =	simm.s32 @!p1 $0x4500;
	s26 =	simm.s32 @!p1 $0x400  }
0xd7: {  	[tilespmem:s26], [sflag:$0x1] =	stream.indirect.gather @!p1 [spmem:s3], $0x80, s25, s24, $0xb8;
	[tilespmem:$0x18400] =	vst v63  }
0xd8: {  	s24 =	simm.s32 @!p1 $0x1  }
0xd9: {  	_ =	swait.ge @!p1 [sflag:s24], $0x4000  }
0xda: {  	[sflag:s24] =	ssyncset.done @!p1 $0x0  }
0xdb: {  	[sflag:s24] =	ssyncadd.s32 @!p1 $0xFFFFC000;
	s24 =	simm.s32 @!p1 $0x0  }
0xdc: {  	[hbm4b:s9+s24] =	stream.linear.scatter @!p1 [tilespmem:s26], [sflag:$0x3], $0x4000, $0x38;
	[tilespmem:$0x18400] =	vst v63  }
0xdd: {  	s24 =	simm.s32 @!p1 $0x3  }
0xde: {  	_ =	swait.ge @!p1 [sflag:s24], $0x4000  }
0xdf: {  	s25 =	simm.s32 @!p2 $0x4580;
	[sflag:s24] =	ssyncset.done @!p1 $0x0  }
0xe0: {  	s26 =	simm.s32 @!p2 $0x400;
	[sflag:s24] =	ssyncadd.s32 @!p1 $0xFFFFC000;
	s24 =	simm.s32 @!p2 $0x80  }
0xe1: {  	[tilespmem:s26], [sflag:$0x1] =	stream.indirect.gather @!p2 [spmem:s3], $0x80, s25, s24, $0xb8;
	[tilespmem:$0x18400] =	vst v63  }
0xe2: {  	s24 =	simm.s32 @!p2 $0x1  }
0xe3: {  	_ =	swait.ge @!p2 [sflag:s24], $0x4000  }
0xe4: {  	[sflag:s24] =	ssyncset.done @!p2 $0x0  }
0xe5: {  	[sflag:s24] =	ssyncadd.s32 @!p2 $0xFFFFC000;
	s24 =	simm.s32 @!p2 $0x0  }
0xe6: {  	[hbm4b:s10+s24] =	stream.linear.scatter @!p2 [tilespmem:s26], [sflag:$0x3], $0x4000, $0x38;
	[tilespmem:$0x18400] =	vst v63  }
0xe7: {  	s24 =	simm.s32 @!p2 $0x3  }
0xe8: {  	_ =	swait.ge @!p2 [sflag:s24], $0x4000  }
0xe9: {  	s25 =	simm.s32 @!p3 $0x4600;
	[sflag:s24] =	ssyncset.done @!p2 $0x0  }
0xea: {  	s26 =	simm.s32 @!p3 $0x400;
	[sflag:s24] =	ssyncadd.s32 @!p2 $0xFFFFC000;
	s24 =	simm.s32 @!p3 $0x80  }
0xeb: {  	[tilespmem:s26], [sflag:$0x1] =	stream.indirect.gather @!p3 [spmem:s3], $0x80, s25, s24, $0xb8;
	[tilespmem:$0x18400] =	vst v63  }
0xec: {  	s24 =	simm.s32 @!p3 $0x1  }
0xed: {  	_ =	swait.ge @!p3 [sflag:s24], $0x4000  }
0xee: {  	[sflag:s24] =	ssyncset.done @!p3 $0x0  }
0xef: {  	[sflag:s24] =	ssyncadd.s32 @!p3 $0xFFFFC000;
	s24 =	simm.s32 @!p3 $0x0  }
0xf0: {  	[hbm4b:s11+s24] =	stream.linear.scatter @!p3 [tilespmem:s26], [sflag:$0x3], $0x4000, $0x38;
	[tilespmem:$0x18400] =	vst v63  }
0xf1: {  	s24 =	simm.s32 @!p3 $0x3  }
0xf2: {  	_ =	swait.ge @!p3 [sflag:s24], $0x4000  }
0xf3: {  	s25 =	simm.s32 @!p4 $0x4680;
	[sflag:s24] =	ssyncset.done @!p3 $0x0  }
0xf4: {  	s26 =	simm.s32 @!p4 $0x400;
	[sflag:s24] =	ssyncadd.s32 @!p3 $0xFFFFC000;
	s24 =	simm.s32 @!p4 $0x80  }
0xf5: {  	[tilespmem:s26], [sflag:$0x1] =	stream.indirect.gather @!p4 [spmem:s3], $0x80, s25, s24, $0xb8;
	[tilespmem:$0x18400] =	vst v63  }
0xf6: {  	s24 =	simm.s32 @!p4 $0x1  }
0xf7: {  	_ =	swait.ge @!p4 [sflag:s24], $0x4000  }
0xf8: {  	[sflag:s24] =	ssyncset.done @!p4 $0x0  }
0xf9: {  	[sflag:s24] =	ssyncadd.s32 @!p4 $0xFFFFC000;
	s24 =	simm.s32 @!p4 $0x0  }
0xfa: {  	[hbm4b:s12+s24] =	stream.linear.scatter @!p4 [tilespmem:s26], [sflag:$0x3], $0x4000, $0x38;
	[tilespmem:$0x18400] =	vst v63  }
0xfb: {  	s24 =	simm.s32 @!p4 $0x3  }
0xfc: {  	_ =	swait.ge @!p4 [sflag:s24], $0x4000  }
0xfd: {  	s25 =	simm.s32 @!p5 $0x4700;
	[sflag:s24] =	ssyncset.done @!p4 $0x0  }
0xfe: {  	s26 =	simm.s32 @!p5 $0x400;
	[sflag:s24] =	ssyncadd.s32 @!p4 $0xFFFFC000;
	s24 =	simm.s32 @!p5 $0x80  }
0xff: {  	[tilespmem:s26], [sflag:$0x1] =	stream.indirect.gather @!p5 [spmem:s3], $0x80, s25, s24, $0xb8;
	[tilespmem:$0x18400] =	vst v63  }
0x100: {  	s24 =	simm.s32 @!p5 $0x1  }
0x101: {  	_ =	swait.ge @!p5 [sflag:s24], $0x4000  }
0x102: {  	[sflag:s24] =	ssyncset.done @!p5 $0x0  }
0x103: {  	[sflag:s24] =	ssyncadd.s32 @!p5 $0xFFFFC000;
	s24 =	simm.s32 @!p5 $0x0  }
0x104: {  	[hbm4b:s13+s24] =	stream.linear.scatter @!p5 [tilespmem:s26], [sflag:$0x3], $0x4000, $0x38;
	[tilespmem:$0x18400] =	vst v63  }
0x105: {  	s24 =	simm.s32 @!p5 $0x3  }
0x106: {  	_ =	swait.ge @!p5 [sflag:s24], $0x4000  }
0x107: {  	s25 =	simm.s32 @!p6 $0x4780;
	[sflag:s24] =	ssyncset.done @!p5 $0x0  }
0x108: {  	s26 =	simm.s32 @!p6 $0x400;
	[sflag:s24] =	ssyncadd.s32 @!p5 $0xFFFFC000;
	s24 =	simm.s32 @!p6 $0x80  }
0x109: {  	[tilespmem:s26], [sflag:$0x1] =	stream.indirect.gather @!p6 [spmem:s3], $0x80, s25, s24, $0xb8;
	[tilespmem:$0x18400] =	vst v63  }
0x10a: {  	s24 =	simm.s32 @!p6 $0x1  }
0x10b: {  	_ =	swait.ge @!p6 [sflag:s24], $0x4000  }
0x10c: {  	s23 =	sadd.s32 $0x1, s23;
	[sflag:s24] =	ssyncset.done @!p6 $0x0  }
0x10d: {  	p1 =	sne.s32 s23, s15;
	[sflag:s24] =	ssyncadd.s32 @!p6 $0xFFFFC000;
	s24 =	simm.s32 @!p6 $0x0  }
0x10e: {  	[hbm4b:s14+s24] =	stream.linear.scatter @!p6 [tilespmem:s26], [sflag:$0x3], $0x4000, $0x38;
	[tilespmem:$0x18400] =	vst v63  }
.Ltmp1:
0x10f: {  	_ = 	snop;
	(pc) =	sbr.rel @p1 .LBB2_1-.Ltmp1, $4  }
0x110: {  	s24 =	simm.s32 @!p6 $0x3  }
0x111: {  	_ =	swait.ge @!p6 [sflag:s24], $0x4000  }
0x112: {  	[sflag:s24] =	ssyncset.done @!p6 $0x0  }
0x113: {  	[sflag:s24] =	ssyncadd.s32 @!p6 $0xFFFFC000  }
0x114: {  	_ =	sfence.sel $0x180000  }
0x115: {  	[bflag:$0x0] =	sbarrier.arrive $0xFFFF  }
0x116: {  	_ =	strace $0x9000004A  }
0x117: {  	s0 =	stileid.u32;
	[bflag:$0x2] =	sbarrier.arrive $0xFFFF  }
0x118: {  	p0 =	sne.s32 s0, $0x0;
	s0 =	rddreg [dreg:$0x3]  }
0x119: {  	s0 =	sadd.s32 @!p0 $0x100000, s0  }
0x11a: {  	[sflag:s0] =	ssyncadd.tile.s32 @!p0 $0x1;
	_ =	shalt  }
.Lfunc_end2:
_tile_overlayer_lowered:
.L_overlay_start_2:
0x11b: {  	(tag) =	ssettag $0x2  }
0x11c: {  	s0 =	rddreg [dreg:$0x0];
	s2 =	stileid.u32  }
0x11d: {  	s1 =	rddreg [dreg:$0x1];
	p0 =	sne.s32 s2, $0x0  }
0x11e: {  	s3 =	rddreg [dreg:$0x2];
	[bflag:$0x3] =	sbarrier.arrive $0xFFFF;
	s2 =	simm.s32 @!p0 $0x1C03  }
0x11f: {  	[timem:s3], [sflag:s2] =	dma.local @!p0 [hbm:s0], s1  }
0x120: {  	s0 =	simm.s32 @!p0 $0x3  }
0x121: {  	_ =	swait.ge @!p0 [sflag:s0], s1  }
0x122: {  	s1 =	ssub.s32 @!p0 $0x0, s1;
	[sflag:s0] =	ssyncset.done @!p0 $0x0  }
0x123: {  	[sflag:s0] =	ssyncadd.s32 @!p0 s1  }
0x124: {  	[bflag:$0x3] =	sbarrier.arrive $0xFFFF  }
0x125: {  	_ =	shalt  }

</sc_bundles>
